<compile_context>
chip_gen: v7x
topology: tpu7x:2x2x1
jax: 0.10.2.dev20260603
libtpu: 0.0.44.dev20260713+nightly
codegen_flags: <defaults>
</compile_context>

<pallas_src>
import functools
import math

import jax
import jax.numpy as jnp
import numpy as np
from jax import lax
from jax.experimental import pallas as pl
from jax.experimental.pallas import tpu as pltpu
from jax.experimental.pallas import tpu_sc as plsc

B = 4
L = 4096
D = 1024
N_ROWS = B * L
SCALE = math.sqrt(64.0)

_pos = np.arange(L, dtype=np.float32)[:, None]
_div = np.exp(
    np.arange(0, D, 2, dtype=np.float32) * (-math.log(10000.0) / D)
).astype(np.float32)
_PE = np.zeros((L, D), dtype=np.float32)
_PE[:, 0::2] = np.sin(_pos * _div)
_PE[:, 1::2] = np.cos(_pos * _div)

NC, NS, LANES = 2, 16, 16
NW = NC * NS
L_PER_W = L // NW
P = 4
RPS = B * P
N_STEPS = L_PER_W // P
VREGS_PER_ROW = D // LANES
NBUF = 4


@functools.cache
def _build():
    @functools.partial(
        pl.kernel,
        mesh=plsc.VectorSubcoreMesh(core_axis_name="c", subcore_axis_name="s"),
        out_type=jax.ShapeDtypeStruct((N_ROWS, D), jnp.float32),
        scratch_types=[
            pltpu.VMEM((N_STEPS * RPS,), jnp.int32),
            pltpu.VMEM((RPS, D), jnp.float32),
            pltpu.VMEM((RPS, D), jnp.float32),
            pltpu.VMEM((RPS, D), jnp.float32),
            pltpu.VMEM((RPS, D), jnp.float32),
            pltpu.VMEM((P, D), jnp.float32),
            pltpu.VMEM((P, D), jnp.float32),
            pltpu.SemaphoreType.DMA,
            pltpu.SemaphoreType.DMA,
            pltpu.SemaphoreType.DMA,
            pltpu.SemaphoreType.DMA,
            pltpu.SemaphoreType.DMA,
            pltpu.SemaphoreType.DMA,
            pltpu.SemaphoreType.DMA,
            pltpu.SemaphoreType.DMA,
            pltpu.SemaphoreType.DMA,
            pltpu.SemaphoreType.DMA,
        ],
    )
    def _emb_pe_kernel(
        src_hbm, table_hbm, pe_hbm, out_hbm,
        idx_all, r0, r1, r2, r3, pe0, pe1,
        g0, g1, g2, g3, s0, s1, s2, s3, p0, p1,
    ):
        wid = lax.axis_index("s") * NC + lax.axis_index("c")
        base_l = wid * L_PER_W
        row = (r0, r1, r2, r3)
        peb = (pe0, pe1)
        gs = (g0, g1, g2, g3)
        ss = (s0, s1, s2, s3)
        ps = (p0, p1)

        def idx_slice(c):
            return idx_all.at[pl.ds(c * RPS, RPS)]

        def issue_gather(c, q):
            pltpu.async_copy(table_hbm.at[idx_slice(c)], row[q], gs[q])

        def wait_gather(c, q):
            pltpu.make_async_copy(
                table_hbm.at[idx_slice(c)], row[q], gs[q]
            ).wait()

        def issue_pe(c, q):
            pltpu.async_copy(
                pe_hbm.at[pl.ds(base_l + c * P, P)], peb[q], ps[q]
            )

        def wait_pe(c, q):
            pltpu.make_async_copy(
                pe_hbm.at[pl.ds(base_l + c * P, P)], peb[q], ps[q]
            ).wait()

        def issue_stores(c, q):
            for b in range(B):
                pltpu.async_copy(
                    row[q].at[pl.ds(b * P, P)],
                    out_hbm.at[pl.ds(b * L + base_l + c * P, P)],
                    ss[q],
                )

        def wait_stores(q):
            for _ in range(B):
                pltpu.make_async_copy(
                    row[q].at[pl.ds(0, P)], out_hbm.at[pl.ds(0, P)], ss[q]
                ).wait()

        def emit_step(c, q, qpe, first):
            qn = (q + 2) % NBUF
            issue_pe((c + 1) % N_STEPS, 1 - qpe)
            if not (first and q < 2):
                wait_stores(qn)
            issue_gather((c + 2) % N_STEPS, qn)
            wait_pe(c, qpe)
            wait_gather(c, q)

            def _col(j, _):
                sl = pl.ds(j * LANES, LANES)
                for p in range(P):
                    pe_v = peb[qpe][p, sl]
                    for b in range(B):
                        r = b * P + p
                        row[q][r, sl] = row[q][r, sl] * SCALE + pe_v
                return _

            lax.fori_loop(0, VREGS_PER_ROW, _col, 0)
            issue_stores(c, q)

        def emit_group(c4, first):
            for u in range(NBUF):
                emit_step(c4 * NBUF + u, u, u % 2, first)

        pltpu.sync_copy(
            src_hbm.at[pl.ds(wid * (N_STEPS * RPS), N_STEPS * RPS)], idx_all
        )
        issue_gather(0, 0)
        issue_gather(1, 1)
        issue_pe(0, 0)

        emit_group(0, True)

        def _c4_body(c4, _):
            emit_group(c4, False)
            return _

        lax.fori_loop(1, N_STEPS // NBUF, _c4_body, 0)

        wait_gather(0, 0)
        wait_gather(1, 1)
        wait_pe(0, 0)
        wait_stores(2)
        wait_stores(3)

    return _emb_pe_kernel


def kernel(src, emb_table):
    src_arr = (
        src.reshape(B, NW, N_STEPS, P)
        .transpose(1, 2, 0, 3)
        .reshape(N_ROWS)
        .astype(jnp.int32)
    )
    pe = jnp.asarray(_PE)
    out = _build()(src_arr, emb_table, pe)
    return out.reshape(B, L, D)

# --- scband reference (transcript-rebuilt; emitter-appended) ---
"""Pipeline reference for scband-simple-transformer-1597727834498 (READ-ONLY COPY).

The authoritative reference and input builder live on the scoring server;
editing this copy changes nothing except your own understanding.
"""

import jax, jax.numpy as jnp
import numpy as np
import math

N_TOKENS = 100000
D_MODEL = 1024
MAX_LEN = 5000


def make_pe(d_model, max_len):
    position = jnp.arange(max_len, dtype=jnp.float32)[:, None]
    div_term = jnp.exp(jnp.arange(0, d_model, 2, dtype=jnp.float32) * (-math.log(10000.0) / d_model))
    pe = jnp.zeros((max_len, d_model), dtype=jnp.float32)
    pe = pe.at[:, 0::2].set(jnp.sin(position * div_term))
    pe = pe.at[:, 1::2].set(jnp.cos(position * div_term))
    return pe[None]  # [1, max_len, d_model]


def setup_inputs(seed: int = 0) -> dict:
    key = jax.random.key(seed)
    k1, k2 = jax.random.split(key)
    src = jax.random.randint(k1, (4, 4096), 0, N_TOKENS)
    emb_table = jax.random.normal(k2, (N_TOKENS, D_MODEL), dtype=jnp.float32)
    return {"src": src, "emb_table": emb_table}


def reference(src, emb_table):
    # x = pos_encoder(embedding(src) * sqrt(64))
    L = src.shape[1]
    x = jnp.take(emb_table, src, axis=0) * math.sqrt(64)
    pe = make_pe(D_MODEL, MAX_LEN)
    x = x + pe[:, :L, :]
    # note: original forward's layer loop is a no-op (pass); returns x directly
    return x

if __name__ == "__main__":
    import jax
    _d = setup_inputs()
    print(jax.jit(kernel)(*tuple(_d.values())))

</pallas_src>

<mosaic_0001>
#map = affine_map<(d0, d1) -> (0)>
#map1 = affine_map<(d0, d1) -> (0, 0)>
module attributes {stable_mosaic.version = 14 : i64} {
  func.func @_emb_pe_kernel(%arg0: i32, %arg1: i32, %arg2: memref<16384xi32, #tpu.memory_space<hbm>>, %arg3: memref<100000x1024xf32, #tpu.memory_space<hbm>>, %arg4: memref<4096x1024xf32, #tpu.memory_space<hbm>>, %arg5: memref<16384x1024xf32, #tpu.memory_space<hbm>>, %arg6: memref<512xi32, #tpu.memory_space<vmem>>, %arg7: memref<16x1024xf32, #tpu.memory_space<vmem>>, %arg8: memref<16x1024xf32, #tpu.memory_space<vmem>>, %arg9: memref<16x1024xf32, #tpu.memory_space<vmem>>, %arg10: memref<16x1024xf32, #tpu.memory_space<vmem>>, %arg11: memref<4x1024xf32, #tpu.memory_space<vmem>>, %arg12: memref<4x1024xf32, #tpu.memory_space<vmem>>, %arg13: memref<!tpu.dma_semaphore, #tpu.memory_space<semaphore_mem>>, %arg14: memref<!tpu.dma_semaphore, #tpu.memory_space<semaphore_mem>>, %arg15: memref<!tpu.dma_semaphore, #tpu.memory_space<semaphore_mem>>, %arg16: memref<!tpu.dma_semaphore, #tpu.memory_space<semaphore_mem>>, %arg17: memref<!tpu.dma_semaphore, #tpu.memory_space<semaphore_mem>>, %arg18: memref<!tpu.dma_semaphore, #tpu.memory_space<semaphore_mem>>, %arg19: memref<!tpu.dma_semaphore, #tpu.memory_space<semaphore_mem>>, %arg20: memref<!tpu.dma_semaphore, #tpu.memory_space<semaphore_mem>>, %arg21: memref<!tpu.dma_semaphore, #tpu.memory_space<semaphore_mem>>, %arg22: memref<!tpu.dma_semaphore, #tpu.memory_space<semaphore_mem>>) attributes {dimension_semantics = [#tpu.dimension_semantics<core_parallel>, #tpu.dimension_semantics<subcore_parallel>], iteration_bounds = array<i64: 2, 16>, scalar_prefetch = 0 : i64, scratch_operands = 17 : i64, tpu.core_type = #tpu.core_type<sc_vector_subcore>, window_params = [{transform_indices = #map}, {transform_indices = #map1}, {transform_indices = #map1}, {transform_indices = #map1}]} {
    %mul3A = arith.constant 2 : i32
    %mul3A_0 = arith.muli %arg1, %mul3A : i32
    %add3A = arith.addi %mul3A_0, %arg0 : i32
    %mul3A_1 = arith.constant 128 : i32
    %mul3A_2 = arith.muli %add3A, %mul3A_1 : i32
    %mul3A_3 = arith.constant 512 : i32
    %mul3A_4 = arith.muli %add3A, %mul3A_3 : i32
    "tpu.region"() ({
      %run_scoped3A = tpu.sem_alloc : memref<!tpu.dma_semaphore, #tpu.memory_space<semaphore_mem>>
      %dma_start3A_568 = tpu.memref_slice %arg2[%mul3A_4] : memref<16384xi32, #tpu.memory_space<hbm>> -> memref<512xi32, #tpu.memory_space<hbm>>
      %dma_start3A_569 = tpu.memref_slice %arg2[%mul3A_4] : memref<16384xi32, #tpu.memory_space<hbm>> -> memref<512xi32, #tpu.memory_space<hbm>>
      tpu.enqueue_dma source(%dma_start3A_569 : memref<512xi32, #tpu.memory_space<hbm>>) target(%arg6 : memref<512xi32, #tpu.memory_space<vmem>>) target_semaphore(%run_scoped3A : memref<!tpu.dma_semaphore, #tpu.memory_space<semaphore_mem>>)
      %dma_wait3A_570 = tpu.memref_slice %arg2[%mul3A_4] : memref<16384xi32, #tpu.memory_space<hbm>> -> memref<512xi32, #tpu.memory_space<hbm>>
      %dma_wait3A_571 = tpu.memref_slice %arg2[%mul3A_4] : memref<16384xi32, #tpu.memory_space<hbm>> -> memref<512xi32, #tpu.memory_space<hbm>>
      tpu.wait_dma2 semaphore(%run_scoped3A : memref<!tpu.dma_semaphore, #tpu.memory_space<semaphore_mem>>) src(%dma_wait3A_571 : memref<512xi32, #tpu.memory_space<hbm>>) dst(%arg6 : memref<512xi32, #tpu.memory_space<vmem>>)
      tpu.yield
    }) : () -> ()
    %dma_start3A = arith.constant 0 : i32
    %dma_start3A_5 = tpu.memref_slice %arg6[%dma_start3A] : memref<512xi32, #tpu.memory_space<vmem>> -> memref<16xi32, #tpu.memory_space<vmem>>
    %dma_start3A_6 = arith.constant 0 : i32
    %dma_start3A_7 = arith.constant 0 : i32
    %dma_start3A_8 = tpu.memref_slice %arg3[%dma_start3A_6, %dma_start3A_7] : memref<100000x1024xf32, #tpu.memory_space<hbm>> -> memref<100000x1024xf32, #tpu.memory_space<hbm>>
    tpu.enqueue_indirect_dma source(%dma_start3A_8 : memref<100000x1024xf32, #tpu.memory_space<hbm>>) target(%arg7 : memref<16x1024xf32, #tpu.memory_space<vmem>>) offsets(%dma_start3A_5 : memref<16xi32, #tpu.memory_space<vmem>>) semaphore(%arg13 : memref<!tpu.dma_semaphore, #tpu.memory_space<semaphore_mem>>)
    %dma_start3A_9 = arith.constant 16 : i32
    %dma_start3A_10 = tpu.memref_slice %arg6[%dma_start3A_9] : memref<512xi32, #tpu.memory_space<vmem>> -> memref<16xi32, #tpu.memory_space<vmem>>
    %dma_start3A_11 = arith.constant 0 : i32
    %dma_start3A_12 = arith.constant 0 : i32
    %dma_start3A_13 = tpu.memref_slice %arg3[%dma_start3A_11, %dma_start3A_12] : memref<100000x1024xf32, #tpu.memory_space<hbm>> -> memref<100000x1024xf32, #tpu.memory_space<hbm>>
    tpu.enqueue_indirect_dma source(%dma_start3A_13 : memref<100000x1024xf32, #tpu.memory_space<hbm>>) target(%arg8 : memref<16x1024xf32, #tpu.memory_space<vmem>>) offsets(%dma_start3A_10 : memref<16xi32, #tpu.memory_space<vmem>>) semaphore(%arg14 : memref<!tpu.dma_semaphore, #tpu.memory_space<semaphore_mem>>)
    %add3A_14 = arith.constant 0 : i32
    %add3A_15 = arith.addi %mul3A_2, %add3A_14 : i32
    %dma_start3A_16 = arith.constant 0 : i32
    %dma_start3A_17 = tpu.memref_slice %arg4[%add3A_15, %dma_start3A_16] : memref<4096x1024xf32, #tpu.memory_space<hbm>> -> memref<4x1024xf32, #tpu.memory_space<hbm>>
    %dma_start3A_18 = arith.constant 0 : i32
    %dma_start3A_19 = tpu.memref_slice %arg4[%add3A_15, %dma_start3A_18] : memref<4096x1024xf32, #tpu.memory_space<hbm>> -> memref<4x1024xf32, #tpu.memory_space<hbm>>
    tpu.enqueue_dma source(%dma_start3A_19 : memref<4x1024xf32, #tpu.memory_space<hbm>>) target(%arg11 : memref<4x1024xf32, #tpu.memory_space<vmem>>) target_semaphore(%arg21 : memref<!tpu.dma_semaphore, #tpu.memory_space<semaphore_mem>>)
    %add3A_20 = arith.constant 4 : i32
    %add3A_21 = arith.addi %mul3A_2, %add3A_20 : i32
    %dma_start3A_22 = arith.constant 0 : i32
    %dma_start3A_23 = tpu.memref_slice %arg4[%add3A_21, %dma_start3A_22] : memref<4096x1024xf32, #tpu.memory_space<hbm>> -> memref<4x1024xf32, #tpu.memory_space<hbm>>
    %dma_start3A_24 = arith.constant 0 : i32
    %dma_start3A_25 = tpu.memref_slice %arg4[%add3A_21, %dma_start3A_24] : memref<4096x1024xf32, #tpu.memory_space<hbm>> -> memref<4x1024xf32, #tpu.memory_space<hbm>>
    tpu.enqueue_dma source(%dma_start3A_25 : memref<4x1024xf32, #tpu.memory_space<hbm>>) target(%arg12 : memref<4x1024xf32, #tpu.memory_space<vmem>>) target_semaphore(%arg22 : memref<!tpu.dma_semaphore, #tpu.memory_space<semaphore_mem>>)
    %dma_start3A_26 = arith.constant 32 : i32
    %dma_start3A_27 = tpu.memref_slice %arg6[%dma_start3A_26] : memref<512xi32, #tpu.memory_space<vmem>> -> memref<16xi32, #tpu.memory_space<vmem>>
    %dma_start3A_28 = arith.constant 0 : i32
    %dma_start3A_29 = arith.constant 0 : i32
    %dma_start3A_30 = tpu.memref_slice %arg3[%dma_start3A_28, %dma_start3A_29] : memref<100000x1024xf32, #tpu.memory_space<hbm>> -> memref<100000x1024xf32, #tpu.memory_space<hbm>>
    tpu.enqueue_indirect_dma source(%dma_start3A_30 : memref<100000x1024xf32, #tpu.memory_space<hbm>>) target(%arg9 : memref<16x1024xf32, #tpu.memory_space<vmem>>) offsets(%dma_start3A_27 : memref<16xi32, #tpu.memory_space<vmem>>) semaphore(%arg15 : memref<!tpu.dma_semaphore, #tpu.memory_space<semaphore_mem>>)
    %add3A_31 = arith.constant 0 : i32
    %add3A_32 = arith.addi %mul3A_2, %add3A_31 : i32
    %dma_wait3A = arith.constant 0 : i32
    %dma_wait3A_33 = tpu.memref_slice %arg4[%add3A_32, %dma_wait3A] : memref<4096x1024xf32, #tpu.memory_space<hbm>> -> memref<4x1024xf32, #tpu.memory_space<hbm>>
    %dma_wait3A_34 = arith.constant 0 : i32
    %dma_wait3A_35 = tpu.memref_slice %arg4[%add3A_32, %dma_wait3A_34] : memref<4096x1024xf32, #tpu.memory_space<hbm>> -> memref<4x1024xf32, #tpu.memory_space<hbm>>
    tpu.wait_dma2 semaphore(%arg21 : memref<!tpu.dma_semaphore, #tpu.memory_space<semaphore_mem>>) src(%dma_wait3A_35 : memref<4x1024xf32, #tpu.memory_space<hbm>>) dst(%arg11 : memref<4x1024xf32, #tpu.memory_space<vmem>>)
    %dma_wait3A_36 = arith.constant 0 : i32
    %dma_wait3A_37 = tpu.memref_slice %arg6[%dma_wait3A_36] : memref<512xi32, #tpu.memory_space<vmem>> -> memref<16xi32, #tpu.memory_space<vmem>>
    %dma_wait3A_38 = arith.constant 0 : i32
    %dma_wait3A_39 = arith.constant 0 : i32
    %dma_wait3A_40 = tpu.memref_slice %arg3[%dma_wait3A_38, %dma_wait3A_39] : memref<100000x1024xf32, #tpu.memory_space<hbm>> -> memref<100000x1024xf32, #tpu.memory_space<hbm>>
    tpu.wait_indirect_dma semaphore(%arg13 : memref<!tpu.dma_semaphore, #tpu.memory_space<semaphore_mem>>) src(%dma_wait3A_40 : memref<100000x1024xf32, #tpu.memory_space<hbm>>) dst(%arg7 : memref<16x1024xf32, #tpu.memory_space<vmem>>)
    %scan3A = arith.constant 0 : i32
    %scan3A_41 = arith.constant 0 : i32
    %scan3A_42 = arith.constant 64 : i32
    %scan3A_43 = arith.addi %scan3A_41, %scan3A_42 : i32
    %scan3A_44 = arith.constant 1 : i32
    scf.for %scan3A_568 = %scan3A_41 to %scan3A_43 step %scan3A_44  : i32 {
      %mul3A_569 = arith.constant 16 : i32
      %mul3A_570 = arith.muli %scan3A_568, %mul3A_569 : i32
      %get3A = arith.constant 0 : i32
      %get3A_571 = arith.index_cast %get3A : i32 to index
      %get3A_572 = arith.index_cast %mul3A_570 : i32 to index
      %get3A_573 = tpu.vector_load %arg11[%get3A_571, %get3A_572] {strides = array<i32>} : memref<4x1024xf32, #tpu.memory_space<vmem>>, vector<1x16xf32>,
      %get3A_574 = vector.shape_cast %get3A_573 : vector<1x16xf32> to vector<16xf32>
      %get3A_575 = arith.constant 0 : i32
      %get3A_576 = arith.index_cast %get3A_575 : i32 to index
      %get3A_577 = arith.index_cast %mul3A_570 : i32 to index
      %get3A_578 = tpu.vector_load %arg7[%get3A_576, %get3A_577] {strides = array<i32>} : memref<16x1024xf32, #tpu.memory_space<vmem>>, vector<1x16xf32>,
      %get3A_579 = vector.shape_cast %get3A_578 : vector<1x16xf32> to vector<16xf32>
      %mul3A_580 = arith.constant 8.000000e+00 : f32
      %mul3A_581 = vector.broadcast %mul3A_580 : f32 to vector<16xf32>
      %mul3A_582 = arith.mulf %get3A_579, %mul3A_581 : vector<16xf32>
      %add3A_583 = arith.addf %mul3A_582, %get3A_574 : vector<16xf32>
      %swap3A = arith.constant 0 : i32
      %swap3A_584 = arith.index_cast %swap3A : i32 to index
      %swap3A_585 = arith.index_cast %mul3A_570 : i32 to index
      %swap3A_586 = tpu.vector_load %arg7[%swap3A_584, %swap3A_585] {strides = array<i32>} : memref<16x1024xf32, #tpu.memory_space<vmem>>, vector<1x16xf32>,
      %swap3A_587 = vector.shape_cast %swap3A_586 : vector<1x16xf32> to vector<16xf32>
      %swap3A_588 = vector.shape_cast %add3A_583 : vector<16xf32> to vector<1x16xf32>
      tpu.vector_store %arg7[%swap3A_584, %swap3A_585], %swap3A_588 {strides = array<i32>} : memref<16x1024xf32, #tpu.memory_space<vmem>>, vector<1x16xf32>,
      %get3A_589 = arith.constant 4 : i32
      %get3A_590 = arith.index_cast %get3A_589 : i32 to index
      %get3A_591 = arith.index_cast %mul3A_570 : i32 to index
      %get3A_592 = tpu.vector_load %arg7[%get3A_590, %get3A_591] {strides = array<i32>} : memref<16x1024xf32, #tpu.memory_space<vmem>>, vector<1x16xf32>,
      %get3A_593 = vector.shape_cast %get3A_592 : vector<1x16xf32> to vector<16xf32>
      %mul3A_594 = arith.constant 8.000000e+00 : f32
      %mul3A_595 = vector.broadcast %mul3A_594 : f32 to vector<16xf32>
      %mul3A_596 = arith.mulf %get3A_593, %mul3A_595 : vector<16xf32>
      %add3A_597 = arith.addf %mul3A_596, %get3A_574 : vector<16xf32>
      %swap3A_598 = arith.constant 4 : i32
      %swap3A_599 = arith.index_cast %swap3A_598 : i32 to index
      %swap3A_600 = arith.index_cast %mul3A_570 : i32 to index
      %swap3A_601 = tpu.vector_load %arg7[%swap3A_599, %swap3A_600] {strides = array<i32>} : memref<16x1024xf32, #tpu.memory_space<vmem>>, vector<1x16xf32>,
      %swap3A_602 = vector.shape_cast %swap3A_601 : vector<1x16xf32> to vector<16xf32>
      %swap3A_603 = vector.shape_cast %add3A_597 : vector<16xf32> to vector<1x16xf32>
      tpu.vector_store %arg7[%swap3A_599, %swap3A_600], %swap3A_603 {strides = array<i32>} : memref<16x1024xf32, #tpu.memory_space<vmem>>, vector<1x16xf32>,
      %get3A_604 = arith.constant 8 : i32
      %get3A_605 = arith.index_cast %get3A_604 : i32 to index
      %get3A_606 = arith.index_cast %mul3A_570 : i32 to index
      %get3A_607 = tpu.vector_load %arg7[%get3A_605, %get3A_606] {strides = array<i32>} : memref<16x1024xf32, #tpu.memory_space<vmem>>, vector<1x16xf32>,
      %get3A_608 = vector.shape_cast %get3A_607 : vector<1x16xf32> to vector<16xf32>
      %mul3A_609 = arith.constant 8.000000e+00 : f32
      %mul3A_610 = vector.broadcast %mul3A_609 : f32 to vector<16xf32>
      %mul3A_611 = arith.mulf %get3A_608, %mul3A_610 : vector<16xf32>
      %add3A_612 = arith.addf %mul3A_611, %get3A_574 : vector<16xf32>
      %swap3A_613 = arith.constant 8 : i32
      %swap3A_614 = arith.index_cast %swap3A_613 : i32 to index
      %swap3A_615 = arith.index_cast %mul3A_570 : i32 to index
      %swap3A_616 = tpu.vector_load %arg7[%swap3A_614, %swap3A_615] {strides = array<i32>} : memref<16x1024xf32, #tpu.memory_space<vmem>>, vector<1x16xf32>,
      %swap3A_617 = vector.shape_cast %swap3A_616 : vector<1x16xf32> to vector<16xf32>
      %swap3A_618 = vector.shape_cast %add3A_612 : vector<16xf32> to vector<1x16xf32>
      tpu.vector_store %arg7[%swap3A_614, %swap3A_615], %swap3A_618 {strides = array<i32>} : memref<16x1024xf32, #tpu.memory_space<vmem>>, vector<1x16xf32>,
      %get3A_619 = arith.constant 12 : i32
      %get3A_620 = arith.index_cast %get3A_619 : i32 to index
      %get3A_621 = arith.index_cast %mul3A_570 : i32 to index
      %get3A_622 = tpu.vector_load %arg7[%get3A_620, %get3A_621] {strides = array<i32>} : memref<16x1024xf32, #tpu.memory_space<vmem>>, vector<1x16xf32>,
      %get3A_623 = vector.shape_cast %get3A_622 : vector<1x16xf32> to vector<16xf32>
      %mul3A_624 = arith.constant 8.000000e+00 : f32
      %mul3A_625 = vector.broadcast %mul3A_624 : f32 to vector<16xf32>
      %mul3A_626 = arith.mulf %get3A_623, %mul3A_625 : vector<16xf32>
      %add3A_627 = arith.addf %mul3A_626, %get3A_574 : vector<16xf32>
      %swap3A_628 = arith.constant 12 : i32
      %swap3A_629 = arith.index_cast %swap3A_628 : i32 to index
      %swap3A_630 = arith.index_cast %mul3A_570 : i32 to index
      %swap3A_631 = tpu.vector_load %arg7[%swap3A_629, %swap3A_630] {strides = array<i32>} : memref<16x1024xf32, #tpu.memory_space<vmem>>, vector<1x16xf32>,
      %swap3A_632 = vector.shape_cast %swap3A_631 : vector<1x16xf32> to vector<16xf32>
      %swap3A_633 = vector.shape_cast %add3A_627 : vector<16xf32> to vector<1x16xf32>
      tpu.vector_store %arg7[%swap3A_629, %swap3A_630], %swap3A_633 {strides = array<i32>} : memref<16x1024xf32, #tpu.memory_space<vmem>>, vector<1x16xf32>,
      %get3A_634 = arith.constant 1 : i32
      %get3A_635 = arith.index_cast %get3A_634 : i32 to index
      %get3A_636 = arith.index_cast %mul3A_570 : i32 to index
      %get3A_637 = tpu.vector_load %arg11[%get3A_635, %get3A_636] {strides = array<i32>} : memref<4x1024xf32, #tpu.memory_space<vmem>>, vector<1x16xf32>,
      %get3A_638 = vector.shape_cast %get3A_637 : vector<1x16xf32> to vector<16xf32>
      %get3A_639 = arith.constant 1 : i32
      %get3A_640 = arith.index_cast %get3A_639 : i32 to index
      %get3A_641 = arith.index_cast %mul3A_570 : i32 to index
      %get3A_642 = tpu.vector_load %arg7[%get3A_640, %get3A_641] {strides = array<i32>} : memref<16x1024xf32, #tpu.memory_space<vmem>>, vector<1x16xf32>,
      %get3A_643 = vector.shape_cast %get3A_642 : vector<1x16xf32> to vector<16xf32>
      %mul3A_644 = arith.constant 8.000000e+00 : f32
      %mul3A_645 = vector.broadcast %mul3A_644 : f32 to vector<16xf32>
      %mul3A_646 = arith.mulf %get3A_643, %mul3A_645 : vector<16xf32>
      %add3A_647 = arith.addf %mul3A_646, %get3A_638 : vector<16xf32>
      %swap3A_648 = arith.constant 1 : i32
      %swap3A_649 = arith.index_cast %swap3A_648 : i32 to index
      %swap3A_650 = arith.index_cast %mul3A_570 : i32 to index
      %swap3A_651 = tpu.vector_load %arg7[%swap3A_649, %swap3A_650] {strides = array<i32>} : memref<16x1024xf32, #tpu.memory_space<vmem>>, vector<1x16xf32>,
      %swap3A_652 = vector.shape_cast %swap3A_651 : vector<1x16xf32> to vector<16xf32>
      %swap3A_653 = vector.shape_cast %add3A_647 : vector<16xf32> to vector<1x16xf32>
      tpu.vector_store %arg7[%swap3A_649, %swap3A_650], %swap3A_653 {strides = array<i32>} : memref<16x1024xf32, #tpu.memory_space<vmem>>, vector<1x16xf32>,
      %get3A_654 = arith.constant 5 : i32
      %get3A_655 = arith.index_cast %get3A_654 : i32 to index
      %get3A_656 = arith.index_cast %mul3A_570 : i32 to index
      %get3A_657 = tpu.vector_load %arg7[%get3A_655, %get3A_656] {strides = array<i32>} : memref<16x1024xf32, #tpu.memory_space<vmem>>, vector<1x16xf32>,
      %get3A_658 = vector.shape_cast %get3A_657 : vector<1x16xf32> to vector<16xf32>
      %mul3A_659 = arith.constant 8.000000e+00 : f32
      %mul3A_660 = vector.broadcast %mul3A_659 : f32 to vector<16xf32>
      %mul3A_661 = arith.mulf %get3A_658, %mul3A_660 : vector<16xf32>
      %add3A_662 = arith.addf %mul3A_661, %get3A_638 : vector<16xf32>
      %swap3A_663 = arith.constant 5 : i32
      %swap3A_664 = arith.index_cast %swap3A_663 : i32 to index
      %swap3A_665 = arith.index_cast %mul3A_570 : i32 to index
      %swap3A_666 = tpu.vector_load %arg7[%swap3A_664, %swap3A_665] {strides = array<i32>} : memref<16x1024xf32, #tpu.memory_space<vmem>>, vector<1x16xf32>,
      %swap3A_667 = vector.shape_cast %swap3A_666 : vector<1x16xf32> to vector<16xf32>
      %swap3A_668 = vector.shape_cast %add3A_662 : vector<16xf32> to vector<1x16xf32>
      tpu.vector_store %arg7[%swap3A_664, %swap3A_665], %swap3A_668 {strides = array<i32>} : memref<16x1024xf32, #tpu.memory_space<vmem>>, vector<1x16xf32>,
      %get3A_669 = arith.constant 9 : i32
      %get3A_670 = arith.index_cast %get3A_669 : i32 to index
      %get3A_671 = arith.index_cast %mul3A_570 : i32 to index
      %get3A_672 = tpu.vector_load %arg7[%get3A_670, %get3A_671] {strides = array<i32>} : memref<16x1024xf32, #tpu.memory_space<vmem>>, vector<1x16xf32>,
      %get3A_673 = vector.shape_cast %get3A_672 : vector<1x16xf32> to vector<16xf32>
      %mul3A_674 = arith.constant 8.000000e+00 : f32
      %mul3A_675 = vector.broadcast %mul3A_674 : f32 to vector<16xf32>
      %mul3A_676 = arith.mulf %get3A_673, %mul3A_675 : vector<16xf32>
      %add3A_677 = arith.addf %mul3A_676, %get3A_638 : vector<16xf32>
      %swap3A_678 = arith.constant 9 : i32
      %swap3A_679 = arith.index_cast %swap3A_678 : i32 to index
      %swap3A_680 = arith.index_cast %mul3A_570 : i32 to index
      %swap3A_681 = tpu.vector_load %arg7[%swap3A_679, %swap3A_680] {strides = array<i32>} : memref<16x1024xf32, #tpu.memory_space<vmem>>, vector<1x16xf32>,
      %swap3A_682 = vector.shape_cast %swap3A_681 : vector<1x16xf32> to vector<16xf32>
      %swap3A_683 = vector.shape_cast %add3A_677 : vector<16xf32> to vector<1x16xf32>
      tpu.vector_store %arg7[%swap3A_679, %swap3A_680], %swap3A_683 {strides = array<i32>} : memref<16x1024xf32, #tpu.memory_space<vmem>>, vector<1x16xf32>,
      %get3A_684 = arith.constant 13 : i32
      %get3A_685 = arith.index_cast %get3A_684 : i32 to index
      %get3A_686 = arith.index_cast %mul3A_570 : i32 to index
      %get3A_687 = tpu.vector_load %arg7[%get3A_685, %get3A_686] {strides = array<i32>} : memref<16x1024xf32, #tpu.memory_space<vmem>>, vector<1x16xf32>,
      %get3A_688 = vector.shape_cast %get3A_687 : vector<1x16xf32> to vector<16xf32>
      %mul3A_689 = arith.constant 8.000000e+00 : f32
      %mul3A_690 = vector.broadcast %mul3A_689 : f32 to vector<16xf32>
      %mul3A_691 = arith.mulf %get3A_688, %mul3A_690 : vector<16xf32>
      %add3A_692 = arith.addf %mul3A_691, %get3A_638 : vector<16xf32>
      %swap3A_693 = arith.constant 13 : i32
      %swap3A_694 = arith.index_cast %swap3A_693 : i32 to index
      %swap3A_695 = arith.index_cast %mul3A_570 : i32 to index
      %swap3A_696 = tpu.vector_load %arg7[%swap3A_694, %swap3A_695] {strides = array<i32>} : memref<16x1024xf32, #tpu.memory_space<vmem>>, vector<1x16xf32>,
      %swap3A_697 = vector.shape_cast %swap3A_696 : vector<1x16xf32> to vector<16xf32>
      %swap3A_698 = vector.shape_cast %add3A_692 : vector<16xf32> to vector<1x16xf32>
      tpu.vector_store %arg7[%swap3A_694, %swap3A_695], %swap3A_698 {strides = array<i32>} : memref<16x1024xf32, #tpu.memory_space<vmem>>, vector<1x16xf32>,
      %get3A_699 = arith.constant 2 : i32
      %get3A_700 = arith.index_cast %get3A_699 : i32 to index
      %get3A_701 = arith.index_cast %mul3A_570 : i32 to index
      %get3A_702 = tpu.vector_load %arg11[%get3A_700, %get3A_701] {strides = array<i32>} : memref<4x1024xf32, #tpu.memory_space<vmem>>, vector<1x16xf32>,
      %get3A_703 = vector.shape_cast %get3A_702 : vector<1x16xf32> to vector<16xf32>
      %get3A_704 = arith.constant 2 : i32
      %get3A_705 = arith.index_cast %get3A_704 : i32 to index
      %get3A_706 = arith.index_cast %mul3A_570 : i32 to index
      %get3A_707 = tpu.vector_load %arg7[%get3A_705, %get3A_706] {strides = array<i32>} : memref<16x1024xf32, #tpu.memory_space<vmem>>, vector<1x16xf32>,
      %get3A_708 = vector.shape_cast %get3A_707 : vector<1x16xf32> to vector<16xf32>
      %mul3A_709 = arith.constant 8.000000e+00 : f32
      %mul3A_710 = vector.broadcast %mul3A_709 : f32 to vector<16xf32>
      %mul3A_711 = arith.mulf %get3A_708, %mul3A_710 : vector<16xf32>
      %add3A_712 = arith.addf %mul3A_711, %get3A_703 : vector<16xf32>
      %swap3A_713 = arith.constant 2 : i32
      %swap3A_714 = arith.index_cast %swap3A_713 : i32 to index
      %swap3A_715 = arith.index_cast %mul3A_570 : i32 to index
      %swap3A_716 = tpu.vector_load %arg7[%swap3A_714, %swap3A_715] {strides = array<i32>} : memref<16x1024xf32, #tpu.memory_space<vmem>>, vector<1x16xf32>,
      %swap3A_717 = vector.shape_cast %swap3A_716 : vector<1x16xf32> to vector<16xf32>
      %swap3A_718 = vector.shape_cast %add3A_712 : vector<16xf32> to vector<1x16xf32>
      tpu.vector_store %arg7[%swap3A_714, %swap3A_715], %swap3A_718 {strides = array<i32>} : memref<16x1024xf32, #tpu.memory_space<vmem>>, vector<1x16xf32>,
      %get3A_719 = arith.constant 6 : i32
      %get3A_720 = arith.index_cast %get3A_719 : i32 to index
      %get3A_721 = arith.index_cast %mul3A_570 : i32 to index
      %get3A_722 = tpu.vector_load %arg7[%get3A_720, %get3A_721] {strides = array<i32>} : memref<16x1024xf32, #tpu.memory_space<vmem>>, vector<1x16xf32>,
      %get3A_723 = vector.shape_cast %get3A_722 : vector<1x16xf32> to vector<16xf32>
      %mul3A_724 = arith.constant 8.000000e+00 : f32
      %mul3A_725 = vector.broadcast %mul3A_724 : f32 to vector<16xf32>
      %mul3A_726 = arith.mulf %get3A_723, %mul3A_725 : vector<16xf32>
      %add3A_727 = arith.addf %mul3A_726, %get3A_703 : vector<16xf32>
      %swap3A_728 = arith.constant 6 : i32
      %swap3A_729 = arith.index_cast %swap3A_728 : i32 to index
      %swap3A_730 = arith.index_cast %mul3A_570 : i32 to index
      %swap3A_731 = tpu.vector_load %arg7[%swap3A_729, %swap3A_730] {strides = array<i32>} : memref<16x1024xf32, #tpu.memory_space<vmem>>, vector<1x16xf32>,
      %swap3A_732 = vector.shape_cast %swap3A_731 : vector<1x16xf32> to vector<16xf32>
      %swap3A_733 = vector.shape_cast %add3A_727 : vector<16xf32> to vector<1x16xf32>
      tpu.vector_store %arg7[%swap3A_729, %swap3A_730], %swap3A_733 {strides = array<i32>} : memref<16x1024xf32, #tpu.memory_space<vmem>>, vector<1x16xf32>,
      %get3A_734 = arith.constant 10 : i32
      %get3A_735 = arith.index_cast %get3A_734 : i32 to index
      %get3A_736 = arith.index_cast %mul3A_570 : i32 to index
      %get3A_737 = tpu.vector_load %arg7[%get3A_735, %get3A_736] {strides = array<i32>} : memref<16x1024xf32, #tpu.memory_space<vmem>>, vector<1x16xf32>,
      %get3A_738 = vector.shape_cast %get3A_737 : vector<1x16xf32> to vector<16xf32>
      %mul3A_739 = arith.constant 8.000000e+00 : f32
      %mul3A_740 = vector.broadcast %mul3A_739 : f32 to vector<16xf32>
      %mul3A_741 = arith.mulf %get3A_738, %mul3A_740 : vector<16xf32>
      %add3A_742 = arith.addf %mul3A_741, %get3A_703 : vector<16xf32>
      %swap3A_743 = arith.constant 10 : i32
      %swap3A_744 = arith.index_cast %swap3A_743 : i32 to index
      %swap3A_745 = arith.index_cast %mul3A_570 : i32 to index
      %swap3A_746 = tpu.vector_load %arg7[%swap3A_744, %swap3A_745] {strides = array<i32>} : memref<16x1024xf32, #tpu.memory_space<vmem>>, vector<1x16xf32>,
      %swap3A_747 = vector.shape_cast %swap3A_746 : vector<1x16xf32> to vector<16xf32>
      %swap3A_748 = vector.shape_cast %add3A_742 : vector<16xf32> to vector<1x16xf32>
      tpu.vector_store %arg7[%swap3A_744, %swap3A_745], %swap3A_748 {strides = array<i32>} : memref<16x1024xf32, #tpu.memory_space<vmem>>, vector<1x16xf32>,
      %get3A_749 = arith.constant 14 : i32
      %get3A_750 = arith.index_cast %get3A_749 : i32 to index
      %get3A_751 = arith.index_cast %mul3A_570 : i32 to index
      %get3A_752 = tpu.vector_load %arg7[%get3A_750, %get3A_751] {strides = array<i32>} : memref<16x1024xf32, #tpu.memory_space<vmem>>, vector<1x16xf32>,
      %get3A_753 = vector.shape_cast %get3A_752 : vector<1x16xf32> to vector<16xf32>
      %mul3A_754 = arith.constant 8.000000e+00 : f32
      %mul3A_755 = vector.broadcast %mul3A_754 : f32 to vector<16xf32>
      %mul3A_756 = arith.mulf %get3A_753, %mul3A_755 : vector<16xf32>
      %add3A_757 = arith.addf %mul3A_756, %get3A_703 : vector<16xf32>
      %swap3A_758 = arith.constant 14 : i32
      %swap3A_759 = arith.index_cast %swap3A_758 : i32 to index
      %swap3A_760 = arith.index_cast %mul3A_570 : i32 to index
      %swap3A_761 = tpu.vector_load %arg7[%swap3A_759, %swap3A_760] {strides = array<i32>} : memref<16x1024xf32, #tpu.memory_space<vmem>>, vector<1x16xf32>,
      %swap3A_762 = vector.shape_cast %swap3A_761 : vector<1x16xf32> to vector<16xf32>
      %swap3A_763 = vector.shape_cast %add3A_757 : vector<16xf32> to vector<1x16xf32>
      tpu.vector_store %arg7[%swap3A_759, %swap3A_760], %swap3A_763 {strides = array<i32>} : memref<16x1024xf32, #tpu.memory_space<vmem>>, vector<1x16xf32>,
      %get3A_764 = arith.constant 3 : i32
      %get3A_765 = arith.index_cast %get3A_764 : i32 to index
      %get3A_766 = arith.index_cast %mul3A_570 : i32 to index
      %get3A_767 = tpu.vector_load %arg11[%get3A_765, %get3A_766] {strides = array<i32>} : memref<4x1024xf32, #tpu.memory_space<vmem>>, vector<1x16xf32>,
      %get3A_768 = vector.shape_cast %get3A_767 : vector<1x16xf32> to vector<16xf32>
      %get3A_769 = arith.constant 3 : i32
      %get3A_770 = arith.index_cast %get3A_769 : i32 to index
      %get3A_771 = arith.index_cast %mul3A_570 : i32 to index
      %get3A_772 = tpu.vector_load %arg7[%get3A_770, %get3A_771] {strides = array<i32>} : memref<16x1024xf32, #tpu.memory_space<vmem>>, vector<1x16xf32>,
      %get3A_773 = vector.shape_cast %get3A_772 : vector<1x16xf32> to vector<16xf32>
      %mul3A_774 = arith.constant 8.000000e+00 : f32
      %mul3A_775 = vector.broadcast %mul3A_774 : f32 to vector<16xf32>
      %mul3A_776 = arith.mulf %get3A_773, %mul3A_775 : vector<16xf32>
      %add3A_777 = arith.addf %mul3A_776, %get3A_768 : vector<16xf32>
      %swap3A_778 = arith.constant 3 : i32
      %swap3A_779 = arith.index_cast %swap3A_778 : i32 to index
      %swap3A_780 = arith.index_cast %mul3A_570 : i32 to index
      %swap3A_781 = tpu.vector_load %arg7[%swap3A_779, %swap3A_780] {strides = array<i32>} : memref<16x1024xf32, #tpu.memory_space<vmem>>, vector<1x16xf32>,
      %swap3A_782 = vector.shape_cast %swap3A_781 : vector<1x16xf32> to vector<16xf32>
      %swap3A_783 = vector.shape_cast %add3A_777 : vector<16xf32> to vector<1x16xf32>
      tpu.vector_store %arg7[%swap3A_779, %swap3A_780], %swap3A_783 {strides = array<i32>} : memref<16x1024xf32, #tpu.memory_space<vmem>>, vector<1x16xf32>,
      %get3A_784 = arith.constant 7 : i32
      %get3A_785 = arith.index_cast %get3A_784 : i32 to index
      %get3A_786 = arith.index_cast %mul3A_570 : i32 to index
      %get3A_787 = tpu.vector_load %arg7[%get3A_785, %get3A_786] {strides = array<i32>} : memref<16x1024xf32, #tpu.memory_space<vmem>>, vector<1x16xf32>,
      %get3A_788 = vector.shape_cast %get3A_787 : vector<1x16xf32> to vector<16xf32>
      %mul3A_789 = arith.constant 8.000000e+00 : f32
      %mul3A_790 = vector.broadcast %mul3A_789 : f32 to vector<16xf32>
      %mul3A_791 = arith.mulf %get3A_788, %mul3A_790 : vector<16xf32>
      %add3A_792 = arith.addf %mul3A_791, %get3A_768 : vector<16xf32>
      %swap3A_793 = arith.constant 7 : i32
      %swap3A_794 = arith.index_cast %swap3A_793 : i32 to index
      %swap3A_795 = arith.index_cast %mul3A_570 : i32 to index
      %swap3A_796 = tpu.vector_load %arg7[%swap3A_794, %swap3A_795] {strides = array<i32>} : memref<16x1024xf32, #tpu.memory_space<vmem>>, vector<1x16xf32>,
      %swap3A_797 = vector.shape_cast %swap3A_796 : vector<1x16xf32> to vector<16xf32>
      %swap3A_798 = vector.shape_cast %add3A_792 : vector<16xf32> to vector<1x16xf32>
      tpu.vector_store %arg7[%swap3A_794, %swap3A_795], %swap3A_798 {strides = array<i32>} : memref<16x1024xf32, #tpu.memory_space<vmem>>, vector<1x16xf32>,
      %get3A_799 = arith.constant 11 : i32
      %get3A_800 = arith.index_cast %get3A_799 : i32 to index
      %get3A_801 = arith.index_cast %mul3A_570 : i32 to index
      %get3A_802 = tpu.vector_load %arg7[%get3A_800, %get3A_801] {strides = array<i32>} : memref<16x1024xf32, #tpu.memory_space<vmem>>, vector<1x16xf32>,
      %get3A_803 = vector.shape_cast %get3A_802 : vector<1x16xf32> to vector<16xf32>
      %mul3A_804 = arith.constant 8.000000e+00 : f32
      %mul3A_805 = vector.broadcast %mul3A_804 : f32 to vector<16xf32>
      %mul3A_806 = arith.mulf %get3A_803, %mul3A_805 : vector<16xf32>
      %add3A_807 = arith.addf %mul3A_806, %get3A_768 : vector<16xf32>
      %swap3A_808 = arith.constant 11 : i32
      %swap3A_809 = arith.index_cast %swap3A_808 : i32 to index
      %swap3A_810 = arith.index_cast %mul3A_570 : i32 to index
      %swap3A_811 = tpu.vector_load %arg7[%swap3A_809, %swap3A_810] {strides = array<i32>} : memref<16x1024xf32, #tpu.memory_space<vmem>>, vector<1x16xf32>,
      %swap3A_812 = vector.shape_cast %swap3A_811 : vector<1x16xf32> to vector<16xf32>
      %swap3A_813 = vector.shape_cast %add3A_807 : vector<16xf32> to vector<1x16xf32>
      tpu.vector_store %arg7[%swap3A_809, %swap3A_810], %swap3A_813 {strides = array<i32>} : memref<16x1024xf32, #tpu.memory_space<vmem>>, vector<1x16xf32>,
      %get3A_814 = arith.constant 15 : i32
      %get3A_815 = arith.index_cast %get3A_814 : i32 to index
      %get3A_816 = arith.index_cast %mul3A_570 : i32 to index
      %get3A_817 = tpu.vector_load %arg7[%get3A_815, %get3A_816] {strides = array<i32>} : memref<16x1024xf32, #tpu.memory_space<vmem>>, vector<1x16xf32>,
      %get3A_818 = vector.shape_cast %get3A_817 : vector<1x16xf32> to vector<16xf32>
      %mul3A_819 = arith.constant 8.000000e+00 : f32
      %mul3A_820 = vector.broadcast %mul3A_819 : f32 to vector<16xf32>
      %mul3A_821 = arith.mulf %get3A_818, %mul3A_820 : vector<16xf32>
      %add3A_822 = arith.addf %mul3A_821, %get3A_768 : vector<16xf32>
      %swap3A_823 = arith.constant 15 : i32
      %swap3A_824 = arith.index_cast %swap3A_823 : i32 to index
      %swap3A_825 = arith.index_cast %mul3A_570 : i32 to index
      %swap3A_826 = tpu.vector_load %arg7[%swap3A_824, %swap3A_825] {strides = array<i32>} : memref<16x1024xf32, #tpu.memory_space<vmem>>, vector<1x16xf32>,
      %swap3A_827 = vector.shape_cast %swap3A_826 : vector<1x16xf32> to vector<16xf32>
      %swap3A_828 = vector.shape_cast %add3A_822 : vector<16xf32> to vector<1x16xf32>
      tpu.vector_store %arg7[%swap3A_824, %swap3A_825], %swap3A_828 {strides = array<i32>} : memref<16x1024xf32, #tpu.memory_space<vmem>>, vector<1x16xf32>,
    }
    %scan3A_45 = arith.constant 64 : i32
    %add3A_46 = arith.constant 0 : i32
    %add3A_47 = arith.addi %add3A_46, %mul3A_2 : i32
    %add3A_48 = arith.constant 0 : i32
    %add3A_49 = arith.addi %add3A_47, %add3A_48 : i32
    %dma_start3A_50 = arith.constant 0 : i32
    %dma_start3A_51 = arith.constant 0 : i32
    %dma_start3A_52 = tpu.memref_slice %arg7[%dma_start3A_50, %dma_start3A_51] : memref<16x1024xf32, #tpu.memory_space<vmem>> -> memref<4x1024xf32, #tpu.memory_space<vmem>>
    %dma_start3A_53 = arith.constant 0 : i32
    %dma_start3A_54 = tpu.memref_slice %arg5[%add3A_49, %dma_start3A_53] : memref<16384x1024xf32, #tpu.memory_space<hbm>> -> memref<4x1024xf32, #tpu.memory_space<hbm>>
    %dma_start3A_55 = arith.constant 0 : i32
    %dma_start3A_56 = tpu.memref_slice %arg5[%add3A_49, %dma_start3A_55] : memref<16384x1024xf32, #tpu.memory_space<hbm>> -> memref<4x1024xf32, #tpu.memory_space<hbm>>
    %dma_start3A_57 = arith.constant 0 : i32
    %dma_start3A_58 = arith.constant 0 : i32
    %dma_start3A_59 = tpu.memref_slice %arg7[%dma_start3A_57, %dma_start3A_58] : memref<16x1024xf32, #tpu.memory_space<vmem>> -> memref<4x1024xf32, #tpu.memory_space<vmem>>
    tpu.enqueue_dma source(%dma_start3A_59 : memref<4x1024xf32, #tpu.memory_space<vmem>>) target(%dma_start3A_56 : memref<4x1024xf32, #tpu.memory_space<hbm>>) target_semaphore(%arg17 : memref<!tpu.dma_semaphore, #tpu.memory_space<semaphore_mem>>)
    %add3A_60 = arith.constant 4096 : i32
    %add3A_61 = arith.addi %add3A_60, %mul3A_2 : i32
    %add3A_62 = arith.constant 0 : i32
    %add3A_63 = arith.addi %add3A_61, %add3A_62 : i32
    %dma_start3A_64 = arith.constant 4 : i32
    %dma_start3A_65 = arith.constant 0 : i32
    %dma_start3A_66 = tpu.memref_slice %arg7[%dma_start3A_64, %dma_start3A_65] : memref<16x1024xf32, #tpu.memory_space<vmem>> -> memref<4x1024xf32, #tpu.memory_space<vmem>>
    %dma_start3A_67 = arith.constant 0 : i32
    %dma_start3A_68 = tpu.memref_slice %arg5[%add3A_63, %dma_start3A_67] : memref<16384x1024xf32, #tpu.memory_space<hbm>> -> memref<4x1024xf32, #tpu.memory_space<hbm>>
    %dma_start3A_69 = arith.constant 0 : i32
    %dma_start3A_70 = tpu.memref_slice %arg5[%add3A_63, %dma_start3A_69] : memref<16384x1024xf32, #tpu.memory_space<hbm>> -> memref<4x1024xf32, #tpu.memory_space<hbm>>
    %dma_start3A_71 = arith.constant 4 : i32
    %dma_start3A_72 = arith.constant 0 : i32
    %dma_start3A_73 = tpu.memref_slice %arg7[%dma_start3A_71, %dma_start3A_72] : memref<16x1024xf32, #tpu.memory_space<vmem>> -> memref<4x1024xf32, #tpu.memory_space<vmem>>
    tpu.enqueue_dma source(%dma_start3A_73 : memref<4x1024xf32, #tpu.memory_space<vmem>>) target(%dma_start3A_70 : memref<4x1024xf32, #tpu.memory_space<hbm>>) target_semaphore(%arg17 : memref<!tpu.dma_semaphore, #tpu.memory_space<semaphore_mem>>)
    %add3A_74 = arith.constant 8192 : i32
    %add3A_75 = arith.addi %add3A_74, %mul3A_2 : i32
    %add3A_76 = arith.constant 0 : i32
    %add3A_77 = arith.addi %add3A_75, %add3A_76 : i32
    %dma_start3A_78 = arith.constant 8 : i32
    %dma_start3A_79 = arith.constant 0 : i32
    %dma_start3A_80 = tpu.memref_slice %arg7[%dma_start3A_78, %dma_start3A_79] : memref<16x1024xf32, #tpu.memory_space<vmem>> -> memref<4x1024xf32, #tpu.memory_space<vmem>>
    %dma_start3A_81 = arith.constant 0 : i32
    %dma_start3A_82 = tpu.memref_slice %arg5[%add3A_77, %dma_start3A_81] : memref<16384x1024xf32, #tpu.memory_space<hbm>> -> memref<4x1024xf32, #tpu.memory_space<hbm>>
    %dma_start3A_83 = arith.constant 0 : i32
    %dma_start3A_84 = tpu.memref_slice %arg5[%add3A_77, %dma_start3A_83] : memref<16384x1024xf32, #tpu.memory_space<hbm>> -> memref<4x1024xf32, #tpu.memory_space<hbm>>
    %dma_start3A_85 = arith.constant 8 : i32
    %dma_start3A_86 = arith.constant 0 : i32
    %dma_start3A_87 = tpu.memref_slice %arg7[%dma_start3A_85, %dma_start3A_86] : memref<16x1024xf32, #tpu.memory_space<vmem>> -> memref<4x1024xf32, #tpu.memory_space<vmem>>
    tpu.enqueue_dma source(%dma_start3A_87 : memref<4x1024xf32, #tpu.memory_space<vmem>>) target(%dma_start3A_84 : memref<4x1024xf32, #tpu.memory_space<hbm>>) target_semaphore(%arg17 : memref<!tpu.dma_semaphore, #tpu.memory_space<semaphore_mem>>)
    %add3A_88 = arith.constant 12288 : i32
    %add3A_89 = arith.addi %add3A_88, %mul3A_2 : i32
    %add3A_90 = arith.constant 0 : i32
    %add3A_91 = arith.addi %add3A_89, %add3A_90 : i32
    %dma_start3A_92 = arith.constant 12 : i32
    %dma_start3A_93 = arith.constant 0 : i32
    %dma_start3A_94 = tpu.memref_slice %arg7[%dma_start3A_92, %dma_start3A_93] : memref<16x1024xf32, #tpu.memory_space<vmem>> -> memref<4x1024xf32, #tpu.memory_space<vmem>>
    %dma_start3A_95 = arith.constant 0 : i32
    %dma_start3A_96 = tpu.memref_slice %arg5[%add3A_91, %dma_start3A_95] : memref<16384x1024xf32, #tpu.memory_space<hbm>> -> memref<4x1024xf32, #tpu.memory_space<hbm>>
    %dma_start3A_97 = arith.constant 0 : i32
    %dma_start3A_98 = tpu.memref_slice %arg5[%add3A_91, %dma_start3A_97] : memref<16384x1024xf32, #tpu.memory_space<hbm>> -> memref<4x1024xf32, #tpu.memory_space<hbm>>
    %dma_start3A_99 = arith.constant 12 : i32
    %dma_start3A_100 = arith.constant 0 : i32
    %dma_start3A_101 = tpu.memref_slice %arg7[%dma_start3A_99, %dma_start3A_100] : memref<16x1024xf32, #tpu.memory_space<vmem>> -> memref<4x1024xf32, #tpu.memory_space<vmem>>
    tpu.enqueue_dma source(%dma_start3A_101 : memref<4x1024xf32, #tpu.memory_space<vmem>>) target(%dma_start3A_98 : memref<4x1024xf32, #tpu.memory_space<hbm>>) target_semaphore(%arg17 : memref<!tpu.dma_semaphore, #tpu.memory_space<semaphore_mem>>)
    %add3A_102 = arith.constant 8 : i32
    %add3A_103 = arith.addi %mul3A_2, %add3A_102 : i32
    %dma_start3A_104 = arith.constant 0 : i32
    %dma_start3A_105 = tpu.memref_slice %arg4[%add3A_103, %dma_start3A_104] : memref<4096x1024xf32, #tpu.memory_space<hbm>> -> memref<4x1024xf32, #tpu.memory_space<hbm>>
    %dma_start3A_106 = arith.constant 0 : i32
    %dma_start3A_107 = tpu.memref_slice %arg4[%add3A_103, %dma_start3A_106] : memref<4096x1024xf32, #tpu.memory_space<hbm>> -> memref<4x1024xf32, #tpu.memory_space<hbm>>
    tpu.enqueue_dma source(%dma_start3A_107 : memref<4x1024xf32, #tpu.memory_space<hbm>>) target(%arg11 : memref<4x1024xf32, #tpu.memory_space<vmem>>) target_semaphore(%arg21 : memref<!tpu.dma_semaphore, #tpu.memory_space<semaphore_mem>>)
    %dma_start3A_108 = arith.constant 48 : i32
    %dma_start3A_109 = tpu.memref_slice %arg6[%dma_start3A_108] : memref<512xi32, #tpu.memory_space<vmem>> -> memref<16xi32, #tpu.memory_space<vmem>>
    %dma_start3A_110 = arith.constant 0 : i32
    %dma_start3A_111 = arith.constant 0 : i32
    %dma_start3A_112 = tpu.memref_slice %arg3[%dma_start3A_110, %dma_start3A_111] : memref<100000x1024xf32, #tpu.memory_space<hbm>> -> memref<100000x1024xf32, #tpu.memory_space<hbm>>
    tpu.enqueue_indirect_dma source(%dma_start3A_112 : memref<100000x1024xf32, #tpu.memory_space<hbm>>) target(%arg10 : memref<16x1024xf32, #tpu.memory_space<vmem>>) offsets(%dma_start3A_109 : memref<16xi32, #tpu.memory_space<vmem>>) semaphore(%arg16 : memref<!tpu.dma_semaphore, #tpu.memory_space<semaphore_mem>>)
    %add3A_113 = arith.constant 4 : i32
    %add3A_114 = arith.addi %mul3A_2, %add3A_113 : i32
    %dma_wait3A_115 = arith.constant 0 : i32
    %dma_wait3A_116 = tpu.memref_slice %arg4[%add3A_114, %dma_wait3A_115] : memref<4096x1024xf32, #tpu.memory_space<hbm>> -> memref<4x1024xf32, #tpu.memory_space<hbm>>
    %dma_wait3A_117 = arith.constant 0 : i32
    %dma_wait3A_118 = tpu.memref_slice %arg4[%add3A_114, %dma_wait3A_117] : memref<4096x1024xf32, #tpu.memory_space<hbm>> -> memref<4x1024xf32, #tpu.memory_space<hbm>>
    tpu.wait_dma2 semaphore(%arg22 : memref<!tpu.dma_semaphore, #tpu.memory_space<semaphore_mem>>) src(%dma_wait3A_118 : memref<4x1024xf32, #tpu.memory_space<hbm>>) dst(%arg12 : memref<4x1024xf32, #tpu.memory_space<vmem>>)
    %dma_wait3A_119 = arith.constant 16 : i32
    %dma_wait3A_120 = tpu.memref_slice %arg6[%dma_wait3A_119] : memref<512xi32, #tpu.memory_space<vmem>> -> memref<16xi32, #tpu.memory_space<vmem>>
    %dma_wait3A_121 = arith.constant 0 : i32
    %dma_wait3A_122 = arith.constant 0 : i32
    %dma_wait3A_123 = tpu.memref_slice %arg3[%dma_wait3A_121, %dma_wait3A_122] : memref<100000x1024xf32, #tpu.memory_space<hbm>> -> memref<100000x1024xf32, #tpu.memory_space<hbm>>
    tpu.wait_indirect_dma semaphore(%arg14 : memref<!tpu.dma_semaphore, #tpu.memory_space<semaphore_mem>>) src(%dma_wait3A_123 : memref<100000x1024xf32, #tpu.memory_space<hbm>>) dst(%arg8 : memref<16x1024xf32, #tpu.memory_space<vmem>>)
    %scan3A_124 = arith.constant 0 : i32
    %scan3A_125 = arith.constant 0 : i32
    %scan3A_126 = arith.constant 64 : i32
    %scan3A_127 = arith.addi %scan3A_125, %scan3A_126 : i32
    %scan3A_128 = arith.constant 1 : i32
    scf.for %scan3A_568 = %scan3A_125 to %scan3A_127 step %scan3A_128  : i32 {
      %mul3A_569 = arith.constant 16 : i32
      %mul3A_570 = arith.muli %scan3A_568, %mul3A_569 : i32
      %get3A = arith.constant 0 : i32
      %get3A_571 = arith.index_cast %get3A : i32 to index
      %get3A_572 = arith.index_cast %mul3A_570 : i32 to index
      %get3A_573 = tpu.vector_load %arg12[%get3A_571, %get3A_572] {strides = array<i32>} : memref<4x1024xf32, #tpu.memory_space<vmem>>, vector<1x16xf32>,
      %get3A_574 = vector.shape_cast %get3A_573 : vector<1x16xf32> to vector<16xf32>
      %get3A_575 = arith.constant 0 : i32
      %get3A_576 = arith.index_cast %get3A_575 : i32 to index
      %get3A_577 = arith.index_cast %mul3A_570 : i32 to index
      %get3A_578 = tpu.vector_load %arg8[%get3A_576, %get3A_577] {strides = array<i32>} : memref<16x1024xf32, #tpu.memory_space<vmem>>, vector<1x16xf32>,
      %get3A_579 = vector.shape_cast %get3A_578 : vector<1x16xf32> to vector<16xf32>
      %mul3A_580 = arith.constant 8.000000e+00 : f32
      %mul3A_581 = vector.broadcast %mul3A_580 : f32 to vector<16xf32>
      %mul3A_582 = arith.mulf %get3A_579, %mul3A_581 : vector<16xf32>
      %add3A_583 = arith.addf %mul3A_582, %get3A_574 : vector<16xf32>
      %swap3A = arith.constant 0 : i32
      %swap3A_584 = arith.index_cast %swap3A : i32 to index
      %swap3A_585 = arith.index_cast %mul3A_570 : i32 to index
      %swap3A_586 = tpu.vector_load %arg8[%swap3A_584, %swap3A_585] {strides = array<i32>} : memref<16x1024xf32, #tpu.memory_space<vmem>>, vector<1x16xf32>,
      %swap3A_587 = vector.shape_cast %swap3A_586 : vector<1x16xf32> to vector<16xf32>
      %swap3A_588 = vector.shape_cast %add3A_583 : vector<16xf32> to vector<1x16xf32>
      tpu.vector_store %arg8[%swap3A_584, %swap3A_585], %swap3A_588 {strides = array<i32>} : memref<16x1024xf32, #tpu.memory_space<vmem>>, vector<1x16xf32>,
      %get3A_589 = arith.constant 4 : i32
      %get3A_590 = arith.index_cast %get3A_589 : i32 to index
      %get3A_591 = arith.index_cast %mul3A_570 : i32 to index
      %get3A_592 = tpu.vector_load %arg8[%get3A_590, %get3A_591] {strides = array<i32>} : memref<16x1024xf32, #tpu.memory_space<vmem>>, vector<1x16xf32>,
      %get3A_593 = vector.shape_cast %get3A_592 : vector<1x16xf32> to vector<16xf32>
      %mul3A_594 = arith.constant 8.000000e+00 : f32
      %mul3A_595 = vector.broadcast %mul3A_594 : f32 to vector<16xf32>
      %mul3A_596 = arith.mulf %get3A_593, %mul3A_595 : vector<16xf32>
      %add3A_597 = arith.addf %mul3A_596, %get3A_574 : vector<16xf32>
      %swap3A_598 = arith.constant 4 : i32
      %swap3A_599 = arith.index_cast %swap3A_598 : i32 to index
      %swap3A_600 = arith.index_cast %mul3A_570 : i32 to index
      %swap3A_601 = tpu.vector_load %arg8[%swap3A_599, %swap3A_600] {strides = array<i32>} : memref<16x1024xf32, #tpu.memory_space<vmem>>, vector<1x16xf32>,
      %swap3A_602 = vector.shape_cast %swap3A_601 : vector<1x16xf32> to vector<16xf32>
      %swap3A_603 = vector.shape_cast %add3A_597 : vector<16xf32> to vector<1x16xf32>
      tpu.vector_store %arg8[%swap3A_599, %swap3A_600], %swap3A_603 {strides = array<i32>} : memref<16x1024xf32, #tpu.memory_space<vmem>>, vector<1x16xf32>,
      %get3A_604 = arith.constant 8 : i32
      %get3A_605 = arith.index_cast %get3A_604 : i32 to index
      %get3A_606 = arith.index_cast %mul3A_570 : i32 to index
      %get3A_607 = tpu.vector_load %arg8[%get3A_605, %get3A_606] {strides = array<i32>} : memref<16x1024xf32, #tpu.memory_space<vmem>>, vector<1x16xf32>,
      %get3A_608 = vector.shape_cast %get3A_607 : vector<1x16xf32> to vector<16xf32>
      %mul3A_609 = arith.constant 8.000000e+00 : f32
      %mul3A_610 = vector.broadcast %mul3A_609 : f32 to vector<16xf32>
      %mul3A_611 = arith.mulf %get3A_608, %mul3A_610 : vector<16xf32>
      %add3A_612 = arith.addf %mul3A_611, %get3A_574 : vector<16xf32>
      %swap3A_613 = arith.constant 8 : i32
      %swap3A_614 = arith.index_cast %swap3A_613 : i32 to index
      %swap3A_615 = arith.index_cast %mul3A_570 : i32 to index
      %swap3A_616 = tpu.vector_load %arg8[%swap3A_614, %swap3A_615] {strides = array<i32>} : memref<16x1024xf32, #tpu.memory_space<vmem>>, vector<1x16xf32>,
      %swap3A_617 = vector.shape_cast %swap3A_616 : vector<1x16xf32> to vector<16xf32>
      %swap3A_618 = vector.shape_cast %add3A_612 : vector<16xf32> to vector<1x16xf32>
      tpu.vector_store %arg8[%swap3A_614, %swap3A_615], %swap3A_618 {strides = array<i32>} : memref<16x1024xf32, #tpu.memory_space<vmem>>, vector<1x16xf32>,
      %get3A_619 = arith.constant 12 : i32
      %get3A_620 = arith.index_cast %get3A_619 : i32 to index
      %get3A_621 = arith.index_cast %mul3A_570 : i32 to index
      %get3A_622 = tpu.vector_load %arg8[%get3A_620, %get3A_621] {strides = array<i32>} : memref<16x1024xf32, #tpu.memory_space<vmem>>, vector<1x16xf32>,
      %get3A_623 = vector.shape_cast %get3A_622 : vector<1x16xf32> to vector<16xf32>
      %mul3A_624 = arith.constant 8.000000e+00 : f32
      %mul3A_625 = vector.broadcast %mul3A_624 : f32 to vector<16xf32>
      %mul3A_626 = arith.mulf %get3A_623, %mul3A_625 : vector<16xf32>
      %add3A_627 = arith.addf %mul3A_626, %get3A_574 : vector<16xf32>
      %swap3A_628 = arith.constant 12 : i32
      %swap3A_629 = arith.index_cast %swap3A_628 : i32 to index
      %swap3A_630 = arith.index_cast %mul3A_570 : i32 to index
      %swap3A_631 = tpu.vector_load %arg8[%swap3A_629, %swap3A_630] {strides = array<i32>} : memref<16x1024xf32, #tpu.memory_space<vmem>>, vector<1x16xf32>,
      %swap3A_632 = vector.shape_cast %swap3A_631 : vector<1x16xf32> to vector<16xf32>
      %swap3A_633 = vector.shape_cast %add3A_627 : vector<16xf32> to vector<1x16xf32>
      tpu.vector_store %arg8[%swap3A_629, %swap3A_630], %swap3A_633 {strides = array<i32>} : memref<16x1024xf32, #tpu.memory_space<vmem>>, vector<1x16xf32>,
      %get3A_634 = arith.constant 1 : i32
      %get3A_635 = arith.index_cast %get3A_634 : i32 to index
      %get3A_636 = arith.index_cast %mul3A_570 : i32 to index
      %get3A_637 = tpu.vector_load %arg12[%get3A_635, %get3A_636] {strides = array<i32>} : memref<4x1024xf32, #tpu.memory_space<vmem>>, vector<1x16xf32>,
      %get3A_638 = vector.shape_cast %get3A_637 : vector<1x16xf32> to vector<16xf32>
      %get3A_639 = arith.constant 1 : i32
      %get3A_640 = arith.index_cast %get3A_639 : i32 to index
      %get3A_641 = arith.index_cast %mul3A_570 : i32 to index
      %get3A_642 = tpu.vector_load %arg8[%get3A_640, %get3A_641] {strides = array<i32>} : memref<16x1024xf32, #tpu.memory_space<vmem>>, vector<1x16xf32>,
      %get3A_643 = vector.shape_cast %get3A_642 : vector<1x16xf32> to vector<16xf32>
      %mul3A_644 = arith.constant 8.000000e+00 : f32
      %mul3A_645 = vector.broadcast %mul3A_644 : f32 to vector<16xf32>
      %mul3A_646 = arith.mulf %get3A_643, %mul3A_645 : vector<16xf32>
      %add3A_647 = arith.addf %mul3A_646, %get3A_638 : vector<16xf32>
      %swap3A_648 = arith.constant 1 : i32
      %swap3A_649 = arith.index_cast %swap3A_648 : i32 to index
      %swap3A_650 = arith.index_cast %mul3A_570 : i32 to index
      %swap3A_651 = tpu.vector_load %arg8[%swap3A_649, %swap3A_650] {strides = array<i32>} : memref<16x1024xf32, #tpu.memory_space<vmem>>, vector<1x16xf32>,
      %swap3A_652 = vector.shape_cast %swap3A_651 : vector<1x16xf32> to vector<16xf32>
      %swap3A_653 = vector.shape_cast %add3A_647 : vector<16xf32> to vector<1x16xf32>
      tpu.vector_store %arg8[%swap3A_649, %swap3A_650], %swap3A_653 {strides = array<i32>} : memref<16x1024xf32, #tpu.memory_space<vmem>>, vector<1x16xf32>,
      %get3A_654 = arith.constant 5 : i32
      %get3A_655 = arith.index_cast %get3A_654 : i32 to index
      %get3A_656 = arith.index_cast %mul3A_570 : i32 to index
      %get3A_657 = tpu.vector_load %arg8[%get3A_655, %get3A_656] {strides = array<i32>} : memref<16x1024xf32, #tpu.memory_space<vmem>>, vector<1x16xf32>,
      %get3A_658 = vector.shape_cast %get3A_657 : vector<1x16xf32> to vector<16xf32>
      %mul3A_659 = arith.constant 8.000000e+00 : f32
      %mul3A_660 = vector.broadcast %mul3A_659 : f32 to vector<16xf32>
      %mul3A_661 = arith.mulf %get3A_658, %mul3A_660 : vector<16xf32>
      %add3A_662 = arith.addf %mul3A_661, %get3A_638 : vector<16xf32>
      %swap3A_663 = arith.constant 5 : i32
      %swap3A_664 = arith.index_cast %swap3A_663 : i32 to index
      %swap3A_665 = arith.index_cast %mul3A_570 : i32 to index
      %swap3A_666 = tpu.vector_load %arg8[%swap3A_664, %swap3A_665] {strides = array<i32>} : memref<16x1024xf32, #tpu.memory_space<vmem>>, vector<1x16xf32>,
      %swap3A_667 = vector.shape_cast %swap3A_666 : vector<1x16xf32> to vector<16xf32>
      %swap3A_668 = vector.shape_cast %add3A_662 : vector<16xf32> to vector<1x16xf32>
      tpu.vector_store %arg8[%swap3A_664, %swap3A_665], %swap3A_668 {strides = array<i32>} : memref<16x1024xf32, #tpu.memory_space<vmem>>, vector<1x16xf32>,
      %get3A_669 = arith.constant 9 : i32
      %get3A_670 = arith.index_cast %get3A_669 : i32 to index
      %get3A_671 = arith.index_cast %mul3A_570 : i32 to index
      %get3A_672 = tpu.vector_load %arg8[%get3A_670, %get3A_671] {strides = array<i32>} : memref<16x1024xf32, #tpu.memory_space<vmem>>, vector<1x16xf32>,
      %get3A_673 = vector.shape_cast %get3A_672 : vector<1x16xf32> to vector<16xf32>
      %mul3A_674 = arith.constant 8.000000e+00 : f32
      %mul3A_675 = vector.broadcast %mul3A_674 : f32 to vector<16xf32>
      %mul3A_676 = arith.mulf %get3A_673, %mul3A_675 : vector<16xf32>
      %add3A_677 = arith.addf %mul3A_676, %get3A_638 : vector<16xf32>
      %swap3A_678 = arith.constant 9 : i32
      %swap3A_679 = arith.index_cast %swap3A_678 : i32 to index
      %swap3A_680 = arith.index_cast %mul3A_570 : i32 to index
      %swap3A_681 = tpu.vector_load %arg8[%swap3A_679, %swap3A_680] {strides = array<i32>} : memref<16x1024xf32, #tpu.memory_space<vmem>>, vector<1x16xf32>,
      %swap3A_682 = vector.shape_cast %swap3A_681 : vector<1x16xf32> to vector<16xf32>
      %swap3A_683 = vector.shape_cast %add3A_677 : vector<16xf32> to vector<1x16xf32>
      tpu.vector_store %arg8[%swap3A_679, %swap3A_680], %swap3A_683 {strides = array<i32>} : memref<16x1024xf32, #tpu.memory_space<vmem>>, vector<1x16xf32>,
      %get3A_684 = arith.constant 13 : i32
      %get3A_685 = arith.index_cast %get3A_684 : i32 to index
      %get3A_686 = arith.index_cast %mul3A_570 : i32 to index
      %get3A_687 = tpu.vector_load %arg8[%get3A_685, %get3A_686] {strides = array<i32>} : memref<16x1024xf32, #tpu.memory_space<vmem>>, vector<1x16xf32>,
      %get3A_688 = vector.shape_cast %get3A_687 : vector<1x16xf32> to vector<16xf32>
      %mul3A_689 = arith.constant 8.000000e+00 : f32
      %mul3A_690 = vector.broadcast %mul3A_689 : f32 to vector<16xf32>
      %mul3A_691 = arith.mulf %get3A_688, %mul3A_690 : vector<16xf32>
      %add3A_692 = arith.addf %mul3A_691, %get3A_638 : vector<16xf32>
      %swap3A_693 = arith.constant 13 : i32
      %swap3A_694 = arith.index_cast %swap3A_693 : i32 to index
      %swap3A_695 = arith.index_cast %mul3A_570 : i32 to index
      %swap3A_696 = tpu.vector_load %arg8[%swap3A_694, %swap3A_695] {strides = array<i32>} : memref<16x1024xf32, #tpu.memory_space<vmem>>, vector<1x16xf32>,
      %swap3A_697 = vector.shape_cast %swap3A_696 : vector<1x16xf32> to vector<16xf32>
      %swap3A_698 = vector.shape_cast %add3A_692 : vector<16xf32> to vector<1x16xf32>
      tpu.vector_store %arg8[%swap3A_694, %swap3A_695], %swap3A_698 {strides = array<i32>} : memref<16x1024xf32, #tpu.memory_space<vmem>>, vector<1x16xf32>,
      %get3A_699 = arith.constant 2 : i32
      %get3A_700 = arith.index_cast %get3A_699 : i32 to index
      %get3A_701 = arith.index_cast %mul3A_570 : i32 to index
      %get3A_702 = tpu.vector_load %arg12[%get3A_700, %get3A_701] {strides = array<i32>} : memref<4x1024xf32, #tpu.memory_space<vmem>>, vector<1x16xf32>,
      %get3A_703 = vector.shape_cast %get3A_702 : vector<1x16xf32> to vector<16xf32>
      %get3A_704 = arith.constant 2 : i32
      %get3A_705 = arith.index_cast %get3A_704 : i32 to index
      %get3A_706 = arith.index_cast %mul3A_570 : i32 to index
      %get3A_707 = tpu.vector_load %arg8[%get3A_705, %get3A_706] {strides = array<i32>} : memref<16x1024xf32, #tpu.memory_space<vmem>>, vector<1x16xf32>,
      %get3A_708 = vector.shape_cast %get3A_707 : vector<1x16xf32> to vector<16xf32>
      %mul3A_709 = arith.constant 8.000000e+00 : f32
      %mul3A_710 = vector.broadcast %mul3A_709 : f32 to vector<16xf32>
      %mul3A_711 = arith.mulf %get3A_708, %mul3A_710 : vector<16xf32>
      %add3A_712 = arith.addf %mul3A_711, %get3A_703 : vector<16xf32>
      %swap3A_713 = arith.constant 2 : i32
      %swap3A_714 = arith.index_cast %swap3A_713 : i32 to index
      %swap3A_715 = arith.index_cast %mul3A_570 : i32 to index
      %swap3A_716 = tpu.vector_load %arg8[%swap3A_714, %swap3A_715] {strides = array<i32>} : memref<16x1024xf32, #tpu.memory_space<vmem>>, vector<1x16xf32>,
      %swap3A_717 = vector.shape_cast %swap3A_716 : vector<1x16xf32> to vector<16xf32>
      %swap3A_718 = vector.shape_cast %add3A_712 : vector<16xf32> to vector<1x16xf32>
      tpu.vector_store %arg8[%swap3A_714, %swap3A_715], %swap3A_718 {strides = array<i32>} : memref<16x1024xf32, #tpu.memory_space<vmem>>, vector<1x16xf32>,
      %get3A_719 = arith.constant 6 : i32
      %get3A_720 = arith.index_cast %get3A_719 : i32 to index
      %get3A_721 = arith.index_cast %mul3A_570 : i32 to index
      %get3A_722 = tpu.vector_load %arg8[%get3A_720, %get3A_721] {strides = array<i32>} : memref<16x1024xf32, #tpu.memory_space<vmem>>, vector<1x16xf32>,
      %get3A_723 = vector.shape_cast %get3A_722 : vector<1x16xf32> to vector<16xf32>
      %mul3A_724 = arith.constant 8.000000e+00 : f32
      %mul3A_725 = vector.broadcast %mul3A_724 : f32 to vector<16xf32>
      %mul3A_726 = arith.mulf %get3A_723, %mul3A_725 : vector<16xf32>
      %add3A_727 = arith.addf %mul3A_726, %get3A_703 : vector<16xf32>
      %swap3A_728 = arith.constant 6 : i32
      %swap3A_729 = arith.index_cast %swap3A_728 : i32 to index
      %swap3A_730 = arith.index_cast %mul3A_570 : i32 to index
      %swap3A_731 = tpu.vector_load %arg8[%swap3A_729, %swap3A_730] {strides = array<i32>} : memref<16x1024xf32, #tpu.memory_space<vmem>>, vector<1x16xf32>,
      %swap3A_732 = vector.shape_cast %swap3A_731 : vector<1x16xf32> to vector<16xf32>
      %swap3A_733 = vector.shape_cast %add3A_727 : vector<16xf32> to vector<1x16xf32>
      tpu.vector_store %arg8[%swap3A_729, %swap3A_730], %swap3A_733 {strides = array<i32>} : memref<16x1024xf32, #tpu.memory_space<vmem>>, vector<1x16xf32>,
      %get3A_734 = arith.constant 10 : i32
      %get3A_735 = arith.index_cast %get3A_734 : i32 to index
      %get3A_736 = arith.index_cast %mul3A_570 : i32 to index
      %get3A_737 = tpu.vector_load %arg8[%get3A_735, %get3A_736] {strides = array<i32>} : memref<16x1024xf32, #tpu.memory_space<vmem>>, vector<1x16xf32>,
      %get3A_738 = vector.shape_cast %get3A_737 : vector<1x16xf32> to vector<16xf32>
      %mul3A_739 = arith.constant 8.000000e+00 : f32
      %mul3A_740 = vector.broadcast %mul3A_739 : f32 to vector<16xf32>
      %mul3A_741 = arith.mulf %get3A_738, %mul3A_740 : vector<16xf32>
      %add3A_742 = arith.addf %mul3A_741, %get3A_703 : vector<16xf32>
      %swap3A_743 = arith.constant 10 : i32
      %swap3A_744 = arith.index_cast %swap3A_743 : i32 to index
      %swap3A_745 = arith.index_cast %mul3A_570 : i32 to index
      %swap3A_746 = tpu.vector_load %arg8[%swap3A_744, %swap3A_745] {strides = array<i32>} : memref<16x1024xf32, #tpu.memory_space<vmem>>, vector<1x16xf32>,
      %swap3A_747 = vector.shape_cast %swap3A_746 : vector<1x16xf32> to vector<16xf32>
      %swap3A_748 = vector.shape_cast %add3A_742 : vector<16xf32> to vector<1x16xf32>
      tpu.vector_store %arg8[%swap3A_744, %swap3A_745], %swap3A_748 {strides = array<i32>} : memref<16x1024xf32, #tpu.memory_space<vmem>>, vector<1x16xf32>,
      %get3A_749 = arith.constant 14 : i32
      %get3A_750 = arith.index_cast %get3A_749 : i32 to index
      %get3A_751 = arith.index_cast %mul3A_570 : i32 to index
      %get3A_752 = tpu.vector_load %arg8[%get3A_750, %get3A_751] {strides = array<i32>} : memref<16x1024xf32, #tpu.memory_space<vmem>>, vector<1x16xf32>,
      %get3A_753 = vector.shape_cast %get3A_752 : vector<1x16xf32> to vector<16xf32>
      %mul3A_754 = arith.constant 8.000000e+00 : f32
      %mul3A_755 = vector.broadcast %mul3A_754 : f32 to vector<16xf32>
      %mul3A_756 = arith.mulf %get3A_753, %mul3A_755 : vector<16xf32>
      %add3A_757 = arith.addf %mul3A_756, %get3A_703 : vector<16xf32>
      %swap3A_758 = arith.constant 14 : i32
      %swap3A_759 = arith.index_cast %swap3A_758 : i32 to index
      %swap3A_760 = arith.index_cast %mul3A_570 : i32 to index
      %swap3A_761 = tpu.vector_load %arg8[%swap3A_759, %swap3A_760] {strides = array<i32>} : memref<16x1024xf32, #tpu.memory_space<vmem>>, vector<1x16xf32>,
      %swap3A_762 = vector.shape_cast %swap3A_761 : vector<1x16xf32> to vector<16xf32>
      %swap3A_763 = vector.shape_cast %add3A_757 : vector<16xf32> to vector<1x16xf32>
      tpu.vector_store %arg8[%swap3A_759, %swap3A_760], %swap3A_763 {strides = array<i32>} : memref<16x1024xf32, #tpu.memory_space<vmem>>, vector<1x16xf32>,
      %get3A_764 = arith.constant 3 : i32
      %get3A_765 = arith.index_cast %get3A_764 : i32 to index
      %get3A_766 = arith.index_cast %mul3A_570 : i32 to index
      %get3A_767 = tpu.vector_load %arg12[%get3A_765, %get3A_766] {strides = array<i32>} : memref<4x1024xf32, #tpu.memory_space<vmem>>, vector<1x16xf32>,
      %get3A_768 = vector.shape_cast %get3A_767 : vector<1x16xf32> to vector<16xf32>
      %get3A_769 = arith.constant 3 : i32
      %get3A_770 = arith.index_cast %get3A_769 : i32 to index
      %get3A_771 = arith.index_cast %mul3A_570 : i32 to index
      %get3A_772 = tpu.vector_load %arg8[%get3A_770, %get3A_771] {strides = array<i32>} : memref<16x1024xf32, #tpu.memory_space<vmem>>, vector<1x16xf32>,
      %get3A_773 = vector.shape_cast %get3A_772 : vector<1x16xf32> to vector<16xf32>
      %mul3A_774 = arith.constant 8.000000e+00 : f32
      %mul3A_775 = vector.broadcast %mul3A_774 : f32 to vector<16xf32>
      %mul3A_776 = arith.mulf %get3A_773, %mul3A_775 : vector<16xf32>
      %add3A_777 = arith.addf %mul3A_776, %get3A_768 : vector<16xf32>
      %swap3A_778 = arith.constant 3 : i32
      %swap3A_779 = arith.index_cast %swap3A_778 : i32 to index
      %swap3A_780 = arith.index_cast %mul3A_570 : i32 to index
      %swap3A_781 = tpu.vector_load %arg8[%swap3A_779, %swap3A_780] {strides = array<i32>} : memref<16x1024xf32, #tpu.memory_space<vmem>>, vector<1x16xf32>,
      %swap3A_782 = vector.shape_cast %swap3A_781 : vector<1x16xf32> to vector<16xf32>
      %swap3A_783 = vector.shape_cast %add3A_777 : vector<16xf32> to vector<1x16xf32>
      tpu.vector_store %arg8[%swap3A_779, %swap3A_780], %swap3A_783 {strides = array<i32>} : memref<16x1024xf32, #tpu.memory_space<vmem>>, vector<1x16xf32>,
      %get3A_784 = arith.constant 7 : i32
      %get3A_785 = arith.index_cast %get3A_784 : i32 to index
      %get3A_786 = arith.index_cast %mul3A_570 : i32 to index
      %get3A_787 = tpu.vector_load %arg8[%get3A_785, %get3A_786] {strides = array<i32>} : memref<16x1024xf32, #tpu.memory_space<vmem>>, vector<1x16xf32>,
      %get3A_788 = vector.shape_cast %get3A_787 : vector<1x16xf32> to vector<16xf32>
      %mul3A_789 = arith.constant 8.000000e+00 : f32
      %mul3A_790 = vector.broadcast %mul3A_789 : f32 to vector<16xf32>
      %mul3A_791 = arith.mulf %get3A_788, %mul3A_790 : vector<16xf32>
      %add3A_792 = arith.addf %mul3A_791, %get3A_768 : vector<16xf32>
      %swap3A_793 = arith.constant 7 : i32
      %swap3A_794 = arith.index_cast %swap3A_793 : i32 to index
      %swap3A_795 = arith.index_cast %mul3A_570 : i32 to index
      %swap3A_796 = tpu.vector_load %arg8[%swap3A_794, %swap3A_795] {strides = array<i32>} : memref<16x1024xf32, #tpu.memory_space<vmem>>, vector<1x16xf32>,
      %swap3A_797 = vector.shape_cast %swap3A_796 : vector<1x16xf32> to vector<16xf32>
      %swap3A_798 = vector.shape_cast %add3A_792 : vector<16xf32> to vector<1x16xf32>
      tpu.vector_store %arg8[%swap3A_794, %swap3A_795], %swap3A_798 {strides = array<i32>} : memref<16x1024xf32, #tpu.memory_space<vmem>>, vector<1x16xf32>,
      %get3A_799 = arith.constant 11 : i32
      %get3A_800 = arith.index_cast %get3A_799 : i32 to index
      %get3A_801 = arith.index_cast %mul3A_570 : i32 to index
      %get3A_802 = tpu.vector_load %arg8[%get3A_800, %get3A_801] {strides = array<i32>} : memref<16x1024xf32, #tpu.memory_space<vmem>>, vector<1x16xf32>,
      %get3A_803 = vector.shape_cast %get3A_802 : vector<1x16xf32> to vector<16xf32>
      %mul3A_804 = arith.constant 8.000000e+00 : f32
      %mul3A_805 = vector.broadcast %mul3A_804 : f32 to vector<16xf32>
      %mul3A_806 = arith.mulf %get3A_803, %mul3A_805 : vector<16xf32>
      %add3A_807 = arith.addf %mul3A_806, %get3A_768 : vector<16xf32>
      %swap3A_808 = arith.constant 11 : i32
      %swap3A_809 = arith.index_cast %swap3A_808 : i32 to index
      %swap3A_810 = arith.index_cast %mul3A_570 : i32 to index
      %swap3A_811 = tpu.vector_load %arg8[%swap3A_809, %swap3A_810] {strides = array<i32>} : memref<16x1024xf32, #tpu.memory_space<vmem>>, vector<1x16xf32>,
      %swap3A_812 = vector.shape_cast %swap3A_811 : vector<1x16xf32> to vector<16xf32>
      %swap3A_813 = vector.shape_cast %add3A_807 : vector<16xf32> to vector<1x16xf32>
      tpu.vector_store %arg8[%swap3A_809, %swap3A_810], %swap3A_813 {strides = array<i32>} : memref<16x1024xf32, #tpu.memory_space<vmem>>, vector<1x16xf32>,
      %get3A_814 = arith.constant 15 : i32
      %get3A_815 = arith.index_cast %get3A_814 : i32 to index
      %get3A_816 = arith.index_cast %mul3A_570 : i32 to index
      %get3A_817 = tpu.vector_load %arg8[%get3A_815, %get3A_816] {strides = array<i32>} : memref<16x1024xf32, #tpu.memory_space<vmem>>, vector<1x16xf32>,
      %get3A_818 = vector.shape_cast %get3A_817 : vector<1x16xf32> to vector<16xf32>
      %mul3A_819 = arith.constant 8.000000e+00 : f32
      %mul3A_820 = vector.broadcast %mul3A_819 : f32 to vector<16xf32>
      %mul3A_821 = arith.mulf %get3A_818, %mul3A_820 : vector<16xf32>
      %add3A_822 = arith.addf %mul3A_821, %get3A_768 : vector<16xf32>
      %swap3A_823 = arith.constant 15 : i32
      %swap3A_824 = arith.index_cast %swap3A_823 : i32 to index
      %swap3A_825 = arith.index_cast %mul3A_570 : i32 to index
      %swap3A_826 = tpu.vector_load %arg8[%swap3A_824, %swap3A_825] {strides = array<i32>} : memref<16x1024xf32, #tpu.memory_space<vmem>>, vector<1x16xf32>,
      %swap3A_827 = vector.shape_cast %swap3A_826 : vector<1x16xf32> to vector<16xf32>
      %swap3A_828 = vector.shape_cast %add3A_822 : vector<16xf32> to vector<1x16xf32>
      tpu.vector_store %arg8[%swap3A_824, %swap3A_825], %swap3A_828 {strides = array<i32>} : memref<16x1024xf32, #tpu.memory_space<vmem>>, vector<1x16xf32>,
    }
    %scan3A_129 = arith.constant 64 : i32
    %add3A_130 = arith.constant 0 : i32
    %add3A_131 = arith.addi %add3A_130, %mul3A_2 : i32
    %add3A_132 = arith.constant 4 : i32
    %add3A_133 = arith.addi %add3A_131, %add3A_132 : i32
    %dma_start3A_134 = arith.constant 0 : i32
    %dma_start3A_135 = arith.constant 0 : i32
    %dma_start3A_136 = tpu.memref_slice %arg8[%dma_start3A_134, %dma_start3A_135] : memref<16x1024xf32, #tpu.memory_space<vmem>> -> memref<4x1024xf32, #tpu.memory_space<vmem>>
    %dma_start3A_137 = arith.constant 0 : i32
    %dma_start3A_138 = tpu.memref_slice %arg5[%add3A_133, %dma_start3A_137] : memref<16384x1024xf32, #tpu.memory_space<hbm>> -> memref<4x1024xf32, #tpu.memory_space<hbm>>
    %dma_start3A_139 = arith.constant 0 : i32
    %dma_start3A_140 = tpu.memref_slice %arg5[%add3A_133, %dma_start3A_139] : memref<16384x1024xf32, #tpu.memory_space<hbm>> -> memref<4x1024xf32, #tpu.memory_space<hbm>>
    %dma_start3A_141 = arith.constant 0 : i32
    %dma_start3A_142 = arith.constant 0 : i32
    %dma_start3A_143 = tpu.memref_slice %arg8[%dma_start3A_141, %dma_start3A_142] : memref<16x1024xf32, #tpu.memory_space<vmem>> -> memref<4x1024xf32, #tpu.memory_space<vmem>>
    tpu.enqueue_dma source(%dma_start3A_143 : memref<4x1024xf32, #tpu.memory_space<vmem>>) target(%dma_start3A_140 : memref<4x1024xf32, #tpu.memory_space<hbm>>) target_semaphore(%arg18 : memref<!tpu.dma_semaphore, #tpu.memory_space<semaphore_mem>>)
    %add3A_144 = arith.constant 4096 : i32
    %add3A_145 = arith.addi %add3A_144, %mul3A_2 : i32
    %add3A_146 = arith.constant 4 : i32
    %add3A_147 = arith.addi %add3A_145, %add3A_146 : i32
    %dma_start3A_148 = arith.constant 4 : i32
    %dma_start3A_149 = arith.constant 0 : i32
    %dma_start3A_150 = tpu.memref_slice %arg8[%dma_start3A_148, %dma_start3A_149] : memref<16x1024xf32, #tpu.memory_space<vmem>> -> memref<4x1024xf32, #tpu.memory_space<vmem>>
    %dma_start3A_151 = arith.constant 0 : i32
    %dma_start3A_152 = tpu.memref_slice %arg5[%add3A_147, %dma_start3A_151] : memref<16384x1024xf32, #tpu.memory_space<hbm>> -> memref<4x1024xf32, #tpu.memory_space<hbm>>
    %dma_start3A_153 = arith.constant 0 : i32
    %dma_start3A_154 = tpu.memref_slice %arg5[%add3A_147, %dma_start3A_153] : memref<16384x1024xf32, #tpu.memory_space<hbm>> -> memref<4x1024xf32, #tpu.memory_space<hbm>>
    %dma_start3A_155 = arith.constant 4 : i32
    %dma_start3A_156 = arith.constant 0 : i32
    %dma_start3A_157 = tpu.memref_slice %arg8[%dma_start3A_155, %dma_start3A_156] : memref<16x1024xf32, #tpu.memory_space<vmem>> -> memref<4x1024xf32, #tpu.memory_space<vmem>>
    tpu.enqueue_dma source(%dma_start3A_157 : memref<4x1024xf32, #tpu.memory_space<vmem>>) target(%dma_start3A_154 : memref<4x1024xf32, #tpu.memory_space<hbm>>) target_semaphore(%arg18 : memref<!tpu.dma_semaphore, #tpu.memory_space<semaphore_mem>>)
    %add3A_158 = arith.constant 8192 : i32
    %add3A_159 = arith.addi %add3A_158, %mul3A_2 : i32
    %add3A_160 = arith.constant 4 : i32
    %add3A_161 = arith.addi %add3A_159, %add3A_160 : i32
    %dma_start3A_162 = arith.constant 8 : i32
    %dma_start3A_163 = arith.constant 0 : i32
    %dma_start3A_164 = tpu.memref_slice %arg8[%dma_start3A_162, %dma_start3A_163] : memref<16x1024xf32, #tpu.memory_space<vmem>> -> memref<4x1024xf32, #tpu.memory_space<vmem>>
    %dma_start3A_165 = arith.constant 0 : i32
    %dma_start3A_166 = tpu.memref_slice %arg5[%add3A_161, %dma_start3A_165] : memref<16384x1024xf32, #tpu.memory_space<hbm>> -> memref<4x1024xf32, #tpu.memory_space<hbm>>
    %dma_start3A_167 = arith.constant 0 : i32
    %dma_start3A_168 = tpu.memref_slice %arg5[%add3A_161, %dma_start3A_167] : memref<16384x1024xf32, #tpu.memory_space<hbm>> -> memref<4x1024xf32, #tpu.memory_space<hbm>>
    %dma_start3A_169 = arith.constant 8 : i32
    %dma_start3A_170 = arith.constant 0 : i32
    %dma_start3A_171 = tpu.memref_slice %arg8[%dma_start3A_169, %dma_start3A_170] : memref<16x1024xf32, #tpu.memory_space<vmem>> -> memref<4x1024xf32, #tpu.memory_space<vmem>>
    tpu.enqueue_dma source(%dma_start3A_171 : memref<4x1024xf32, #tpu.memory_space<vmem>>) target(%dma_start3A_168 : memref<4x1024xf32, #tpu.memory_space<hbm>>) target_semaphore(%arg18 : memref<!tpu.dma_semaphore, #tpu.memory_space<semaphore_mem>>)
    %add3A_172 = arith.constant 12288 : i32
    %add3A_173 = arith.addi %add3A_172, %mul3A_2 : i32
    %add3A_174 = arith.constant 4 : i32
    %add3A_175 = arith.addi %add3A_173, %add3A_174 : i32
    %dma_start3A_176 = arith.constant 12 : i32
    %dma_start3A_177 = arith.constant 0 : i32
    %dma_start3A_178 = tpu.memref_slice %arg8[%dma_start3A_176, %dma_start3A_177] : memref<16x1024xf32, #tpu.memory_space<vmem>> -> memref<4x1024xf32, #tpu.memory_space<vmem>>
    %dma_start3A_179 = arith.constant 0 : i32
    %dma_start3A_180 = tpu.memref_slice %arg5[%add3A_175, %dma_start3A_179] : memref<16384x1024xf32, #tpu.memory_space<hbm>> -> memref<4x1024xf32, #tpu.memory_space<hbm>>
    %dma_start3A_181 = arith.constant 0 : i32
    %dma_start3A_182 = tpu.memref_slice %arg5[%add3A_175, %dma_start3A_181] : memref<16384x1024xf32, #tpu.memory_space<hbm>> -> memref<4x1024xf32, #tpu.memory_space<hbm>>
    %dma_start3A_183 = arith.constant 12 : i32
    %dma_start3A_184 = arith.constant 0 : i32
    %dma_start3A_185 = tpu.memref_slice %arg8[%dma_start3A_183, %dma_start3A_184] : memref<16x1024xf32, #tpu.memory_space<vmem>> -> memref<4x1024xf32, #tpu.memory_space<vmem>>
    tpu.enqueue_dma source(%dma_start3A_185 : memref<4x1024xf32, #tpu.memory_space<vmem>>) target(%dma_start3A_182 : memref<4x1024xf32, #tpu.memory_space<hbm>>) target_semaphore(%arg18 : memref<!tpu.dma_semaphore, #tpu.memory_space<semaphore_mem>>)
    %add3A_186 = arith.constant 12 : i32
    %add3A_187 = arith.addi %mul3A_2, %add3A_186 : i32
    %dma_start3A_188 = arith.constant 0 : i32
    %dma_start3A_189 = tpu.memref_slice %arg4[%add3A_187, %dma_start3A_188] : memref<4096x1024xf32, #tpu.memory_space<hbm>> -> memref<4x1024xf32, #tpu.memory_space<hbm>>
    %dma_start3A_190 = arith.constant 0 : i32
    %dma_start3A_191 = tpu.memref_slice %arg4[%add3A_187, %dma_start3A_190] : memref<4096x1024xf32, #tpu.memory_space<hbm>> -> memref<4x1024xf32, #tpu.memory_space<hbm>>
    tpu.enqueue_dma source(%dma_start3A_191 : memref<4x1024xf32, #tpu.memory_space<hbm>>) target(%arg12 : memref<4x1024xf32, #tpu.memory_space<vmem>>) target_semaphore(%arg22 : memref<!tpu.dma_semaphore, #tpu.memory_space<semaphore_mem>>)
    %dma_wait3A_192 = arith.constant 0 : i32
    %dma_wait3A_193 = arith.constant 0 : i32
    %dma_wait3A_194 = tpu.memref_slice %arg7[%dma_wait3A_192, %dma_wait3A_193] : memref<16x1024xf32, #tpu.memory_space<vmem>> -> memref<4x1024xf32, #tpu.memory_space<vmem>>
    %dma_wait3A_195 = arith.constant 0 : i32
    %dma_wait3A_196 = arith.constant 0 : i32
    %dma_wait3A_197 = tpu.memref_slice %arg5[%dma_wait3A_195, %dma_wait3A_196] : memref<16384x1024xf32, #tpu.memory_space<hbm>> -> memref<4x1024xf32, #tpu.memory_space<hbm>>
    %dma_wait3A_198 = arith.constant 0 : i32
    %dma_wait3A_199 = arith.constant 0 : i32
    %dma_wait3A_200 = tpu.memref_slice %arg5[%dma_wait3A_198, %dma_wait3A_199] : memref<16384x1024xf32, #tpu.memory_space<hbm>> -> memref<4x1024xf32, #tpu.memory_space<hbm>>
    %dma_wait3A_201 = arith.constant 0 : i32
    %dma_wait3A_202 = arith.constant 0 : i32
    %dma_wait3A_203 = tpu.memref_slice %arg7[%dma_wait3A_201, %dma_wait3A_202] : memref<16x1024xf32, #tpu.memory_space<vmem>> -> memref<4x1024xf32, #tpu.memory_space<vmem>>
    tpu.wait_dma2 semaphore(%arg17 : memref<!tpu.dma_semaphore, #tpu.memory_space<semaphore_mem>>) src(%dma_wait3A_203 : memref<4x1024xf32, #tpu.memory_space<vmem>>) dst(%dma_wait3A_200 : memref<4x1024xf32, #tpu.memory_space<hbm>>)
    %dma_wait3A_204 = arith.constant 0 : i32
    %dma_wait3A_205 = arith.constant 0 : i32
    %dma_wait3A_206 = tpu.memref_slice %arg7[%dma_wait3A_204, %dma_wait3A_205] : memref<16x1024xf32, #tpu.memory_space<vmem>> -> memref<4x1024xf32, #tpu.memory_space<vmem>>
    %dma_wait3A_207 = arith.constant 0 : i32
    %dma_wait3A_208 = arith.constant 0 : i32
    %dma_wait3A_209 = tpu.memref_slice %arg5[%dma_wait3A_207, %dma_wait3A_208] : memref<16384x1024xf32, #tpu.memory_space<hbm>> -> memref<4x1024xf32, #tpu.memory_space<hbm>>
    %dma_wait3A_210 = arith.constant 0 : i32
    %dma_wait3A_211 = arith.constant 0 : i32
    %dma_wait3A_212 = tpu.memref_slice %arg5[%dma_wait3A_210, %dma_wait3A_211] : memref<16384x1024xf32, #tpu.memory_space<hbm>> -> memref<4x1024xf32, #tpu.memory_space<hbm>>
    %dma_wait3A_213 = arith.constant 0 : i32
    %dma_wait3A_214 = arith.constant 0 : i32
    %dma_wait3A_215 = tpu.memref_slice %arg7[%dma_wait3A_213, %dma_wait3A_214] : memref<16x1024xf32, #tpu.memory_space<vmem>> -> memref<4x1024xf32, #tpu.memory_space<vmem>>
    tpu.wait_dma2 semaphore(%arg17 : memref<!tpu.dma_semaphore, #tpu.memory_space<semaphore_mem>>) src(%dma_wait3A_215 : memref<4x1024xf32, #tpu.memory_space<vmem>>) dst(%dma_wait3A_212 : memref<4x1024xf32, #tpu.memory_space<hbm>>)
    %dma_wait3A_216 = arith.constant 0 : i32
    %dma_wait3A_217 = arith.constant 0 : i32
    %dma_wait3A_218 = tpu.memref_slice %arg7[%dma_wait3A_216, %dma_wait3A_217] : memref<16x1024xf32, #tpu.memory_space<vmem>> -> memref<4x1024xf32, #tpu.memory_space<vmem>>
    %dma_wait3A_219 = arith.constant 0 : i32
    %dma_wait3A_220 = arith.constant 0 : i32
    %dma_wait3A_221 = tpu.memref_slice %arg5[%dma_wait3A_219, %dma_wait3A_220] : memref<16384x1024xf32, #tpu.memory_space<hbm>> -> memref<4x1024xf32, #tpu.memory_space<hbm>>
    %dma_wait3A_222 = arith.constant 0 : i32
    %dma_wait3A_223 = arith.constant 0 : i32
    %dma_wait3A_224 = tpu.memref_slice %arg5[%dma_wait3A_222, %dma_wait3A_223] : memref<16384x1024xf32, #tpu.memory_space<hbm>> -> memref<4x1024xf32, #tpu.memory_space<hbm>>
    %dma_wait3A_225 = arith.constant 0 : i32
    %dma_wait3A_226 = arith.constant 0 : i32
    %dma_wait3A_227 = tpu.memref_slice %arg7[%dma_wait3A_225, %dma_wait3A_226] : memref<16x1024xf32, #tpu.memory_space<vmem>> -> memref<4x1024xf32, #tpu.memory_space<vmem>>
    tpu.wait_dma2 semaphore(%arg17 : memref<!tpu.dma_semaphore, #tpu.memory_space<semaphore_mem>>) src(%dma_wait3A_227 : memref<4x1024xf32, #tpu.memory_space<vmem>>) dst(%dma_wait3A_224 : memref<4x1024xf32, #tpu.memory_space<hbm>>)
    %dma_wait3A_228 = arith.constant 0 : i32
    %dma_wait3A_229 = arith.constant 0 : i32
    %dma_wait3A_230 = tpu.memref_slice %arg7[%dma_wait3A_228, %dma_wait3A_229] : memref<16x1024xf32, #tpu.memory_space<vmem>> -> memref<4x1024xf32, #tpu.memory_space<vmem>>
    %dma_wait3A_231 = arith.constant 0 : i32
    %dma_wait3A_232 = arith.constant 0 : i32
    %dma_wait3A_233 = tpu.memref_slice %arg5[%dma_wait3A_231, %dma_wait3A_232] : memref<16384x1024xf32, #tpu.memory_space<hbm>> -> memref<4x1024xf32, #tpu.memory_space<hbm>>
    %dma_wait3A_234 = arith.constant 0 : i32
    %dma_wait3A_235 = arith.constant 0 : i32
    %dma_wait3A_236 = tpu.memref_slice %arg5[%dma_wait3A_234, %dma_wait3A_235] : memref<16384x1024xf32, #tpu.memory_space<hbm>> -> memref<4x1024xf32, #tpu.memory_space<hbm>>
    %dma_wait3A_237 = arith.constant 0 : i32
    %dma_wait3A_238 = arith.constant 0 : i32
    %dma_wait3A_239 = tpu.memref_slice %arg7[%dma_wait3A_237, %dma_wait3A_238] : memref<16x1024xf32, #tpu.memory_space<vmem>> -> memref<4x1024xf32, #tpu.memory_space<vmem>>
    tpu.wait_dma2 semaphore(%arg17 : memref<!tpu.dma_semaphore, #tpu.memory_space<semaphore_mem>>) src(%dma_wait3A_239 : memref<4x1024xf32, #tpu.memory_space<vmem>>) dst(%dma_wait3A_236 : memref<4x1024xf32, #tpu.memory_space<hbm>>)
    %dma_start3A_240 = arith.constant 64 : i32
    %dma_start3A_241 = tpu.memref_slice %arg6[%dma_start3A_240] : memref<512xi32, #tpu.memory_space<vmem>> -> memref<16xi32, #tpu.memory_space<vmem>>
    %dma_start3A_242 = arith.constant 0 : i32
    %dma_start3A_243 = arith.constant 0 : i32
    %dma_start3A_244 = tpu.memref_slice %arg3[%dma_start3A_242, %dma_start3A_243] : memref<100000x1024xf32, #tpu.memory_space<hbm>> -> memref<100000x1024xf32, #tpu.memory_space<hbm>>
    tpu.enqueue_indirect_dma source(%dma_start3A_244 : memref<100000x1024xf32, #tpu.memory_space<hbm>>) target(%arg7 : memref<16x1024xf32, #tpu.memory_space<vmem>>) offsets(%dma_start3A_241 : memref<16xi32, #tpu.memory_space<vmem>>) semaphore(%arg13 : memref<!tpu.dma_semaphore, #tpu.memory_space<semaphore_mem>>)
    %add3A_245 = arith.constant 8 : i32
    %add3A_246 = arith.addi %mul3A_2, %add3A_245 : i32
    %dma_wait3A_247 = arith.constant 0 : i32
    %dma_wait3A_248 = tpu.memref_slice %arg4[%add3A_246, %dma_wait3A_247] : memref<4096x1024xf32, #tpu.memory_space<hbm>> -> memref<4x1024xf32, #tpu.memory_space<hbm>>
    %dma_wait3A_249 = arith.constant 0 : i32
    %dma_wait3A_250 = tpu.memref_slice %arg4[%add3A_246, %dma_wait3A_249] : memref<4096x1024xf32, #tpu.memory_space<hbm>> -> memref<4x1024xf32, #tpu.memory_space<hbm>>
    tpu.wait_dma2 semaphore(%arg21 : memref<!tpu.dma_semaphore, #tpu.memory_space<semaphore_mem>>) src(%dma_wait3A_250 : memref<4x1024xf32, #tpu.memory_space<hbm>>) dst(%arg11 : memref<4x1024xf32, #tpu.memory_space<vmem>>)
    %dma_wait3A_251 = arith.constant 32 : i32
    %dma_wait3A_252 = tpu.memref_slice %arg6[%dma_wait3A_251] : memref<512xi32, #tpu.memory_space<vmem>> -> memref<16xi32, #tpu.memory_space<vmem>>
    %dma_wait3A_253 = arith.constant 0 : i32
    %dma_wait3A_254 = arith.constant 0 : i32
    %dma_wait3A_255 = tpu.memref_slice %arg3[%dma_wait3A_253, %dma_wait3A_254] : memref<100000x1024xf32, #tpu.memory_space<hbm>> -> memref<100000x1024xf32, #tpu.memory_space<hbm>>
    tpu.wait_indirect_dma semaphore(%arg15 : memref<!tpu.dma_semaphore, #tpu.memory_space<semaphore_mem>>) src(%dma_wait3A_255 : memref<100000x1024xf32, #tpu.memory_space<hbm>>) dst(%arg9 : memref<16x1024xf32, #tpu.memory_space<vmem>>)
    %scan3A_256 = arith.constant 0 : i32
    %scan3A_257 = arith.constant 0 : i32
    %scan3A_258 = arith.constant 64 : i32
    %scan3A_259 = arith.addi %scan3A_257, %scan3A_258 : i32
    %scan3A_260 = arith.constant 1 : i32
    scf.for %scan3A_568 = %scan3A_257 to %scan3A_259 step %scan3A_260  : i32 {
      %mul3A_569 = arith.constant 16 : i32
      %mul3A_570 = arith.muli %scan3A_568, %mul3A_569 : i32
      %get3A = arith.constant 0 : i32
      %get3A_571 = arith.index_cast %get3A : i32 to index
      %get3A_572 = arith.index_cast %mul3A_570 : i32 to index
      %get3A_573 = tpu.vector_load %arg11[%get3A_571, %get3A_572] {strides = array<i32>} : memref<4x1024xf32, #tpu.memory_space<vmem>>, vector<1x16xf32>,
      %get3A_574 = vector.shape_cast %get3A_573 : vector<1x16xf32> to vector<16xf32>
      %get3A_575 = arith.constant 0 : i32
      %get3A_576 = arith.index_cast %get3A_575 : i32 to index
      %get3A_577 = arith.index_cast %mul3A_570 : i32 to index
      %get3A_578 = tpu.vector_load %arg9[%get3A_576, %get3A_577] {strides = array<i32>} : memref<16x1024xf32, #tpu.memory_space<vmem>>, vector<1x16xf32>,
      %get3A_579 = vector.shape_cast %get3A_578 : vector<1x16xf32> to vector<16xf32>
      %mul3A_580 = arith.constant 8.000000e+00 : f32
      %mul3A_581 = vector.broadcast %mul3A_580 : f32 to vector<16xf32>
      %mul3A_582 = arith.mulf %get3A_579, %mul3A_581 : vector<16xf32>
      %add3A_583 = arith.addf %mul3A_582, %get3A_574 : vector<16xf32>
      %swap3A = arith.constant 0 : i32
      %swap3A_584 = arith.index_cast %swap3A : i32 to index
      %swap3A_585 = arith.index_cast %mul3A_570 : i32 to index
      %swap3A_586 = tpu.vector_load %arg9[%swap3A_584, %swap3A_585] {strides = array<i32>} : memref<16x1024xf32, #tpu.memory_space<vmem>>, vector<1x16xf32>,
      %swap3A_587 = vector.shape_cast %swap3A_586 : vector<1x16xf32> to vector<16xf32>
      %swap3A_588 = vector.shape_cast %add3A_583 : vector<16xf32> to vector<1x16xf32>
      tpu.vector_store %arg9[%swap3A_584, %swap3A_585], %swap3A_588 {strides = array<i32>} : memref<16x1024xf32, #tpu.memory_space<vmem>>, vector<1x16xf32>,
      %get3A_589 = arith.constant 4 : i32
      %get3A_590 = arith.index_cast %get3A_589 : i32 to index
      %get3A_591 = arith.index_cast %mul3A_570 : i32 to index
      %get3A_592 = tpu.vector_load %arg9[%get3A_590, %get3A_591] {strides = array<i32>} : memref<16x1024xf32, #tpu.memory_space<vmem>>, vector<1x16xf32>,
      %get3A_593 = vector.shape_cast %get3A_592 : vector<1x16xf32> to vector<16xf32>
      %mul3A_594 = arith.constant 8.000000e+00 : f32
      %mul3A_595 = vector.broadcast %mul3A_594 : f32 to vector<16xf32>
      %mul3A_596 = arith.mulf %get3A_593, %mul3A_595 : vector<16xf32>
      %add3A_597 = arith.addf %mul3A_596, %get3A_574 : vector<16xf32>
      %swap3A_598 = arith.constant 4 : i32
      %swap3A_599 = arith.index_cast %swap3A_598 : i32 to index
      %swap3A_600 = arith.index_cast %mul3A_570 : i32 to index
      %swap3A_601 = tpu.vector_load %arg9[%swap3A_599, %swap3A_600] {strides = array<i32>} : memref<16x1024xf32, #tpu.memory_space<vmem>>, vector<1x16xf32>,
      %swap3A_602 = vector.shape_cast %swap3A_601 : vector<1x16xf32> to vector<16xf32>
      %swap3A_603 = vector.shape_cast %add3A_597 : vector<16xf32> to vector<1x16xf32>
      tpu.vector_store %arg9[%swap3A_599, %swap3A_600], %swap3A_603 {strides = array<i32>} : memref<16x1024xf32, #tpu.memory_space<vmem>>, vector<1x16xf32>,
      %get3A_604 = arith.constant 8 : i32
      %get3A_605 = arith.index_cast %get3A_604 : i32 to index
      %get3A_606 = arith.index_cast %mul3A_570 : i32 to index
      %get3A_607 = tpu.vector_load %arg9[%get3A_605, %get3A_606] {strides = array<i32>} : memref<16x1024xf32, #tpu.memory_space<vmem>>, vector<1x16xf32>,
      %get3A_608 = vector.shape_cast %get3A_607 : vector<1x16xf32> to vector<16xf32>
      %mul3A_609 = arith.constant 8.000000e+00 : f32
      %mul3A_610 = vector.broadcast %mul3A_609 : f32 to vector<16xf32>
      %mul3A_611 = arith.mulf %get3A_608, %mul3A_610 : vector<16xf32>
      %add3A_612 = arith.addf %mul3A_611, %get3A_574 : vector<16xf32>
      %swap3A_613 = arith.constant 8 : i32
      %swap3A_614 = arith.index_cast %swap3A_613 : i32 to index
      %swap3A_615 = arith.index_cast %mul3A_570 : i32 to index
      %swap3A_616 = tpu.vector_load %arg9[%swap3A_614, %swap3A_615] {strides = array<i32>} : memref<16x1024xf32, #tpu.memory_space<vmem>>, vector<1x16xf32>,
      %swap3A_617 = vector.shape_cast %swap3A_616 : vector<1x16xf32> to vector<16xf32>
      %swap3A_618 = vector.shape_cast %add3A_612 : vector<16xf32> to vector<1x16xf32>
      tpu.vector_store %arg9[%swap3A_614, %swap3A_615], %swap3A_618 {strides = array<i32>} : memref<16x1024xf32, #tpu.memory_space<vmem>>, vector<1x16xf32>,
      %get3A_619 = arith.constant 12 : i32
      %get3A_620 = arith.index_cast %get3A_619 : i32 to index
      %get3A_621 = arith.index_cast %mul3A_570 : i32 to index
      %get3A_622 = tpu.vector_load %arg9[%get3A_620, %get3A_621] {strides = array<i32>} : memref<16x1024xf32, #tpu.memory_space<vmem>>, vector<1x16xf32>,
      %get3A_623 = vector.shape_cast %get3A_622 : vector<1x16xf32> to vector<16xf32>
      %mul3A_624 = arith.constant 8.000000e+00 : f32
      %mul3A_625 = vector.broadcast %mul3A_624 : f32 to vector<16xf32>
      %mul3A_626 = arith.mulf %get3A_623, %mul3A_625 : vector<16xf32>
      %add3A_627 = arith.addf %mul3A_626, %get3A_574 : vector<16xf32>
      %swap3A_628 = arith.constant 12 : i32
      %swap3A_629 = arith.index_cast %swap3A_628 : i32 to index
      %swap3A_630 = arith.index_cast %mul3A_570 : i32 to index
      %swap3A_631 = tpu.vector_load %arg9[%swap3A_629, %swap3A_630] {strides = array<i32>} : memref<16x1024xf32, #tpu.memory_space<vmem>>, vector<1x16xf32>,
      %swap3A_632 = vector.shape_cast %swap3A_631 : vector<1x16xf32> to vector<16xf32>
      %swap3A_633 = vector.shape_cast %add3A_627 : vector<16xf32> to vector<1x16xf32>
      tpu.vector_store %arg9[%swap3A_629, %swap3A_630], %swap3A_633 {strides = array<i32>} : memref<16x1024xf32, #tpu.memory_space<vmem>>, vector<1x16xf32>,
      %get3A_634 = arith.constant 1 : i32
      %get3A_635 = arith.index_cast %get3A_634 : i32 to index
      %get3A_636 = arith.index_cast %mul3A_570 : i32 to index
      %get3A_637 = tpu.vector_load %arg11[%get3A_635, %get3A_636] {strides = array<i32>} : memref<4x1024xf32, #tpu.memory_space<vmem>>, vector<1x16xf32>,
      %get3A_638 = vector.shape_cast %get3A_637 : vector<1x16xf32> to vector<16xf32>
      %get3A_639 = arith.constant 1 : i32
      %get3A_640 = arith.index_cast %get3A_639 : i32 to index
      %get3A_641 = arith.index_cast %mul3A_570 : i32 to index
      %get3A_642 = tpu.vector_load %arg9[%get3A_640, %get3A_641] {strides = array<i32>} : memref<16x1024xf32, #tpu.memory_space<vmem>>, vector<1x16xf32>,
      %get3A_643 = vector.shape_cast %get3A_642 : vector<1x16xf32> to vector<16xf32>
      %mul3A_644 = arith.constant 8.000000e+00 : f32
      %mul3A_645 = vector.broadcast %mul3A_644 : f32 to vector<16xf32>
      %mul3A_646 = arith.mulf %get3A_643, %mul3A_645 : vector<16xf32>
      %add3A_647 = arith.addf %mul3A_646, %get3A_638 : vector<16xf32>
      %swap3A_648 = arith.constant 1 : i32
      %swap3A_649 = arith.index_cast %swap3A_648 : i32 to index
      %swap3A_650 = arith.index_cast %mul3A_570 : i32 to index
      %swap3A_651 = tpu.vector_load %arg9[%swap3A_649, %swap3A_650] {strides = array<i32>} : memref<16x1024xf32, #tpu.memory_space<vmem>>, vector<1x16xf32>,
      %swap3A_652 = vector.shape_cast %swap3A_651 : vector<1x16xf32> to vector<16xf32>
      %swap3A_653 = vector.shape_cast %add3A_647 : vector<16xf32> to vector<1x16xf32>
      tpu.vector_store %arg9[%swap3A_649, %swap3A_650], %swap3A_653 {strides = array<i32>} : memref<16x1024xf32, #tpu.memory_space<vmem>>, vector<1x16xf32>,
      %get3A_654 = arith.constant 5 : i32
      %get3A_655 = arith.index_cast %get3A_654 : i32 to index
      %get3A_656 = arith.index_cast %mul3A_570 : i32 to index
      %get3A_657 = tpu.vector_load %arg9[%get3A_655, %get3A_656] {strides = array<i32>} : memref<16x1024xf32, #tpu.memory_space<vmem>>, vector<1x16xf32>,
      %get3A_658 = vector.shape_cast %get3A_657 : vector<1x16xf32> to vector<16xf32>
      %mul3A_659 = arith.constant 8.000000e+00 : f32
      %mul3A_660 = vector.broadcast %mul3A_659 : f32 to vector<16xf32>
      %mul3A_661 = arith.mulf %get3A_658, %mul3A_660 : vector<16xf32>
      %add3A_662 = arith.addf %mul3A_661, %get3A_638 : vector<16xf32>
      %swap3A_663 = arith.constant 5 : i32
      %swap3A_664 = arith.index_cast %swap3A_663 : i32 to index
      %swap3A_665 = arith.index_cast %mul3A_570 : i32 to index
      %swap3A_666 = tpu.vector_load %arg9[%swap3A_664, %swap3A_665] {strides = array<i32>} : memref<16x1024xf32, #tpu.memory_space<vmem>>, vector<1x16xf32>,
      %swap3A_667 = vector.shape_cast %swap3A_666 : vector<1x16xf32> to vector<16xf32>
      %swap3A_668 = vector.shape_cast %add3A_662 : vector<16xf32> to vector<1x16xf32>
      tpu.vector_store %arg9[%swap3A_664, %swap3A_665], %swap3A_668 {strides = array<i32>} : memref<16x1024xf32, #tpu.memory_space<vmem>>, vector<1x16xf32>,
      %get3A_669 = arith.constant 9 : i32
      %get3A_670 = arith.index_cast %get3A_669 : i32 to index
      %get3A_671 = arith.index_cast %mul3A_570 : i32 to index
      %get3A_672 = tpu.vector_load %arg9[%get3A_670, %get3A_671] {strides = array<i32>} : memref<16x1024xf32, #tpu.memory_space<vmem>>, vector<1x16xf32>,
      %get3A_673 = vector.shape_cast %get3A_672 : vector<1x16xf32> to vector<16xf32>
      %mul3A_674 = arith.constant 8.000000e+00 : f32
      %mul3A_675 = vector.broadcast %mul3A_674 : f32 to vector<16xf32>
      %mul3A_676 = arith.mulf %get3A_673, %mul3A_675 : vector<16xf32>
      %add3A_677 = arith.addf %mul3A_676, %get3A_638 : vector<16xf32>
      %swap3A_678 = arith.constant 9 : i32
      %swap3A_679 = arith.index_cast %swap3A_678 : i32 to index
      %swap3A_680 = arith.index_cast %mul3A_570 : i32 to index
      %swap3A_681 = tpu.vector_load %arg9[%swap3A_679, %swap3A_680] {strides = array<i32>} : memref<16x1024xf32, #tpu.memory_space<vmem>>, vector<1x16xf32>,
      %swap3A_682 = vector.shape_cast %swap3A_681 : vector<1x16xf32> to vector<16xf32>
      %swap3A_683 = vector.shape_cast %add3A_677 : vector<16xf32> to vector<1x16xf32>
      tpu.vector_store %arg9[%swap3A_679, %swap3A_680], %swap3A_683 {strides = array<i32>} : memref<16x1024xf32, #tpu.memory_space<vmem>>, vector<1x16xf32>,
      %get3A_684 = arith.constant 13 : i32
      %get3A_685 = arith.index_cast %get3A_684 : i32 to index
      %get3A_686 = arith.index_cast %mul3A_570 : i32 to index
      %get3A_687 = tpu.vector_load %arg9[%get3A_685, %get3A_686] {strides = array<i32>} : memref<16x1024xf32, #tpu.memory_space<vmem>>, vector<1x16xf32>,
      %get3A_688 = vector.shape_cast %get3A_687 : vector<1x16xf32> to vector<16xf32>
      %mul3A_689 = arith.constant 8.000000e+00 : f32
      %mul3A_690 = vector.broadcast %mul3A_689 : f32 to vector<16xf32>
      %mul3A_691 = arith.mulf %get3A_688, %mul3A_690 : vector<16xf32>
      %add3A_692 = arith.addf %mul3A_691, %get3A_638 : vector<16xf32>
      %swap3A_693 = arith.constant 13 : i32
      %swap3A_694 = arith.index_cast %swap3A_693 : i32 to index
      %swap3A_695 = arith.index_cast %mul3A_570 : i32 to index
      %swap3A_696 = tpu.vector_load %arg9[%swap3A_694, %swap3A_695] {strides = array<i32>} : memref<16x1024xf32, #tpu.memory_space<vmem>>, vector<1x16xf32>,
      %swap3A_697 = vector.shape_cast %swap3A_696 : vector<1x16xf32> to vector<16xf32>
      %swap3A_698 = vector.shape_cast %add3A_692 : vector<16xf32> to vector<1x16xf32>
      tpu.vector_store %arg9[%swap3A_694, %swap3A_695], %swap3A_698 {strides = array<i32>} : memref<16x1024xf32, #tpu.memory_space<vmem>>, vector<1x16xf32>,
      %get3A_699 = arith.constant 2 : i32
      %get3A_700 = arith.index_cast %get3A_699 : i32 to index
      %get3A_701 = arith.index_cast %mul3A_570 : i32 to index
      %get3A_702 = tpu.vector_load %arg11[%get3A_700, %get3A_701] {strides = array<i32>} : memref<4x1024xf32, #tpu.memory_space<vmem>>, vector<1x16xf32>,
      %get3A_703 = vector.shape_cast %get3A_702 : vector<1x16xf32> to vector<16xf32>
      %get3A_704 = arith.constant 2 : i32
      %get3A_705 = arith.index_cast %get3A_704 : i32 to index
      %get3A_706 = arith.index_cast %mul3A_570 : i32 to index
      %get3A_707 = tpu.vector_load %arg9[%get3A_705, %get3A_706] {strides = array<i32>} : memref<16x1024xf32, #tpu.memory_space<vmem>>, vector<1x16xf32>,
      %get3A_708 = vector.shape_cast %get3A_707 : vector<1x16xf32> to vector<16xf32>
      %mul3A_709 = arith.constant 8.000000e+00 : f32
      %mul3A_710 = vector.broadcast %mul3A_709 : f32 to vector<16xf32>
      %mul3A_711 = arith.mulf %get3A_708, %mul3A_710 : vector<16xf32>
      %add3A_712 = arith.addf %mul3A_711, %get3A_703 : vector<16xf32>
      %swap3A_713 = arith.constant 2 : i32
      %swap3A_714 = arith.index_cast %swap3A_713 : i32 to index
      %swap3A_715 = arith.index_cast %mul3A_570 : i32 to index
      %swap3A_716 = tpu.vector_load %arg9[%swap3A_714, %swap3A_715] {strides = array<i32>} : memref<16x1024xf32, #tpu.memory_space<vmem>>, vector<1x16xf32>,
      %swap3A_717 = vector.shape_cast %swap3A_716 : vector<1x16xf32> to vector<16xf32>
      %swap3A_718 = vector.shape_cast %add3A_712 : vector<16xf32> to vector<1x16xf32>
      tpu.vector_store %arg9[%swap3A_714, %swap3A_715], %swap3A_718 {strides = array<i32>} : memref<16x1024xf32, #tpu.memory_space<vmem>>, vector<1x16xf32>,
      %get3A_719 = arith.constant 6 : i32
      %get3A_720 = arith.index_cast %get3A_719 : i32 to index
      %get3A_721 = arith.index_cast %mul3A_570 : i32 to index
      %get3A_722 = tpu.vector_load %arg9[%get3A_720, %get3A_721] {strides = array<i32>} : memref<16x1024xf32, #tpu.memory_space<vmem>>, vector<1x16xf32>,
      %get3A_723 = vector.shape_cast %get3A_722 : vector<1x16xf32> to vector<16xf32>
      %mul3A_724 = arith.constant 8.000000e+00 : f32
      %mul3A_725 = vector.broadcast %mul3A_724 : f32 to vector<16xf32>
      %mul3A_726 = arith.mulf %get3A_723, %mul3A_725 : vector<16xf32>
      %add3A_727 = arith.addf %mul3A_726, %get3A_703 : vector<16xf32>
      %swap3A_728 = arith.constant 6 : i32
      %swap3A_729 = arith.index_cast %swap3A_728 : i32 to index
      %swap3A_730 = arith.index_cast %mul3A_570 : i32 to index
      %swap3A_731 = tpu.vector_load %arg9[%swap3A_729, %swap3A_730] {strides = array<i32>} : memref<16x1024xf32, #tpu.memory_space<vmem>>, vector<1x16xf32>,
      %swap3A_732 = vector.shape_cast %swap3A_731 : vector<1x16xf32> to vector<16xf32>
      %swap3A_733 = vector.shape_cast %add3A_727 : vector<16xf32> to vector<1x16xf32>
      tpu.vector_store %arg9[%swap3A_729, %swap3A_730], %swap3A_733 {strides = array<i32>} : memref<16x1024xf32, #tpu.memory_space<vmem>>, vector<1x16xf32>,
      %get3A_734 = arith.constant 10 : i32
      %get3A_735 = arith.index_cast %get3A_734 : i32 to index
      %get3A_736 = arith.index_cast %mul3A_570 : i32 to index
      %get3A_737 = tpu.vector_load %arg9[%get3A_735, %get3A_736] {strides = array<i32>} : memref<16x1024xf32, #tpu.memory_space<vmem>>, vector<1x16xf32>,
      %get3A_738 = vector.shape_cast %get3A_737 : vector<1x16xf32> to vector<16xf32>
      %mul3A_739 = arith.constant 8.000000e+00 : f32
      %mul3A_740 = vector.broadcast %mul3A_739 : f32 to vector<16xf32>
      %mul3A_741 = arith.mulf %get3A_738, %mul3A_740 : vector<16xf32>
      %add3A_742 = arith.addf %mul3A_741, %get3A_703 : vector<16xf32>
      %swap3A_743 = arith.constant 10 : i32
      %swap3A_744 = arith.index_cast %swap3A_743 : i32 to index
      %swap3A_745 = arith.index_cast %mul3A_570 : i32 to index
      %swap3A_746 = tpu.vector_load %arg9[%swap3A_744, %swap3A_745] {strides = array<i32>} : memref<16x1024xf32, #tpu.memory_space<vmem>>, vector<1x16xf32>,
      %swap3A_747 = vector.shape_cast %swap3A_746 : vector<1x16xf32> to vector<16xf32>
      %swap3A_748 = vector.shape_cast %add3A_742 : vector<16xf32> to vector<1x16xf32>
      tpu.vector_store %arg9[%swap3A_744, %swap3A_745], %swap3A_748 {strides = array<i32>} : memref<16x1024xf32, #tpu.memory_space<vmem>>, vector<1x16xf32>,
      %get3A_749 = arith.constant 14 : i32
      %get3A_750 = arith.index_cast %get3A_749 : i32 to index
      %get3A_751 = arith.index_cast %mul3A_570 : i32 to index
      %get3A_752 = tpu.vector_load %arg9[%get3A_750, %get3A_751] {strides = array<i32>} : memref<16x1024xf32, #tpu.memory_space<vmem>>, vector<1x16xf32>,
      %get3A_753 = vector.shape_cast %get3A_752 : vector<1x16xf32> to vector<16xf32>
      %mul3A_754 = arith.constant 8.000000e+00 : f32
      %mul3A_755 = vector.broadcast %mul3A_754 : f32 to vector<16xf32>
      %mul3A_756 = arith.mulf %get3A_753, %mul3A_755 : vector<16xf32>
      %add3A_757 = arith.addf %mul3A_756, %get3A_703 : vector<16xf32>
      %swap3A_758 = arith.constant 14 : i32
      %swap3A_759 = arith.index_cast %swap3A_758 : i32 to index
      %swap3A_760 = arith.index_cast %mul3A_570 : i32 to index
      %swap3A_761 = tpu.vector_load %arg9[%swap3A_759, %swap3A_760] {strides = array<i32>} : memref<16x1024xf32, #tpu.memory_space<vmem>>, vector<1x16xf32>,
      %swap3A_762 = vector.shape_cast %swap3A_761 : vector<1x16xf32> to vector<16xf32>
      %swap3A_763 = vector.shape_cast %add3A_757 : vector<16xf32> to vector<1x16xf32>
      tpu.vector_store %arg9[%swap3A_759, %swap3A_760], %swap3A_763 {strides = array<i32>} : memref<16x1024xf32, #tpu.memory_space<vmem>>, vector<1x16xf32>,
      %get3A_764 = arith.constant 3 : i32
      %get3A_765 = arith.index_cast %get3A_764 : i32 to index
      %get3A_766 = arith.index_cast %mul3A_570 : i32 to index
      %get3A_767 = tpu.vector_load %arg11[%get3A_765, %get3A_766] {strides = array<i32>} : memref<4x1024xf32, #tpu.memory_space<vmem>>, vector<1x16xf32>,
      %get3A_768 = vector.shape_cast %get3A_767 : vector<1x16xf32> to vector<16xf32>
      %get3A_769 = arith.constant 3 : i32
      %get3A_770 = arith.index_cast %get3A_769 : i32 to index
      %get3A_771 = arith.index_cast %mul3A_570 : i32 to index
      %get3A_772 = tpu.vector_load %arg9[%get3A_770, %get3A_771] {strides = array<i32>} : memref<16x1024xf32, #tpu.memory_space<vmem>>, vector<1x16xf32>,
      %get3A_773 = vector.shape_cast %get3A_772 : vector<1x16xf32> to vector<16xf32>
      %mul3A_774 = arith.constant 8.000000e+00 : f32
      %mul3A_775 = vector.broadcast %mul3A_774 : f32 to vector<16xf32>
      %mul3A_776 = arith.mulf %get3A_773, %mul3A_775 : vector<16xf32>
      %add3A_777 = arith.addf %mul3A_776, %get3A_768 : vector<16xf32>
      %swap3A_778 = arith.constant 3 : i32
      %swap3A_779 = arith.index_cast %swap3A_778 : i32 to index
      %swap3A_780 = arith.index_cast %mul3A_570 : i32 to index
      %swap3A_781 = tpu.vector_load %arg9[%swap3A_779, %swap3A_780] {strides = array<i32>} : memref<16x1024xf32, #tpu.memory_space<vmem>>, vector<1x16xf32>,
      %swap3A_782 = vector.shape_cast %swap3A_781 : vector<1x16xf32> to vector<16xf32>
      %swap3A_783 = vector.shape_cast %add3A_777 : vector<16xf32> to vector<1x16xf32>
      tpu.vector_store %arg9[%swap3A_779, %swap3A_780], %swap3A_783 {strides = array<i32>} : memref<16x1024xf32, #tpu.memory_space<vmem>>, vector<1x16xf32>,
      %get3A_784 = arith.constant 7 : i32
      %get3A_785 = arith.index_cast %get3A_784 : i32 to index
      %get3A_786 = arith.index_cast %mul3A_570 : i32 to index
      %get3A_787 = tpu.vector_load %arg9[%get3A_785, %get3A_786] {strides = array<i32>} : memref<16x1024xf32, #tpu.memory_space<vmem>>, vector<1x16xf32>,
      %get3A_788 = vector.shape_cast %get3A_787 : vector<1x16xf32> to vector<16xf32>
      %mul3A_789 = arith.constant 8.000000e+00 : f32
      %mul3A_790 = vector.broadcast %mul3A_789 : f32 to vector<16xf32>
      %mul3A_791 = arith.mulf %get3A_788, %mul3A_790 : vector<16xf32>
      %add3A_792 = arith.addf %mul3A_791, %get3A_768 : vector<16xf32>
      %swap3A_793 = arith.constant 7 : i32
      %swap3A_794 = arith.index_cast %swap3A_793 : i32 to index
      %swap3A_795 = arith.index_cast %mul3A_570 : i32 to index
      %swap3A_796 = tpu.vector_load %arg9[%swap3A_794, %swap3A_795] {strides = array<i32>} : memref<16x1024xf32, #tpu.memory_space<vmem>>, vector<1x16xf32>,
      %swap3A_797 = vector.shape_cast %swap3A_796 : vector<1x16xf32> to vector<16xf32>
      %swap3A_798 = vector.shape_cast %add3A_792 : vector<16xf32> to vector<1x16xf32>
      tpu.vector_store %arg9[%swap3A_794, %swap3A_795], %swap3A_798 {strides = array<i32>} : memref<16x1024xf32, #tpu.memory_space<vmem>>, vector<1x16xf32>,
      %get3A_799 = arith.constant 11 : i32
      %get3A_800 = arith.index_cast %get3A_799 : i32 to index
      %get3A_801 = arith.index_cast %mul3A_570 : i32 to index
      %get3A_802 = tpu.vector_load %arg9[%get3A_800, %get3A_801] {strides = array<i32>} : memref<16x1024xf32, #tpu.memory_space<vmem>>, vector<1x16xf32>,
      %get3A_803 = vector.shape_cast %get3A_802 : vector<1x16xf32> to vector<16xf32>
      %mul3A_804 = arith.constant 8.000000e+00 : f32
      %mul3A_805 = vector.broadcast %mul3A_804 : f32 to vector<16xf32>
      %mul3A_806 = arith.mulf %get3A_803, %mul3A_805 : vector<16xf32>
      %add3A_807 = arith.addf %mul3A_806, %get3A_768 : vector<16xf32>
      %swap3A_808 = arith.constant 11 : i32
      %swap3A_809 = arith.index_cast %swap3A_808 : i32 to index
      %swap3A_810 = arith.index_cast %mul3A_570 : i32 to index
      %swap3A_811 = tpu.vector_load %arg9[%swap3A_809, %swap3A_810] {strides = array<i32>} : memref<16x1024xf32, #tpu.memory_space<vmem>>, vector<1x16xf32>,
      %swap3A_812 = vector.shape_cast %swap3A_811 : vector<1x16xf32> to vector<16xf32>
      %swap3A_813 = vector.shape_cast %add3A_807 : vector<16xf32> to vector<1x16xf32>
      tpu.vector_store %arg9[%swap3A_809, %swap3A_810], %swap3A_813 {strides = array<i32>} : memref<16x1024xf32, #tpu.memory_space<vmem>>, vector<1x16xf32>,
      %get3A_814 = arith.constant 15 : i32
      %get3A_815 = arith.index_cast %get3A_814 : i32 to index
      %get3A_816 = arith.index_cast %mul3A_570 : i32 to index
      %get3A_817 = tpu.vector_load %arg9[%get3A_815, %get3A_816] {strides = array<i32>} : memref<16x1024xf32, #tpu.memory_space<vmem>>, vector<1x16xf32>,
      %get3A_818 = vector.shape_cast %get3A_817 : vector<1x16xf32> to vector<16xf32>
      %mul3A_819 = arith.constant 8.000000e+00 : f32
      %mul3A_820 = vector.broadcast %mul3A_819 : f32 to vector<16xf32>
      %mul3A_821 = arith.mulf %get3A_818, %mul3A_820 : vector<16xf32>
      %add3A_822 = arith.addf %mul3A_821, %get3A_768 : vector<16xf32>
      %swap3A_823 = arith.constant 15 : i32
      %swap3A_824 = arith.index_cast %swap3A_823 : i32 to index
      %swap3A_825 = arith.index_cast %mul3A_570 : i32 to index
      %swap3A_826 = tpu.vector_load %arg9[%swap3A_824, %swap3A_825] {strides = array<i32>} : memref<16x1024xf32, #tpu.memory_space<vmem>>, vector<1x16xf32>,
      %swap3A_827 = vector.shape_cast %swap3A_826 : vector<1x16xf32> to vector<16xf32>
      %swap3A_828 = vector.shape_cast %add3A_822 : vector<16xf32> to vector<1x16xf32>
      tpu.vector_store %arg9[%swap3A_824, %swap3A_825], %swap3A_828 {strides = array<i32>} : memref<16x1024xf32, #tpu.memory_space<vmem>>, vector<1x16xf32>,
    }
    %scan3A_261 = arith.constant 64 : i32
    %add3A_262 = arith.constant 0 : i32
    %add3A_263 = arith.addi %add3A_262, %mul3A_2 : i32
    %add3A_264 = arith.constant 8 : i32
    %add3A_265 = arith.addi %add3A_263, %add3A_264 : i32
    %dma_start3A_266 = arith.constant 0 : i32
    %dma_start3A_267 = arith.constant 0 : i32
    %dma_start3A_268 = tpu.memref_slice %arg9[%dma_start3A_266, %dma_start3A_267] : memref<16x1024xf32, #tpu.memory_space<vmem>> -> memref<4x1024xf32, #tpu.memory_space<vmem>>
    %dma_start3A_269 = arith.constant 0 : i32
    %dma_start3A_270 = tpu.memref_slice %arg5[%add3A_265, %dma_start3A_269] : memref<16384x1024xf32, #tpu.memory_space<hbm>> -> memref<4x1024xf32, #tpu.memory_space<hbm>>
    %dma_start3A_271 = arith.constant 0 : i32
    %dma_start3A_272 = tpu.memref_slice %arg5[%add3A_265, %dma_start3A_271] : memref<16384x1024xf32, #tpu.memory_space<hbm>> -> memref<4x1024xf32, #tpu.memory_space<hbm>>
    %dma_start3A_273 = arith.constant 0 : i32
    %dma_start3A_274 = arith.constant 0 : i32
    %dma_start3A_275 = tpu.memref_slice %arg9[%dma_start3A_273, %dma_start3A_274] : memref<16x1024xf32, #tpu.memory_space<vmem>> -> memref<4x1024xf32, #tpu.memory_space<vmem>>
    tpu.enqueue_dma source(%dma_start3A_275 : memref<4x1024xf32, #tpu.memory_space<vmem>>) target(%dma_start3A_272 : memref<4x1024xf32, #tpu.memory_space<hbm>>) target_semaphore(%arg19 : memref<!tpu.dma_semaphore, #tpu.memory_space<semaphore_mem>>)
    %add3A_276 = arith.constant 4096 : i32
    %add3A_277 = arith.addi %add3A_276, %mul3A_2 : i32
    %add3A_278 = arith.constant 8 : i32
    %add3A_279 = arith.addi %add3A_277, %add3A_278 : i32
    %dma_start3A_280 = arith.constant 4 : i32
    %dma_start3A_281 = arith.constant 0 : i32
    %dma_start3A_282 = tpu.memref_slice %arg9[%dma_start3A_280, %dma_start3A_281] : memref<16x1024xf32, #tpu.memory_space<vmem>> -> memref<4x1024xf32, #tpu.memory_space<vmem>>
    %dma_start3A_283 = arith.constant 0 : i32
    %dma_start3A_284 = tpu.memref_slice %arg5[%add3A_279, %dma_start3A_283] : memref<16384x1024xf32, #tpu.memory_space<hbm>> -> memref<4x1024xf32, #tpu.memory_space<hbm>>
    %dma_start3A_285 = arith.constant 0 : i32
    %dma_start3A_286 = tpu.memref_slice %arg5[%add3A_279, %dma_start3A_285] : memref<16384x1024xf32, #tpu.memory_space<hbm>> -> memref<4x1024xf32, #tpu.memory_space<hbm>>
    %dma_start3A_287 = arith.constant 4 : i32
    %dma_start3A_288 = arith.constant 0 : i32
    %dma_start3A_289 = tpu.memref_slice %arg9[%dma_start3A_287, %dma_start3A_288] : memref<16x1024xf32, #tpu.memory_space<vmem>> -> memref<4x1024xf32, #tpu.memory_space<vmem>>
    tpu.enqueue_dma source(%dma_start3A_289 : memref<4x1024xf32, #tpu.memory_space<vmem>>) target(%dma_start3A_286 : memref<4x1024xf32, #tpu.memory_space<hbm>>) target_semaphore(%arg19 : memref<!tpu.dma_semaphore, #tpu.memory_space<semaphore_mem>>)
    %add3A_290 = arith.constant 8192 : i32
    %add3A_291 = arith.addi %add3A_290, %mul3A_2 : i32
    %add3A_292 = arith.constant 8 : i32
    %add3A_293 = arith.addi %add3A_291, %add3A_292 : i32
    %dma_start3A_294 = arith.constant 8 : i32
    %dma_start3A_295 = arith.constant 0 : i32
    %dma_start3A_296 = tpu.memref_slice %arg9[%dma_start3A_294, %dma_start3A_295] : memref<16x1024xf32, #tpu.memory_space<vmem>> -> memref<4x1024xf32, #tpu.memory_space<vmem>>
    %dma_start3A_297 = arith.constant 0 : i32
    %dma_start3A_298 = tpu.memref_slice %arg5[%add3A_293, %dma_start3A_297] : memref<16384x1024xf32, #tpu.memory_space<hbm>> -> memref<4x1024xf32, #tpu.memory_space<hbm>>
    %dma_start3A_299 = arith.constant 0 : i32
    %dma_start3A_300 = tpu.memref_slice %arg5[%add3A_293, %dma_start3A_299] : memref<16384x1024xf32, #tpu.memory_space<hbm>> -> memref<4x1024xf32, #tpu.memory_space<hbm>>
    %dma_start3A_301 = arith.constant 8 : i32
    %dma_start3A_302 = arith.constant 0 : i32
    %dma_start3A_303 = tpu.memref_slice %arg9[%dma_start3A_301, %dma_start3A_302] : memref<16x1024xf32, #tpu.memory_space<vmem>> -> memref<4x1024xf32, #tpu.memory_space<vmem>>
    tpu.enqueue_dma source(%dma_start3A_303 : memref<4x1024xf32, #tpu.memory_space<vmem>>) target(%dma_start3A_300 : memref<4x1024xf32, #tpu.memory_space<hbm>>) target_semaphore(%arg19 : memref<!tpu.dma_semaphore, #tpu.memory_space<semaphore_mem>>)
    %add3A_304 = arith.constant 12288 : i32
    %add3A_305 = arith.addi %add3A_304, %mul3A_2 : i32
    %add3A_306 = arith.constant 8 : i32
    %add3A_307 = arith.addi %add3A_305, %add3A_306 : i32
    %dma_start3A_308 = arith.constant 12 : i32
    %dma_start3A_309 = arith.constant 0 : i32
    %dma_start3A_310 = tpu.memref_slice %arg9[%dma_start3A_308, %dma_start3A_309] : memref<16x1024xf32, #tpu.memory_space<vmem>> -> memref<4x1024xf32, #tpu.memory_space<vmem>>
    %dma_start3A_311 = arith.constant 0 : i32
    %dma_start3A_312 = tpu.memref_slice %arg5[%add3A_307, %dma_start3A_311] : memref<16384x1024xf32, #tpu.memory_space<hbm>> -> memref<4x1024xf32, #tpu.memory_space<hbm>>
    %dma_start3A_313 = arith.constant 0 : i32
    %dma_start3A_314 = tpu.memref_slice %arg5[%add3A_307, %dma_start3A_313] : memref<16384x1024xf32, #tpu.memory_space<hbm>> -> memref<4x1024xf32, #tpu.memory_space<hbm>>
    %dma_start3A_315 = arith.constant 12 : i32
    %dma_start3A_316 = arith.constant 0 : i32
    %dma_start3A_317 = tpu.memref_slice %arg9[%dma_start3A_315, %dma_start3A_316] : memref<16x1024xf32, #tpu.memory_space<vmem>> -> memref<4x1024xf32, #tpu.memory_space<vmem>>
    tpu.enqueue_dma source(%dma_start3A_317 : memref<4x1024xf32, #tpu.memory_space<vmem>>) target(%dma_start3A_314 : memref<4x1024xf32, #tpu.memory_space<hbm>>) target_semaphore(%arg19 : memref<!tpu.dma_semaphore, #tpu.memory_space<semaphore_mem>>)
    %add3A_318 = arith.constant 16 : i32
    %add3A_319 = arith.addi %mul3A_2, %add3A_318 : i32
    %dma_start3A_320 = arith.constant 0 : i32
    %dma_start3A_321 = tpu.memref_slice %arg4[%add3A_319, %dma_start3A_320] : memref<4096x1024xf32, #tpu.memory_space<hbm>> -> memref<4x1024xf32, #tpu.memory_space<hbm>>
    %dma_start3A_322 = arith.constant 0 : i32
    %dma_start3A_323 = tpu.memref_slice %arg4[%add3A_319, %dma_start3A_322] : memref<4096x1024xf32, #tpu.memory_space<hbm>> -> memref<4x1024xf32, #tpu.memory_space<hbm>>
    tpu.enqueue_dma source(%dma_start3A_323 : memref<4x1024xf32, #tpu.memory_space<hbm>>) target(%arg11 : memref<4x1024xf32, #tpu.memory_space<vmem>>) target_semaphore(%arg21 : memref<!tpu.dma_semaphore, #tpu.memory_space<semaphore_mem>>)
    %dma_wait3A_324 = arith.constant 0 : i32
    %dma_wait3A_325 = arith.constant 0 : i32
    %dma_wait3A_326 = tpu.memref_slice %arg8[%dma_wait3A_324, %dma_wait3A_325] : memref<16x1024xf32, #tpu.memory_space<vmem>> -> memref<4x1024xf32, #tpu.memory_space<vmem>>
    %dma_wait3A_327 = arith.constant 0 : i32
    %dma_wait3A_328 = arith.constant 0 : i32
    %dma_wait3A_329 = tpu.memref_slice %arg5[%dma_wait3A_327, %dma_wait3A_328] : memref<16384x1024xf32, #tpu.memory_space<hbm>> -> memref<4x1024xf32, #tpu.memory_space<hbm>>
    %dma_wait3A_330 = arith.constant 0 : i32
    %dma_wait3A_331 = arith.constant 0 : i32
    %dma_wait3A_332 = tpu.memref_slice %arg5[%dma_wait3A_330, %dma_wait3A_331] : memref<16384x1024xf32, #tpu.memory_space<hbm>> -> memref<4x1024xf32, #tpu.memory_space<hbm>>
    %dma_wait3A_333 = arith.constant 0 : i32
    %dma_wait3A_334 = arith.constant 0 : i32
    %dma_wait3A_335 = tpu.memref_slice %arg8[%dma_wait3A_333, %dma_wait3A_334] : memref<16x1024xf32, #tpu.memory_space<vmem>> -> memref<4x1024xf32, #tpu.memory_space<vmem>>
    tpu.wait_dma2 semaphore(%arg18 : memref<!tpu.dma_semaphore, #tpu.memory_space<semaphore_mem>>) src(%dma_wait3A_335 : memref<4x1024xf32, #tpu.memory_space<vmem>>) dst(%dma_wait3A_332 : memref<4x1024xf32, #tpu.memory_space<hbm>>)
    %dma_wait3A_336 = arith.constant 0 : i32
    %dma_wait3A_337 = arith.constant 0 : i32
    %dma_wait3A_338 = tpu.memref_slice %arg8[%dma_wait3A_336, %dma_wait3A_337] : memref<16x1024xf32, #tpu.memory_space<vmem>> -> memref<4x1024xf32, #tpu.memory_space<vmem>>
    %dma_wait3A_339 = arith.constant 0 : i32
    %dma_wait3A_340 = arith.constant 0 : i32
    %dma_wait3A_341 = tpu.memref_slice %arg5[%dma_wait3A_339, %dma_wait3A_340] : memref<16384x1024xf32, #tpu.memory_space<hbm>> -> memref<4x1024xf32, #tpu.memory_space<hbm>>
    %dma_wait3A_342 = arith.constant 0 : i32
    %dma_wait3A_343 = arith.constant 0 : i32
    %dma_wait3A_344 = tpu.memref_slice %arg5[%dma_wait3A_342, %dma_wait3A_343] : memref<16384x1024xf32, #tpu.memory_space<hbm>> -> memref<4x1024xf32, #tpu.memory_space<hbm>>
    %dma_wait3A_345 = arith.constant 0 : i32
    %dma_wait3A_346 = arith.constant 0 : i32
    %dma_wait3A_347 = tpu.memref_slice %arg8[%dma_wait3A_345, %dma_wait3A_346] : memref<16x1024xf32, #tpu.memory_space<vmem>> -> memref<4x1024xf32, #tpu.memory_space<vmem>>
    tpu.wait_dma2 semaphore(%arg18 : memref<!tpu.dma_semaphore, #tpu.memory_space<semaphore_mem>>) src(%dma_wait3A_347 : memref<4x1024xf32, #tpu.memory_space<vmem>>) dst(%dma_wait3A_344 : memref<4x1024xf32, #tpu.memory_space<hbm>>)
    %dma_wait3A_348 = arith.constant 0 : i32
    %dma_wait3A_349 = arith.constant 0 : i32
    %dma_wait3A_350 = tpu.memref_slice %arg8[%dma_wait3A_348, %dma_wait3A_349] : memref<16x1024xf32, #tpu.memory_space<vmem>> -> memref<4x1024xf32, #tpu.memory_space<vmem>>
    %dma_wait3A_351 = arith.constant 0 : i32
    %dma_wait3A_352 = arith.constant 0 : i32
    %dma_wait3A_353 = tpu.memref_slice %arg5[%dma_wait3A_351, %dma_wait3A_352] : memref<16384x1024xf32, #tpu.memory_space<hbm>> -> memref<4x1024xf32, #tpu.memory_space<hbm>>
    %dma_wait3A_354 = arith.constant 0 : i32
    %dma_wait3A_355 = arith.constant 0 : i32
    %dma_wait3A_356 = tpu.memref_slice %arg5[%dma_wait3A_354, %dma_wait3A_355] : memref<16384x1024xf32, #tpu.memory_space<hbm>> -> memref<4x1024xf32, #tpu.memory_space<hbm>>
    %dma_wait3A_357 = arith.constant 0 : i32
    %dma_wait3A_358 = arith.constant 0 : i32
    %dma_wait3A_359 = tpu.memref_slice %arg8[%dma_wait3A_357, %dma_wait3A_358] : memref<16x1024xf32, #tpu.memory_space<vmem>> -> memref<4x1024xf32, #tpu.memory_space<vmem>>
    tpu.wait_dma2 semaphore(%arg18 : memref<!tpu.dma_semaphore, #tpu.memory_space<semaphore_mem>>) src(%dma_wait3A_359 : memref<4x1024xf32, #tpu.memory_space<vmem>>) dst(%dma_wait3A_356 : memref<4x1024xf32, #tpu.memory_space<hbm>>)
    %dma_wait3A_360 = arith.constant 0 : i32
    %dma_wait3A_361 = arith.constant 0 : i32
    %dma_wait3A_362 = tpu.memref_slice %arg8[%dma_wait3A_360, %dma_wait3A_361] : memref<16x1024xf32, #tpu.memory_space<vmem>> -> memref<4x1024xf32, #tpu.memory_space<vmem>>
    %dma_wait3A_363 = arith.constant 0 : i32
    %dma_wait3A_364 = arith.constant 0 : i32
    %dma_wait3A_365 = tpu.memref_slice %arg5[%dma_wait3A_363, %dma_wait3A_364] : memref<16384x1024xf32, #tpu.memory_space<hbm>> -> memref<4x1024xf32, #tpu.memory_space<hbm>>
    %dma_wait3A_366 = arith.constant 0 : i32
    %dma_wait3A_367 = arith.constant 0 : i32
    %dma_wait3A_368 = tpu.memref_slice %arg5[%dma_wait3A_366, %dma_wait3A_367] : memref<16384x1024xf32, #tpu.memory_space<hbm>> -> memref<4x1024xf32, #tpu.memory_space<hbm>>
    %dma_wait3A_369 = arith.constant 0 : i32
    %dma_wait3A_370 = arith.constant 0 : i32
    %dma_wait3A_371 = tpu.memref_slice %arg8[%dma_wait3A_369, %dma_wait3A_370] : memref<16x1024xf32, #tpu.memory_space<vmem>> -> memref<4x1024xf32, #tpu.memory_space<vmem>>
    tpu.wait_dma2 semaphore(%arg18 : memref<!tpu.dma_semaphore, #tpu.memory_space<semaphore_mem>>) src(%dma_wait3A_371 : memref<4x1024xf32, #tpu.memory_space<vmem>>) dst(%dma_wait3A_368 : memref<4x1024xf32, #tpu.memory_space<hbm>>)
    %dma_start3A_372 = arith.constant 80 : i32
    %dma_start3A_373 = tpu.memref_slice %arg6[%dma_start3A_372] : memref<512xi32, #tpu.memory_space<vmem>> -> memref<16xi32, #tpu.memory_space<vmem>>
    %dma_start3A_374 = arith.constant 0 : i32
    %dma_start3A_375 = arith.constant 0 : i32
    %dma_start3A_376 = tpu.memref_slice %arg3[%dma_start3A_374, %dma_start3A_375] : memref<100000x1024xf32, #tpu.memory_space<hbm>> -> memref<100000x1024xf32, #tpu.memory_space<hbm>>
    tpu.enqueue_indirect_dma source(%dma_start3A_376 : memref<100000x1024xf32, #tpu.memory_space<hbm>>) target(%arg8 : memref<16x1024xf32, #tpu.memory_space<vmem>>) offsets(%dma_start3A_373 : memref<16xi32, #tpu.memory_space<vmem>>) semaphore(%arg14 : memref<!tpu.dma_semaphore, #tpu.memory_space<semaphore_mem>>)
    %add3A_377 = arith.constant 12 : i32
    %add3A_378 = arith.addi %mul3A_2, %add3A_377 : i32
    %dma_wait3A_379 = arith.constant 0 : i32
    %dma_wait3A_380 = tpu.memref_slice %arg4[%add3A_378, %dma_wait3A_379] : memref<4096x1024xf32, #tpu.memory_space<hbm>> -> memref<4x1024xf32, #tpu.memory_space<hbm>>
    %dma_wait3A_381 = arith.constant 0 : i32
    %dma_wait3A_382 = tpu.memref_slice %arg4[%add3A_378, %dma_wait3A_381] : memref<4096x1024xf32, #tpu.memory_space<hbm>> -> memref<4x1024xf32, #tpu.memory_space<hbm>>
    tpu.wait_dma2 semaphore(%arg22 : memref<!tpu.dma_semaphore, #tpu.memory_space<semaphore_mem>>) src(%dma_wait3A_382 : memref<4x1024xf32, #tpu.memory_space<hbm>>) dst(%arg12 : memref<4x1024xf32, #tpu.memory_space<vmem>>)
    %dma_wait3A_383 = arith.constant 48 : i32
    %dma_wait3A_384 = tpu.memref_slice %arg6[%dma_wait3A_383] : memref<512xi32, #tpu.memory_space<vmem>> -> memref<16xi32, #tpu.memory_space<vmem>>
    %dma_wait3A_385 = arith.constant 0 : i32
    %dma_wait3A_386 = arith.constant 0 : i32
    %dma_wait3A_387 = tpu.memref_slice %arg3[%dma_wait3A_385, %dma_wait3A_386] : memref<100000x1024xf32, #tpu.memory_space<hbm>> -> memref<100000x1024xf32, #tpu.memory_space<hbm>>
    tpu.wait_indirect_dma semaphore(%arg16 : memref<!tpu.dma_semaphore, #tpu.memory_space<semaphore_mem>>) src(%dma_wait3A_387 : memref<100000x1024xf32, #tpu.memory_space<hbm>>) dst(%arg10 : memref<16x1024xf32, #tpu.memory_space<vmem>>)
    %scan3A_388 = arith.constant 0 : i32
    %scan3A_389 = arith.constant 0 : i32
    %scan3A_390 = arith.constant 64 : i32
    %scan3A_391 = arith.addi %scan3A_389, %scan3A_390 : i32
    %scan3A_392 = arith.constant 1 : i32
    scf.for %scan3A_568 = %scan3A_389 to %scan3A_391 step %scan3A_392  : i32 {
      %mul3A_569 = arith.constant 16 : i32
      %mul3A_570 = arith.muli %scan3A_568, %mul3A_569 : i32
      %get3A = arith.constant 0 : i32
      %get3A_571 = arith.index_cast %get3A : i32 to index
      %get3A_572 = arith.index_cast %mul3A_570 : i32 to index
      %get3A_573 = tpu.vector_load %arg12[%get3A_571, %get3A_572] {strides = array<i32>} : memref<4x1024xf32, #tpu.memory_space<vmem>>, vector<1x16xf32>,
      %get3A_574 = vector.shape_cast %get3A_573 : vector<1x16xf32> to vector<16xf32>
      %get3A_575 = arith.constant 0 : i32
      %get3A_576 = arith.index_cast %get3A_575 : i32 to index
      %get3A_577 = arith.index_cast %mul3A_570 : i32 to index
      %get3A_578 = tpu.vector_load %arg10[%get3A_576, %get3A_577] {strides = array<i32>} : memref<16x1024xf32, #tpu.memory_space<vmem>>, vector<1x16xf32>,
      %get3A_579 = vector.shape_cast %get3A_578 : vector<1x16xf32> to vector<16xf32>
      %mul3A_580 = arith.constant 8.000000e+00 : f32
      %mul3A_581 = vector.broadcast %mul3A_580 : f32 to vector<16xf32>
      %mul3A_582 = arith.mulf %get3A_579, %mul3A_581 : vector<16xf32>
      %add3A_583 = arith.addf %mul3A_582, %get3A_574 : vector<16xf32>
      %swap3A = arith.constant 0 : i32
      %swap3A_584 = arith.index_cast %swap3A : i32 to index
      %swap3A_585 = arith.index_cast %mul3A_570 : i32 to index
      %swap3A_586 = tpu.vector_load %arg10[%swap3A_584, %swap3A_585] {strides = array<i32>} : memref<16x1024xf32, #tpu.memory_space<vmem>>, vector<1x16xf32>,
      %swap3A_587 = vector.shape_cast %swap3A_586 : vector<1x16xf32> to vector<16xf32>
      %swap3A_588 = vector.shape_cast %add3A_583 : vector<16xf32> to vector<1x16xf32>
      tpu.vector_store %arg10[%swap3A_584, %swap3A_585], %swap3A_588 {strides = array<i32>} : memref<16x1024xf32, #tpu.memory_space<vmem>>, vector<1x16xf32>,
      %get3A_589 = arith.constant 4 : i32
      %get3A_590 = arith.index_cast %get3A_589 : i32 to index
      %get3A_591 = arith.index_cast %mul3A_570 : i32 to index
      %get3A_592 = tpu.vector_load %arg10[%get3A_590, %get3A_591] {strides = array<i32>} : memref<16x1024xf32, #tpu.memory_space<vmem>>, vector<1x16xf32>,
      %get3A_593 = vector.shape_cast %get3A_592 : vector<1x16xf32> to vector<16xf32>
      %mul3A_594 = arith.constant 8.000000e+00 : f32
      %mul3A_595 = vector.broadcast %mul3A_594 : f32 to vector<16xf32>
      %mul3A_596 = arith.mulf %get3A_593, %mul3A_595 : vector<16xf32>
      %add3A_597 = arith.addf %mul3A_596, %get3A_574 : vector<16xf32>
      %swap3A_598 = arith.constant 4 : i32
      %swap3A_599 = arith.index_cast %swap3A_598 : i32 to index
      %swap3A_600 = arith.index_cast %mul3A_570 : i32 to index
      %swap3A_601 = tpu.vector_load %arg10[%swap3A_599, %swap3A_600] {strides = array<i32>} : memref<16x1024xf32, #tpu.memory_space<vmem>>, vector<1x16xf32>,
      %swap3A_602 = vector.shape_cast %swap3A_601 : vector<1x16xf32> to vector<16xf32>
      %swap3A_603 = vector.shape_cast %add3A_597 : vector<16xf32> to vector<1x16xf32>
      tpu.vector_store %arg10[%swap3A_599, %swap3A_600], %swap3A_603 {strides = array<i32>} : memref<16x1024xf32, #tpu.memory_space<vmem>>, vector<1x16xf32>,
      %get3A_604 = arith.constant 8 : i32
      %get3A_605 = arith.index_cast %get3A_604 : i32 to index
      %get3A_606 = arith.index_cast %mul3A_570 : i32 to index
      %get3A_607 = tpu.vector_load %arg10[%get3A_605, %get3A_606] {strides = array<i32>} : memref<16x1024xf32, #tpu.memory_space<vmem>>, vector<1x16xf32>,
      %get3A_608 = vector.shape_cast %get3A_607 : vector<1x16xf32> to vector<16xf32>
      %mul3A_609 = arith.constant 8.000000e+00 : f32
      %mul3A_610 = vector.broadcast %mul3A_609 : f32 to vector<16xf32>
      %mul3A_611 = arith.mulf %get3A_608, %mul3A_610 : vector<16xf32>
      %add3A_612 = arith.addf %mul3A_611, %get3A_574 : vector<16xf32>
      %swap3A_613 = arith.constant 8 : i32
      %swap3A_614 = arith.index_cast %swap3A_613 : i32 to index
      %swap3A_615 = arith.index_cast %mul3A_570 : i32 to index
      %swap3A_616 = tpu.vector_load %arg10[%swap3A_614, %swap3A_615] {strides = array<i32>} : memref<16x1024xf32, #tpu.memory_space<vmem>>, vector<1x16xf32>,
      %swap3A_617 = vector.shape_cast %swap3A_616 : vector<1x16xf32> to vector<16xf32>
      %swap3A_618 = vector.shape_cast %add3A_612 : vector<16xf32> to vector<1x16xf32>
      tpu.vector_store %arg10[%swap3A_614, %swap3A_615], %swap3A_618 {strides = array<i32>} : memref<16x1024xf32, #tpu.memory_space<vmem>>, vector<1x16xf32>,
      %get3A_619 = arith.constant 12 : i32
      %get3A_620 = arith.index_cast %get3A_619 : i32 to index
      %get3A_621 = arith.index_cast %mul3A_570 : i32 to index
      %get3A_622 = tpu.vector_load %arg10[%get3A_620, %get3A_621] {strides = array<i32>} : memref<16x1024xf32, #tpu.memory_space<vmem>>, vector<1x16xf32>,
      %get3A_623 = vector.shape_cast %get3A_622 : vector<1x16xf32> to vector<16xf32>
      %mul3A_624 = arith.constant 8.000000e+00 : f32
      %mul3A_625 = vector.broadcast %mul3A_624 : f32 to vector<16xf32>
      %mul3A_626 = arith.mulf %get3A_623, %mul3A_625 : vector<16xf32>
      %add3A_627 = arith.addf %mul3A_626, %get3A_574 : vector<16xf32>
      %swap3A_628 = arith.constant 12 : i32
      %swap3A_629 = arith.index_cast %swap3A_628 : i32 to index
      %swap3A_630 = arith.index_cast %mul3A_570 : i32 to index
      %swap3A_631 = tpu.vector_load %arg10[%swap3A_629, %swap3A_630] {strides = array<i32>} : memref<16x1024xf32, #tpu.memory_space<vmem>>, vector<1x16xf32>,
      %swap3A_632 = vector.shape_cast %swap3A_631 : vector<1x16xf32> to vector<16xf32>
      %swap3A_633 = vector.shape_cast %add3A_627 : vector<16xf32> to vector<1x16xf32>
      tpu.vector_store %arg10[%swap3A_629, %swap3A_630], %swap3A_633 {strides = array<i32>} : memref<16x1024xf32, #tpu.memory_space<vmem>>, vector<1x16xf32>,
      %get3A_634 = arith.constant 1 : i32
      %get3A_635 = arith.index_cast %get3A_634 : i32 to index
      %get3A_636 = arith.index_cast %mul3A_570 : i32 to index
      %get3A_637 = tpu.vector_load %arg12[%get3A_635, %get3A_636] {strides = array<i32>} : memref<4x1024xf32, #tpu.memory_space<vmem>>, vector<1x16xf32>,
      %get3A_638 = vector.shape_cast %get3A_637 : vector<1x16xf32> to vector<16xf32>
      %get3A_639 = arith.constant 1 : i32
      %get3A_640 = arith.index_cast %get3A_639 : i32 to index
      %get3A_641 = arith.index_cast %mul3A_570 : i32 to index
      %get3A_642 = tpu.vector_load %arg10[%get3A_640, %get3A_641] {strides = array<i32>} : memref<16x1024xf32, #tpu.memory_space<vmem>>, vector<1x16xf32>,
      %get3A_643 = vector.shape_cast %get3A_642 : vector<1x16xf32> to vector<16xf32>
      %mul3A_644 = arith.constant 8.000000e+00 : f32
      %mul3A_645 = vector.broadcast %mul3A_644 : f32 to vector<16xf32>
      %mul3A_646 = arith.mulf %get3A_643, %mul3A_645 : vector<16xf32>
      %add3A_647 = arith.addf %mul3A_646, %get3A_638 : vector<16xf32>
      %swap3A_648 = arith.constant 1 : i32
      %swap3A_649 = arith.index_cast %swap3A_648 : i32 to index
      %swap3A_650 = arith.index_cast %mul3A_570 : i32 to index
      %swap3A_651 = tpu.vector_load %arg10[%swap3A_649, %swap3A_650] {strides = array<i32>} : memref<16x1024xf32, #tpu.memory_space<vmem>>, vector<1x16xf32>,
      %swap3A_652 = vector.shape_cast %swap3A_651 : vector<1x16xf32> to vector<16xf32>
      %swap3A_653 = vector.shape_cast %add3A_647 : vector<16xf32> to vector<1x16xf32>
      tpu.vector_store %arg10[%swap3A_649, %swap3A_650], %swap3A_653 {strides = array<i32>} : memref<16x1024xf32, #tpu.memory_space<vmem>>, vector<1x16xf32>,
      %get3A_654 = arith.constant 5 : i32
      %get3A_655 = arith.index_cast %get3A_654 : i32 to index
      %get3A_656 = arith.index_cast %mul3A_570 : i32 to index
      %get3A_657 = tpu.vector_load %arg10[%get3A_655, %get3A_656] {strides = array<i32>} : memref<16x1024xf32, #tpu.memory_space<vmem>>, vector<1x16xf32>,
      %get3A_658 = vector.shape_cast %get3A_657 : vector<1x16xf32> to vector<16xf32>
      %mul3A_659 = arith.constant 8.000000e+00 : f32
      %mul3A_660 = vector.broadcast %mul3A_659 : f32 to vector<16xf32>
      %mul3A_661 = arith.mulf %get3A_658, %mul3A_660 : vector<16xf32>
      %add3A_662 = arith.addf %mul3A_661, %get3A_638 : vector<16xf32>
      %swap3A_663 = arith.constant 5 : i32
      %swap3A_664 = arith.index_cast %swap3A_663 : i32 to index
      %swap3A_665 = arith.index_cast %mul3A_570 : i32 to index
      %swap3A_666 = tpu.vector_load %arg10[%swap3A_664, %swap3A_665] {strides = array<i32>} : memref<16x1024xf32, #tpu.memory_space<vmem>>, vector<1x16xf32>,
      %swap3A_667 = vector.shape_cast %swap3A_666 : vector<1x16xf32> to vector<16xf32>
      %swap3A_668 = vector.shape_cast %add3A_662 : vector<16xf32> to vector<1x16xf32>
      tpu.vector_store %arg10[%swap3A_664, %swap3A_665], %swap3A_668 {strides = array<i32>} : memref<16x1024xf32, #tpu.memory_space<vmem>>, vector<1x16xf32>,
      %get3A_669 = arith.constant 9 : i32
      %get3A_670 = arith.index_cast %get3A_669 : i32 to index
      %get3A_671 = arith.index_cast %mul3A_570 : i32 to index
      %get3A_672 = tpu.vector_load %arg10[%get3A_670, %get3A_671] {strides = array<i32>} : memref<16x1024xf32, #tpu.memory_space<vmem>>, vector<1x16xf32>,
      %get3A_673 = vector.shape_cast %get3A_672 : vector<1x16xf32> to vector<16xf32>
      %mul3A_674 = arith.constant 8.000000e+00 : f32
      %mul3A_675 = vector.broadcast %mul3A_674 : f32 to vector<16xf32>
      %mul3A_676 = arith.mulf %get3A_673, %mul3A_675 : vector<16xf32>
      %add3A_677 = arith.addf %mul3A_676, %get3A_638 : vector<16xf32>
      %swap3A_678 = arith.constant 9 : i32
      %swap3A_679 = arith.index_cast %swap3A_678 : i32 to index
      %swap3A_680 = arith.index_cast %mul3A_570 : i32 to index
      %swap3A_681 = tpu.vector_load %arg10[%swap3A_679, %swap3A_680] {strides = array<i32>} : memref<16x1024xf32, #tpu.memory_space<vmem>>, vector<1x16xf32>,
      %swap3A_682 = vector.shape_cast %swap3A_681 : vector<1x16xf32> to vector<16xf32>
      %swap3A_683 = vector.shape_cast %add3A_677 : vector<16xf32> to vector<1x16xf32>
      tpu.vector_store %arg10[%swap3A_679, %swap3A_680], %swap3A_683 {strides = array<i32>} : memref<16x1024xf32, #tpu.memory_space<vmem>>, vector<1x16xf32>,
      %get3A_684 = arith.constant 13 : i32
      %get3A_685 = arith.index_cast %get3A_684 : i32 to index
      %get3A_686 = arith.index_cast %mul3A_570 : i32 to index
      %get3A_687 = tpu.vector_load %arg10[%get3A_685, %get3A_686] {strides = array<i32>} : memref<16x1024xf32, #tpu.memory_space<vmem>>, vector<1x16xf32>,
      %get3A_688 = vector.shape_cast %get3A_687 : vector<1x16xf32> to vector<16xf32>
      %mul3A_689 = arith.constant 8.000000e+00 : f32
      %mul3A_690 = vector.broadcast %mul3A_689 : f32 to vector<16xf32>
      %mul3A_691 = arith.mulf %get3A_688, %mul3A_690 : vector<16xf32>
      %add3A_692 = arith.addf %mul3A_691, %get3A_638 : vector<16xf32>
      %swap3A_693 = arith.constant 13 : i32
      %swap3A_694 = arith.index_cast %swap3A_693 : i32 to index
      %swap3A_695 = arith.index_cast %mul3A_570 : i32 to index
      %swap3A_696 = tpu.vector_load %arg10[%swap3A_694, %swap3A_695] {strides = array<i32>} : memref<16x1024xf32, #tpu.memory_space<vmem>>, vector<1x16xf32>,
      %swap3A_697 = vector.shape_cast %swap3A_696 : vector<1x16xf32> to vector<16xf32>
      %swap3A_698 = vector.shape_cast %add3A_692 : vector<16xf32> to vector<1x16xf32>
      tpu.vector_store %arg10[%swap3A_694, %swap3A_695], %swap3A_698 {strides = array<i32>} : memref<16x1024xf32, #tpu.memory_space<vmem>>, vector<1x16xf32>,
      %get3A_699 = arith.constant 2 : i32
      %get3A_700 = arith.index_cast %get3A_699 : i32 to index
      %get3A_701 = arith.index_cast %mul3A_570 : i32 to index
      %get3A_702 = tpu.vector_load %arg12[%get3A_700, %get3A_701] {strides = array<i32>} : memref<4x1024xf32, #tpu.memory_space<vmem>>, vector<1x16xf32>,
      %get3A_703 = vector.shape_cast %get3A_702 : vector<1x16xf32> to vector<16xf32>
      %get3A_704 = arith.constant 2 : i32
      %get3A_705 = arith.index_cast %get3A_704 : i32 to index
      %get3A_706 = arith.index_cast %mul3A_570 : i32 to index
      %get3A_707 = tpu.vector_load %arg10[%get3A_705, %get3A_706] {strides = array<i32>} : memref<16x1024xf32, #tpu.memory_space<vmem>>, vector<1x16xf32>,
      %get3A_708 = vector.shape_cast %get3A_707 : vector<1x16xf32> to vector<16xf32>
      %mul3A_709 = arith.constant 8.000000e+00 : f32
      %mul3A_710 = vector.broadcast %mul3A_709 : f32 to vector<16xf32>
      %mul3A_711 = arith.mulf %get3A_708, %mul3A_710 : vector<16xf32>
      %add3A_712 = arith.addf %mul3A_711, %get3A_703 : vector<16xf32>
      %swap3A_713 = arith.constant 2 : i32
      %swap3A_714 = arith.index_cast %swap3A_713 : i32 to index
      %swap3A_715 = arith.index_cast %mul3A_570 : i32 to index
      %swap3A_716 = tpu.vector_load %arg10[%swap3A_714, %swap3A_715] {strides = array<i32>} : memref<16x1024xf32, #tpu.memory_space<vmem>>, vector<1x16xf32>,
      %swap3A_717 = vector.shape_cast %swap3A_716 : vector<1x16xf32> to vector<16xf32>
      %swap3A_718 = vector.shape_cast %add3A_712 : vector<16xf32> to vector<1x16xf32>
      tpu.vector_store %arg10[%swap3A_714, %swap3A_715], %swap3A_718 {strides = array<i32>} : memref<16x1024xf32, #tpu.memory_space<vmem>>, vector<1x16xf32>,
      %get3A_719 = arith.constant 6 : i32
      %get3A_720 = arith.index_cast %get3A_719 : i32 to index
      %get3A_721 = arith.index_cast %mul3A_570 : i32 to index
      %get3A_722 = tpu.vector_load %arg10[%get3A_720, %get3A_721] {strides = array<i32>} : memref<16x1024xf32, #tpu.memory_space<vmem>>, vector<1x16xf32>,
      %get3A_723 = vector.shape_cast %get3A_722 : vector<1x16xf32> to vector<16xf32>
      %mul3A_724 = arith.constant 8.000000e+00 : f32
      %mul3A_725 = vector.broadcast %mul3A_724 : f32 to vector<16xf32>
      %mul3A_726 = arith.mulf %get3A_723, %mul3A_725 : vector<16xf32>
      %add3A_727 = arith.addf %mul3A_726, %get3A_703 : vector<16xf32>
      %swap3A_728 = arith.constant 6 : i32
      %swap3A_729 = arith.index_cast %swap3A_728 : i32 to index
      %swap3A_730 = arith.index_cast %mul3A_570 : i32 to index
      %swap3A_731 = tpu.vector_load %arg10[%swap3A_729, %swap3A_730] {strides = array<i32>} : memref<16x1024xf32, #tpu.memory_space<vmem>>, vector<1x16xf32>,
      %swap3A_732 = vector.shape_cast %swap3A_731 : vector<1x16xf32> to vector<16xf32>
      %swap3A_733 = vector.shape_cast %add3A_727 : vector<16xf32> to vector<1x16xf32>
      tpu.vector_store %arg10[%swap3A_729, %swap3A_730], %swap3A_733 {strides = array<i32>} : memref<16x1024xf32, #tpu.memory_space<vmem>>, vector<1x16xf32>,
      %get3A_734 = arith.constant 10 : i32
      %get3A_735 = arith.index_cast %get3A_734 : i32 to index
      %get3A_736 = arith.index_cast %mul3A_570 : i32 to index
      %get3A_737 = tpu.vector_load %arg10[%get3A_735, %get3A_736] {strides = array<i32>} : memref<16x1024xf32, #tpu.memory_space<vmem>>, vector<1x16xf32>,
      %get3A_738 = vector.shape_cast %get3A_737 : vector<1x16xf32> to vector<16xf32>
      %mul3A_739 = arith.constant 8.000000e+00 : f32
      %mul3A_740 = vector.broadcast %mul3A_739 : f32 to vector<16xf32>
      %mul3A_741 = arith.mulf %get3A_738, %mul3A_740 : vector<16xf32>
      %add3A_742 = arith.addf %mul3A_741, %get3A_703 : vector<16xf32>
      %swap3A_743 = arith.constant 10 : i32
      %swap3A_744 = arith.index_cast %swap3A_743 : i32 to index
      %swap3A_745 = arith.index_cast %mul3A_570 : i32 to index
      %swap3A_746 = tpu.vector_load %arg10[%swap3A_744, %swap3A_745] {strides = array<i32>} : memref<16x1024xf32, #tpu.memory_space<vmem>>, vector<1x16xf32>,
      %swap3A_747 = vector.shape_cast %swap3A_746 : vector<1x16xf32> to vector<16xf32>
      %swap3A_748 = vector.shape_cast %add3A_742 : vector<16xf32> to vector<1x16xf32>
      tpu.vector_store %arg10[%swap3A_744, %swap3A_745], %swap3A_748 {strides = array<i32>} : memref<16x1024xf32, #tpu.memory_space<vmem>>, vector<1x16xf32>,
      %get3A_749 = arith.constant 14 : i32
      %get3A_750 = arith.index_cast %get3A_749 : i32 to index
      %get3A_751 = arith.index_cast %mul3A_570 : i32 to index
      %get3A_752 = tpu.vector_load %arg10[%get3A_750, %get3A_751] {strides = array<i32>} : memref<16x1024xf32, #tpu.memory_space<vmem>>, vector<1x16xf32>,
      %get3A_753 = vector.shape_cast %get3A_752 : vector<1x16xf32> to vector<16xf32>
      %mul3A_754 = arith.constant 8.000000e+00 : f32
      %mul3A_755 = vector.broadcast %mul3A_754 : f32 to vector<16xf32>
      %mul3A_756 = arith.mulf %get3A_753, %mul3A_755 : vector<16xf32>
      %add3A_757 = arith.addf %mul3A_756, %get3A_703 : vector<16xf32>
      %swap3A_758 = arith.constant 14 : i32
      %swap3A_759 = arith.index_cast %swap3A_758 : i32 to index
      %swap3A_760 = arith.index_cast %mul3A_570 : i32 to index
      %swap3A_761 = tpu.vector_load %arg10[%swap3A_759, %swap3A_760] {strides = array<i32>} : memref<16x1024xf32, #tpu.memory_space<vmem>>, vector<1x16xf32>,
      %swap3A_762 = vector.shape_cast %swap3A_761 : vector<1x16xf32> to vector<16xf32>
      %swap3A_763 = vector.shape_cast %add3A_757 : vector<16xf32> to vector<1x16xf32>
      tpu.vector_store %arg10[%swap3A_759, %swap3A_760], %swap3A_763 {strides = array<i32>} : memref<16x1024xf32, #tpu.memory_space<vmem>>, vector<1x16xf32>,
      %get3A_764 = arith.constant 3 : i32
      %get3A_765 = arith.index_cast %get3A_764 : i32 to index
      %get3A_766 = arith.index_cast %mul3A_570 : i32 to index
      %get3A_767 = tpu.vector_load %arg12[%get3A_765, %get3A_766] {strides = array<i32>} : memref<4x1024xf32, #tpu.memory_space<vmem>>, vector<1x16xf32>,
      %get3A_768 = vector.shape_cast %get3A_767 : vector<1x16xf32> to vector<16xf32>
      %get3A_769 = arith.constant 3 : i32
      %get3A_770 = arith.index_cast %get3A_769 : i32 to index
      %get3A_771 = arith.index_cast %mul3A_570 : i32 to index
      %get3A_772 = tpu.vector_load %arg10[%get3A_770, %get3A_771] {strides = array<i32>} : memref<16x1024xf32, #tpu.memory_space<vmem>>, vector<1x16xf32>,
      %get3A_773 = vector.shape_cast %get3A_772 : vector<1x16xf32> to vector<16xf32>
      %mul3A_774 = arith.constant 8.000000e+00 : f32
      %mul3A_775 = vector.broadcast %mul3A_774 : f32 to vector<16xf32>
      %mul3A_776 = arith.mulf %get3A_773, %mul3A_775 : vector<16xf32>
      %add3A_777 = arith.addf %mul3A_776, %get3A_768 : vector<16xf32>
      %swap3A_778 = arith.constant 3 : i32
      %swap3A_779 = arith.index_cast %swap3A_778 : i32 to index
      %swap3A_780 = arith.index_cast %mul3A_570 : i32 to index
      %swap3A_781 = tpu.vector_load %arg10[%swap3A_779, %swap3A_780] {strides = array<i32>} : memref<16x1024xf32, #tpu.memory_space<vmem>>, vector<1x16xf32>,
      %swap3A_782 = vector.shape_cast %swap3A_781 : vector<1x16xf32> to vector<16xf32>
      %swap3A_783 = vector.shape_cast %add3A_777 : vector<16xf32> to vector<1x16xf32>
      tpu.vector_store %arg10[%swap3A_779, %swap3A_780], %swap3A_783 {strides = array<i32>} : memref<16x1024xf32, #tpu.memory_space<vmem>>, vector<1x16xf32>,
      %get3A_784 = arith.constant 7 : i32
      %get3A_785 = arith.index_cast %get3A_784 : i32 to index
      %get3A_786 = arith.index_cast %mul3A_570 : i32 to index
      %get3A_787 = tpu.vector_load %arg10[%get3A_785, %get3A_786] {strides = array<i32>} : memref<16x1024xf32, #tpu.memory_space<vmem>>, vector<1x16xf32>,
      %get3A_788 = vector.shape_cast %get3A_787 : vector<1x16xf32> to vector<16xf32>
      %mul3A_789 = arith.constant 8.000000e+00 : f32
      %mul3A_790 = vector.broadcast %mul3A_789 : f32 to vector<16xf32>
      %mul3A_791 = arith.mulf %get3A_788, %mul3A_790 : vector<16xf32>
      %add3A_792 = arith.addf %mul3A_791, %get3A_768 : vector<16xf32>
      %swap3A_793 = arith.constant 7 : i32
      %swap3A_794 = arith.index_cast %swap3A_793 : i32 to index
      %swap3A_795 = arith.index_cast %mul3A_570 : i32 to index
      %swap3A_796 = tpu.vector_load %arg10[%swap3A_794, %swap3A_795] {strides = array<i32>} : memref<16x1024xf32, #tpu.memory_space<vmem>>, vector<1x16xf32>,
      %swap3A_797 = vector.shape_cast %swap3A_796 : vector<1x16xf32> to vector<16xf32>
      %swap3A_798 = vector.shape_cast %add3A_792 : vector<16xf32> to vector<1x16xf32>
      tpu.vector_store %arg10[%swap3A_794, %swap3A_795], %swap3A_798 {strides = array<i32>} : memref<16x1024xf32, #tpu.memory_space<vmem>>, vector<1x16xf32>,
      %get3A_799 = arith.constant 11 : i32
      %get3A_800 = arith.index_cast %get3A_799 : i32 to index
      %get3A_801 = arith.index_cast %mul3A_570 : i32 to index
      %get3A_802 = tpu.vector_load %arg10[%get3A_800, %get3A_801] {strides = array<i32>} : memref<16x1024xf32, #tpu.memory_space<vmem>>, vector<1x16xf32>,
      %get3A_803 = vector.shape_cast %get3A_802 : vector<1x16xf32> to vector<16xf32>
      %mul3A_804 = arith.constant 8.000000e+00 : f32
      %mul3A_805 = vector.broadcast %mul3A_804 : f32 to vector<16xf32>
      %mul3A_806 = arith.mulf %get3A_803, %mul3A_805 : vector<16xf32>
      %add3A_807 = arith.addf %mul3A_806, %get3A_768 : vector<16xf32>
      %swap3A_808 = arith.constant 11 : i32
      %swap3A_809 = arith.index_cast %swap3A_808 : i32 to index
      %swap3A_810 = arith.index_cast %mul3A_570 : i32 to index
      %swap3A_811 = tpu.vector_load %arg10[%swap3A_809, %swap3A_810] {strides = array<i32>} : memref<16x1024xf32, #tpu.memory_space<vmem>>, vector<1x16xf32>,
      %swap3A_812 = vector.shape_cast %swap3A_811 : vector<1x16xf32> to vector<16xf32>
      %swap3A_813 = vector.shape_cast %add3A_807 : vector<16xf32> to vector<1x16xf32>
      tpu.vector_store %arg10[%swap3A_809, %swap3A_810], %swap3A_813 {strides = array<i32>} : memref<16x1024xf32, #tpu.memory_space<vmem>>, vector<1x16xf32>,
      %get3A_814 = arith.constant 15 : i32
      %get3A_815 = arith.index_cast %get3A_814 : i32 to index
      %get3A_816 = arith.index_cast %mul3A_570 : i32 to index
      %get3A_817 = tpu.vector_load %arg10[%get3A_815, %get3A_816] {strides = array<i32>} : memref<16x1024xf32, #tpu.memory_space<vmem>>, vector<1x16xf32>,
      %get3A_818 = vector.shape_cast %get3A_817 : vector<1x16xf32> to vector<16xf32>
      %mul3A_819 = arith.constant 8.000000e+00 : f32
      %mul3A_820 = vector.broadcast %mul3A_819 : f32 to vector<16xf32>
      %mul3A_821 = arith.mulf %get3A_818, %mul3A_820 : vector<16xf32>
      %add3A_822 = arith.addf %mul3A_821, %get3A_768 : vector<16xf32>
      %swap3A_823 = arith.constant 15 : i32
      %swap3A_824 = arith.index_cast %swap3A_823 : i32 to index
      %swap3A_825 = arith.index_cast %mul3A_570 : i32 to index
      %swap3A_826 = tpu.vector_load %arg10[%swap3A_824, %swap3A_825] {strides = array<i32>} : memref<16x1024xf32, #tpu.memory_space<vmem>>, vector<1x16xf32>,
      %swap3A_827 = vector.shape_cast %swap3A_826 : vector<1x16xf32> to vector<16xf32>
      %swap3A_828 = vector.shape_cast %add3A_822 : vector<16xf32> to vector<1x16xf32>
      tpu.vector_store %arg10[%swap3A_824, %swap3A_825], %swap3A_828 {strides = array<i32>} : memref<16x1024xf32, #tpu.memory_space<vmem>>, vector<1x16xf32>,
    }
    %scan3A_393 = arith.constant 64 : i32
    %add3A_394 = arith.constant 0 : i32
    %add3A_395 = arith.addi %add3A_394, %mul3A_2 : i32
    %add3A_396 = arith.constant 12 : i32
    %add3A_397 = arith.addi %add3A_395, %add3A_396 : i32
    %dma_start3A_398 = arith.constant 0 : i32
    %dma_start3A_399 = arith.constant 0 : i32
    %dma_start3A_400 = tpu.memref_slice %arg10[%dma_start3A_398, %dma_start3A_399] : memref<16x1024xf32, #tpu.memory_space<vmem>> -> memref<4x1024xf32, #tpu.memory_space<vmem>>
    %dma_start3A_401 = arith.constant 0 : i32
    %dma_start3A_402 = tpu.memref_slice %arg5[%add3A_397, %dma_start3A_401] : memref<16384x1024xf32, #tpu.memory_space<hbm>> -> memref<4x1024xf32, #tpu.memory_space<hbm>>
    %dma_start3A_403 = arith.constant 0 : i32
    %dma_start3A_404 = tpu.memref_slice %arg5[%add3A_397, %dma_start3A_403] : memref<16384x1024xf32, #tpu.memory_space<hbm>> -> memref<4x1024xf32, #tpu.memory_space<hbm>>
    %dma_start3A_405 = arith.constant 0 : i32
    %dma_start3A_406 = arith.constant 0 : i32
    %dma_start3A_407 = tpu.memref_slice %arg10[%dma_start3A_405, %dma_start3A_406] : memref<16x1024xf32, #tpu.memory_space<vmem>> -> memref<4x1024xf32, #tpu.memory_space<vmem>>
    tpu.enqueue_dma source(%dma_start3A_407 : memref<4x1024xf32, #tpu.memory_space<vmem>>) target(%dma_start3A_404 : memref<4x1024xf32, #tpu.memory_space<hbm>>) target_semaphore(%arg20 : memref<!tpu.dma_semaphore, #tpu.memory_space<semaphore_mem>>)
    %add3A_408 = arith.constant 4096 : i32
    %add3A_409 = arith.addi %add3A_408, %mul3A_2 : i32
    %add3A_410 = arith.constant 12 : i32
    %add3A_411 = arith.addi %add3A_409, %add3A_410 : i32
    %dma_start3A_412 = arith.constant 4 : i32
    %dma_start3A_413 = arith.constant 0 : i32
    %dma_start3A_414 = tpu.memref_slice %arg10[%dma_start3A_412, %dma_start3A_413] : memref<16x1024xf32, #tpu.memory_space<vmem>> -> memref<4x1024xf32, #tpu.memory_space<vmem>>
    %dma_start3A_415 = arith.constant 0 : i32
    %dma_start3A_416 = tpu.memref_slice %arg5[%add3A_411, %dma_start3A_415] : memref<16384x1024xf32, #tpu.memory_space<hbm>> -> memref<4x1024xf32, #tpu.memory_space<hbm>>
    %dma_start3A_417 = arith.constant 0 : i32
    %dma_start3A_418 = tpu.memref_slice %arg5[%add3A_411, %dma_start3A_417] : memref<16384x1024xf32, #tpu.memory_space<hbm>> -> memref<4x1024xf32, #tpu.memory_space<hbm>>
    %dma_start3A_419 = arith.constant 4 : i32
    %dma_start3A_420 = arith.constant 0 : i32
    %dma_start3A_421 = tpu.memref_slice %arg10[%dma_start3A_419, %dma_start3A_420] : memref<16x1024xf32, #tpu.memory_space<vmem>> -> memref<4x1024xf32, #tpu.memory_space<vmem>>
    tpu.enqueue_dma source(%dma_start3A_421 : memref<4x1024xf32, #tpu.memory_space<vmem>>) target(%dma_start3A_418 : memref<4x1024xf32, #tpu.memory_space<hbm>>) target_semaphore(%arg20 : memref<!tpu.dma_semaphore, #tpu.memory_space<semaphore_mem>>)
    %add3A_422 = arith.constant 8192 : i32
    %add3A_423 = arith.addi %add3A_422, %mul3A_2 : i32
    %add3A_424 = arith.constant 12 : i32
    %add3A_425 = arith.addi %add3A_423, %add3A_424 : i32
    %dma_start3A_426 = arith.constant 8 : i32
    %dma_start3A_427 = arith.constant 0 : i32
    %dma_start3A_428 = tpu.memref_slice %arg10[%dma_start3A_426, %dma_start3A_427] : memref<16x1024xf32, #tpu.memory_space<vmem>> -> memref<4x1024xf32, #tpu.memory_space<vmem>>
    %dma_start3A_429 = arith.constant 0 : i32
    %dma_start3A_430 = tpu.memref_slice %arg5[%add3A_425, %dma_start3A_429] : memref<16384x1024xf32, #tpu.memory_space<hbm>> -> memref<4x1024xf32, #tpu.memory_space<hbm>>
    %dma_start3A_431 = arith.constant 0 : i32
    %dma_start3A_432 = tpu.memref_slice %arg5[%add3A_425, %dma_start3A_431] : memref<16384x1024xf32, #tpu.memory_space<hbm>> -> memref<4x1024xf32, #tpu.memory_space<hbm>>
    %dma_start3A_433 = arith.constant 8 : i32
    %dma_start3A_434 = arith.constant 0 : i32
    %dma_start3A_435 = tpu.memref_slice %arg10[%dma_start3A_433, %dma_start3A_434] : memref<16x1024xf32, #tpu.memory_space<vmem>> -> memref<4x1024xf32, #tpu.memory_space<vmem>>
    tpu.enqueue_dma source(%dma_start3A_435 : memref<4x1024xf32, #tpu.memory_space<vmem>>) target(%dma_start3A_432 : memref<4x1024xf32, #tpu.memory_space<hbm>>) target_semaphore(%arg20 : memref<!tpu.dma_semaphore, #tpu.memory_space<semaphore_mem>>)
    %add3A_436 = arith.constant 12288 : i32
    %add3A_437 = arith.addi %add3A_436, %mul3A_2 : i32
    %add3A_438 = arith.constant 12 : i32
    %add3A_439 = arith.addi %add3A_437, %add3A_438 : i32
    %dma_start3A_440 = arith.constant 12 : i32
    %dma_start3A_441 = arith.constant 0 : i32
    %dma_start3A_442 = tpu.memref_slice %arg10[%dma_start3A_440, %dma_start3A_441] : memref<16x1024xf32, #tpu.memory_space<vmem>> -> memref<4x1024xf32, #tpu.memory_space<vmem>>
    %dma_start3A_443 = arith.constant 0 : i32
    %dma_start3A_444 = tpu.memref_slice %arg5[%add3A_439, %dma_start3A_443] : memref<16384x1024xf32, #tpu.memory_space<hbm>> -> memref<4x1024xf32, #tpu.memory_space<hbm>>
    %dma_start3A_445 = arith.constant 0 : i32
    %dma_start3A_446 = tpu.memref_slice %arg5[%add3A_439, %dma_start3A_445] : memref<16384x1024xf32, #tpu.memory_space<hbm>> -> memref<4x1024xf32, #tpu.memory_space<hbm>>
    %dma_start3A_447 = arith.constant 12 : i32
    %dma_start3A_448 = arith.constant 0 : i32
    %dma_start3A_449 = tpu.memref_slice %arg10[%dma_start3A_447, %dma_start3A_448] : memref<16x1024xf32, #tpu.memory_space<vmem>> -> memref<4x1024xf32, #tpu.memory_space<vmem>>
    tpu.enqueue_dma source(%dma_start3A_449 : memref<4x1024xf32, #tpu.memory_space<vmem>>) target(%dma_start3A_446 : memref<4x1024xf32, #tpu.memory_space<hbm>>) target_semaphore(%arg20 : memref<!tpu.dma_semaphore, #tpu.memory_space<semaphore_mem>>)
    %scan3A_450 = arith.constant 0 : i32
    %scan3A_451 = arith.constant 1 : i32
    %scan3A_452 = arith.constant 7 : i32
    %scan3A_453 = arith.addi %scan3A_451, %scan3A_452 : i32
    %scan3A_454 = arith.constant 1 : i32
    scf.for %scan3A_568 = %scan3A_451 to %scan3A_453 step %scan3A_454  : i32 {
      %mul3A_569 = arith.constant 4 : i32
      %mul3A_570 = arith.muli %scan3A_568, %mul3A_569 : i32
      %add3A_571 = arith.constant 0 : i32
      %add3A_572 = arith.addi %mul3A_570, %add3A_571 : i32
      %add3A_573 = arith.constant 1 : i32
      %add3A_574 = arith.addi %add3A_572, %add3A_573 : i32
      %jit3A = arith.constant 32 : i32
      %eq3A = arith.constant 0 : i32
      %eq3A_575 = arith.cmpi eq, %jit3A, %eq3A : i32
      %jit3A_576 = arith.constant 1 : i32
      %select_n3A = arith.select %eq3A_575, %jit3A_576, %jit3A : i32
      %rem3A = arith.remsi %add3A_574, %select_n3A : i32
      %ne3A = arith.constant 0 : i32
      %ne3A_577 = arith.cmpi ne, %rem3A, %ne3A : i32
      %lt3A = arith.constant 0 : i32
      %lt3A_578 = arith.cmpi slt, %rem3A, %lt3A : i32
      %lt3A_579 = arith.constant 0 : i32
      %lt3A_580 = arith.cmpi slt, %select_n3A, %lt3A_579 : i32
      %ne3A_581 = arith.xori %lt3A_578, %lt3A_580 : i1
      %and3A = arith.andi %ne3A_581, %ne3A_577 : i1
      %add3A_582 = arith.addi %rem3A, %select_n3A : i32
      %select_n3A_583 = arith.select %and3A, %add3A_582, %rem3A : i32
      %mul3A_584 = arith.constant 4 : i32
      %mul3A_585 = arith.muli %select_n3A_583, %mul3A_584 : i32
      %add3A_586 = arith.addi %mul3A_2, %mul3A_585 : i32
      %dma_start3A_587 = arith.constant 0 : i32
      %dma_start3A_588 = tpu.memref_slice %arg4[%add3A_586, %dma_start3A_587] : memref<4096x1024xf32, #tpu.memory_space<hbm>> -> memref<4x1024xf32, #tpu.memory_space<hbm>>
      %dma_start3A_589 = arith.constant 0 : i32
      %dma_start3A_590 = tpu.memref_slice %arg4[%add3A_586, %dma_start3A_589] : memref<4096x1024xf32, #tpu.memory_space<hbm>> -> memref<4x1024xf32, #tpu.memory_space<hbm>>
      tpu.enqueue_dma source(%dma_start3A_590 : memref<4x1024xf32, #tpu.memory_space<hbm>>) target(%arg12 : memref<4x1024xf32, #tpu.memory_space<vmem>>) target_semaphore(%arg22 : memref<!tpu.dma_semaphore, #tpu.memory_space<semaphore_mem>>)
      %dma_wait3A_591 = arith.constant 0 : i32
      %dma_wait3A_592 = arith.constant 0 : i32
      %dma_wait3A_593 = tpu.memref_slice %arg9[%dma_wait3A_591, %dma_wait3A_592] : memref<16x1024xf32, #tpu.memory_space<vmem>> -> memref<4x1024xf32, #tpu.memory_space<vmem>>
      %dma_wait3A_594 = arith.constant 0 : i32
      %dma_wait3A_595 = arith.constant 0 : i32
      %dma_wait3A_596 = tpu.memref_slice %arg5[%dma_wait3A_594, %dma_wait3A_595] : memref<16384x1024xf32, #tpu.memory_space<hbm>> -> memref<4x1024xf32, #tpu.memory_space<hbm>>
      %dma_wait3A_597 = arith.constant 0 : i32
      %dma_wait3A_598 = arith.constant 0 : i32
      %dma_wait3A_599 = tpu.memref_slice %arg5[%dma_wait3A_597, %dma_wait3A_598] : memref<16384x1024xf32, #tpu.memory_space<hbm>> -> memref<4x1024xf32, #tpu.memory_space<hbm>>
      %dma_wait3A_600 = arith.constant 0 : i32
      %dma_wait3A_601 = arith.constant 0 : i32
      %dma_wait3A_602 = tpu.memref_slice %arg9[%dma_wait3A_600, %dma_wait3A_601] : memref<16x1024xf32, #tpu.memory_space<vmem>> -> memref<4x1024xf32, #tpu.memory_space<vmem>>
      tpu.wait_dma2 semaphore(%arg19 : memref<!tpu.dma_semaphore, #tpu.memory_space<semaphore_mem>>) src(%dma_wait3A_602 : memref<4x1024xf32, #tpu.memory_space<vmem>>) dst(%dma_wait3A_599 : memref<4x1024xf32, #tpu.memory_space<hbm>>)
      %dma_wait3A_603 = arith.constant 0 : i32
      %dma_wait3A_604 = arith.constant 0 : i32
      %dma_wait3A_605 = tpu.memref_slice %arg9[%dma_wait3A_603, %dma_wait3A_604] : memref<16x1024xf32, #tpu.memory_space<vmem>> -> memref<4x1024xf32, #tpu.memory_space<vmem>>
      %dma_wait3A_606 = arith.constant 0 : i32
      %dma_wait3A_607 = arith.constant 0 : i32
      %dma_wait3A_608 = tpu.memref_slice %arg5[%dma_wait3A_606, %dma_wait3A_607] : memref<16384x1024xf32, #tpu.memory_space<hbm>> -> memref<4x1024xf32, #tpu.memory_space<hbm>>
      %dma_wait3A_609 = arith.constant 0 : i32
      %dma_wait3A_610 = arith.constant 0 : i32
      %dma_wait3A_611 = tpu.memref_slice %arg5[%dma_wait3A_609, %dma_wait3A_610] : memref<16384x1024xf32, #tpu.memory_space<hbm>> -> memref<4x1024xf32, #tpu.memory_space<hbm>>
      %dma_wait3A_612 = arith.constant 0 : i32
      %dma_wait3A_613 = arith.constant 0 : i32
      %dma_wait3A_614 = tpu.memref_slice %arg9[%dma_wait3A_612, %dma_wait3A_613] : memref<16x1024xf32, #tpu.memory_space<vmem>> -> memref<4x1024xf32, #tpu.memory_space<vmem>>
      tpu.wait_dma2 semaphore(%arg19 : memref<!tpu.dma_semaphore, #tpu.memory_space<semaphore_mem>>) src(%dma_wait3A_614 : memref<4x1024xf32, #tpu.memory_space<vmem>>) dst(%dma_wait3A_611 : memref<4x1024xf32, #tpu.memory_space<hbm>>)
      %dma_wait3A_615 = arith.constant 0 : i32
      %dma_wait3A_616 = arith.constant 0 : i32
      %dma_wait3A_617 = tpu.memref_slice %arg9[%dma_wait3A_615, %dma_wait3A_616] : memref<16x1024xf32, #tpu.memory_space<vmem>> -> memref<4x1024xf32, #tpu.memory_space<vmem>>
      %dma_wait3A_618 = arith.constant 0 : i32
      %dma_wait3A_619 = arith.constant 0 : i32
      %dma_wait3A_620 = tpu.memref_slice %arg5[%dma_wait3A_618, %dma_wait3A_619] : memref<16384x1024xf32, #tpu.memory_space<hbm>> -> memref<4x1024xf32, #tpu.memory_space<hbm>>
      %dma_wait3A_621 = arith.constant 0 : i32
      %dma_wait3A_622 = arith.constant 0 : i32
      %dma_wait3A_623 = tpu.memref_slice %arg5[%dma_wait3A_621, %dma_wait3A_622] : memref<16384x1024xf32, #tpu.memory_space<hbm>> -> memref<4x1024xf32, #tpu.memory_space<hbm>>
      %dma_wait3A_624 = arith.constant 0 : i32
      %dma_wait3A_625 = arith.constant 0 : i32
      %dma_wait3A_626 = tpu.memref_slice %arg9[%dma_wait3A_624, %dma_wait3A_625] : memref<16x1024xf32, #tpu.memory_space<vmem>> -> memref<4x1024xf32, #tpu.memory_space<vmem>>
      tpu.wait_dma2 semaphore(%arg19 : memref<!tpu.dma_semaphore, #tpu.memory_space<semaphore_mem>>) src(%dma_wait3A_626 : memref<4x1024xf32, #tpu.memory_space<vmem>>) dst(%dma_wait3A_623 : memref<4x1024xf32, #tpu.memory_space<hbm>>)
      %dma_wait3A_627 = arith.constant 0 : i32
      %dma_wait3A_628 = arith.constant 0 : i32
      %dma_wait3A_629 = tpu.memref_slice %arg9[%dma_wait3A_627, %dma_wait3A_628] : memref<16x1024xf32, #tpu.memory_space<vmem>> -> memref<4x1024xf32, #tpu.memory_space<vmem>>
      %dma_wait3A_630 = arith.constant 0 : i32
      %dma_wait3A_631 = arith.constant 0 : i32
      %dma_wait3A_632 = tpu.memref_slice %arg5[%dma_wait3A_630, %dma_wait3A_631] : memref<16384x1024xf32, #tpu.memory_space<hbm>> -> memref<4x1024xf32, #tpu.memory_space<hbm>>
      %dma_wait3A_633 = arith.constant 0 : i32
      %dma_wait3A_634 = arith.constant 0 : i32
      %dma_wait3A_635 = tpu.memref_slice %arg5[%dma_wait3A_633, %dma_wait3A_634] : memref<16384x1024xf32, #tpu.memory_space<hbm>> -> memref<4x1024xf32, #tpu.memory_space<hbm>>
      %dma_wait3A_636 = arith.constant 0 : i32
      %dma_wait3A_637 = arith.constant 0 : i32
      %dma_wait3A_638 = tpu.memref_slice %arg9[%dma_wait3A_636, %dma_wait3A_637] : memref<16x1024xf32, #tpu.memory_space<vmem>> -> memref<4x1024xf32, #tpu.memory_space<vmem>>
      tpu.wait_dma2 semaphore(%arg19 : memref<!tpu.dma_semaphore, #tpu.memory_space<semaphore_mem>>) src(%dma_wait3A_638 : memref<4x1024xf32, #tpu.memory_space<vmem>>) dst(%dma_wait3A_635 : memref<4x1024xf32, #tpu.memory_space<hbm>>)
      %add3A_639 = arith.constant 2 : i32
      %add3A_640 = arith.addi %add3A_572, %add3A_639 : i32
      %jit3A_641 = arith.constant 32 : i32
      %eq3A_642 = arith.constant 0 : i32
      %eq3A_643 = arith.cmpi eq, %jit3A_641, %eq3A_642 : i32
      %jit3A_644 = arith.constant 1 : i32
      %select_n3A_645 = arith.select %eq3A_643, %jit3A_644, %jit3A_641 : i32
      %rem3A_646 = arith.remsi %add3A_640, %select_n3A_645 : i32
      %ne3A_647 = arith.constant 0 : i32
      %ne3A_648 = arith.cmpi ne, %rem3A_646, %ne3A_647 : i32
      %lt3A_649 = arith.constant 0 : i32
      %lt3A_650 = arith.cmpi slt, %rem3A_646, %lt3A_649 : i32
      %lt3A_651 = arith.constant 0 : i32
      %lt3A_652 = arith.cmpi slt, %select_n3A_645, %lt3A_651 : i32
      %ne3A_653 = arith.xori %lt3A_650, %lt3A_652 : i1
      %and3A_654 = arith.andi %ne3A_653, %ne3A_648 : i1
      %add3A_655 = arith.addi %rem3A_646, %select_n3A_645 : i32
      %select_n3A_656 = arith.select %and3A_654, %add3A_655, %rem3A_646 : i32
      %mul3A_657 = arith.constant 16 : i32
      %mul3A_658 = arith.muli %select_n3A_656, %mul3A_657 : i32
      %dma_start3A_659 = tpu.memref_slice %arg6[%mul3A_658] : memref<512xi32, #tpu.memory_space<vmem>> -> memref<16xi32, #tpu.memory_space<vmem>>
      %dma_start3A_660 = arith.constant 0 : i32
      %dma_start3A_661 = arith.constant 0 : i32
      %dma_start3A_662 = tpu.memref_slice %arg3[%dma_start3A_660, %dma_start3A_661] : memref<100000x1024xf32, #tpu.memory_space<hbm>> -> memref<100000x1024xf32, #tpu.memory_space<hbm>>
      tpu.enqueue_indirect_dma source(%dma_start3A_662 : memref<100000x1024xf32, #tpu.memory_space<hbm>>) target(%arg9 : memref<16x1024xf32, #tpu.memory_space<vmem>>) offsets(%dma_start3A_659 : memref<16xi32, #tpu.memory_space<vmem>>) semaphore(%arg15 : memref<!tpu.dma_semaphore, #tpu.memory_space<semaphore_mem>>)
      %mul3A_663 = arith.constant 4 : i32
      %mul3A_664 = arith.muli %add3A_572, %mul3A_663 : i32
      %add3A_665 = arith.addi %mul3A_2, %mul3A_664 : i32
      %dma_wait3A_666 = arith.constant 0 : i32
      %dma_wait3A_667 = tpu.memref_slice %arg4[%add3A_665, %dma_wait3A_666] : memref<4096x1024xf32, #tpu.memory_space<hbm>> -> memref<4x1024xf32, #tpu.memory_space<hbm>>
      %dma_wait3A_668 = arith.constant 0 : i32
      %dma_wait3A_669 = tpu.memref_slice %arg4[%add3A_665, %dma_wait3A_668] : memref<4096x1024xf32, #tpu.memory_space<hbm>> -> memref<4x1024xf32, #tpu.memory_space<hbm>>
      tpu.wait_dma2 semaphore(%arg21 : memref<!tpu.dma_semaphore, #tpu.memory_space<semaphore_mem>>) src(%dma_wait3A_669 : memref<4x1024xf32, #tpu.memory_space<hbm>>) dst(%arg11 : memref<4x1024xf32, #tpu.memory_space<vmem>>)
      %mul3A_670 = arith.constant 16 : i32
      %mul3A_671 = arith.muli %add3A_572, %mul3A_670 : i32
      %dma_wait3A_672 = tpu.memref_slice %arg6[%mul3A_671] : memref<512xi32, #tpu.memory_space<vmem>> -> memref<16xi32, #tpu.memory_space<vmem>>
      %dma_wait3A_673 = arith.constant 0 : i32
      %dma_wait3A_674 = arith.constant 0 : i32
      %dma_wait3A_675 = tpu.memref_slice %arg3[%dma_wait3A_673, %dma_wait3A_674] : memref<100000x1024xf32, #tpu.memory_space<hbm>> -> memref<100000x1024xf32, #tpu.memory_space<hbm>>
      tpu.wait_indirect_dma semaphore(%arg13 : memref<!tpu.dma_semaphore, #tpu.memory_space<semaphore_mem>>) src(%dma_wait3A_675 : memref<100000x1024xf32, #tpu.memory_space<hbm>>) dst(%arg7 : memref<16x1024xf32, #tpu.memory_space<vmem>>)
      %scan3A_676 = arith.constant 0 : i32
      %scan3A_677 = arith.constant 0 : i32
      %scan3A_678 = arith.constant 64 : i32
      %scan3A_679 = arith.addi %scan3A_677, %scan3A_678 : i32
      %scan3A_680 = arith.constant 1 : i32
      scf.for %scan3A_1282 = %scan3A_677 to %scan3A_679 step %scan3A_680  : i32 {
        %mul3A_1283 = arith.constant 16 : i32
        %mul3A_1284 = arith.muli %scan3A_1282, %mul3A_1283 : i32
        %get3A = arith.constant 0 : i32
        %get3A_1285 = arith.index_cast %get3A : i32 to index
        %get3A_1286 = arith.index_cast %mul3A_1284 : i32 to index
        %get3A_1287 = tpu.vector_load %arg11[%get3A_1285, %get3A_1286] {strides = array<i32>} : memref<4x1024xf32, #tpu.memory_space<vmem>>, vector<1x16xf32>,
        %get3A_1288 = vector.shape_cast %get3A_1287 : vector<1x16xf32> to vector<16xf32>
        %get3A_1289 = arith.constant 0 : i32
        %get3A_1290 = arith.index_cast %get3A_1289 : i32 to index
        %get3A_1291 = arith.index_cast %mul3A_1284 : i32 to index
        %get3A_1292 = tpu.vector_load %arg7[%get3A_1290, %get3A_1291] {strides = array<i32>} : memref<16x1024xf32, #tpu.memory_space<vmem>>, vector<1x16xf32>,
        %get3A_1293 = vector.shape_cast %get3A_1292 : vector<1x16xf32> to vector<16xf32>
        %mul3A_1294 = arith.constant 8.000000e+00 : f32
        %mul3A_1295 = vector.broadcast %mul3A_1294 : f32 to vector<16xf32>
        %mul3A_1296 = arith.mulf %get3A_1293, %mul3A_1295 : vector<16xf32>
        %add3A_1297 = arith.addf %mul3A_1296, %get3A_1288 : vector<16xf32>
        %swap3A = arith.constant 0 : i32
        %swap3A_1298 = arith.index_cast %swap3A : i32 to index
        %swap3A_1299 = arith.index_cast %mul3A_1284 : i32 to index
        %swap3A_1300 = tpu.vector_load %arg7[%swap3A_1298, %swap3A_1299] {strides = array<i32>} : memref<16x1024xf32, #tpu.memory_space<vmem>>, vector<1x16xf32>,
        %swap3A_1301 = vector.shape_cast %swap3A_1300 : vector<1x16xf32> to vector<16xf32>
        %swap3A_1302 = vector.shape_cast %add3A_1297 : vector<16xf32> to vector<1x16xf32>
        tpu.vector_store %arg7[%swap3A_1298, %swap3A_1299], %swap3A_1302 {strides = array<i32>} : memref<16x1024xf32, #tpu.memory_space<vmem>>, vector<1x16xf32>,
        %get3A_1303 = arith.constant 4 : i32
        %get3A_1304 = arith.index_cast %get3A_1303 : i32 to index
        %get3A_1305 = arith.index_cast %mul3A_1284 : i32 to index
        %get3A_1306 = tpu.vector_load %arg7[%get3A_1304, %get3A_1305] {strides = array<i32>} : memref<16x1024xf32, #tpu.memory_space<vmem>>, vector<1x16xf32>,
        %get3A_1307 = vector.shape_cast %get3A_1306 : vector<1x16xf32> to vector<16xf32>
        %mul3A_1308 = arith.constant 8.000000e+00 : f32
        %mul3A_1309 = vector.broadcast %mul3A_1308 : f32 to vector<16xf32>
        %mul3A_1310 = arith.mulf %get3A_1307, %mul3A_1309 : vector<16xf32>
        %add3A_1311 = arith.addf %mul3A_1310, %get3A_1288 : vector<16xf32>
        %swap3A_1312 = arith.constant 4 : i32
        %swap3A_1313 = arith.index_cast %swap3A_1312 : i32 to index
        %swap3A_1314 = arith.index_cast %mul3A_1284 : i32 to index
        %swap3A_1315 = tpu.vector_load %arg7[%swap3A_1313, %swap3A_1314] {strides = array<i32>} : memref<16x1024xf32, #tpu.memory_space<vmem>>, vector<1x16xf32>,
        %swap3A_1316 = vector.shape_cast %swap3A_1315 : vector<1x16xf32> to vector<16xf32>
        %swap3A_1317 = vector.shape_cast %add3A_1311 : vector<16xf32> to vector<1x16xf32>
        tpu.vector_store %arg7[%swap3A_1313, %swap3A_1314], %swap3A_1317 {strides = array<i32>} : memref<16x1024xf32, #tpu.memory_space<vmem>>, vector<1x16xf32>,
        %get3A_1318 = arith.constant 8 : i32
        %get3A_1319 = arith.index_cast %get3A_1318 : i32 to index
        %get3A_1320 = arith.index_cast %mul3A_1284 : i32 to index
        %get3A_1321 = tpu.vector_load %arg7[%get3A_1319, %get3A_1320] {strides = array<i32>} : memref<16x1024xf32, #tpu.memory_space<vmem>>, vector<1x16xf32>,
        %get3A_1322 = vector.shape_cast %get3A_1321 : vector<1x16xf32> to vector<16xf32>
        %mul3A_1323 = arith.constant 8.000000e+00 : f32
        %mul3A_1324 = vector.broadcast %mul3A_1323 : f32 to vector<16xf32>
        %mul3A_1325 = arith.mulf %get3A_1322, %mul3A_1324 : vector<16xf32>
        %add3A_1326 = arith.addf %mul3A_1325, %get3A_1288 : vector<16xf32>
        %swap3A_1327 = arith.constant 8 : i32
        %swap3A_1328 = arith.index_cast %swap3A_1327 : i32 to index
        %swap3A_1329 = arith.index_cast %mul3A_1284 : i32 to index
        %swap3A_1330 = tpu.vector_load %arg7[%swap3A_1328, %swap3A_1329] {strides = array<i32>} : memref<16x1024xf32, #tpu.memory_space<vmem>>, vector<1x16xf32>,
        %swap3A_1331 = vector.shape_cast %swap3A_1330 : vector<1x16xf32> to vector<16xf32>
        %swap3A_1332 = vector.shape_cast %add3A_1326 : vector<16xf32> to vector<1x16xf32>
        tpu.vector_store %arg7[%swap3A_1328, %swap3A_1329], %swap3A_1332 {strides = array<i32>} : memref<16x1024xf32, #tpu.memory_space<vmem>>, vector<1x16xf32>,
        %get3A_1333 = arith.constant 12 : i32
        %get3A_1334 = arith.index_cast %get3A_1333 : i32 to index
        %get3A_1335 = arith.index_cast %mul3A_1284 : i32 to index
        %get3A_1336 = tpu.vector_load %arg7[%get3A_1334, %get3A_1335] {strides = array<i32>} : memref<16x1024xf32, #tpu.memory_space<vmem>>, vector<1x16xf32>,
        %get3A_1337 = vector.shape_cast %get3A_1336 : vector<1x16xf32> to vector<16xf32>
        %mul3A_1338 = arith.constant 8.000000e+00 : f32
        %mul3A_1339 = vector.broadcast %mul3A_1338 : f32 to vector<16xf32>
        %mul3A_1340 = arith.mulf %get3A_1337, %mul3A_1339 : vector<16xf32>
        %add3A_1341 = arith.addf %mul3A_1340, %get3A_1288 : vector<16xf32>
        %swap3A_1342 = arith.constant 12 : i32
        %swap3A_1343 = arith.index_cast %swap3A_1342 : i32 to index
        %swap3A_1344 = arith.index_cast %mul3A_1284 : i32 to index
        %swap3A_1345 = tpu.vector_load %arg7[%swap3A_1343, %swap3A_1344] {strides = array<i32>} : memref<16x1024xf32, #tpu.memory_space<vmem>>, vector<1x16xf32>,
        %swap3A_1346 = vector.shape_cast %swap3A_1345 : vector<1x16xf32> to vector<16xf32>
        %swap3A_1347 = vector.shape_cast %add3A_1341 : vector<16xf32> to vector<1x16xf32>
        tpu.vector_store %arg7[%swap3A_1343, %swap3A_1344], %swap3A_1347 {strides = array<i32>} : memref<16x1024xf32, #tpu.memory_space<vmem>>, vector<1x16xf32>,
        %get3A_1348 = arith.constant 1 : i32
        %get3A_1349 = arith.index_cast %get3A_1348 : i32 to index
        %get3A_1350 = arith.index_cast %mul3A_1284 : i32 to index
        %get3A_1351 = tpu.vector_load %arg11[%get3A_1349, %get3A_1350] {strides = array<i32>} : memref<4x1024xf32, #tpu.memory_space<vmem>>, vector<1x16xf32>,
        %get3A_1352 = vector.shape_cast %get3A_1351 : vector<1x16xf32> to vector<16xf32>
        %get3A_1353 = arith.constant 1 : i32
        %get3A_1354 = arith.index_cast %get3A_1353 : i32 to index
        %get3A_1355 = arith.index_cast %mul3A_1284 : i32 to index
        %get3A_1356 = tpu.vector_load %arg7[%get3A_1354, %get3A_1355] {strides = array<i32>} : memref<16x1024xf32, #tpu.memory_space<vmem>>, vector<1x16xf32>,
        %get3A_1357 = vector.shape_cast %get3A_1356 : vector<1x16xf32> to vector<16xf32>
        %mul3A_1358 = arith.constant 8.000000e+00 : f32
        %mul3A_1359 = vector.broadcast %mul3A_1358 : f32 to vector<16xf32>
        %mul3A_1360 = arith.mulf %get3A_1357, %mul3A_1359 : vector<16xf32>
        %add3A_1361 = arith.addf %mul3A_1360, %get3A_1352 : vector<16xf32>
        %swap3A_1362 = arith.constant 1 : i32
        %swap3A_1363 = arith.index_cast %swap3A_1362 : i32 to index
        %swap3A_1364 = arith.index_cast %mul3A_1284 : i32 to index
        %swap3A_1365 = tpu.vector_load %arg7[%swap3A_1363, %swap3A_1364] {strides = array<i32>} : memref<16x1024xf32, #tpu.memory_space<vmem>>, vector<1x16xf32>,
        %swap3A_1366 = vector.shape_cast %swap3A_1365 : vector<1x16xf32> to vector<16xf32>
        %swap3A_1367 = vector.shape_cast %add3A_1361 : vector<16xf32> to vector<1x16xf32>
        tpu.vector_store %arg7[%swap3A_1363, %swap3A_1364], %swap3A_1367 {strides = array<i32>} : memref<16x1024xf32, #tpu.memory_space<vmem>>, vector<1x16xf32>,
        %get3A_1368 = arith.constant 5 : i32
        %get3A_1369 = arith.index_cast %get3A_1368 : i32 to index
        %get3A_1370 = arith.index_cast %mul3A_1284 : i32 to index
        %get3A_1371 = tpu.vector_load %arg7[%get3A_1369, %get3A_1370] {strides = array<i32>} : memref<16x1024xf32, #tpu.memory_space<vmem>>, vector<1x16xf32>,
        %get3A_1372 = vector.shape_cast %get3A_1371 : vector<1x16xf32> to vector<16xf32>
        %mul3A_1373 = arith.constant 8.000000e+00 : f32
        %mul3A_1374 = vector.broadcast %mul3A_1373 : f32 to vector<16xf32>
        %mul3A_1375 = arith.mulf %get3A_1372, %mul3A_1374 : vector<16xf32>
        %add3A_1376 = arith.addf %mul3A_1375, %get3A_1352 : vector<16xf32>
        %swap3A_1377 = arith.constant 5 : i32
        %swap3A_1378 = arith.index_cast %swap3A_1377 : i32 to index
        %swap3A_1379 = arith.index_cast %mul3A_1284 : i32 to index
        %swap3A_1380 = tpu.vector_load %arg7[%swap3A_1378, %swap3A_1379] {strides = array<i32>} : memref<16x1024xf32, #tpu.memory_space<vmem>>, vector<1x16xf32>,
        %swap3A_1381 = vector.shape_cast %swap3A_1380 : vector<1x16xf32> to vector<16xf32>
        %swap3A_1382 = vector.shape_cast %add3A_1376 : vector<16xf32> to vector<1x16xf32>
        tpu.vector_store %arg7[%swap3A_1378, %swap3A_1379], %swap3A_1382 {strides = array<i32>} : memref<16x1024xf32, #tpu.memory_space<vmem>>, vector<1x16xf32>,
        %get3A_1383 = arith.constant 9 : i32
        %get3A_1384 = arith.index_cast %get3A_1383 : i32 to index
        %get3A_1385 = arith.index_cast %mul3A_1284 : i32 to index
        %get3A_1386 = tpu.vector_load %arg7[%get3A_1384, %get3A_1385] {strides = array<i32>} : memref<16x1024xf32, #tpu.memory_space<vmem>>, vector<1x16xf32>,
        %get3A_1387 = vector.shape_cast %get3A_1386 : vector<1x16xf32> to vector<16xf32>
        %mul3A_1388 = arith.constant 8.000000e+00 : f32
        %mul3A_1389 = vector.broadcast %mul3A_1388 : f32 to vector<16xf32>
        %mul3A_1390 = arith.mulf %get3A_1387, %mul3A_1389 : vector<16xf32>
        %add3A_1391 = arith.addf %mul3A_1390, %get3A_1352 : vector<16xf32>
        %swap3A_1392 = arith.constant 9 : i32
        %swap3A_1393 = arith.index_cast %swap3A_1392 : i32 to index
        %swap3A_1394 = arith.index_cast %mul3A_1284 : i32 to index
        %swap3A_1395 = tpu.vector_load %arg7[%swap3A_1393, %swap3A_1394] {strides = array<i32>} : memref<16x1024xf32, #tpu.memory_space<vmem>>, vector<1x16xf32>,
        %swap3A_1396 = vector.shape_cast %swap3A_1395 : vector<1x16xf32> to vector<16xf32>
        %swap3A_1397 = vector.shape_cast %add3A_1391 : vector<16xf32> to vector<1x16xf32>
        tpu.vector_store %arg7[%swap3A_1393, %swap3A_1394], %swap3A_1397 {strides = array<i32>} : memref<16x1024xf32, #tpu.memory_space<vmem>>, vector<1x16xf32>,
        %get3A_1398 = arith.constant 13 : i32
        %get3A_1399 = arith.index_cast %get3A_1398 : i32 to index
        %get3A_1400 = arith.index_cast %mul3A_1284 : i32 to index
        %get3A_1401 = tpu.vector_load %arg7[%get3A_1399, %get3A_1400] {strides = array<i32>} : memref<16x1024xf32, #tpu.memory_space<vmem>>, vector<1x16xf32>,
        %get3A_1402 = vector.shape_cast %get3A_1401 : vector<1x16xf32> to vector<16xf32>
        %mul3A_1403 = arith.constant 8.000000e+00 : f32
        %mul3A_1404 = vector.broadcast %mul3A_1403 : f32 to vector<16xf32>
        %mul3A_1405 = arith.mulf %get3A_1402, %mul3A_1404 : vector<16xf32>
        %add3A_1406 = arith.addf %mul3A_1405, %get3A_1352 : vector<16xf32>
        %swap3A_1407 = arith.constant 13 : i32
        %swap3A_1408 = arith.index_cast %swap3A_1407 : i32 to index
        %swap3A_1409 = arith.index_cast %mul3A_1284 : i32 to index
        %swap3A_1410 = tpu.vector_load %arg7[%swap3A_1408, %swap3A_1409] {strides = array<i32>} : memref<16x1024xf32, #tpu.memory_space<vmem>>, vector<1x16xf32>,
        %swap3A_1411 = vector.shape_cast %swap3A_1410 : vector<1x16xf32> to vector<16xf32>
        %swap3A_1412 = vector.shape_cast %add3A_1406 : vector<16xf32> to vector<1x16xf32>
        tpu.vector_store %arg7[%swap3A_1408, %swap3A_1409], %swap3A_1412 {strides = array<i32>} : memref<16x1024xf32, #tpu.memory_space<vmem>>, vector<1x16xf32>,
        %get3A_1413 = arith.constant 2 : i32
        %get3A_1414 = arith.index_cast %get3A_1413 : i32 to index
        %get3A_1415 = arith.index_cast %mul3A_1284 : i32 to index
        %get3A_1416 = tpu.vector_load %arg11[%get3A_1414, %get3A_1415] {strides = array<i32>} : memref<4x1024xf32, #tpu.memory_space<vmem>>, vector<1x16xf32>,
        %get3A_1417 = vector.shape_cast %get3A_1416 : vector<1x16xf32> to vector<16xf32>
        %get3A_1418 = arith.constant 2 : i32
        %get3A_1419 = arith.index_cast %get3A_1418 : i32 to index
        %get3A_1420 = arith.index_cast %mul3A_1284 : i32 to index
        %get3A_1421 = tpu.vector_load %arg7[%get3A_1419, %get3A_1420] {strides = array<i32>} : memref<16x1024xf32, #tpu.memory_space<vmem>>, vector<1x16xf32>,
        %get3A_1422 = vector.shape_cast %get3A_1421 : vector<1x16xf32> to vector<16xf32>
        %mul3A_1423 = arith.constant 8.000000e+00 : f32
        %mul3A_1424 = vector.broadcast %mul3A_1423 : f32 to vector<16xf32>
        %mul3A_1425 = arith.mulf %get3A_1422, %mul3A_1424 : vector<16xf32>
        %add3A_1426 = arith.addf %mul3A_1425, %get3A_1417 : vector<16xf32>
        %swap3A_1427 = arith.constant 2 : i32
        %swap3A_1428 = arith.index_cast %swap3A_1427 : i32 to index
        %swap3A_1429 = arith.index_cast %mul3A_1284 : i32 to index
        %swap3A_1430 = tpu.vector_load %arg7[%swap3A_1428, %swap3A_1429] {strides = array<i32>} : memref<16x1024xf32, #tpu.memory_space<vmem>>, vector<1x16xf32>,
        %swap3A_1431 = vector.shape_cast %swap3A_1430 : vector<1x16xf32> to vector<16xf32>
        %swap3A_1432 = vector.shape_cast %add3A_1426 : vector<16xf32> to vector<1x16xf32>
        tpu.vector_store %arg7[%swap3A_1428, %swap3A_1429], %swap3A_1432 {strides = array<i32>} : memref<16x1024xf32, #tpu.memory_space<vmem>>, vector<1x16xf32>,
        %get3A_1433 = arith.constant 6 : i32
        %get3A_1434 = arith.index_cast %get3A_1433 : i32 to index
        %get3A_1435 = arith.index_cast %mul3A_1284 : i32 to index
        %get3A_1436 = tpu.vector_load %arg7[%get3A_1434, %get3A_1435] {strides = array<i32>} : memref<16x1024xf32, #tpu.memory_space<vmem>>, vector<1x16xf32>,
        %get3A_1437 = vector.shape_cast %get3A_1436 : vector<1x16xf32> to vector<16xf32>
        %mul3A_1438 = arith.constant 8.000000e+00 : f32
        %mul3A_1439 = vector.broadcast %mul3A_1438 : f32 to vector<16xf32>
        %mul3A_1440 = arith.mulf %get3A_1437, %mul3A_1439 : vector<16xf32>
        %add3A_1441 = arith.addf %mul3A_1440, %get3A_1417 : vector<16xf32>
        %swap3A_1442 = arith.constant 6 : i32
        %swap3A_1443 = arith.index_cast %swap3A_1442 : i32 to index
        %swap3A_1444 = arith.index_cast %mul3A_1284 : i32 to index
        %swap3A_1445 = tpu.vector_load %arg7[%swap3A_1443, %swap3A_1444] {strides = array<i32>} : memref<16x1024xf32, #tpu.memory_space<vmem>>, vector<1x16xf32>,
        %swap3A_1446 = vector.shape_cast %swap3A_1445 : vector<1x16xf32> to vector<16xf32>
        %swap3A_1447 = vector.shape_cast %add3A_1441 : vector<16xf32> to vector<1x16xf32>
        tpu.vector_store %arg7[%swap3A_1443, %swap3A_1444], %swap3A_1447 {strides = array<i32>} : memref<16x1024xf32, #tpu.memory_space<vmem>>, vector<1x16xf32>,
        %get3A_1448 = arith.constant 10 : i32
        %get3A_1449 = arith.index_cast %get3A_1448 : i32 to index
        %get3A_1450 = arith.index_cast %mul3A_1284 : i32 to index
        %get3A_1451 = tpu.vector_load %arg7[%get3A_1449, %get3A_1450] {strides = array<i32>} : memref<16x1024xf32, #tpu.memory_space<vmem>>, vector<1x16xf32>,
        %get3A_1452 = vector.shape_cast %get3A_1451 : vector<1x16xf32> to vector<16xf32>
        %mul3A_1453 = arith.constant 8.000000e+00 : f32
        %mul3A_1454 = vector.broadcast %mul3A_1453 : f32 to vector<16xf32>
        %mul3A_1455 = arith.mulf %get3A_1452, %mul3A_1454 : vector<16xf32>
        %add3A_1456 = arith.addf %mul3A_1455, %get3A_1417 : vector<16xf32>
        %swap3A_1457 = arith.constant 10 : i32
        %swap3A_1458 = arith.index_cast %swap3A_1457 : i32 to index
        %swap3A_1459 = arith.index_cast %mul3A_1284 : i32 to index
        %swap3A_1460 = tpu.vector_load %arg7[%swap3A_1458, %swap3A_1459] {strides = array<i32>} : memref<16x1024xf32, #tpu.memory_space<vmem>>, vector<1x16xf32>,
        %swap3A_1461 = vector.shape_cast %swap3A_1460 : vector<1x16xf32> to vector<16xf32>
        %swap3A_1462 = vector.shape_cast %add3A_1456 : vector<16xf32> to vector<1x16xf32>
        tpu.vector_store %arg7[%swap3A_1458, %swap3A_1459], %swap3A_1462 {strides = array<i32>} : memref<16x1024xf32, #tpu.memory_space<vmem>>, vector<1x16xf32>,
        %get3A_1463 = arith.constant 14 : i32
        %get3A_1464 = arith.index_cast %get3A_1463 : i32 to index
        %get3A_1465 = arith.index_cast %mul3A_1284 : i32 to index
        %get3A_1466 = tpu.vector_load %arg7[%get3A_1464, %get3A_1465] {strides = array<i32>} : memref<16x1024xf32, #tpu.memory_space<vmem>>, vector<1x16xf32>,
        %get3A_1467 = vector.shape_cast %get3A_1466 : vector<1x16xf32> to vector<16xf32>
        %mul3A_1468 = arith.constant 8.000000e+00 : f32
        %mul3A_1469 = vector.broadcast %mul3A_1468 : f32 to vector<16xf32>
        %mul3A_1470 = arith.mulf %get3A_1467, %mul3A_1469 : vector<16xf32>
        %add3A_1471 = arith.addf %mul3A_1470, %get3A_1417 : vector<16xf32>
        %swap3A_1472 = arith.constant 14 : i32
        %swap3A_1473 = arith.index_cast %swap3A_1472 : i32 to index
        %swap3A_1474 = arith.index_cast %mul3A_1284 : i32 to index
        %swap3A_1475 = tpu.vector_load %arg7[%swap3A_1473, %swap3A_1474] {strides = array<i32>} : memref<16x1024xf32, #tpu.memory_space<vmem>>, vector<1x16xf32>,
        %swap3A_1476 = vector.shape_cast %swap3A_1475 : vector<1x16xf32> to vector<16xf32>
        %swap3A_1477 = vector.shape_cast %add3A_1471 : vector<16xf32> to vector<1x16xf32>
        tpu.vector_store %arg7[%swap3A_1473, %swap3A_1474], %swap3A_1477 {strides = array<i32>} : memref<16x1024xf32, #tpu.memory_space<vmem>>, vector<1x16xf32>,
        %get3A_1478 = arith.constant 3 : i32
        %get3A_1479 = arith.index_cast %get3A_1478 : i32 to index
        %get3A_1480 = arith.index_cast %mul3A_1284 : i32 to index
        %get3A_1481 = tpu.vector_load %arg11[%get3A_1479, %get3A_1480] {strides = array<i32>} : memref<4x1024xf32, #tpu.memory_space<vmem>>, vector<1x16xf32>,
        %get3A_1482 = vector.shape_cast %get3A_1481 : vector<1x16xf32> to vector<16xf32>
        %get3A_1483 = arith.constant 3 : i32
        %get3A_1484 = arith.index_cast %get3A_1483 : i32 to index
        %get3A_1485 = arith.index_cast %mul3A_1284 : i32 to index
        %get3A_1486 = tpu.vector_load %arg7[%get3A_1484, %get3A_1485] {strides = array<i32>} : memref<16x1024xf32, #tpu.memory_space<vmem>>, vector<1x16xf32>,
        %get3A_1487 = vector.shape_cast %get3A_1486 : vector<1x16xf32> to vector<16xf32>
        %mul3A_1488 = arith.constant 8.000000e+00 : f32
        %mul3A_1489 = vector.broadcast %mul3A_1488 : f32 to vector<16xf32>
        %mul3A_1490 = arith.mulf %get3A_1487, %mul3A_1489 : vector<16xf32>
        %add3A_1491 = arith.addf %mul3A_1490, %get3A_1482 : vector<16xf32>
        %swap3A_1492 = arith.constant 3 : i32
        %swap3A_1493 = arith.index_cast %swap3A_1492 : i32 to index
        %swap3A_1494 = arith.index_cast %mul3A_1284 : i32 to index
        %swap3A_1495 = tpu.vector_load %arg7[%swap3A_1493, %swap3A_1494] {strides = array<i32>} : memref<16x1024xf32, #tpu.memory_space<vmem>>, vector<1x16xf32>,
        %swap3A_1496 = vector.shape_cast %swap3A_1495 : vector<1x16xf32> to vector<16xf32>
        %swap3A_1497 = vector.shape_cast %add3A_1491 : vector<16xf32> to vector<1x16xf32>
        tpu.vector_store %arg7[%swap3A_1493, %swap3A_1494], %swap3A_1497 {strides = array<i32>} : memref<16x1024xf32, #tpu.memory_space<vmem>>, vector<1x16xf32>,
        %get3A_1498 = arith.constant 7 : i32
        %get3A_1499 = arith.index_cast %get3A_1498 : i32 to index
        %get3A_1500 = arith.index_cast %mul3A_1284 : i32 to index
        %get3A_1501 = tpu.vector_load %arg7[%get3A_1499, %get3A_1500] {strides = array<i32>} : memref<16x1024xf32, #tpu.memory_space<vmem>>, vector<1x16xf32>,
        %get3A_1502 = vector.shape_cast %get3A_1501 : vector<1x16xf32> to vector<16xf32>
        %mul3A_1503 = arith.constant 8.000000e+00 : f32
        %mul3A_1504 = vector.broadcast %mul3A_1503 : f32 to vector<16xf32>
        %mul3A_1505 = arith.mulf %get3A_1502, %mul3A_1504 : vector<16xf32>
        %add3A_1506 = arith.addf %mul3A_1505, %get3A_1482 : vector<16xf32>
        %swap3A_1507 = arith.constant 7 : i32
        %swap3A_1508 = arith.index_cast %swap3A_1507 : i32 to index
        %swap3A_1509 = arith.index_cast %mul3A_1284 : i32 to index
        %swap3A_1510 = tpu.vector_load %arg7[%swap3A_1508, %swap3A_1509] {strides = array<i32>} : memref<16x1024xf32, #tpu.memory_space<vmem>>, vector<1x16xf32>,
        %swap3A_1511 = vector.shape_cast %swap3A_1510 : vector<1x16xf32> to vector<16xf32>
        %swap3A_1512 = vector.shape_cast %add3A_1506 : vector<16xf32> to vector<1x16xf32>
        tpu.vector_store %arg7[%swap3A_1508, %swap3A_1509], %swap3A_1512 {strides = array<i32>} : memref<16x1024xf32, #tpu.memory_space<vmem>>, vector<1x16xf32>,
        %get3A_1513 = arith.constant 11 : i32
        %get3A_1514 = arith.index_cast %get3A_1513 : i32 to index
        %get3A_1515 = arith.index_cast %mul3A_1284 : i32 to index
        %get3A_1516 = tpu.vector_load %arg7[%get3A_1514, %get3A_1515] {strides = array<i32>} : memref<16x1024xf32, #tpu.memory_space<vmem>>, vector<1x16xf32>,
        %get3A_1517 = vector.shape_cast %get3A_1516 : vector<1x16xf32> to vector<16xf32>
        %mul3A_1518 = arith.constant 8.000000e+00 : f32
        %mul3A_1519 = vector.broadcast %mul3A_1518 : f32 to vector<16xf32>
        %mul3A_1520 = arith.mulf %get3A_1517, %mul3A_1519 : vector<16xf32>
        %add3A_1521 = arith.addf %mul3A_1520, %get3A_1482 : vector<16xf32>
        %swap3A_1522 = arith.constant 11 : i32
        %swap3A_1523 = arith.index_cast %swap3A_1522 : i32 to index
        %swap3A_1524 = arith.index_cast %mul3A_1284 : i32 to index
        %swap3A_1525 = tpu.vector_load %arg7[%swap3A_1523, %swap3A_1524] {strides = array<i32>} : memref<16x1024xf32, #tpu.memory_space<vmem>>, vector<1x16xf32>,
        %swap3A_1526 = vector.shape_cast %swap3A_1525 : vector<1x16xf32> to vector<16xf32>
        %swap3A_1527 = vector.shape_cast %add3A_1521 : vector<16xf32> to vector<1x16xf32>
        tpu.vector_store %arg7[%swap3A_1523, %swap3A_1524], %swap3A_1527 {strides = array<i32>} : memref<16x1024xf32, #tpu.memory_space<vmem>>, vector<1x16xf32>,
        %get3A_1528 = arith.constant 15 : i32
        %get3A_1529 = arith.index_cast %get3A_1528 : i32 to index
        %get3A_1530 = arith.index_cast %mul3A_1284 : i32 to index
        %get3A_1531 = tpu.vector_load %arg7[%get3A_1529, %get3A_1530] {strides = array<i32>} : memref<16x1024xf32, #tpu.memory_space<vmem>>, vector<1x16xf32>,
        %get3A_1532 = vector.shape_cast %get3A_1531 : vector<1x16xf32> to vector<16xf32>
        %mul3A_1533 = arith.constant 8.000000e+00 : f32
        %mul3A_1534 = vector.broadcast %mul3A_1533 : f32 to vector<16xf32>
        %mul3A_1535 = arith.mulf %get3A_1532, %mul3A_1534 : vector<16xf32>
        %add3A_1536 = arith.addf %mul3A_1535, %get3A_1482 : vector<16xf32>
        %swap3A_1537 = arith.constant 15 : i32
        %swap3A_1538 = arith.index_cast %swap3A_1537 : i32 to index
        %swap3A_1539 = arith.index_cast %mul3A_1284 : i32 to index
        %swap3A_1540 = tpu.vector_load %arg7[%swap3A_1538, %swap3A_1539] {strides = array<i32>} : memref<16x1024xf32, #tpu.memory_space<vmem>>, vector<1x16xf32>,
        %swap3A_1541 = vector.shape_cast %swap3A_1540 : vector<1x16xf32> to vector<16xf32>
        %swap3A_1542 = vector.shape_cast %add3A_1536 : vector<16xf32> to vector<1x16xf32>
        tpu.vector_store %arg7[%swap3A_1538, %swap3A_1539], %swap3A_1542 {strides = array<i32>} : memref<16x1024xf32, #tpu.memory_space<vmem>>, vector<1x16xf32>,
      }
      %scan3A_681 = arith.constant 64 : i32
      %add3A_682 = arith.constant 0 : i32
      %add3A_683 = arith.addi %add3A_682, %mul3A_2 : i32
      %mul3A_684 = arith.constant 4 : i32
      %mul3A_685 = arith.muli %add3A_572, %mul3A_684 : i32
      %add3A_686 = arith.addi %add3A_683, %mul3A_685 : i32
      %dma_start3A_687 = arith.constant 0 : i32
      %dma_start3A_688 = arith.constant 0 : i32
      %dma_start3A_689 = tpu.memref_slice %arg7[%dma_start3A_687, %dma_start3A_688] : memref<16x1024xf32, #tpu.memory_space<vmem>> -> memref<4x1024xf32, #tpu.memory_space<vmem>>
      %dma_start3A_690 = arith.constant 0 : i32
      %dma_start3A_691 = tpu.memref_slice %arg5[%add3A_686, %dma_start3A_690] : memref<16384x1024xf32, #tpu.memory_space<hbm>> -> memref<4x1024xf32, #tpu.memory_space<hbm>>
      %dma_start3A_692 = arith.constant 0 : i32
      %dma_start3A_693 = tpu.memref_slice %arg5[%add3A_686, %dma_start3A_692] : memref<16384x1024xf32, #tpu.memory_space<hbm>> -> memref<4x1024xf32, #tpu.memory_space<hbm>>
      %dma_start3A_694 = arith.constant 0 : i32
      %dma_start3A_695 = arith.constant 0 : i32
      %dma_start3A_696 = tpu.memref_slice %arg7[%dma_start3A_694, %dma_start3A_695] : memref<16x1024xf32, #tpu.memory_space<vmem>> -> memref<4x1024xf32, #tpu.memory_space<vmem>>
      tpu.enqueue_dma source(%dma_start3A_696 : memref<4x1024xf32, #tpu.memory_space<vmem>>) target(%dma_start3A_693 : memref<4x1024xf32, #tpu.memory_space<hbm>>) target_semaphore(%arg17 : memref<!tpu.dma_semaphore, #tpu.memory_space<semaphore_mem>>)
      %add3A_697 = arith.constant 4096 : i32
      %add3A_698 = arith.addi %add3A_697, %mul3A_2 : i32
      %mul3A_699 = arith.constant 4 : i32
      %mul3A_700 = arith.muli %add3A_572, %mul3A_699 : i32
      %add3A_701 = arith.addi %add3A_698, %mul3A_700 : i32
      %dma_start3A_702 = arith.constant 4 : i32
      %dma_start3A_703 = arith.constant 0 : i32
      %dma_start3A_704 = tpu.memref_slice %arg7[%dma_start3A_702, %dma_start3A_703] : memref<16x1024xf32, #tpu.memory_space<vmem>> -> memref<4x1024xf32, #tpu.memory_space<vmem>>
      %dma_start3A_705 = arith.constant 0 : i32
      %dma_start3A_706 = tpu.memref_slice %arg5[%add3A_701, %dma_start3A_705] : memref<16384x1024xf32, #tpu.memory_space<hbm>> -> memref<4x1024xf32, #tpu.memory_space<hbm>>
      %dma_start3A_707 = arith.constant 0 : i32
      %dma_start3A_708 = tpu.memref_slice %arg5[%add3A_701, %dma_start3A_707] : memref<16384x1024xf32, #tpu.memory_space<hbm>> -> memref<4x1024xf32, #tpu.memory_space<hbm>>
      %dma_start3A_709 = arith.constant 4 : i32
      %dma_start3A_710 = arith.constant 0 : i32
      %dma_start3A_711 = tpu.memref_slice %arg7[%dma_start3A_709, %dma_start3A_710] : memref<16x1024xf32, #tpu.memory_space<vmem>> -> memref<4x1024xf32, #tpu.memory_space<vmem>>
      tpu.enqueue_dma source(%dma_start3A_711 : memref<4x1024xf32, #tpu.memory_space<vmem>>) target(%dma_start3A_708 : memref<4x1024xf32, #tpu.memory_space<hbm>>) target_semaphore(%arg17 : memref<!tpu.dma_semaphore, #tpu.memory_space<semaphore_mem>>)
      %add3A_712 = arith.constant 8192 : i32
      %add3A_713 = arith.addi %add3A_712, %mul3A_2 : i32
      %mul3A_714 = arith.constant 4 : i32
      %mul3A_715 = arith.muli %add3A_572, %mul3A_714 : i32
      %add3A_716 = arith.addi %add3A_713, %mul3A_715 : i32
      %dma_start3A_717 = arith.constant 8 : i32
      %dma_start3A_718 = arith.constant 0 : i32
      %dma_start3A_719 = tpu.memref_slice %arg7[%dma_start3A_717, %dma_start3A_718] : memref<16x1024xf32, #tpu.memory_space<vmem>> -> memref<4x1024xf32, #tpu.memory_space<vmem>>
      %dma_start3A_720 = arith.constant 0 : i32
      %dma_start3A_721 = tpu.memref_slice %arg5[%add3A_716, %dma_start3A_720] : memref<16384x1024xf32, #tpu.memory_space<hbm>> -> memref<4x1024xf32, #tpu.memory_space<hbm>>
      %dma_start3A_722 = arith.constant 0 : i32
      %dma_start3A_723 = tpu.memref_slice %arg5[%add3A_716, %dma_start3A_722] : memref<16384x1024xf32, #tpu.memory_space<hbm>> -> memref<4x1024xf32, #tpu.memory_space<hbm>>
      %dma_start3A_724 = arith.constant 8 : i32
      %dma_start3A_725 = arith.constant 0 : i32
      %dma_start3A_726 = tpu.memref_slice %arg7[%dma_start3A_724, %dma_start3A_725] : memref<16x1024xf32, #tpu.memory_space<vmem>> -> memref<4x1024xf32, #tpu.memory_space<vmem>>
      tpu.enqueue_dma source(%dma_start3A_726 : memref<4x1024xf32, #tpu.memory_space<vmem>>) target(%dma_start3A_723 : memref<4x1024xf32, #tpu.memory_space<hbm>>) target_semaphore(%arg17 : memref<!tpu.dma_semaphore, #tpu.memory_space<semaphore_mem>>)
      %add3A_727 = arith.constant 12288 : i32
      %add3A_728 = arith.addi %add3A_727, %mul3A_2 : i32
      %mul3A_729 = arith.constant 4 : i32
      %mul3A_730 = arith.muli %add3A_572, %mul3A_729 : i32
      %add3A_731 = arith.addi %add3A_728, %mul3A_730 : i32
      %dma_start3A_732 = arith.constant 12 : i32
      %dma_start3A_733 = arith.constant 0 : i32
      %dma_start3A_734 = tpu.memref_slice %arg7[%dma_start3A_732, %dma_start3A_733] : memref<16x1024xf32, #tpu.memory_space<vmem>> -> memref<4x1024xf32, #tpu.memory_space<vmem>>
      %dma_start3A_735 = arith.constant 0 : i32
      %dma_start3A_736 = tpu.memref_slice %arg5[%add3A_731, %dma_start3A_735] : memref<16384x1024xf32, #tpu.memory_space<hbm>> -> memref<4x1024xf32, #tpu.memory_space<hbm>>
      %dma_start3A_737 = arith.constant 0 : i32
      %dma_start3A_738 = tpu.memref_slice %arg5[%add3A_731, %dma_start3A_737] : memref<16384x1024xf32, #tpu.memory_space<hbm>> -> memref<4x1024xf32, #tpu.memory_space<hbm>>
      %dma_start3A_739 = arith.constant 12 : i32
      %dma_start3A_740 = arith.constant 0 : i32
      %dma_start3A_741 = tpu.memref_slice %arg7[%dma_start3A_739, %dma_start3A_740] : memref<16x1024xf32, #tpu.memory_space<vmem>> -> memref<4x1024xf32, #tpu.memory_space<vmem>>
      tpu.enqueue_dma source(%dma_start3A_741 : memref<4x1024xf32, #tpu.memory_space<vmem>>) target(%dma_start3A_738 : memref<4x1024xf32, #tpu.memory_space<hbm>>) target_semaphore(%arg17 : memref<!tpu.dma_semaphore, #tpu.memory_space<semaphore_mem>>)
      %mul3A_742 = arith.constant 4 : i32
      %mul3A_743 = arith.muli %scan3A_568, %mul3A_742 : i32
      %add3A_744 = arith.constant 1 : i32
      %add3A_745 = arith.addi %mul3A_743, %add3A_744 : i32
      %add3A_746 = arith.constant 1 : i32
      %add3A_747 = arith.addi %add3A_745, %add3A_746 : i32
      %jit3A_748 = arith.constant 32 : i32
      %eq3A_749 = arith.constant 0 : i32
      %eq3A_750 = arith.cmpi eq, %jit3A_748, %eq3A_749 : i32
      %jit3A_751 = arith.constant 1 : i32
      %select_n3A_752 = arith.select %eq3A_750, %jit3A_751, %jit3A_748 : i32
      %rem3A_753 = arith.remsi %add3A_747, %select_n3A_752 : i32
      %ne3A_754 = arith.constant 0 : i32
      %ne3A_755 = arith.cmpi ne, %rem3A_753, %ne3A_754 : i32
      %lt3A_756 = arith.constant 0 : i32
      %lt3A_757 = arith.cmpi slt, %rem3A_753, %lt3A_756 : i32
      %lt3A_758 = arith.constant 0 : i32
      %lt3A_759 = arith.cmpi slt, %select_n3A_752, %lt3A_758 : i32
      %ne3A_760 = arith.xori %lt3A_757, %lt3A_759 : i1
      %and3A_761 = arith.andi %ne3A_760, %ne3A_755 : i1
      %add3A_762 = arith.addi %rem3A_753, %select_n3A_752 : i32
      %select_n3A_763 = arith.select %and3A_761, %add3A_762, %rem3A_753 : i32
      %mul3A_764 = arith.constant 4 : i32
      %mul3A_765 = arith.muli %select_n3A_763, %mul3A_764 : i32
      %add3A_766 = arith.addi %mul3A_2, %mul3A_765 : i32
      %dma_start3A_767 = arith.constant 0 : i32
      %dma_start3A_768 = tpu.memref_slice %arg4[%add3A_766, %dma_start3A_767] : memref<4096x1024xf32, #tpu.memory_space<hbm>> -> memref<4x1024xf32, #tpu.memory_space<hbm>>
      %dma_start3A_769 = arith.constant 0 : i32
      %dma_start3A_770 = tpu.memref_slice %arg4[%add3A_766, %dma_start3A_769] : memref<4096x1024xf32, #tpu.memory_space<hbm>> -> memref<4x1024xf32, #tpu.memory_space<hbm>>
      tpu.enqueue_dma source(%dma_start3A_770 : memref<4x1024xf32, #tpu.memory_space<hbm>>) target(%arg11 : memref<4x1024xf32, #tpu.memory_space<vmem>>) target_semaphore(%arg21 : memref<!tpu.dma_semaphore, #tpu.memory_space<semaphore_mem>>)
      %dma_wait3A_771 = arith.constant 0 : i32
      %dma_wait3A_772 = arith.constant 0 : i32
      %dma_wait3A_773 = tpu.memref_slice %arg10[%dma_wait3A_771, %dma_wait3A_772] : memref<16x1024xf32, #tpu.memory_space<vmem>> -> memref<4x1024xf32, #tpu.memory_space<vmem>>
      %dma_wait3A_774 = arith.constant 0 : i32
      %dma_wait3A_775 = arith.constant 0 : i32
      %dma_wait3A_776 = tpu.memref_slice %arg5[%dma_wait3A_774, %dma_wait3A_775] : memref<16384x1024xf32, #tpu.memory_space<hbm>> -> memref<4x1024xf32, #tpu.memory_space<hbm>>
      %dma_wait3A_777 = arith.constant 0 : i32
      %dma_wait3A_778 = arith.constant 0 : i32
      %dma_wait3A_779 = tpu.memref_slice %arg5[%dma_wait3A_777, %dma_wait3A_778] : memref<16384x1024xf32, #tpu.memory_space<hbm>> -> memref<4x1024xf32, #tpu.memory_space<hbm>>
      %dma_wait3A_780 = arith.constant 0 : i32
      %dma_wait3A_781 = arith.constant 0 : i32
      %dma_wait3A_782 = tpu.memref_slice %arg10[%dma_wait3A_780, %dma_wait3A_781] : memref<16x1024xf32, #tpu.memory_space<vmem>> -> memref<4x1024xf32, #tpu.memory_space<vmem>>
      tpu.wait_dma2 semaphore(%arg20 : memref<!tpu.dma_semaphore, #tpu.memory_space<semaphore_mem>>) src(%dma_wait3A_782 : memref<4x1024xf32, #tpu.memory_space<vmem>>) dst(%dma_wait3A_779 : memref<4x1024xf32, #tpu.memory_space<hbm>>)
      %dma_wait3A_783 = arith.constant 0 : i32
      %dma_wait3A_784 = arith.constant 0 : i32
      %dma_wait3A_785 = tpu.memref_slice %arg10[%dma_wait3A_783, %dma_wait3A_784] : memref<16x1024xf32, #tpu.memory_space<vmem>> -> memref<4x1024xf32, #tpu.memory_space<vmem>>
      %dma_wait3A_786 = arith.constant 0 : i32
      %dma_wait3A_787 = arith.constant 0 : i32
      %dma_wait3A_788 = tpu.memref_slice %arg5[%dma_wait3A_786, %dma_wait3A_787] : memref<16384x1024xf32, #tpu.memory_space<hbm>> -> memref<4x1024xf32, #tpu.memory_space<hbm>>
      %dma_wait3A_789 = arith.constant 0 : i32
      %dma_wait3A_790 = arith.constant 0 : i32
      %dma_wait3A_791 = tpu.memref_slice %arg5[%dma_wait3A_789, %dma_wait3A_790] : memref<16384x1024xf32, #tpu.memory_space<hbm>> -> memref<4x1024xf32, #tpu.memory_space<hbm>>
      %dma_wait3A_792 = arith.constant 0 : i32
      %dma_wait3A_793 = arith.constant 0 : i32
      %dma_wait3A_794 = tpu.memref_slice %arg10[%dma_wait3A_792, %dma_wait3A_793] : memref<16x1024xf32, #tpu.memory_space<vmem>> -> memref<4x1024xf32, #tpu.memory_space<vmem>>
      tpu.wait_dma2 semaphore(%arg20 : memref<!tpu.dma_semaphore, #tpu.memory_space<semaphore_mem>>) src(%dma_wait3A_794 : memref<4x1024xf32, #tpu.memory_space<vmem>>) dst(%dma_wait3A_791 : memref<4x1024xf32, #tpu.memory_space<hbm>>)
      %dma_wait3A_795 = arith.constant 0 : i32
      %dma_wait3A_796 = arith.constant 0 : i32
      %dma_wait3A_797 = tpu.memref_slice %arg10[%dma_wait3A_795, %dma_wait3A_796] : memref<16x1024xf32, #tpu.memory_space<vmem>> -> memref<4x1024xf32, #tpu.memory_space<vmem>>
      %dma_wait3A_798 = arith.constant 0 : i32
      %dma_wait3A_799 = arith.constant 0 : i32
      %dma_wait3A_800 = tpu.memref_slice %arg5[%dma_wait3A_798, %dma_wait3A_799] : memref<16384x1024xf32, #tpu.memory_space<hbm>> -> memref<4x1024xf32, #tpu.memory_space<hbm>>
      %dma_wait3A_801 = arith.constant 0 : i32
      %dma_wait3A_802 = arith.constant 0 : i32
      %dma_wait3A_803 = tpu.memref_slice %arg5[%dma_wait3A_801, %dma_wait3A_802] : memref<16384x1024xf32, #tpu.memory_space<hbm>> -> memref<4x1024xf32, #tpu.memory_space<hbm>>
      %dma_wait3A_804 = arith.constant 0 : i32
      %dma_wait3A_805 = arith.constant 0 : i32
      %dma_wait3A_806 = tpu.memref_slice %arg10[%dma_wait3A_804, %dma_wait3A_805] : memref<16x1024xf32, #tpu.memory_space<vmem>> -> memref<4x1024xf32, #tpu.memory_space<vmem>>
      tpu.wait_dma2 semaphore(%arg20 : memref<!tpu.dma_semaphore, #tpu.memory_space<semaphore_mem>>) src(%dma_wait3A_806 : memref<4x1024xf32, #tpu.memory_space<vmem>>) dst(%dma_wait3A_803 : memref<4x1024xf32, #tpu.memory_space<hbm>>)
      %dma_wait3A_807 = arith.constant 0 : i32
      %dma_wait3A_808 = arith.constant 0 : i32
      %dma_wait3A_809 = tpu.memref_slice %arg10[%dma_wait3A_807, %dma_wait3A_808] : memref<16x1024xf32, #tpu.memory_space<vmem>> -> memref<4x1024xf32, #tpu.memory_space<vmem>>
      %dma_wait3A_810 = arith.constant 0 : i32
      %dma_wait3A_811 = arith.constant 0 : i32
      %dma_wait3A_812 = tpu.memref_slice %arg5[%dma_wait3A_810, %dma_wait3A_811] : memref<16384x1024xf32, #tpu.memory_space<hbm>> -> memref<4x1024xf32, #tpu.memory_space<hbm>>
      %dma_wait3A_813 = arith.constant 0 : i32
      %dma_wait3A_814 = arith.constant 0 : i32
      %dma_wait3A_815 = tpu.memref_slice %arg5[%dma_wait3A_813, %dma_wait3A_814] : memref<16384x1024xf32, #tpu.memory_space<hbm>> -> memref<4x1024xf32, #tpu.memory_space<hbm>>
      %dma_wait3A_816 = arith.constant 0 : i32
      %dma_wait3A_817 = arith.constant 0 : i32
      %dma_wait3A_818 = tpu.memref_slice %arg10[%dma_wait3A_816, %dma_wait3A_817] : memref<16x1024xf32, #tpu.memory_space<vmem>> -> memref<4x1024xf32, #tpu.memory_space<vmem>>
      tpu.wait_dma2 semaphore(%arg20 : memref<!tpu.dma_semaphore, #tpu.memory_space<semaphore_mem>>) src(%dma_wait3A_818 : memref<4x1024xf32, #tpu.memory_space<vmem>>) dst(%dma_wait3A_815 : memref<4x1024xf32, #tpu.memory_space<hbm>>)
      %add3A_819 = arith.constant 2 : i32
      %add3A_820 = arith.addi %add3A_745, %add3A_819 : i32
      %jit3A_821 = arith.constant 32 : i32
      %eq3A_822 = arith.constant 0 : i32
      %eq3A_823 = arith.cmpi eq, %jit3A_821, %eq3A_822 : i32
      %jit3A_824 = arith.constant 1 : i32
      %select_n3A_825 = arith.select %eq3A_823, %jit3A_824, %jit3A_821 : i32
      %rem3A_826 = arith.remsi %add3A_820, %select_n3A_825 : i32
      %ne3A_827 = arith.constant 0 : i32
      %ne3A_828 = arith.cmpi ne, %rem3A_826, %ne3A_827 : i32
      %lt3A_829 = arith.constant 0 : i32
      %lt3A_830 = arith.cmpi slt, %rem3A_826, %lt3A_829 : i32
      %lt3A_831 = arith.constant 0 : i32
      %lt3A_832 = arith.cmpi slt, %select_n3A_825, %lt3A_831 : i32
      %ne3A_833 = arith.xori %lt3A_830, %lt3A_832 : i1
      %and3A_834 = arith.andi %ne3A_833, %ne3A_828 : i1
      %add3A_835 = arith.addi %rem3A_826, %select_n3A_825 : i32
      %select_n3A_836 = arith.select %and3A_834, %add3A_835, %rem3A_826 : i32
      %mul3A_837 = arith.constant 16 : i32
      %mul3A_838 = arith.muli %select_n3A_836, %mul3A_837 : i32
      %dma_start3A_839 = tpu.memref_slice %arg6[%mul3A_838] : memref<512xi32, #tpu.memory_space<vmem>> -> memref<16xi32, #tpu.memory_space<vmem>>
      %dma_start3A_840 = arith.constant 0 : i32
      %dma_start3A_841 = arith.constant 0 : i32
      %dma_start3A_842 = tpu.memref_slice %arg3[%dma_start3A_840, %dma_start3A_841] : memref<100000x1024xf32, #tpu.memory_space<hbm>> -> memref<100000x1024xf32, #tpu.memory_space<hbm>>
      tpu.enqueue_indirect_dma source(%dma_start3A_842 : memref<100000x1024xf32, #tpu.memory_space<hbm>>) target(%arg10 : memref<16x1024xf32, #tpu.memory_space<vmem>>) offsets(%dma_start3A_839 : memref<16xi32, #tpu.memory_space<vmem>>) semaphore(%arg16 : memref<!tpu.dma_semaphore, #tpu.memory_space<semaphore_mem>>)
      %mul3A_843 = arith.constant 4 : i32
      %mul3A_844 = arith.muli %add3A_745, %mul3A_843 : i32
      %add3A_845 = arith.addi %mul3A_2, %mul3A_844 : i32
      %dma_wait3A_846 = arith.constant 0 : i32
      %dma_wait3A_847 = tpu.memref_slice %arg4[%add3A_845, %dma_wait3A_846] : memref<4096x1024xf32, #tpu.memory_space<hbm>> -> memref<4x1024xf32, #tpu.memory_space<hbm>>
      %dma_wait3A_848 = arith.constant 0 : i32
      %dma_wait3A_849 = tpu.memref_slice %arg4[%add3A_845, %dma_wait3A_848] : memref<4096x1024xf32, #tpu.memory_space<hbm>> -> memref<4x1024xf32, #tpu.memory_space<hbm>>
      tpu.wait_dma2 semaphore(%arg22 : memref<!tpu.dma_semaphore, #tpu.memory_space<semaphore_mem>>) src(%dma_wait3A_849 : memref<4x1024xf32, #tpu.memory_space<hbm>>) dst(%arg12 : memref<4x1024xf32, #tpu.memory_space<vmem>>)
      %mul3A_850 = arith.constant 16 : i32
      %mul3A_851 = arith.muli %add3A_745, %mul3A_850 : i32
      %dma_wait3A_852 = tpu.memref_slice %arg6[%mul3A_851] : memref<512xi32, #tpu.memory_space<vmem>> -> memref<16xi32, #tpu.memory_space<vmem>>
      %dma_wait3A_853 = arith.constant 0 : i32
      %dma_wait3A_854 = arith.constant 0 : i32
      %dma_wait3A_855 = tpu.memref_slice %arg3[%dma_wait3A_853, %dma_wait3A_854] : memref<100000x1024xf32, #tpu.memory_space<hbm>> -> memref<100000x1024xf32, #tpu.memory_space<hbm>>
      tpu.wait_indirect_dma semaphore(%arg14 : memref<!tpu.dma_semaphore, #tpu.memory_space<semaphore_mem>>) src(%dma_wait3A_855 : memref<100000x1024xf32, #tpu.memory_space<hbm>>) dst(%arg8 : memref<16x1024xf32, #tpu.memory_space<vmem>>)
      %scan3A_856 = arith.constant 0 : i32
      %scan3A_857 = arith.constant 0 : i32
      %scan3A_858 = arith.constant 64 : i32
      %scan3A_859 = arith.addi %scan3A_857, %scan3A_858 : i32
      %scan3A_860 = arith.constant 1 : i32
      scf.for %scan3A_1282 = %scan3A_857 to %scan3A_859 step %scan3A_860  : i32 {
        %mul3A_1283 = arith.constant 16 : i32
        %mul3A_1284 = arith.muli %scan3A_1282, %mul3A_1283 : i32
        %get3A = arith.constant 0 : i32
        %get3A_1285 = arith.index_cast %get3A : i32 to index
        %get3A_1286 = arith.index_cast %mul3A_1284 : i32 to index
        %get3A_1287 = tpu.vector_load %arg12[%get3A_1285, %get3A_1286] {strides = array<i32>} : memref<4x1024xf32, #tpu.memory_space<vmem>>, vector<1x16xf32>,
        %get3A_1288 = vector.shape_cast %get3A_1287 : vector<1x16xf32> to vector<16xf32>
        %get3A_1289 = arith.constant 0 : i32
        %get3A_1290 = arith.index_cast %get3A_1289 : i32 to index
        %get3A_1291 = arith.index_cast %mul3A_1284 : i32 to index
        %get3A_1292 = tpu.vector_load %arg8[%get3A_1290, %get3A_1291] {strides = array<i32>} : memref<16x1024xf32, #tpu.memory_space<vmem>>, vector<1x16xf32>,
        %get3A_1293 = vector.shape_cast %get3A_1292 : vector<1x16xf32> to vector<16xf32>
        %mul3A_1294 = arith.constant 8.000000e+00 : f32
        %mul3A_1295 = vector.broadcast %mul3A_1294 : f32 to vector<16xf32>
        %mul3A_1296 = arith.mulf %get3A_1293, %mul3A_1295 : vector<16xf32>
        %add3A_1297 = arith.addf %mul3A_1296, %get3A_1288 : vector<16xf32>
        %swap3A = arith.constant 0 : i32
        %swap3A_1298 = arith.index_cast %swap3A : i32 to index
        %swap3A_1299 = arith.index_cast %mul3A_1284 : i32 to index
        %swap3A_1300 = tpu.vector_load %arg8[%swap3A_1298, %swap3A_1299] {strides = array<i32>} : memref<16x1024xf32, #tpu.memory_space<vmem>>, vector<1x16xf32>,
        %swap3A_1301 = vector.shape_cast %swap3A_1300 : vector<1x16xf32> to vector<16xf32>
        %swap3A_1302 = vector.shape_cast %add3A_1297 : vector<16xf32> to vector<1x16xf32>
        tpu.vector_store %arg8[%swap3A_1298, %swap3A_1299], %swap3A_1302 {strides = array<i32>} : memref<16x1024xf32, #tpu.memory_space<vmem>>, vector<1x16xf32>,
        %get3A_1303 = arith.constant 4 : i32
        %get3A_1304 = arith.index_cast %get3A_1303 : i32 to index
        %get3A_1305 = arith.index_cast %mul3A_1284 : i32 to index
        %get3A_1306 = tpu.vector_load %arg8[%get3A_1304, %get3A_1305] {strides = array<i32>} : memref<16x1024xf32, #tpu.memory_space<vmem>>, vector<1x16xf32>,
        %get3A_1307 = vector.shape_cast %get3A_1306 : vector<1x16xf32> to vector<16xf32>
        %mul3A_1308 = arith.constant 8.000000e+00 : f32
        %mul3A_1309 = vector.broadcast %mul3A_1308 : f32 to vector<16xf32>
        %mul3A_1310 = arith.mulf %get3A_1307, %mul3A_1309 : vector<16xf32>
        %add3A_1311 = arith.addf %mul3A_1310, %get3A_1288 : vector<16xf32>
        %swap3A_1312 = arith.constant 4 : i32
        %swap3A_1313 = arith.index_cast %swap3A_1312 : i32 to index
        %swap3A_1314 = arith.index_cast %mul3A_1284 : i32 to index
        %swap3A_1315 = tpu.vector_load %arg8[%swap3A_1313, %swap3A_1314] {strides = array<i32>} : memref<16x1024xf32, #tpu.memory_space<vmem>>, vector<1x16xf32>,
        %swap3A_1316 = vector.shape_cast %swap3A_1315 : vector<1x16xf32> to vector<16xf32>
        %swap3A_1317 = vector.shape_cast %add3A_1311 : vector<16xf32> to vector<1x16xf32>
        tpu.vector_store %arg8[%swap3A_1313, %swap3A_1314], %swap3A_1317 {strides = array<i32>} : memref<16x1024xf32, #tpu.memory_space<vmem>>, vector<1x16xf32>,
        %get3A_1318 = arith.constant 8 : i32
        %get3A_1319 = arith.index_cast %get3A_1318 : i32 to index
        %get3A_1320 = arith.index_cast %mul3A_1284 : i32 to index
        %get3A_1321 = tpu.vector_load %arg8[%get3A_1319, %get3A_1320] {strides = array<i32>} : memref<16x1024xf32, #tpu.memory_space<vmem>>, vector<1x16xf32>,
        %get3A_1322 = vector.shape_cast %get3A_1321 : vector<1x16xf32> to vector<16xf32>
        %mul3A_1323 = arith.constant 8.000000e+00 : f32
        %mul3A_1324 = vector.broadcast %mul3A_1323 : f32 to vector<16xf32>
        %mul3A_1325 = arith.mulf %get3A_1322, %mul3A_1324 : vector<16xf32>
        %add3A_1326 = arith.addf %mul3A_1325, %get3A_1288 : vector<16xf32>
        %swap3A_1327 = arith.constant 8 : i32
        %swap3A_1328 = arith.index_cast %swap3A_1327 : i32 to index
        %swap3A_1329 = arith.index_cast %mul3A_1284 : i32 to index
        %swap3A_1330 = tpu.vector_load %arg8[%swap3A_1328, %swap3A_1329] {strides = array<i32>} : memref<16x1024xf32, #tpu.memory_space<vmem>>, vector<1x16xf32>,
        %swap3A_1331 = vector.shape_cast %swap3A_1330 : vector<1x16xf32> to vector<16xf32>
        %swap3A_1332 = vector.shape_cast %add3A_1326 : vector<16xf32> to vector<1x16xf32>
        tpu.vector_store %arg8[%swap3A_1328, %swap3A_1329], %swap3A_1332 {strides = array<i32>} : memref<16x1024xf32, #tpu.memory_space<vmem>>, vector<1x16xf32>,
        %get3A_1333 = arith.constant 12 : i32
        %get3A_1334 = arith.index_cast %get3A_1333 : i32 to index
        %get3A_1335 = arith.index_cast %mul3A_1284 : i32 to index
        %get3A_1336 = tpu.vector_load %arg8[%get3A_1334, %get3A_1335] {strides = array<i32>} : memref<16x1024xf32, #tpu.memory_space<vmem>>, vector<1x16xf32>,
        %get3A_1337 = vector.shape_cast %get3A_1336 : vector<1x16xf32> to vector<16xf32>
        %mul3A_1338 = arith.constant 8.000000e+00 : f32
        %mul3A_1339 = vector.broadcast %mul3A_1338 : f32 to vector<16xf32>
        %mul3A_1340 = arith.mulf %get3A_1337, %mul3A_1339 : vector<16xf32>
        %add3A_1341 = arith.addf %mul3A_1340, %get3A_1288 : vector<16xf32>
        %swap3A_1342 = arith.constant 12 : i32
        %swap3A_1343 = arith.index_cast %swap3A_1342 : i32 to index
        %swap3A_1344 = arith.index_cast %mul3A_1284 : i32 to index
        %swap3A_1345 = tpu.vector_load %arg8[%swap3A_1343, %swap3A_1344] {strides = array<i32>} : memref<16x1024xf32, #tpu.memory_space<vmem>>, vector<1x16xf32>,
        %swap3A_1346 = vector.shape_cast %swap3A_1345 : vector<1x16xf32> to vector<16xf32>
        %swap3A_1347 = vector.shape_cast %add3A_1341 : vector<16xf32> to vector<1x16xf32>
        tpu.vector_store %arg8[%swap3A_1343, %swap3A_1344], %swap3A_1347 {strides = array<i32>} : memref<16x1024xf32, #tpu.memory_space<vmem>>, vector<1x16xf32>,
        %get3A_1348 = arith.constant 1 : i32
        %get3A_1349 = arith.index_cast %get3A_1348 : i32 to index
        %get3A_1350 = arith.index_cast %mul3A_1284 : i32 to index
        %get3A_1351 = tpu.vector_load %arg12[%get3A_1349, %get3A_1350] {strides = array<i32>} : memref<4x1024xf32, #tpu.memory_space<vmem>>, vector<1x16xf32>,
        %get3A_1352 = vector.shape_cast %get3A_1351 : vector<1x16xf32> to vector<16xf32>
        %get3A_1353 = arith.constant 1 : i32
        %get3A_1354 = arith.index_cast %get3A_1353 : i32 to index
        %get3A_1355 = arith.index_cast %mul3A_1284 : i32 to index
        %get3A_1356 = tpu.vector_load %arg8[%get3A_1354, %get3A_1355] {strides = array<i32>} : memref<16x1024xf32, #tpu.memory_space<vmem>>, vector<1x16xf32>,
        %get3A_1357 = vector.shape_cast %get3A_1356 : vector<1x16xf32> to vector<16xf32>
        %mul3A_1358 = arith.constant 8.000000e+00 : f32
        %mul3A_1359 = vector.broadcast %mul3A_1358 : f32 to vector<16xf32>
        %mul3A_1360 = arith.mulf %get3A_1357, %mul3A_1359 : vector<16xf32>
        %add3A_1361 = arith.addf %mul3A_1360, %get3A_1352 : vector<16xf32>
        %swap3A_1362 = arith.constant 1 : i32
        %swap3A_1363 = arith.index_cast %swap3A_1362 : i32 to index
        %swap3A_1364 = arith.index_cast %mul3A_1284 : i32 to index
        %swap3A_1365 = tpu.vector_load %arg8[%swap3A_1363, %swap3A_1364] {strides = array<i32>} : memref<16x1024xf32, #tpu.memory_space<vmem>>, vector<1x16xf32>,
        %swap3A_1366 = vector.shape_cast %swap3A_1365 : vector<1x16xf32> to vector<16xf32>
        %swap3A_1367 = vector.shape_cast %add3A_1361 : vector<16xf32> to vector<1x16xf32>
        tpu.vector_store %arg8[%swap3A_1363, %swap3A_1364], %swap3A_1367 {strides = array<i32>} : memref<16x1024xf32, #tpu.memory_space<vmem>>, vector<1x16xf32>,
        %get3A_1368 = arith.constant 5 : i32
        %get3A_1369 = arith.index_cast %get3A_1368 : i32 to index
        %get3A_1370 = arith.index_cast %mul3A_1284 : i32 to index
        %get3A_1371 = tpu.vector_load %arg8[%get3A_1369, %get3A_1370] {strides = array<i32>} : memref<16x1024xf32, #tpu.memory_space<vmem>>, vector<1x16xf32>,
        %get3A_1372 = vector.shape_cast %get3A_1371 : vector<1x16xf32> to vector<16xf32>
        %mul3A_1373 = arith.constant 8.000000e+00 : f32
        %mul3A_1374 = vector.broadcast %mul3A_1373 : f32 to vector<16xf32>
        %mul3A_1375 = arith.mulf %get3A_1372, %mul3A_1374 : vector<16xf32>
        %add3A_1376 = arith.addf %mul3A_1375, %get3A_1352 : vector<16xf32>
        %swap3A_1377 = arith.constant 5 : i32
        %swap3A_1378 = arith.index_cast %swap3A_1377 : i32 to index
        %swap3A_1379 = arith.index_cast %mul3A_1284 : i32 to index
        %swap3A_1380 = tpu.vector_load %arg8[%swap3A_1378, %swap3A_1379] {strides = array<i32>} : memref<16x1024xf32, #tpu.memory_space<vmem>>, vector<1x16xf32>,
        %swap3A_1381 = vector.shape_cast %swap3A_1380 : vector<1x16xf32> to vector<16xf32>
        %swap3A_1382 = vector.shape_cast %add3A_1376 : vector<16xf32> to vector<1x16xf32>
        tpu.vector_store %arg8[%swap3A_1378, %swap3A_1379], %swap3A_1382 {strides = array<i32>} : memref<16x1024xf32, #tpu.memory_space<vmem>>, vector<1x16xf32>,
        %get3A_1383 = arith.constant 9 : i32
        %get3A_1384 = arith.index_cast %get3A_1383 : i32 to index
        %get3A_1385 = arith.index_cast %mul3A_1284 : i32 to index
        %get3A_1386 = tpu.vector_load %arg8[%get3A_1384, %get3A_1385] {strides = array<i32>} : memref<16x1024xf32, #tpu.memory_space<vmem>>, vector<1x16xf32>,
        %get3A_1387 = vector.shape_cast %get3A_1386 : vector<1x16xf32> to vector<16xf32>
        %mul3A_1388 = arith.constant 8.000000e+00 : f32
        %mul3A_1389 = vector.broadcast %mul3A_1388 : f32 to vector<16xf32>
        %mul3A_1390 = arith.mulf %get3A_1387, %mul3A_1389 : vector<16xf32>
        %add3A_1391 = arith.addf %mul3A_1390, %get3A_1352 : vector<16xf32>
        %swap3A_1392 = arith.constant 9 : i32
        %swap3A_1393 = arith.index_cast %swap3A_1392 : i32 to index
        %swap3A_1394 = arith.index_cast %mul3A_1284 : i32 to index
        %swap3A_1395 = tpu.vector_load %arg8[%swap3A_1393, %swap3A_1394] {strides = array<i32>} : memref<16x1024xf32, #tpu.memory_space<vmem>>, vector<1x16xf32>,
        %swap3A_1396 = vector.shape_cast %swap3A_1395 : vector<1x16xf32> to vector<16xf32>
        %swap3A_1397 = vector.shape_cast %add3A_1391 : vector<16xf32> to vector<1x16xf32>
        tpu.vector_store %arg8[%swap3A_1393, %swap3A_1394], %swap3A_1397 {strides = array<i32>} : memref<16x1024xf32, #tpu.memory_space<vmem>>, vector<1x16xf32>,
        %get3A_1398 = arith.constant 13 : i32
        %get3A_1399 = arith.index_cast %get3A_1398 : i32 to index
        %get3A_1400 = arith.index_cast %mul3A_1284 : i32 to index
        %get3A_1401 = tpu.vector_load %arg8[%get3A_1399, %get3A_1400] {strides = array<i32>} : memref<16x1024xf32, #tpu.memory_space<vmem>>, vector<1x16xf32>,
        %get3A_1402 = vector.shape_cast %get3A_1401 : vector<1x16xf32> to vector<16xf32>
        %mul3A_1403 = arith.constant 8.000000e+00 : f32
        %mul3A_1404 = vector.broadcast %mul3A_1403 : f32 to vector<16xf32>
        %mul3A_1405 = arith.mulf %get3A_1402, %mul3A_1404 : vector<16xf32>
        %add3A_1406 = arith.addf %mul3A_1405, %get3A_1352 : vector<16xf32>
        %swap3A_1407 = arith.constant 13 : i32
        %swap3A_1408 = arith.index_cast %swap3A_1407 : i32 to index
        %swap3A_1409 = arith.index_cast %mul3A_1284 : i32 to index
        %swap3A_1410 = tpu.vector_load %arg8[%swap3A_1408, %swap3A_1409] {strides = array<i32>} : memref<16x1024xf32, #tpu.memory_space<vmem>>, vector<1x16xf32>,
        %swap3A_1411 = vector.shape_cast %swap3A_1410 : vector<1x16xf32> to vector<16xf32>
        %swap3A_1412 = vector.shape_cast %add3A_1406 : vector<16xf32> to vector<1x16xf32>
        tpu.vector_store %arg8[%swap3A_1408, %swap3A_1409], %swap3A_1412 {strides = array<i32>} : memref<16x1024xf32, #tpu.memory_space<vmem>>, vector<1x16xf32>,
        %get3A_1413 = arith.constant 2 : i32
        %get3A_1414 = arith.index_cast %get3A_1413 : i32 to index
        %get3A_1415 = arith.index_cast %mul3A_1284 : i32 to index
        %get3A_1416 = tpu.vector_load %arg12[%get3A_1414, %get3A_1415] {strides = array<i32>} : memref<4x1024xf32, #tpu.memory_space<vmem>>, vector<1x16xf32>,
        %get3A_1417 = vector.shape_cast %get3A_1416 : vector<1x16xf32> to vector<16xf32>
        %get3A_1418 = arith.constant 2 : i32
        %get3A_1419 = arith.index_cast %get3A_1418 : i32 to index
        %get3A_1420 = arith.index_cast %mul3A_1284 : i32 to index
        %get3A_1421 = tpu.vector_load %arg8[%get3A_1419, %get3A_1420] {strides = array<i32>} : memref<16x1024xf32, #tpu.memory_space<vmem>>, vector<1x16xf32>,
        %get3A_1422 = vector.shape_cast %get3A_1421 : vector<1x16xf32> to vector<16xf32>
        %mul3A_1423 = arith.constant 8.000000e+00 : f32
        %mul3A_1424 = vector.broadcast %mul3A_1423 : f32 to vector<16xf32>
        %mul3A_1425 = arith.mulf %get3A_1422, %mul3A_1424 : vector<16xf32>
        %add3A_1426 = arith.addf %mul3A_1425, %get3A_1417 : vector<16xf32>
        %swap3A_1427 = arith.constant 2 : i32
        %swap3A_1428 = arith.index_cast %swap3A_1427 : i32 to index
        %swap3A_1429 = arith.index_cast %mul3A_1284 : i32 to index
        %swap3A_1430 = tpu.vector_load %arg8[%swap3A_1428, %swap3A_1429] {strides = array<i32>} : memref<16x1024xf32, #tpu.memory_space<vmem>>, vector<1x16xf32>,
        %swap3A_1431 = vector.shape_cast %swap3A_1430 : vector<1x16xf32> to vector<16xf32>
        %swap3A_1432 = vector.shape_cast %add3A_1426 : vector<16xf32> to vector<1x16xf32>
        tpu.vector_store %arg8[%swap3A_1428, %swap3A_1429], %swap3A_1432 {strides = array<i32>} : memref<16x1024xf32, #tpu.memory_space<vmem>>, vector<1x16xf32>,
        %get3A_1433 = arith.constant 6 : i32
        %get3A_1434 = arith.index_cast %get3A_1433 : i32 to index
        %get3A_1435 = arith.index_cast %mul3A_1284 : i32 to index
        %get3A_1436 = tpu.vector_load %arg8[%get3A_1434, %get3A_1435] {strides = array<i32>} : memref<16x1024xf32, #tpu.memory_space<vmem>>, vector<1x16xf32>,
        %get3A_1437 = vector.shape_cast %get3A_1436 : vector<1x16xf32> to vector<16xf32>
        %mul3A_1438 = arith.constant 8.000000e+00 : f32
        %mul3A_1439 = vector.broadcast %mul3A_1438 : f32 to vector<16xf32>
        %mul3A_1440 = arith.mulf %get3A_1437, %mul3A_1439 : vector<16xf32>
        %add3A_1441 = arith.addf %mul3A_1440, %get3A_1417 : vector<16xf32>
        %swap3A_1442 = arith.constant 6 : i32
        %swap3A_1443 = arith.index_cast %swap3A_1442 : i32 to index
        %swap3A_1444 = arith.index_cast %mul3A_1284 : i32 to index
        %swap3A_1445 = tpu.vector_load %arg8[%swap3A_1443, %swap3A_1444] {strides = array<i32>} : memref<16x1024xf32, #tpu.memory_space<vmem>>, vector<1x16xf32>,
        %swap3A_1446 = vector.shape_cast %swap3A_1445 : vector<1x16xf32> to vector<16xf32>
        %swap3A_1447 = vector.shape_cast %add3A_1441 : vector<16xf32> to vector<1x16xf32>
        tpu.vector_store %arg8[%swap3A_1443, %swap3A_1444], %swap3A_1447 {strides = array<i32>} : memref<16x1024xf32, #tpu.memory_space<vmem>>, vector<1x16xf32>,
        %get3A_1448 = arith.constant 10 : i32
        %get3A_1449 = arith.index_cast %get3A_1448 : i32 to index
        %get3A_1450 = arith.index_cast %mul3A_1284 : i32 to index
        %get3A_1451 = tpu.vector_load %arg8[%get3A_1449, %get3A_1450] {strides = array<i32>} : memref<16x1024xf32, #tpu.memory_space<vmem>>, vector<1x16xf32>,
        %get3A_1452 = vector.shape_cast %get3A_1451 : vector<1x16xf32> to vector<16xf32>
        %mul3A_1453 = arith.constant 8.000000e+00 : f32
        %mul3A_1454 = vector.broadcast %mul3A_1453 : f32 to vector<16xf32>
        %mul3A_1455 = arith.mulf %get3A_1452, %mul3A_1454 : vector<16xf32>
        %add3A_1456 = arith.addf %mul3A_1455, %get3A_1417 : vector<16xf32>
        %swap3A_1457 = arith.constant 10 : i32
        %swap3A_1458 = arith.index_cast %swap3A_1457 : i32 to index
        %swap3A_1459 = arith.index_cast %mul3A_1284 : i32 to index
        %swap3A_1460 = tpu.vector_load %arg8[%swap3A_1458, %swap3A_1459] {strides = array<i32>} : memref<16x1024xf32, #tpu.memory_space<vmem>>, vector<1x16xf32>,
        %swap3A_1461 = vector.shape_cast %swap3A_1460 : vector<1x16xf32> to vector<16xf32>
        %swap3A_1462 = vector.shape_cast %add3A_1456 : vector<16xf32> to vector<1x16xf32>
        tpu.vector_store %arg8[%swap3A_1458, %swap3A_1459], %swap3A_1462 {strides = array<i32>} : memref<16x1024xf32, #tpu.memory_space<vmem>>, vector<1x16xf32>,
        %get3A_1463 = arith.constant 14 : i32
        %get3A_1464 = arith.index_cast %get3A_1463 : i32 to index
        %get3A_1465 = arith.index_cast %mul3A_1284 : i32 to index
        %get3A_1466 = tpu.vector_load %arg8[%get3A_1464, %get3A_1465] {strides = array<i32>} : memref<16x1024xf32, #tpu.memory_space<vmem>>, vector<1x16xf32>,
        %get3A_1467 = vector.shape_cast %get3A_1466 : vector<1x16xf32> to vector<16xf32>
        %mul3A_1468 = arith.constant 8.000000e+00 : f32
        %mul3A_1469 = vector.broadcast %mul3A_1468 : f32 to vector<16xf32>
        %mul3A_1470 = arith.mulf %get3A_1467, %mul3A_1469 : vector<16xf32>
        %add3A_1471 = arith.addf %mul3A_1470, %get3A_1417 : vector<16xf32>
        %swap3A_1472 = arith.constant 14 : i32
        %swap3A_1473 = arith.index_cast %swap3A_1472 : i32 to index
        %swap3A_1474 = arith.index_cast %mul3A_1284 : i32 to index
        %swap3A_1475 = tpu.vector_load %arg8[%swap3A_1473, %swap3A_1474] {strides = array<i32>} : memref<16x1024xf32, #tpu.memory_space<vmem>>, vector<1x16xf32>,
        %swap3A_1476 = vector.shape_cast %swap3A_1475 : vector<1x16xf32> to vector<16xf32>
        %swap3A_1477 = vector.shape_cast %add3A_1471 : vector<16xf32> to vector<1x16xf32>
        tpu.vector_store %arg8[%swap3A_1473, %swap3A_1474], %swap3A_1477 {strides = array<i32>} : memref<16x1024xf32, #tpu.memory_space<vmem>>, vector<1x16xf32>,
        %get3A_1478 = arith.constant 3 : i32
        %get3A_1479 = arith.index_cast %get3A_1478 : i32 to index
        %get3A_1480 = arith.index_cast %mul3A_1284 : i32 to index
        %get3A_1481 = tpu.vector_load %arg12[%get3A_1479, %get3A_1480] {strides = array<i32>} : memref<4x1024xf32, #tpu.memory_space<vmem>>, vector<1x16xf32>,
        %get3A_1482 = vector.shape_cast %get3A_1481 : vector<1x16xf32> to vector<16xf32>
        %get3A_1483 = arith.constant 3 : i32
        %get3A_1484 = arith.index_cast %get3A_1483 : i32 to index
        %get3A_1485 = arith.index_cast %mul3A_1284 : i32 to index
        %get3A_1486 = tpu.vector_load %arg8[%get3A_1484, %get3A_1485] {strides = array<i32>} : memref<16x1024xf32, #tpu.memory_space<vmem>>, vector<1x16xf32>,
        %get3A_1487 = vector.shape_cast %get3A_1486 : vector<1x16xf32> to vector<16xf32>
        %mul3A_1488 = arith.constant 8.000000e+00 : f32
        %mul3A_1489 = vector.broadcast %mul3A_1488 : f32 to vector<16xf32>
        %mul3A_1490 = arith.mulf %get3A_1487, %mul3A_1489 : vector<16xf32>
        %add3A_1491 = arith.addf %mul3A_1490, %get3A_1482 : vector<16xf32>
        %swap3A_1492 = arith.constant 3 : i32
        %swap3A_1493 = arith.index_cast %swap3A_1492 : i32 to index
        %swap3A_1494 = arith.index_cast %mul3A_1284 : i32 to index
        %swap3A_1495 = tpu.vector_load %arg8[%swap3A_1493, %swap3A_1494] {strides = array<i32>} : memref<16x1024xf32, #tpu.memory_space<vmem>>, vector<1x16xf32>,
        %swap3A_1496 = vector.shape_cast %swap3A_1495 : vector<1x16xf32> to vector<16xf32>
        %swap3A_1497 = vector.shape_cast %add3A_1491 : vector<16xf32> to vector<1x16xf32>
        tpu.vector_store %arg8[%swap3A_1493, %swap3A_1494], %swap3A_1497 {strides = array<i32>} : memref<16x1024xf32, #tpu.memory_space<vmem>>, vector<1x16xf32>,
        %get3A_1498 = arith.constant 7 : i32
        %get3A_1499 = arith.index_cast %get3A_1498 : i32 to index
        %get3A_1500 = arith.index_cast %mul3A_1284 : i32 to index
        %get3A_1501 = tpu.vector_load %arg8[%get3A_1499, %get3A_1500] {strides = array<i32>} : memref<16x1024xf32, #tpu.memory_space<vmem>>, vector<1x16xf32>,
        %get3A_1502 = vector.shape_cast %get3A_1501 : vector<1x16xf32> to vector<16xf32>
        %mul3A_1503 = arith.constant 8.000000e+00 : f32
        %mul3A_1504 = vector.broadcast %mul3A_1503 : f32 to vector<16xf32>
        %mul3A_1505 = arith.mulf %get3A_1502, %mul3A_1504 : vector<16xf32>
        %add3A_1506 = arith.addf %mul3A_1505, %get3A_1482 : vector<16xf32>
        %swap3A_1507 = arith.constant 7 : i32
        %swap3A_1508 = arith.index_cast %swap3A_1507 : i32 to index
        %swap3A_1509 = arith.index_cast %mul3A_1284 : i32 to index
        %swap3A_1510 = tpu.vector_load %arg8[%swap3A_1508, %swap3A_1509] {strides = array<i32>} : memref<16x1024xf32, #tpu.memory_space<vmem>>, vector<1x16xf32>,
        %swap3A_1511 = vector.shape_cast %swap3A_1510 : vector<1x16xf32> to vector<16xf32>
        %swap3A_1512 = vector.shape_cast %add3A_1506 : vector<16xf32> to vector<1x16xf32>
        tpu.vector_store %arg8[%swap3A_1508, %swap3A_1509], %swap3A_1512 {strides = array<i32>} : memref<16x1024xf32, #tpu.memory_space<vmem>>, vector<1x16xf32>,
        %get3A_1513 = arith.constant 11 : i32
        %get3A_1514 = arith.index_cast %get3A_1513 : i32 to index
        %get3A_1515 = arith.index_cast %mul3A_1284 : i32 to index
        %get3A_1516 = tpu.vector_load %arg8[%get3A_1514, %get3A_1515] {strides = array<i32>} : memref<16x1024xf32, #tpu.memory_space<vmem>>, vector<1x16xf32>,
        %get3A_1517 = vector.shape_cast %get3A_1516 : vector<1x16xf32> to vector<16xf32>
        %mul3A_1518 = arith.constant 8.000000e+00 : f32
        %mul3A_1519 = vector.broadcast %mul3A_1518 : f32 to vector<16xf32>
        %mul3A_1520 = arith.mulf %get3A_1517, %mul3A_1519 : vector<16xf32>
        %add3A_1521 = arith.addf %mul3A_1520, %get3A_1482 : vector<16xf32>
        %swap3A_1522 = arith.constant 11 : i32
        %swap3A_1523 = arith.index_cast %swap3A_1522 : i32 to index
        %swap3A_1524 = arith.index_cast %mul3A_1284 : i32 to index
        %swap3A_1525 = tpu.vector_load %arg8[%swap3A_1523, %swap3A_1524] {strides = array<i32>} : memref<16x1024xf32, #tpu.memory_space<vmem>>, vector<1x16xf32>,
        %swap3A_1526 = vector.shape_cast %swap3A_1525 : vector<1x16xf32> to vector<16xf32>
        %swap3A_1527 = vector.shape_cast %add3A_1521 : vector<16xf32> to vector<1x16xf32>
        tpu.vector_store %arg8[%swap3A_1523, %swap3A_1524], %swap3A_1527 {strides = array<i32>} : memref<16x1024xf32, #tpu.memory_space<vmem>>, vector<1x16xf32>,
        %get3A_1528 = arith.constant 15 : i32
        %get3A_1529 = arith.index_cast %get3A_1528 : i32 to index
        %get3A_1530 = arith.index_cast %mul3A_1284 : i32 to index
        %get3A_1531 = tpu.vector_load %arg8[%get3A_1529, %get3A_1530] {strides = array<i32>} : memref<16x1024xf32, #tpu.memory_space<vmem>>, vector<1x16xf32>,
        %get3A_1532 = vector.shape_cast %get3A_1531 : vector<1x16xf32> to vector<16xf32>
        %mul3A_1533 = arith.constant 8.000000e+00 : f32
        %mul3A_1534 = vector.broadcast %mul3A_1533 : f32 to vector<16xf32>
        %mul3A_1535 = arith.mulf %get3A_1532, %mul3A_1534 : vector<16xf32>
        %add3A_1536 = arith.addf %mul3A_1535, %get3A_1482 : vector<16xf32>
        %swap3A_1537 = arith.constant 15 : i32
        %swap3A_1538 = arith.index_cast %swap3A_1537 : i32 to index
        %swap3A_1539 = arith.index_cast %mul3A_1284 : i32 to index
        %swap3A_1540 = tpu.vector_load %arg8[%swap3A_1538, %swap3A_1539] {strides = array<i32>} : memref<16x1024xf32, #tpu.memory_space<vmem>>, vector<1x16xf32>,
        %swap3A_1541 = vector.shape_cast %swap3A_1540 : vector<1x16xf32> to vector<16xf32>
        %swap3A_1542 = vector.shape_cast %add3A_1536 : vector<16xf32> to vector<1x16xf32>
        tpu.vector_store %arg8[%swap3A_1538, %swap3A_1539], %swap3A_1542 {strides = array<i32>} : memref<16x1024xf32, #tpu.memory_space<vmem>>, vector<1x16xf32>,
      }
      %scan3A_861 = arith.constant 64 : i32
      %add3A_862 = arith.constant 0 : i32
      %add3A_863 = arith.addi %add3A_862, %mul3A_2 : i32
      %mul3A_864 = arith.constant 4 : i32
      %mul3A_865 = arith.muli %add3A_745, %mul3A_864 : i32
      %add3A_866 = arith.addi %add3A_863, %mul3A_865 : i32
      %dma_start3A_867 = arith.constant 0 : i32
      %dma_start3A_868 = arith.constant 0 : i32
      %dma_start3A_869 = tpu.memref_slice %arg8[%dma_start3A_867, %dma_start3A_868] : memref<16x1024xf32, #tpu.memory_space<vmem>> -> memref<4x1024xf32, #tpu.memory_space<vmem>>
      %dma_start3A_870 = arith.constant 0 : i32
      %dma_start3A_871 = tpu.memref_slice %arg5[%add3A_866, %dma_start3A_870] : memref<16384x1024xf32, #tpu.memory_space<hbm>> -> memref<4x1024xf32, #tpu.memory_space<hbm>>
      %dma_start3A_872 = arith.constant 0 : i32
      %dma_start3A_873 = tpu.memref_slice %arg5[%add3A_866, %dma_start3A_872] : memref<16384x1024xf32, #tpu.memory_space<hbm>> -> memref<4x1024xf32, #tpu.memory_space<hbm>>
      %dma_start3A_874 = arith.constant 0 : i32
      %dma_start3A_875 = arith.constant 0 : i32
      %dma_start3A_876 = tpu.memref_slice %arg8[%dma_start3A_874, %dma_start3A_875] : memref<16x1024xf32, #tpu.memory_space<vmem>> -> memref<4x1024xf32, #tpu.memory_space<vmem>>
      tpu.enqueue_dma source(%dma_start3A_876 : memref<4x1024xf32, #tpu.memory_space<vmem>>) target(%dma_start3A_873 : memref<4x1024xf32, #tpu.memory_space<hbm>>) target_semaphore(%arg18 : memref<!tpu.dma_semaphore, #tpu.memory_space<semaphore_mem>>)
      %add3A_877 = arith.constant 4096 : i32
      %add3A_878 = arith.addi %add3A_877, %mul3A_2 : i32
      %mul3A_879 = arith.constant 4 : i32
      %mul3A_880 = arith.muli %add3A_745, %mul3A_879 : i32
      %add3A_881 = arith.addi %add3A_878, %mul3A_880 : i32
      %dma_start3A_882 = arith.constant 4 : i32
      %dma_start3A_883 = arith.constant 0 : i32
      %dma_start3A_884 = tpu.memref_slice %arg8[%dma_start3A_882, %dma_start3A_883] : memref<16x1024xf32, #tpu.memory_space<vmem>> -> memref<4x1024xf32, #tpu.memory_space<vmem>>
      %dma_start3A_885 = arith.constant 0 : i32
      %dma_start3A_886 = tpu.memref_slice %arg5[%add3A_881, %dma_start3A_885] : memref<16384x1024xf32, #tpu.memory_space<hbm>> -> memref<4x1024xf32, #tpu.memory_space<hbm>>
      %dma_start3A_887 = arith.constant 0 : i32
      %dma_start3A_888 = tpu.memref_slice %arg5[%add3A_881, %dma_start3A_887] : memref<16384x1024xf32, #tpu.memory_space<hbm>> -> memref<4x1024xf32, #tpu.memory_space<hbm>>
      %dma_start3A_889 = arith.constant 4 : i32
      %dma_start3A_890 = arith.constant 0 : i32
      %dma_start3A_891 = tpu.memref_slice %arg8[%dma_start3A_889, %dma_start3A_890] : memref<16x1024xf32, #tpu.memory_space<vmem>> -> memref<4x1024xf32, #tpu.memory_space<vmem>>
      tpu.enqueue_dma source(%dma_start3A_891 : memref<4x1024xf32, #tpu.memory_space<vmem>>) target(%dma_start3A_888 : memref<4x1024xf32, #tpu.memory_space<hbm>>) target_semaphore(%arg18 : memref<!tpu.dma_semaphore, #tpu.memory_space<semaphore_mem>>)
      %add3A_892 = arith.constant 8192 : i32
      %add3A_893 = arith.addi %add3A_892, %mul3A_2 : i32
      %mul3A_894 = arith.constant 4 : i32
      %mul3A_895 = arith.muli %add3A_745, %mul3A_894 : i32
      %add3A_896 = arith.addi %add3A_893, %mul3A_895 : i32
      %dma_start3A_897 = arith.constant 8 : i32
      %dma_start3A_898 = arith.constant 0 : i32
      %dma_start3A_899 = tpu.memref_slice %arg8[%dma_start3A_897, %dma_start3A_898] : memref<16x1024xf32, #tpu.memory_space<vmem>> -> memref<4x1024xf32, #tpu.memory_space<vmem>>
      %dma_start3A_900 = arith.constant 0 : i32
      %dma_start3A_901 = tpu.memref_slice %arg5[%add3A_896, %dma_start3A_900] : memref<16384x1024xf32, #tpu.memory_space<hbm>> -> memref<4x1024xf32, #tpu.memory_space<hbm>>
      %dma_start3A_902 = arith.constant 0 : i32
      %dma_start3A_903 = tpu.memref_slice %arg5[%add3A_896, %dma_start3A_902] : memref<16384x1024xf32, #tpu.memory_space<hbm>> -> memref<4x1024xf32, #tpu.memory_space<hbm>>
      %dma_start3A_904 = arith.constant 8 : i32
      %dma_start3A_905 = arith.constant 0 : i32
      %dma_start3A_906 = tpu.memref_slice %arg8[%dma_start3A_904, %dma_start3A_905] : memref<16x1024xf32, #tpu.memory_space<vmem>> -> memref<4x1024xf32, #tpu.memory_space<vmem>>
      tpu.enqueue_dma source(%dma_start3A_906 : memref<4x1024xf32, #tpu.memory_space<vmem>>) target(%dma_start3A_903 : memref<4x1024xf32, #tpu.memory_space<hbm>>) target_semaphore(%arg18 : memref<!tpu.dma_semaphore, #tpu.memory_space<semaphore_mem>>)
      %add3A_907 = arith.constant 12288 : i32
      %add3A_908 = arith.addi %add3A_907, %mul3A_2 : i32
      %mul3A_909 = arith.constant 4 : i32
      %mul3A_910 = arith.muli %add3A_745, %mul3A_909 : i32
      %add3A_911 = arith.addi %add3A_908, %mul3A_910 : i32
      %dma_start3A_912 = arith.constant 12 : i32
      %dma_start3A_913 = arith.constant 0 : i32
      %dma_start3A_914 = tpu.memref_slice %arg8[%dma_start3A_912, %dma_start3A_913] : memref<16x1024xf32, #tpu.memory_space<vmem>> -> memref<4x1024xf32, #tpu.memory_space<vmem>>
      %dma_start3A_915 = arith.constant 0 : i32
      %dma_start3A_916 = tpu.memref_slice %arg5[%add3A_911, %dma_start3A_915] : memref<16384x1024xf32, #tpu.memory_space<hbm>> -> memref<4x1024xf32, #tpu.memory_space<hbm>>
      %dma_start3A_917 = arith.constant 0 : i32
      %dma_start3A_918 = tpu.memref_slice %arg5[%add3A_911, %dma_start3A_917] : memref<16384x1024xf32, #tpu.memory_space<hbm>> -> memref<4x1024xf32, #tpu.memory_space<hbm>>
      %dma_start3A_919 = arith.constant 12 : i32
      %dma_start3A_920 = arith.constant 0 : i32
      %dma_start3A_921 = tpu.memref_slice %arg8[%dma_start3A_919, %dma_start3A_920] : memref<16x1024xf32, #tpu.memory_space<vmem>> -> memref<4x1024xf32, #tpu.memory_space<vmem>>
      tpu.enqueue_dma source(%dma_start3A_921 : memref<4x1024xf32, #tpu.memory_space<vmem>>) target(%dma_start3A_918 : memref<4x1024xf32, #tpu.memory_space<hbm>>) target_semaphore(%arg18 : memref<!tpu.dma_semaphore, #tpu.memory_space<semaphore_mem>>)
      %mul3A_922 = arith.constant 4 : i32
      %mul3A_923 = arith.muli %scan3A_568, %mul3A_922 : i32
      %add3A_924 = arith.constant 2 : i32
      %add3A_925 = arith.addi %mul3A_923, %add3A_924 : i32
      %add3A_926 = arith.constant 1 : i32
      %add3A_927 = arith.addi %add3A_925, %add3A_926 : i32
      %jit3A_928 = arith.constant 32 : i32
      %eq3A_929 = arith.constant 0 : i32
      %eq3A_930 = arith.cmpi eq, %jit3A_928, %eq3A_929 : i32
      %jit3A_931 = arith.constant 1 : i32
      %select_n3A_932 = arith.select %eq3A_930, %jit3A_931, %jit3A_928 : i32
      %rem3A_933 = arith.remsi %add3A_927, %select_n3A_932 : i32
      %ne3A_934 = arith.constant 0 : i32
      %ne3A_935 = arith.cmpi ne, %rem3A_933, %ne3A_934 : i32
      %lt3A_936 = arith.constant 0 : i32
      %lt3A_937 = arith.cmpi slt, %rem3A_933, %lt3A_936 : i32
      %lt3A_938 = arith.constant 0 : i32
      %lt3A_939 = arith.cmpi slt, %select_n3A_932, %lt3A_938 : i32
      %ne3A_940 = arith.xori %lt3A_937, %lt3A_939 : i1
      %and3A_941 = arith.andi %ne3A_940, %ne3A_935 : i1
      %add3A_942 = arith.addi %rem3A_933, %select_n3A_932 : i32
      %select_n3A_943 = arith.select %and3A_941, %add3A_942, %rem3A_933 : i32
      %mul3A_944 = arith.constant 4 : i32
      %mul3A_945 = arith.muli %select_n3A_943, %mul3A_944 : i32
      %add3A_946 = arith.addi %mul3A_2, %mul3A_945 : i32
      %dma_start3A_947 = arith.constant 0 : i32
      %dma_start3A_948 = tpu.memref_slice %arg4[%add3A_946, %dma_start3A_947] : memref<4096x1024xf32, #tpu.memory_space<hbm>> -> memref<4x1024xf32, #tpu.memory_space<hbm>>
      %dma_start3A_949 = arith.constant 0 : i32
      %dma_start3A_950 = tpu.memref_slice %arg4[%add3A_946, %dma_start3A_949] : memref<4096x1024xf32, #tpu.memory_space<hbm>> -> memref<4x1024xf32, #tpu.memory_space<hbm>>
      tpu.enqueue_dma source(%dma_start3A_950 : memref<4x1024xf32, #tpu.memory_space<hbm>>) target(%arg12 : memref<4x1024xf32, #tpu.memory_space<vmem>>) target_semaphore(%arg22 : memref<!tpu.dma_semaphore, #tpu.memory_space<semaphore_mem>>)
      %dma_wait3A_951 = arith.constant 0 : i32
      %dma_wait3A_952 = arith.constant 0 : i32
      %dma_wait3A_953 = tpu.memref_slice %arg7[%dma_wait3A_951, %dma_wait3A_952] : memref<16x1024xf32, #tpu.memory_space<vmem>> -> memref<4x1024xf32, #tpu.memory_space<vmem>>
      %dma_wait3A_954 = arith.constant 0 : i32
      %dma_wait3A_955 = arith.constant 0 : i32
      %dma_wait3A_956 = tpu.memref_slice %arg5[%dma_wait3A_954, %dma_wait3A_955] : memref<16384x1024xf32, #tpu.memory_space<hbm>> -> memref<4x1024xf32, #tpu.memory_space<hbm>>
      %dma_wait3A_957 = arith.constant 0 : i32
      %dma_wait3A_958 = arith.constant 0 : i32
      %dma_wait3A_959 = tpu.memref_slice %arg5[%dma_wait3A_957, %dma_wait3A_958] : memref<16384x1024xf32, #tpu.memory_space<hbm>> -> memref<4x1024xf32, #tpu.memory_space<hbm>>
      %dma_wait3A_960 = arith.constant 0 : i32
      %dma_wait3A_961 = arith.constant 0 : i32
      %dma_wait3A_962 = tpu.memref_slice %arg7[%dma_wait3A_960, %dma_wait3A_961] : memref<16x1024xf32, #tpu.memory_space<vmem>> -> memref<4x1024xf32, #tpu.memory_space<vmem>>
      tpu.wait_dma2 semaphore(%arg17 : memref<!tpu.dma_semaphore, #tpu.memory_space<semaphore_mem>>) src(%dma_wait3A_962 : memref<4x1024xf32, #tpu.memory_space<vmem>>) dst(%dma_wait3A_959 : memref<4x1024xf32, #tpu.memory_space<hbm>>)
      %dma_wait3A_963 = arith.constant 0 : i32
      %dma_wait3A_964 = arith.constant 0 : i32
      %dma_wait3A_965 = tpu.memref_slice %arg7[%dma_wait3A_963, %dma_wait3A_964] : memref<16x1024xf32, #tpu.memory_space<vmem>> -> memref<4x1024xf32, #tpu.memory_space<vmem>>
      %dma_wait3A_966 = arith.constant 0 : i32
      %dma_wait3A_967 = arith.constant 0 : i32
      %dma_wait3A_968 = tpu.memref_slice %arg5[%dma_wait3A_966, %dma_wait3A_967] : memref<16384x1024xf32, #tpu.memory_space<hbm>> -> memref<4x1024xf32, #tpu.memory_space<hbm>>
      %dma_wait3A_969 = arith.constant 0 : i32
      %dma_wait3A_970 = arith.constant 0 : i32
      %dma_wait3A_971 = tpu.memref_slice %arg5[%dma_wait3A_969, %dma_wait3A_970] : memref<16384x1024xf32, #tpu.memory_space<hbm>> -> memref<4x1024xf32, #tpu.memory_space<hbm>>
      %dma_wait3A_972 = arith.constant 0 : i32
      %dma_wait3A_973 = arith.constant 0 : i32
      %dma_wait3A_974 = tpu.memref_slice %arg7[%dma_wait3A_972, %dma_wait3A_973] : memref<16x1024xf32, #tpu.memory_space<vmem>> -> memref<4x1024xf32, #tpu.memory_space<vmem>>
      tpu.wait_dma2 semaphore(%arg17 : memref<!tpu.dma_semaphore, #tpu.memory_space<semaphore_mem>>) src(%dma_wait3A_974 : memref<4x1024xf32, #tpu.memory_space<vmem>>) dst(%dma_wait3A_971 : memref<4x1024xf32, #tpu.memory_space<hbm>>)
      %dma_wait3A_975 = arith.constant 0 : i32
      %dma_wait3A_976 = arith.constant 0 : i32
      %dma_wait3A_977 = tpu.memref_slice %arg7[%dma_wait3A_975, %dma_wait3A_976] : memref<16x1024xf32, #tpu.memory_space<vmem>> -> memref<4x1024xf32, #tpu.memory_space<vmem>>
      %dma_wait3A_978 = arith.constant 0 : i32
      %dma_wait3A_979 = arith.constant 0 : i32
      %dma_wait3A_980 = tpu.memref_slice %arg5[%dma_wait3A_978, %dma_wait3A_979] : memref<16384x1024xf32, #tpu.memory_space<hbm>> -> memref<4x1024xf32, #tpu.memory_space<hbm>>
      %dma_wait3A_981 = arith.constant 0 : i32
      %dma_wait3A_982 = arith.constant 0 : i32
      %dma_wait3A_983 = tpu.memref_slice %arg5[%dma_wait3A_981, %dma_wait3A_982] : memref<16384x1024xf32, #tpu.memory_space<hbm>> -> memref<4x1024xf32, #tpu.memory_space<hbm>>
      %dma_wait3A_984 = arith.constant 0 : i32
      %dma_wait3A_985 = arith.constant 0 : i32
      %dma_wait3A_986 = tpu.memref_slice %arg7[%dma_wait3A_984, %dma_wait3A_985] : memref<16x1024xf32, #tpu.memory_space<vmem>> -> memref<4x1024xf32, #tpu.memory_space<vmem>>
      tpu.wait_dma2 semaphore(%arg17 : memref<!tpu.dma_semaphore, #tpu.memory_space<semaphore_mem>>) src(%dma_wait3A_986 : memref<4x1024xf32, #tpu.memory_space<vmem>>) dst(%dma_wait3A_983 : memref<4x1024xf32, #tpu.memory_space<hbm>>)
      %dma_wait3A_987 = arith.constant 0 : i32
      %dma_wait3A_988 = arith.constant 0 : i32
      %dma_wait3A_989 = tpu.memref_slice %arg7[%dma_wait3A_987, %dma_wait3A_988] : memref<16x1024xf32, #tpu.memory_space<vmem>> -> memref<4x1024xf32, #tpu.memory_space<vmem>>
      %dma_wait3A_990 = arith.constant 0 : i32
      %dma_wait3A_991 = arith.constant 0 : i32
      %dma_wait3A_992 = tpu.memref_slice %arg5[%dma_wait3A_990, %dma_wait3A_991] : memref<16384x1024xf32, #tpu.memory_space<hbm>> -> memref<4x1024xf32, #tpu.memory_space<hbm>>
      %dma_wait3A_993 = arith.constant 0 : i32
      %dma_wait3A_994 = arith.constant 0 : i32
      %dma_wait3A_995 = tpu.memref_slice %arg5[%dma_wait3A_993, %dma_wait3A_994] : memref<16384x1024xf32, #tpu.memory_space<hbm>> -> memref<4x1024xf32, #tpu.memory_space<hbm>>
      %dma_wait3A_996 = arith.constant 0 : i32
      %dma_wait3A_997 = arith.constant 0 : i32
      %dma_wait3A_998 = tpu.memref_slice %arg7[%dma_wait3A_996, %dma_wait3A_997] : memref<16x1024xf32, #tpu.memory_space<vmem>> -> memref<4x1024xf32, #tpu.memory_space<vmem>>
      tpu.wait_dma2 semaphore(%arg17 : memref<!tpu.dma_semaphore, #tpu.memory_space<semaphore_mem>>) src(%dma_wait3A_998 : memref<4x1024xf32, #tpu.memory_space<vmem>>) dst(%dma_wait3A_995 : memref<4x1024xf32, #tpu.memory_space<hbm>>)
      %add3A_999 = arith.constant 2 : i32
      %add3A_1000 = arith.addi %add3A_925, %add3A_999 : i32
      %jit3A_1001 = arith.constant 32 : i32
      %eq3A_1002 = arith.constant 0 : i32
      %eq3A_1003 = arith.cmpi eq, %jit3A_1001, %eq3A_1002 : i32
      %jit3A_1004 = arith.constant 1 : i32
      %select_n3A_1005 = arith.select %eq3A_1003, %jit3A_1004, %jit3A_1001 : i32
      %rem3A_1006 = arith.remsi %add3A_1000, %select_n3A_1005 : i32
      %ne3A_1007 = arith.constant 0 : i32
      %ne3A_1008 = arith.cmpi ne, %rem3A_1006, %ne3A_1007 : i32
      %lt3A_1009 = arith.constant 0 : i32
      %lt3A_1010 = arith.cmpi slt, %rem3A_1006, %lt3A_1009 : i32
      %lt3A_1011 = arith.constant 0 : i32
      %lt3A_1012 = arith.cmpi slt, %select_n3A_1005, %lt3A_1011 : i32
      %ne3A_1013 = arith.xori %lt3A_1010, %lt3A_1012 : i1
      %and3A_1014 = arith.andi %ne3A_1013, %ne3A_1008 : i1
      %add3A_1015 = arith.addi %rem3A_1006, %select_n3A_1005 : i32
      %select_n3A_1016 = arith.select %and3A_1014, %add3A_1015, %rem3A_1006 : i32
      %mul3A_1017 = arith.constant 16 : i32
      %mul3A_1018 = arith.muli %select_n3A_1016, %mul3A_1017 : i32
      %dma_start3A_1019 = tpu.memref_slice %arg6[%mul3A_1018] : memref<512xi32, #tpu.memory_space<vmem>> -> memref<16xi32, #tpu.memory_space<vmem>>
      %dma_start3A_1020 = arith.constant 0 : i32
      %dma_start3A_1021 = arith.constant 0 : i32
      %dma_start3A_1022 = tpu.memref_slice %arg3[%dma_start3A_1020, %dma_start3A_1021] : memref<100000x1024xf32, #tpu.memory_space<hbm>> -> memref<100000x1024xf32, #tpu.memory_space<hbm>>
      tpu.enqueue_indirect_dma source(%dma_start3A_1022 : memref<100000x1024xf32, #tpu.memory_space<hbm>>) target(%arg7 : memref<16x1024xf32, #tpu.memory_space<vmem>>) offsets(%dma_start3A_1019 : memref<16xi32, #tpu.memory_space<vmem>>) semaphore(%arg13 : memref<!tpu.dma_semaphore, #tpu.memory_space<semaphore_mem>>)
      %mul3A_1023 = arith.constant 4 : i32
      %mul3A_1024 = arith.muli %add3A_925, %mul3A_1023 : i32
      %add3A_1025 = arith.addi %mul3A_2, %mul3A_1024 : i32
      %dma_wait3A_1026 = arith.constant 0 : i32
      %dma_wait3A_1027 = tpu.memref_slice %arg4[%add3A_1025, %dma_wait3A_1026] : memref<4096x1024xf32, #tpu.memory_space<hbm>> -> memref<4x1024xf32, #tpu.memory_space<hbm>>
      %dma_wait3A_1028 = arith.constant 0 : i32
      %dma_wait3A_1029 = tpu.memref_slice %arg4[%add3A_1025, %dma_wait3A_1028] : memref<4096x1024xf32, #tpu.memory_space<hbm>> -> memref<4x1024xf32, #tpu.memory_space<hbm>>
      tpu.wait_dma2 semaphore(%arg21 : memref<!tpu.dma_semaphore, #tpu.memory_space<semaphore_mem>>) src(%dma_wait3A_1029 : memref<4x1024xf32, #tpu.memory_space<hbm>>) dst(%arg11 : memref<4x1024xf32, #tpu.memory_space<vmem>>)
      %mul3A_1030 = arith.constant 16 : i32
      %mul3A_1031 = arith.muli %add3A_925, %mul3A_1030 : i32
      %dma_wait3A_1032 = tpu.memref_slice %arg6[%mul3A_1031] : memref<512xi32, #tpu.memory_space<vmem>> -> memref<16xi32, #tpu.memory_space<vmem>>
      %dma_wait3A_1033 = arith.constant 0 : i32
      %dma_wait3A_1034 = arith.constant 0 : i32
      %dma_wait3A_1035 = tpu.memref_slice %arg3[%dma_wait3A_1033, %dma_wait3A_1034] : memref<100000x1024xf32, #tpu.memory_space<hbm>> -> memref<100000x1024xf32, #tpu.memory_space<hbm>>
      tpu.wait_indirect_dma semaphore(%arg15 : memref<!tpu.dma_semaphore, #tpu.memory_space<semaphore_mem>>) src(%dma_wait3A_1035 : memref<100000x1024xf32, #tpu.memory_space<hbm>>) dst(%arg9 : memref<16x1024xf32, #tpu.memory_space<vmem>>)
      %scan3A_1036 = arith.constant 0 : i32
      %scan3A_1037 = arith.constant 0 : i32
      %scan3A_1038 = arith.constant 64 : i32
      %scan3A_1039 = arith.addi %scan3A_1037, %scan3A_1038 : i32
      %scan3A_1040 = arith.constant 1 : i32
      scf.for %scan3A_1282 = %scan3A_1037 to %scan3A_1039 step %scan3A_1040  : i32 {
        %mul3A_1283 = arith.constant 16 : i32
        %mul3A_1284 = arith.muli %scan3A_1282, %mul3A_1283 : i32
        %get3A = arith.constant 0 : i32
        %get3A_1285 = arith.index_cast %get3A : i32 to index
        %get3A_1286 = arith.index_cast %mul3A_1284 : i32 to index
        %get3A_1287 = tpu.vector_load %arg11[%get3A_1285, %get3A_1286] {strides = array<i32>} : memref<4x1024xf32, #tpu.memory_space<vmem>>, vector<1x16xf32>,
        %get3A_1288 = vector.shape_cast %get3A_1287 : vector<1x16xf32> to vector<16xf32>
        %get3A_1289 = arith.constant 0 : i32
        %get3A_1290 = arith.index_cast %get3A_1289 : i32 to index
        %get3A_1291 = arith.index_cast %mul3A_1284 : i32 to index
        %get3A_1292 = tpu.vector_load %arg9[%get3A_1290, %get3A_1291] {strides = array<i32>} : memref<16x1024xf32, #tpu.memory_space<vmem>>, vector<1x16xf32>,
        %get3A_1293 = vector.shape_cast %get3A_1292 : vector<1x16xf32> to vector<16xf32>
        %mul3A_1294 = arith.constant 8.000000e+00 : f32
        %mul3A_1295 = vector.broadcast %mul3A_1294 : f32 to vector<16xf32>
        %mul3A_1296 = arith.mulf %get3A_1293, %mul3A_1295 : vector<16xf32>
        %add3A_1297 = arith.addf %mul3A_1296, %get3A_1288 : vector<16xf32>
        %swap3A = arith.constant 0 : i32
        %swap3A_1298 = arith.index_cast %swap3A : i32 to index
        %swap3A_1299 = arith.index_cast %mul3A_1284 : i32 to index
        %swap3A_1300 = tpu.vector_load %arg9[%swap3A_1298, %swap3A_1299] {strides = array<i32>} : memref<16x1024xf32, #tpu.memory_space<vmem>>, vector<1x16xf32>,
        %swap3A_1301 = vector.shape_cast %swap3A_1300 : vector<1x16xf32> to vector<16xf32>
        %swap3A_1302 = vector.shape_cast %add3A_1297 : vector<16xf32> to vector<1x16xf32>
        tpu.vector_store %arg9[%swap3A_1298, %swap3A_1299], %swap3A_1302 {strides = array<i32>} : memref<16x1024xf32, #tpu.memory_space<vmem>>, vector<1x16xf32>,
        %get3A_1303 = arith.constant 4 : i32
        %get3A_1304 = arith.index_cast %get3A_1303 : i32 to index
        %get3A_1305 = arith.index_cast %mul3A_1284 : i32 to index
        %get3A_1306 = tpu.vector_load %arg9[%get3A_1304, %get3A_1305] {strides = array<i32>} : memref<16x1024xf32, #tpu.memory_space<vmem>>, vector<1x16xf32>,
        %get3A_1307 = vector.shape_cast %get3A_1306 : vector<1x16xf32> to vector<16xf32>
        %mul3A_1308 = arith.constant 8.000000e+00 : f32
        %mul3A_1309 = vector.broadcast %mul3A_1308 : f32 to vector<16xf32>
        %mul3A_1310 = arith.mulf %get3A_1307, %mul3A_1309 : vector<16xf32>
        %add3A_1311 = arith.addf %mul3A_1310, %get3A_1288 : vector<16xf32>
        %swap3A_1312 = arith.constant 4 : i32
        %swap3A_1313 = arith.index_cast %swap3A_1312 : i32 to index
        %swap3A_1314 = arith.index_cast %mul3A_1284 : i32 to index
        %swap3A_1315 = tpu.vector_load %arg9[%swap3A_1313, %swap3A_1314] {strides = array<i32>} : memref<16x1024xf32, #tpu.memory_space<vmem>>, vector<1x16xf32>,
        %swap3A_1316 = vector.shape_cast %swap3A_1315 : vector<1x16xf32> to vector<16xf32>
        %swap3A_1317 = vector.shape_cast %add3A_1311 : vector<16xf32> to vector<1x16xf32>
        tpu.vector_store %arg9[%swap3A_1313, %swap3A_1314], %swap3A_1317 {strides = array<i32>} : memref<16x1024xf32, #tpu.memory_space<vmem>>, vector<1x16xf32>,
        %get3A_1318 = arith.constant 8 : i32
        %get3A_1319 = arith.index_cast %get3A_1318 : i32 to index
        %get3A_1320 = arith.index_cast %mul3A_1284 : i32 to index
        %get3A_1321 = tpu.vector_load %arg9[%get3A_1319, %get3A_1320] {strides = array<i32>} : memref<16x1024xf32, #tpu.memory_space<vmem>>, vector<1x16xf32>,
        %get3A_1322 = vector.shape_cast %get3A_1321 : vector<1x16xf32> to vector<16xf32>
        %mul3A_1323 = arith.constant 8.000000e+00 : f32
        %mul3A_1324 = vector.broadcast %mul3A_1323 : f32 to vector<16xf32>
        %mul3A_1325 = arith.mulf %get3A_1322, %mul3A_1324 : vector<16xf32>
        %add3A_1326 = arith.addf %mul3A_1325, %get3A_1288 : vector<16xf32>
        %swap3A_1327 = arith.constant 8 : i32
        %swap3A_1328 = arith.index_cast %swap3A_1327 : i32 to index
        %swap3A_1329 = arith.index_cast %mul3A_1284 : i32 to index
        %swap3A_1330 = tpu.vector_load %arg9[%swap3A_1328, %swap3A_1329] {strides = array<i32>} : memref<16x1024xf32, #tpu.memory_space<vmem>>, vector<1x16xf32>,
        %swap3A_1331 = vector.shape_cast %swap3A_1330 : vector<1x16xf32> to vector<16xf32>
        %swap3A_1332 = vector.shape_cast %add3A_1326 : vector<16xf32> to vector<1x16xf32>
        tpu.vector_store %arg9[%swap3A_1328, %swap3A_1329], %swap3A_1332 {strides = array<i32>} : memref<16x1024xf32, #tpu.memory_space<vmem>>, vector<1x16xf32>,
        %get3A_1333 = arith.constant 12 : i32
        %get3A_1334 = arith.index_cast %get3A_1333 : i32 to index
        %get3A_1335 = arith.index_cast %mul3A_1284 : i32 to index
        %get3A_1336 = tpu.vector_load %arg9[%get3A_1334, %get3A_1335] {strides = array<i32>} : memref<16x1024xf32, #tpu.memory_space<vmem>>, vector<1x16xf32>,
        %get3A_1337 = vector.shape_cast %get3A_1336 : vector<1x16xf32> to vector<16xf32>
        %mul3A_1338 = arith.constant 8.000000e+00 : f32
        %mul3A_1339 = vector.broadcast %mul3A_1338 : f32 to vector<16xf32>
        %mul3A_1340 = arith.mulf %get3A_1337, %mul3A_1339 : vector<16xf32>
        %add3A_1341 = arith.addf %mul3A_1340, %get3A_1288 : vector<16xf32>
        %swap3A_1342 = arith.constant 12 : i32
        %swap3A_1343 = arith.index_cast %swap3A_1342 : i32 to index
        %swap3A_1344 = arith.index_cast %mul3A_1284 : i32 to index
        %swap3A_1345 = tpu.vector_load %arg9[%swap3A_1343, %swap3A_1344] {strides = array<i32>} : memref<16x1024xf32, #tpu.memory_space<vmem>>, vector<1x16xf32>,
        %swap3A_1346 = vector.shape_cast %swap3A_1345 : vector<1x16xf32> to vector<16xf32>
        %swap3A_1347 = vector.shape_cast %add3A_1341 : vector<16xf32> to vector<1x16xf32>
        tpu.vector_store %arg9[%swap3A_1343, %swap3A_1344], %swap3A_1347 {strides = array<i32>} : memref<16x1024xf32, #tpu.memory_space<vmem>>, vector<1x16xf32>,
        %get3A_1348 = arith.constant 1 : i32
        %get3A_1349 = arith.index_cast %get3A_1348 : i32 to index
        %get3A_1350 = arith.index_cast %mul3A_1284 : i32 to index
        %get3A_1351 = tpu.vector_load %arg11[%get3A_1349, %get3A_1350] {strides = array<i32>} : memref<4x1024xf32, #tpu.memory_space<vmem>>, vector<1x16xf32>,
        %get3A_1352 = vector.shape_cast %get3A_1351 : vector<1x16xf32> to vector<16xf32>
        %get3A_1353 = arith.constant 1 : i32
        %get3A_1354 = arith.index_cast %get3A_1353 : i32 to index
        %get3A_1355 = arith.index_cast %mul3A_1284 : i32 to index
        %get3A_1356 = tpu.vector_load %arg9[%get3A_1354, %get3A_1355] {strides = array<i32>} : memref<16x1024xf32, #tpu.memory_space<vmem>>, vector<1x16xf32>,
        %get3A_1357 = vector.shape_cast %get3A_1356 : vector<1x16xf32> to vector<16xf32>
        %mul3A_1358 = arith.constant 8.000000e+00 : f32
        %mul3A_1359 = vector.broadcast %mul3A_1358 : f32 to vector<16xf32>
        %mul3A_1360 = arith.mulf %get3A_1357, %mul3A_1359 : vector<16xf32>
        %add3A_1361 = arith.addf %mul3A_1360, %get3A_1352 : vector<16xf32>
        %swap3A_1362 = arith.constant 1 : i32
        %swap3A_1363 = arith.index_cast %swap3A_1362 : i32 to index
        %swap3A_1364 = arith.index_cast %mul3A_1284 : i32 to index
        %swap3A_1365 = tpu.vector_load %arg9[%swap3A_1363, %swap3A_1364] {strides = array<i32>} : memref<16x1024xf32, #tpu.memory_space<vmem>>, vector<1x16xf32>,
        %swap3A_1366 = vector.shape_cast %swap3A_1365 : vector<1x16xf32> to vector<16xf32>
        %swap3A_1367 = vector.shape_cast %add3A_1361 : vector<16xf32> to vector<1x16xf32>
        tpu.vector_store %arg9[%swap3A_1363, %swap3A_1364], %swap3A_1367 {strides = array<i32>} : memref<16x1024xf32, #tpu.memory_space<vmem>>, vector<1x16xf32>,
        %get3A_1368 = arith.constant 5 : i32
        %get3A_1369 = arith.index_cast %get3A_1368 : i32 to index
        %get3A_1370 = arith.index_cast %mul3A_1284 : i32 to index
        %get3A_1371 = tpu.vector_load %arg9[%get3A_1369, %get3A_1370] {strides = array<i32>} : memref<16x1024xf32, #tpu.memory_space<vmem>>, vector<1x16xf32>,
        %get3A_1372 = vector.shape_cast %get3A_1371 : vector<1x16xf32> to vector<16xf32>
        %mul3A_1373 = arith.constant 8.000000e+00 : f32
        %mul3A_1374 = vector.broadcast %mul3A_1373 : f32 to vector<16xf32>
        %mul3A_1375 = arith.mulf %get3A_1372, %mul3A_1374 : vector<16xf32>
        %add3A_1376 = arith.addf %mul3A_1375, %get3A_1352 : vector<16xf32>
        %swap3A_1377 = arith.constant 5 : i32
        %swap3A_1378 = arith.index_cast %swap3A_1377 : i32 to index
        %swap3A_1379 = arith.index_cast %mul3A_1284 : i32 to index
        %swap3A_1380 = tpu.vector_load %arg9[%swap3A_1378, %swap3A_1379] {strides = array<i32>} : memref<16x1024xf32, #tpu.memory_space<vmem>>, vector<1x16xf32>,
        %swap3A_1381 = vector.shape_cast %swap3A_1380 : vector<1x16xf32> to vector<16xf32>
        %swap3A_1382 = vector.shape_cast %add3A_1376 : vector<16xf32> to vector<1x16xf32>
        tpu.vector_store %arg9[%swap3A_1378, %swap3A_1379], %swap3A_1382 {strides = array<i32>} : memref<16x1024xf32, #tpu.memory_space<vmem>>, vector<1x16xf32>,
        %get3A_1383 = arith.constant 9 : i32
        %get3A_1384 = arith.index_cast %get3A_1383 : i32 to index
        %get3A_1385 = arith.index_cast %mul3A_1284 : i32 to index
        %get3A_1386 = tpu.vector_load %arg9[%get3A_1384, %get3A_1385] {strides = array<i32>} : memref<16x1024xf32, #tpu.memory_space<vmem>>, vector<1x16xf32>,
        %get3A_1387 = vector.shape_cast %get3A_1386 : vector<1x16xf32> to vector<16xf32>
        %mul3A_1388 = arith.constant 8.000000e+00 : f32
        %mul3A_1389 = vector.broadcast %mul3A_1388 : f32 to vector<16xf32>
        %mul3A_1390 = arith.mulf %get3A_1387, %mul3A_1389 : vector<16xf32>
        %add3A_1391 = arith.addf %mul3A_1390, %get3A_1352 : vector<16xf32>
        %swap3A_1392 = arith.constant 9 : i32
        %swap3A_1393 = arith.index_cast %swap3A_1392 : i32 to index
        %swap3A_1394 = arith.index_cast %mul3A_1284 : i32 to index
        %swap3A_1395 = tpu.vector_load %arg9[%swap3A_1393, %swap3A_1394] {strides = array<i32>} : memref<16x1024xf32, #tpu.memory_space<vmem>>, vector<1x16xf32>,
        %swap3A_1396 = vector.shape_cast %swap3A_1395 : vector<1x16xf32> to vector<16xf32>
        %swap3A_1397 = vector.shape_cast %add3A_1391 : vector<16xf32> to vector<1x16xf32>
        tpu.vector_store %arg9[%swap3A_1393, %swap3A_1394], %swap3A_1397 {strides = array<i32>} : memref<16x1024xf32, #tpu.memory_space<vmem>>, vector<1x16xf32>,
        %get3A_1398 = arith.constant 13 : i32
        %get3A_1399 = arith.index_cast %get3A_1398 : i32 to index
        %get3A_1400 = arith.index_cast %mul3A_1284 : i32 to index
        %get3A_1401 = tpu.vector_load %arg9[%get3A_1399, %get3A_1400] {strides = array<i32>} : memref<16x1024xf32, #tpu.memory_space<vmem>>, vector<1x16xf32>,
        %get3A_1402 = vector.shape_cast %get3A_1401 : vector<1x16xf32> to vector<16xf32>
        %mul3A_1403 = arith.constant 8.000000e+00 : f32
        %mul3A_1404 = vector.broadcast %mul3A_1403 : f32 to vector<16xf32>
        %mul3A_1405 = arith.mulf %get3A_1402, %mul3A_1404 : vector<16xf32>
        %add3A_1406 = arith.addf %mul3A_1405, %get3A_1352 : vector<16xf32>
        %swap3A_1407 = arith.constant 13 : i32
        %swap3A_1408 = arith.index_cast %swap3A_1407 : i32 to index
        %swap3A_1409 = arith.index_cast %mul3A_1284 : i32 to index
        %swap3A_1410 = tpu.vector_load %arg9[%swap3A_1408, %swap3A_1409] {strides = array<i32>} : memref<16x1024xf32, #tpu.memory_space<vmem>>, vector<1x16xf32>,
        %swap3A_1411 = vector.shape_cast %swap3A_1410 : vector<1x16xf32> to vector<16xf32>
        %swap3A_1412 = vector.shape_cast %add3A_1406 : vector<16xf32> to vector<1x16xf32>
        tpu.vector_store %arg9[%swap3A_1408, %swap3A_1409], %swap3A_1412 {strides = array<i32>} : memref<16x1024xf32, #tpu.memory_space<vmem>>, vector<1x16xf32>,
        %get3A_1413 = arith.constant 2 : i32
        %get3A_1414 = arith.index_cast %get3A_1413 : i32 to index
        %get3A_1415 = arith.index_cast %mul3A_1284 : i32 to index
        %get3A_1416 = tpu.vector_load %arg11[%get3A_1414, %get3A_1415] {strides = array<i32>} : memref<4x1024xf32, #tpu.memory_space<vmem>>, vector<1x16xf32>,
        %get3A_1417 = vector.shape_cast %get3A_1416 : vector<1x16xf32> to vector<16xf32>
        %get3A_1418 = arith.constant 2 : i32
        %get3A_1419 = arith.index_cast %get3A_1418 : i32 to index
        %get3A_1420 = arith.index_cast %mul3A_1284 : i32 to index
        %get3A_1421 = tpu.vector_load %arg9[%get3A_1419, %get3A_1420] {strides = array<i32>} : memref<16x1024xf32, #tpu.memory_space<vmem>>, vector<1x16xf32>,
        %get3A_1422 = vector.shape_cast %get3A_1421 : vector<1x16xf32> to vector<16xf32>
        %mul3A_1423 = arith.constant 8.000000e+00 : f32
        %mul3A_1424 = vector.broadcast %mul3A_1423 : f32 to vector<16xf32>
        %mul3A_1425 = arith.mulf %get3A_1422, %mul3A_1424 : vector<16xf32>
        %add3A_1426 = arith.addf %mul3A_1425, %get3A_1417 : vector<16xf32>
        %swap3A_1427 = arith.constant 2 : i32
        %swap3A_1428 = arith.index_cast %swap3A_1427 : i32 to index
        %swap3A_1429 = arith.index_cast %mul3A_1284 : i32 to index
        %swap3A_1430 = tpu.vector_load %arg9[%swap3A_1428, %swap3A_1429] {strides = array<i32>} : memref<16x1024xf32, #tpu.memory_space<vmem>>, vector<1x16xf32>,
        %swap3A_1431 = vector.shape_cast %swap3A_1430 : vector<1x16xf32> to vector<16xf32>
        %swap3A_1432 = vector.shape_cast %add3A_1426 : vector<16xf32> to vector<1x16xf32>
        tpu.vector_store %arg9[%swap3A_1428, %swap3A_1429], %swap3A_1432 {strides = array<i32>} : memref<16x1024xf32, #tpu.memory_space<vmem>>, vector<1x16xf32>,
        %get3A_1433 = arith.constant 6 : i32
        %get3A_1434 = arith.index_cast %get3A_1433 : i32 to index
        %get3A_1435 = arith.index_cast %mul3A_1284 : i32 to index
        %get3A_1436 = tpu.vector_load %arg9[%get3A_1434, %get3A_1435] {strides = array<i32>} : memref<16x1024xf32, #tpu.memory_space<vmem>>, vector<1x16xf32>,
        %get3A_1437 = vector.shape_cast %get3A_1436 : vector<1x16xf32> to vector<16xf32>
        %mul3A_1438 = arith.constant 8.000000e+00 : f32
        %mul3A_1439 = vector.broadcast %mul3A_1438 : f32 to vector<16xf32>
        %mul3A_1440 = arith.mulf %get3A_1437, %mul3A_1439 : vector<16xf32>
        %add3A_1441 = arith.addf %mul3A_1440, %get3A_1417 : vector<16xf32>
        %swap3A_1442 = arith.constant 6 : i32
        %swap3A_1443 = arith.index_cast %swap3A_1442 : i32 to index
        %swap3A_1444 = arith.index_cast %mul3A_1284 : i32 to index
        %swap3A_1445 = tpu.vector_load %arg9[%swap3A_1443, %swap3A_1444] {strides = array<i32>} : memref<16x1024xf32, #tpu.memory_space<vmem>>, vector<1x16xf32>,
        %swap3A_1446 = vector.shape_cast %swap3A_1445 : vector<1x16xf32> to vector<16xf32>
        %swap3A_1447 = vector.shape_cast %add3A_1441 : vector<16xf32> to vector<1x16xf32>
        tpu.vector_store %arg9[%swap3A_1443, %swap3A_1444], %swap3A_1447 {strides = array<i32>} : memref<16x1024xf32, #tpu.memory_space<vmem>>, vector<1x16xf32>,
        %get3A_1448 = arith.constant 10 : i32
        %get3A_1449 = arith.index_cast %get3A_1448 : i32 to index
        %get3A_1450 = arith.index_cast %mul3A_1284 : i32 to index
        %get3A_1451 = tpu.vector_load %arg9[%get3A_1449, %get3A_1450] {strides = array<i32>} : memref<16x1024xf32, #tpu.memory_space<vmem>>, vector<1x16xf32>,
        %get3A_1452 = vector.shape_cast %get3A_1451 : vector<1x16xf32> to vector<16xf32>
        %mul3A_1453 = arith.constant 8.000000e+00 : f32
        %mul3A_1454 = vector.broadcast %mul3A_1453 : f32 to vector<16xf32>
        %mul3A_1455 = arith.mulf %get3A_1452, %mul3A_1454 : vector<16xf32>
        %add3A_1456 = arith.addf %mul3A_1455, %get3A_1417 : vector<16xf32>
        %swap3A_1457 = arith.constant 10 : i32
        %swap3A_1458 = arith.index_cast %swap3A_1457 : i32 to index
        %swap3A_1459 = arith.index_cast %mul3A_1284 : i32 to index
        %swap3A_1460 = tpu.vector_load %arg9[%swap3A_1458, %swap3A_1459] {strides = array<i32>} : memref<16x1024xf32, #tpu.memory_space<vmem>>, vector<1x16xf32>,
        %swap3A_1461 = vector.shape_cast %swap3A_1460 : vector<1x16xf32> to vector<16xf32>
        %swap3A_1462 = vector.shape_cast %add3A_1456 : vector<16xf32> to vector<1x16xf32>
        tpu.vector_store %arg9[%swap3A_1458, %swap3A_1459], %swap3A_1462 {strides = array<i32>} : memref<16x1024xf32, #tpu.memory_space<vmem>>, vector<1x16xf32>,
        %get3A_1463 = arith.constant 14 : i32
        %get3A_1464 = arith.index_cast %get3A_1463 : i32 to index
        %get3A_1465 = arith.index_cast %mul3A_1284 : i32 to index
        %get3A_1466 = tpu.vector_load %arg9[%get3A_1464, %get3A_1465] {strides = array<i32>} : memref<16x1024xf32, #tpu.memory_space<vmem>>, vector<1x16xf32>,
        %get3A_1467 = vector.shape_cast %get3A_1466 : vector<1x16xf32> to vector<16xf32>
        %mul3A_1468 = arith.constant 8.000000e+00 : f32
        %mul3A_1469 = vector.broadcast %mul3A_1468 : f32 to vector<16xf32>
        %mul3A_1470 = arith.mulf %get3A_1467, %mul3A_1469 : vector<16xf32>
        %add3A_1471 = arith.addf %mul3A_1470, %get3A_1417 : vector<16xf32>
        %swap3A_1472 = arith.constant 14 : i32
        %swap3A_1473 = arith.index_cast %swap3A_1472 : i32 to index
        %swap3A_1474 = arith.index_cast %mul3A_1284 : i32 to index
        %swap3A_1475 = tpu.vector_load %arg9[%swap3A_1473, %swap3A_1474] {strides = array<i32>} : memref<16x1024xf32, #tpu.memory_space<vmem>>, vector<1x16xf32>,
        %swap3A_1476 = vector.shape_cast %swap3A_1475 : vector<1x16xf32> to vector<16xf32>
        %swap3A_1477 = vector.shape_cast %add3A_1471 : vector<16xf32> to vector<1x16xf32>
        tpu.vector_store %arg9[%swap3A_1473, %swap3A_1474], %swap3A_1477 {strides = array<i32>} : memref<16x1024xf32, #tpu.memory_space<vmem>>, vector<1x16xf32>,
        %get3A_1478 = arith.constant 3 : i32
        %get3A_1479 = arith.index_cast %get3A_1478 : i32 to index
        %get3A_1480 = arith.index_cast %mul3A_1284 : i32 to index
        %get3A_1481 = tpu.vector_load %arg11[%get3A_1479, %get3A_1480] {strides = array<i32>} : memref<4x1024xf32, #tpu.memory_space<vmem>>, vector<1x16xf32>,
        %get3A_1482 = vector.shape_cast %get3A_1481 : vector<1x16xf32> to vector<16xf32>
        %get3A_1483 = arith.constant 3 : i32
        %get3A_1484 = arith.index_cast %get3A_1483 : i32 to index
        %get3A_1485 = arith.index_cast %mul3A_1284 : i32 to index
        %get3A_1486 = tpu.vector_load %arg9[%get3A_1484, %get3A_1485] {strides = array<i32>} : memref<16x1024xf32, #tpu.memory_space<vmem>>, vector<1x16xf32>,
        %get3A_1487 = vector.shape_cast %get3A_1486 : vector<1x16xf32> to vector<16xf32>
        %mul3A_1488 = arith.constant 8.000000e+00 : f32
        %mul3A_1489 = vector.broadcast %mul3A_1488 : f32 to vector<16xf32>
        %mul3A_1490 = arith.mulf %get3A_1487, %mul3A_1489 : vector<16xf32>
        %add3A_1491 = arith.addf %mul3A_1490, %get3A_1482 : vector<16xf32>
        %swap3A_1492 = arith.constant 3 : i32
        %swap3A_1493 = arith.index_cast %swap3A_1492 : i32 to index
        %swap3A_1494 = arith.index_cast %mul3A_1284 : i32 to index
        %swap3A_1495 = tpu.vector_load %arg9[%swap3A_1493, %swap3A_1494] {strides = array<i32>} : memref<16x1024xf32, #tpu.memory_space<vmem>>, vector<1x16xf32>,
        %swap3A_1496 = vector.shape_cast %swap3A_1495 : vector<1x16xf32> to vector<16xf32>
        %swap3A_1497 = vector.shape_cast %add3A_1491 : vector<16xf32> to vector<1x16xf32>
        tpu.vector_store %arg9[%swap3A_1493, %swap3A_1494], %swap3A_1497 {strides = array<i32>} : memref<16x1024xf32, #tpu.memory_space<vmem>>, vector<1x16xf32>,
        %get3A_1498 = arith.constant 7 : i32
        %get3A_1499 = arith.index_cast %get3A_1498 : i32 to index
        %get3A_1500 = arith.index_cast %mul3A_1284 : i32 to index
        %get3A_1501 = tpu.vector_load %arg9[%get3A_1499, %get3A_1500] {strides = array<i32>} : memref<16x1024xf32, #tpu.memory_space<vmem>>, vector<1x16xf32>,
        %get3A_1502 = vector.shape_cast %get3A_1501 : vector<1x16xf32> to vector<16xf32>
        %mul3A_1503 = arith.constant 8.000000e+00 : f32
        %mul3A_1504 = vector.broadcast %mul3A_1503 : f32 to vector<16xf32>
        %mul3A_1505 = arith.mulf %get3A_1502, %mul3A_1504 : vector<16xf32>
        %add3A_1506 = arith.addf %mul3A_1505, %get3A_1482 : vector<16xf32>
        %swap3A_1507 = arith.constant 7 : i32
        %swap3A_1508 = arith.index_cast %swap3A_1507 : i32 to index
        %swap3A_1509 = arith.index_cast %mul3A_1284 : i32 to index
        %swap3A_1510 = tpu.vector_load %arg9[%swap3A_1508, %swap3A_1509] {strides = array<i32>} : memref<16x1024xf32, #tpu.memory_space<vmem>>, vector<1x16xf32>,
        %swap3A_1511 = vector.shape_cast %swap3A_1510 : vector<1x16xf32> to vector<16xf32>
        %swap3A_1512 = vector.shape_cast %add3A_1506 : vector<16xf32> to vector<1x16xf32>
        tpu.vector_store %arg9[%swap3A_1508, %swap3A_1509], %swap3A_1512 {strides = array<i32>} : memref<16x1024xf32, #tpu.memory_space<vmem>>, vector<1x16xf32>,
        %get3A_1513 = arith.constant 11 : i32
        %get3A_1514 = arith.index_cast %get3A_1513 : i32 to index
        %get3A_1515 = arith.index_cast %mul3A_1284 : i32 to index
        %get3A_1516 = tpu.vector_load %arg9[%get3A_1514, %get3A_1515] {strides = array<i32>} : memref<16x1024xf32, #tpu.memory_space<vmem>>, vector<1x16xf32>,
        %get3A_1517 = vector.shape_cast %get3A_1516 : vector<1x16xf32> to vector<16xf32>
        %mul3A_1518 = arith.constant 8.000000e+00 : f32
        %mul3A_1519 = vector.broadcast %mul3A_1518 : f32 to vector<16xf32>
        %mul3A_1520 = arith.mulf %get3A_1517, %mul3A_1519 : vector<16xf32>
        %add3A_1521 = arith.addf %mul3A_1520, %get3A_1482 : vector<16xf32>
        %swap3A_1522 = arith.constant 11 : i32
        %swap3A_1523 = arith.index_cast %swap3A_1522 : i32 to index
        %swap3A_1524 = arith.index_cast %mul3A_1284 : i32 to index
        %swap3A_1525 = tpu.vector_load %arg9[%swap3A_1523, %swap3A_1524] {strides = array<i32>} : memref<16x1024xf32, #tpu.memory_space<vmem>>, vector<1x16xf32>,
        %swap3A_1526 = vector.shape_cast %swap3A_1525 : vector<1x16xf32> to vector<16xf32>
        %swap3A_1527 = vector.shape_cast %add3A_1521 : vector<16xf32> to vector<1x16xf32>
        tpu.vector_store %arg9[%swap3A_1523, %swap3A_1524], %swap3A_1527 {strides = array<i32>} : memref<16x1024xf32, #tpu.memory_space<vmem>>, vector<1x16xf32>,
        %get3A_1528 = arith.constant 15 : i32
        %get3A_1529 = arith.index_cast %get3A_1528 : i32 to index
        %get3A_1530 = arith.index_cast %mul3A_1284 : i32 to index
        %get3A_1531 = tpu.vector_load %arg9[%get3A_1529, %get3A_1530] {strides = array<i32>} : memref<16x1024xf32, #tpu.memory_space<vmem>>, vector<1x16xf32>,
        %get3A_1532 = vector.shape_cast %get3A_1531 : vector<1x16xf32> to vector<16xf32>
        %mul3A_1533 = arith.constant 8.000000e+00 : f32
        %mul3A_1534 = vector.broadcast %mul3A_1533 : f32 to vector<16xf32>
        %mul3A_1535 = arith.mulf %get3A_1532, %mul3A_1534 : vector<16xf32>
        %add3A_1536 = arith.addf %mul3A_1535, %get3A_1482 : vector<16xf32>
        %swap3A_1537 = arith.constant 15 : i32
        %swap3A_1538 = arith.index_cast %swap3A_1537 : i32 to index
        %swap3A_1539 = arith.index_cast %mul3A_1284 : i32 to index
        %swap3A_1540 = tpu.vector_load %arg9[%swap3A_1538, %swap3A_1539] {strides = array<i32>} : memref<16x1024xf32, #tpu.memory_space<vmem>>, vector<1x16xf32>,
        %swap3A_1541 = vector.shape_cast %swap3A_1540 : vector<1x16xf32> to vector<16xf32>
        %swap3A_1542 = vector.shape_cast %add3A_1536 : vector<16xf32> to vector<1x16xf32>
        tpu.vector_store %arg9[%swap3A_1538, %swap3A_1539], %swap3A_1542 {strides = array<i32>} : memref<16x1024xf32, #tpu.memory_space<vmem>>, vector<1x16xf32>,
      }
      %scan3A_1041 = arith.constant 64 : i32
      %add3A_1042 = arith.constant 0 : i32
      %add3A_1043 = arith.addi %add3A_1042, %mul3A_2 : i32
      %mul3A_1044 = arith.constant 4 : i32
      %mul3A_1045 = arith.muli %add3A_925, %mul3A_1044 : i32
      %add3A_1046 = arith.addi %add3A_1043, %mul3A_1045 : i32
      %dma_start3A_1047 = arith.constant 0 : i32
      %dma_start3A_1048 = arith.constant 0 : i32
      %dma_start3A_1049 = tpu.memref_slice %arg9[%dma_start3A_1047, %dma_start3A_1048] : memref<16x1024xf32, #tpu.memory_space<vmem>> -> memref<4x1024xf32, #tpu.memory_space<vmem>>
      %dma_start3A_1050 = arith.constant 0 : i32
      %dma_start3A_1051 = tpu.memref_slice %arg5[%add3A_1046, %dma_start3A_1050] : memref<16384x1024xf32, #tpu.memory_space<hbm>> -> memref<4x1024xf32, #tpu.memory_space<hbm>>
      %dma_start3A_1052 = arith.constant 0 : i32
      %dma_start3A_1053 = tpu.memref_slice %arg5[%add3A_1046, %dma_start3A_1052] : memref<16384x1024xf32, #tpu.memory_space<hbm>> -> memref<4x1024xf32, #tpu.memory_space<hbm>>
      %dma_start3A_1054 = arith.constant 0 : i32
      %dma_start3A_1055 = arith.constant 0 : i32
      %dma_start3A_1056 = tpu.memref_slice %arg9[%dma_start3A_1054, %dma_start3A_1055] : memref<16x1024xf32, #tpu.memory_space<vmem>> -> memref<4x1024xf32, #tpu.memory_space<vmem>>
      tpu.enqueue_dma source(%dma_start3A_1056 : memref<4x1024xf32, #tpu.memory_space<vmem>>) target(%dma_start3A_1053 : memref<4x1024xf32, #tpu.memory_space<hbm>>) target_semaphore(%arg19 : memref<!tpu.dma_semaphore, #tpu.memory_space<semaphore_mem>>)
      %add3A_1057 = arith.constant 4096 : i32
      %add3A_1058 = arith.addi %add3A_1057, %mul3A_2 : i32
      %mul3A_1059 = arith.constant 4 : i32
      %mul3A_1060 = arith.muli %add3A_925, %mul3A_1059 : i32
      %add3A_1061 = arith.addi %add3A_1058, %mul3A_1060 : i32
      %dma_start3A_1062 = arith.constant 4 : i32
      %dma_start3A_1063 = arith.constant 0 : i32
      %dma_start3A_1064 = tpu.memref_slice %arg9[%dma_start3A_1062, %dma_start3A_1063] : memref<16x1024xf32, #tpu.memory_space<vmem>> -> memref<4x1024xf32, #tpu.memory_space<vmem>>
      %dma_start3A_1065 = arith.constant 0 : i32
      %dma_start3A_1066 = tpu.memref_slice %arg5[%add3A_1061, %dma_start3A_1065] : memref<16384x1024xf32, #tpu.memory_space<hbm>> -> memref<4x1024xf32, #tpu.memory_space<hbm>>
      %dma_start3A_1067 = arith.constant 0 : i32
      %dma_start3A_1068 = tpu.memref_slice %arg5[%add3A_1061, %dma_start3A_1067] : memref<16384x1024xf32, #tpu.memory_space<hbm>> -> memref<4x1024xf32, #tpu.memory_space<hbm>>
      %dma_start3A_1069 = arith.constant 4 : i32
      %dma_start3A_1070 = arith.constant 0 : i32
      %dma_start3A_1071 = tpu.memref_slice %arg9[%dma_start3A_1069, %dma_start3A_1070] : memref<16x1024xf32, #tpu.memory_space<vmem>> -> memref<4x1024xf32, #tpu.memory_space<vmem>>
      tpu.enqueue_dma source(%dma_start3A_1071 : memref<4x1024xf32, #tpu.memory_space<vmem>>) target(%dma_start3A_1068 : memref<4x1024xf32, #tpu.memory_space<hbm>>) target_semaphore(%arg19 : memref<!tpu.dma_semaphore, #tpu.memory_space<semaphore_mem>>)
      %add3A_1072 = arith.constant 8192 : i32
      %add3A_1073 = arith.addi %add3A_1072, %mul3A_2 : i32
      %mul3A_1074 = arith.constant 4 : i32
      %mul3A_1075 = arith.muli %add3A_925, %mul3A_1074 : i32
      %add3A_1076 = arith.addi %add3A_1073, %mul3A_1075 : i32
      %dma_start3A_1077 = arith.constant 8 : i32
      %dma_start3A_1078 = arith.constant 0 : i32
      %dma_start3A_1079 = tpu.memref_slice %arg9[%dma_start3A_1077, %dma_start3A_1078] : memref<16x1024xf32, #tpu.memory_space<vmem>> -> memref<4x1024xf32, #tpu.memory_space<vmem>>
      %dma_start3A_1080 = arith.constant 0 : i32
      %dma_start3A_1081 = tpu.memref_slice %arg5[%add3A_1076, %dma_start3A_1080] : memref<16384x1024xf32, #tpu.memory_space<hbm>> -> memref<4x1024xf32, #tpu.memory_space<hbm>>
      %dma_start3A_1082 = arith.constant 0 : i32
      %dma_start3A_1083 = tpu.memref_slice %arg5[%add3A_1076, %dma_start3A_1082] : memref<16384x1024xf32, #tpu.memory_space<hbm>> -> memref<4x1024xf32, #tpu.memory_space<hbm>>
      %dma_start3A_1084 = arith.constant 8 : i32
      %dma_start3A_1085 = arith.constant 0 : i32
      %dma_start3A_1086 = tpu.memref_slice %arg9[%dma_start3A_1084, %dma_start3A_1085] : memref<16x1024xf32, #tpu.memory_space<vmem>> -> memref<4x1024xf32, #tpu.memory_space<vmem>>
      tpu.enqueue_dma source(%dma_start3A_1086 : memref<4x1024xf32, #tpu.memory_space<vmem>>) target(%dma_start3A_1083 : memref<4x1024xf32, #tpu.memory_space<hbm>>) target_semaphore(%arg19 : memref<!tpu.dma_semaphore, #tpu.memory_space<semaphore_mem>>)
      %add3A_1087 = arith.constant 12288 : i32
      %add3A_1088 = arith.addi %add3A_1087, %mul3A_2 : i32
      %mul3A_1089 = arith.constant 4 : i32
      %mul3A_1090 = arith.muli %add3A_925, %mul3A_1089 : i32
      %add3A_1091 = arith.addi %add3A_1088, %mul3A_1090 : i32
      %dma_start3A_1092 = arith.constant 12 : i32
      %dma_start3A_1093 = arith.constant 0 : i32
      %dma_start3A_1094 = tpu.memref_slice %arg9[%dma_start3A_1092, %dma_start3A_1093] : memref<16x1024xf32, #tpu.memory_space<vmem>> -> memref<4x1024xf32, #tpu.memory_space<vmem>>
      %dma_start3A_1095 = arith.constant 0 : i32
      %dma_start3A_1096 = tpu.memref_slice %arg5[%add3A_1091, %dma_start3A_1095] : memref<16384x1024xf32, #tpu.memory_space<hbm>> -> memref<4x1024xf32, #tpu.memory_space<hbm>>
      %dma_start3A_1097 = arith.constant 0 : i32
      %dma_start3A_1098 = tpu.memref_slice %arg5[%add3A_1091, %dma_start3A_1097] : memref<16384x1024xf32, #tpu.memory_space<hbm>> -> memref<4x1024xf32, #tpu.memory_space<hbm>>
      %dma_start3A_1099 = arith.constant 12 : i32
      %dma_start3A_1100 = arith.constant 0 : i32
      %dma_start3A_1101 = tpu.memref_slice %arg9[%dma_start3A_1099, %dma_start3A_1100] : memref<16x1024xf32, #tpu.memory_space<vmem>> -> memref<4x1024xf32, #tpu.memory_space<vmem>>
      tpu.enqueue_dma source(%dma_start3A_1101 : memref<4x1024xf32, #tpu.memory_space<vmem>>) target(%dma_start3A_1098 : memref<4x1024xf32, #tpu.memory_space<hbm>>) target_semaphore(%arg19 : memref<!tpu.dma_semaphore, #tpu.memory_space<semaphore_mem>>)
      %mul3A_1102 = arith.constant 4 : i32
      %mul3A_1103 = arith.muli %scan3A_568, %mul3A_1102 : i32
      %add3A_1104 = arith.constant 3 : i32
      %add3A_1105 = arith.addi %mul3A_1103, %add3A_1104 : i32
      %add3A_1106 = arith.constant 1 : i32
      %add3A_1107 = arith.addi %add3A_1105, %add3A_1106 : i32
      %jit3A_1108 = arith.constant 32 : i32
      %eq3A_1109 = arith.constant 0 : i32
      %eq3A_1110 = arith.cmpi eq, %jit3A_1108, %eq3A_1109 : i32
      %jit3A_1111 = arith.constant 1 : i32
      %select_n3A_1112 = arith.select %eq3A_1110, %jit3A_1111, %jit3A_1108 : i32
      %rem3A_1113 = arith.remsi %add3A_1107, %select_n3A_1112 : i32
      %ne3A_1114 = arith.constant 0 : i32
      %ne3A_1115 = arith.cmpi ne, %rem3A_1113, %ne3A_1114 : i32
      %lt3A_1116 = arith.constant 0 : i32
      %lt3A_1117 = arith.cmpi slt, %rem3A_1113, %lt3A_1116 : i32
      %lt3A_1118 = arith.constant 0 : i32
      %lt3A_1119 = arith.cmpi slt, %select_n3A_1112, %lt3A_1118 : i32
      %ne3A_1120 = arith.xori %lt3A_1117, %lt3A_1119 : i1
      %and3A_1121 = arith.andi %ne3A_1120, %ne3A_1115 : i1
      %add3A_1122 = arith.addi %rem3A_1113, %select_n3A_1112 : i32
      %select_n3A_1123 = arith.select %and3A_1121, %add3A_1122, %rem3A_1113 : i32
      %mul3A_1124 = arith.constant 4 : i32
      %mul3A_1125 = arith.muli %select_n3A_1123, %mul3A_1124 : i32
      %add3A_1126 = arith.addi %mul3A_2, %mul3A_1125 : i32
      %dma_start3A_1127 = arith.constant 0 : i32
      %dma_start3A_1128 = tpu.memref_slice %arg4[%add3A_1126, %dma_start3A_1127] : memref<4096x1024xf32, #tpu.memory_space<hbm>> -> memref<4x1024xf32, #tpu.memory_space<hbm>>
      %dma_start3A_1129 = arith.constant 0 : i32
      %dma_start3A_1130 = tpu.memref_slice %arg4[%add3A_1126, %dma_start3A_1129] : memref<4096x1024xf32, #tpu.memory_space<hbm>> -> memref<4x1024xf32, #tpu.memory_space<hbm>>
      tpu.enqueue_dma source(%dma_start3A_1130 : memref<4x1024xf32, #tpu.memory_space<hbm>>) target(%arg11 : memref<4x1024xf32, #tpu.memory_space<vmem>>) target_semaphore(%arg21 : memref<!tpu.dma_semaphore, #tpu.memory_space<semaphore_mem>>)
      %dma_wait3A_1131 = arith.constant 0 : i32
      %dma_wait3A_1132 = arith.constant 0 : i32
      %dma_wait3A_1133 = tpu.memref_slice %arg8[%dma_wait3A_1131, %dma_wait3A_1132] : memref<16x1024xf32, #tpu.memory_space<vmem>> -> memref<4x1024xf32, #tpu.memory_space<vmem>>
      %dma_wait3A_1134 = arith.constant 0 : i32
      %dma_wait3A_1135 = arith.constant 0 : i32
      %dma_wait3A_1136 = tpu.memref_slice %arg5[%dma_wait3A_1134, %dma_wait3A_1135] : memref<16384x1024xf32, #tpu.memory_space<hbm>> -> memref<4x1024xf32, #tpu.memory_space<hbm>>
      %dma_wait3A_1137 = arith.constant 0 : i32
      %dma_wait3A_1138 = arith.constant 0 : i32
      %dma_wait3A_1139 = tpu.memref_slice %arg5[%dma_wait3A_1137, %dma_wait3A_1138] : memref<16384x1024xf32, #tpu.memory_space<hbm>> -> memref<4x1024xf32, #tpu.memory_space<hbm>>
      %dma_wait3A_1140 = arith.constant 0 : i32
      %dma_wait3A_1141 = arith.constant 0 : i32
      %dma_wait3A_1142 = tpu.memref_slice %arg8[%dma_wait3A_1140, %dma_wait3A_1141] : memref<16x1024xf32, #tpu.memory_space<vmem>> -> memref<4x1024xf32, #tpu.memory_space<vmem>>
      tpu.wait_dma2 semaphore(%arg18 : memref<!tpu.dma_semaphore, #tpu.memory_space<semaphore_mem>>) src(%dma_wait3A_1142 : memref<4x1024xf32, #tpu.memory_space<vmem>>) dst(%dma_wait3A_1139 : memref<4x1024xf32, #tpu.memory_space<hbm>>)
      %dma_wait3A_1143 = arith.constant 0 : i32
      %dma_wait3A_1144 = arith.constant 0 : i32
      %dma_wait3A_1145 = tpu.memref_slice %arg8[%dma_wait3A_1143, %dma_wait3A_1144] : memref<16x1024xf32, #tpu.memory_space<vmem>> -> memref<4x1024xf32, #tpu.memory_space<vmem>>
      %dma_wait3A_1146 = arith.constant 0 : i32
      %dma_wait3A_1147 = arith.constant 0 : i32
      %dma_wait3A_1148 = tpu.memref_slice %arg5[%dma_wait3A_1146, %dma_wait3A_1147] : memref<16384x1024xf32, #tpu.memory_space<hbm>> -> memref<4x1024xf32, #tpu.memory_space<hbm>>
      %dma_wait3A_1149 = arith.constant 0 : i32
      %dma_wait3A_1150 = arith.constant 0 : i32
      %dma_wait3A_1151 = tpu.memref_slice %arg5[%dma_wait3A_1149, %dma_wait3A_1150] : memref<16384x1024xf32, #tpu.memory_space<hbm>> -> memref<4x1024xf32, #tpu.memory_space<hbm>>
      %dma_wait3A_1152 = arith.constant 0 : i32
      %dma_wait3A_1153 = arith.constant 0 : i32
      %dma_wait3A_1154 = tpu.memref_slice %arg8[%dma_wait3A_1152, %dma_wait3A_1153] : memref<16x1024xf32, #tpu.memory_space<vmem>> -> memref<4x1024xf32, #tpu.memory_space<vmem>>
      tpu.wait_dma2 semaphore(%arg18 : memref<!tpu.dma_semaphore, #tpu.memory_space<semaphore_mem>>) src(%dma_wait3A_1154 : memref<4x1024xf32, #tpu.memory_space<vmem>>) dst(%dma_wait3A_1151 : memref<4x1024xf32, #tpu.memory_space<hbm>>)
      %dma_wait3A_1155 = arith.constant 0 : i32
      %dma_wait3A_1156 = arith.constant 0 : i32
      %dma_wait3A_1157 = tpu.memref_slice %arg8[%dma_wait3A_1155, %dma_wait3A_1156] : memref<16x1024xf32, #tpu.memory_space<vmem>> -> memref<4x1024xf32, #tpu.memory_space<vmem>>
      %dma_wait3A_1158 = arith.constant 0 : i32
      %dma_wait3A_1159 = arith.constant 0 : i32
      %dma_wait3A_1160 = tpu.memref_slice %arg5[%dma_wait3A_1158, %dma_wait3A_1159] : memref<16384x1024xf32, #tpu.memory_space<hbm>> -> memref<4x1024xf32, #tpu.memory_space<hbm>>
      %dma_wait3A_1161 = arith.constant 0 : i32
      %dma_wait3A_1162 = arith.constant 0 : i32
      %dma_wait3A_1163 = tpu.memref_slice %arg5[%dma_wait3A_1161, %dma_wait3A_1162] : memref<16384x1024xf32, #tpu.memory_space<hbm>> -> memref<4x1024xf32, #tpu.memory_space<hbm>>
      %dma_wait3A_1164 = arith.constant 0 : i32
      %dma_wait3A_1165 = arith.constant 0 : i32
      %dma_wait3A_1166 = tpu.memref_slice %arg8[%dma_wait3A_1164, %dma_wait3A_1165] : memref<16x1024xf32, #tpu.memory_space<vmem>> -> memref<4x1024xf32, #tpu.memory_space<vmem>>
      tpu.wait_dma2 semaphore(%arg18 : memref<!tpu.dma_semaphore, #tpu.memory_space<semaphore_mem>>) src(%dma_wait3A_1166 : memref<4x1024xf32, #tpu.memory_space<vmem>>) dst(%dma_wait3A_1163 : memref<4x1024xf32, #tpu.memory_space<hbm>>)
      %dma_wait3A_1167 = arith.constant 0 : i32
      %dma_wait3A_1168 = arith.constant 0 : i32
      %dma_wait3A_1169 = tpu.memref_slice %arg8[%dma_wait3A_1167, %dma_wait3A_1168] : memref<16x1024xf32, #tpu.memory_space<vmem>> -> memref<4x1024xf32, #tpu.memory_space<vmem>>
      %dma_wait3A_1170 = arith.constant 0 : i32
      %dma_wait3A_1171 = arith.constant 0 : i32
      %dma_wait3A_1172 = tpu.memref_slice %arg5[%dma_wait3A_1170, %dma_wait3A_1171] : memref<16384x1024xf32, #tpu.memory_space<hbm>> -> memref<4x1024xf32, #tpu.memory_space<hbm>>
      %dma_wait3A_1173 = arith.constant 0 : i32
      %dma_wait3A_1174 = arith.constant 0 : i32
      %dma_wait3A_1175 = tpu.memref_slice %arg5[%dma_wait3A_1173, %dma_wait3A_1174] : memref<16384x1024xf32, #tpu.memory_space<hbm>> -> memref<4x1024xf32, #tpu.memory_space<hbm>>
      %dma_wait3A_1176 = arith.constant 0 : i32
      %dma_wait3A_1177 = arith.constant 0 : i32
      %dma_wait3A_1178 = tpu.memref_slice %arg8[%dma_wait3A_1176, %dma_wait3A_1177] : memref<16x1024xf32, #tpu.memory_space<vmem>> -> memref<4x1024xf32, #tpu.memory_space<vmem>>
      tpu.wait_dma2 semaphore(%arg18 : memref<!tpu.dma_semaphore, #tpu.memory_space<semaphore_mem>>) src(%dma_wait3A_1178 : memref<4x1024xf32, #tpu.memory_space<vmem>>) dst(%dma_wait3A_1175 : memref<4x1024xf32, #tpu.memory_space<hbm>>)
      %add3A_1179 = arith.constant 2 : i32
      %add3A_1180 = arith.addi %add3A_1105, %add3A_1179 : i32
      %jit3A_1181 = arith.constant 32 : i32
      %eq3A_1182 = arith.constant 0 : i32
      %eq3A_1183 = arith.cmpi eq, %jit3A_1181, %eq3A_1182 : i32
      %jit3A_1184 = arith.constant 1 : i32
      %select_n3A_1185 = arith.select %eq3A_1183, %jit3A_1184, %jit3A_1181 : i32
      %rem3A_1186 = arith.remsi %add3A_1180, %select_n3A_1185 : i32
      %ne3A_1187 = arith.constant 0 : i32
      %ne3A_1188 = arith.cmpi ne, %rem3A_1186, %ne3A_1187 : i32
      %lt3A_1189 = arith.constant 0 : i32
      %lt3A_1190 = arith.cmpi slt, %rem3A_1186, %lt3A_1189 : i32
      %lt3A_1191 = arith.constant 0 : i32
      %lt3A_1192 = arith.cmpi slt, %select_n3A_1185, %lt3A_1191 : i32
      %ne3A_1193 = arith.xori %lt3A_1190, %lt3A_1192 : i1
      %and3A_1194 = arith.andi %ne3A_1193, %ne3A_1188 : i1
      %add3A_1195 = arith.addi %rem3A_1186, %select_n3A_1185 : i32
      %select_n3A_1196 = arith.select %and3A_1194, %add3A_1195, %rem3A_1186 : i32
      %mul3A_1197 = arith.constant 16 : i32
      %mul3A_1198 = arith.muli %select_n3A_1196, %mul3A_1197 : i32
      %dma_start3A_1199 = tpu.memref_slice %arg6[%mul3A_1198] : memref<512xi32, #tpu.memory_space<vmem>> -> memref<16xi32, #tpu.memory_space<vmem>>
      %dma_start3A_1200 = arith.constant 0 : i32
      %dma_start3A_1201 = arith.constant 0 : i32
      %dma_start3A_1202 = tpu.memref_slice %arg3[%dma_start3A_1200, %dma_start3A_1201] : memref<100000x1024xf32, #tpu.memory_space<hbm>> -> memref<100000x1024xf32, #tpu.memory_space<hbm>>
      tpu.enqueue_indirect_dma source(%dma_start3A_1202 : memref<100000x1024xf32, #tpu.memory_space<hbm>>) target(%arg8 : memref<16x1024xf32, #tpu.memory_space<vmem>>) offsets(%dma_start3A_1199 : memref<16xi32, #tpu.memory_space<vmem>>) semaphore(%arg14 : memref<!tpu.dma_semaphore, #tpu.memory_space<semaphore_mem>>)
      %mul3A_1203 = arith.constant 4 : i32
      %mul3A_1204 = arith.muli %add3A_1105, %mul3A_1203 : i32
      %add3A_1205 = arith.addi %mul3A_2, %mul3A_1204 : i32
      %dma_wait3A_1206 = arith.constant 0 : i32
      %dma_wait3A_1207 = tpu.memref_slice %arg4[%add3A_1205, %dma_wait3A_1206] : memref<4096x1024xf32, #tpu.memory_space<hbm>> -> memref<4x1024xf32, #tpu.memory_space<hbm>>
      %dma_wait3A_1208 = arith.constant 0 : i32
      %dma_wait3A_1209 = tpu.memref_slice %arg4[%add3A_1205, %dma_wait3A_1208] : memref<4096x1024xf32, #tpu.memory_space<hbm>> -> memref<4x1024xf32, #tpu.memory_space<hbm>>
      tpu.wait_dma2 semaphore(%arg22 : memref<!tpu.dma_semaphore, #tpu.memory_space<semaphore_mem>>) src(%dma_wait3A_1209 : memref<4x1024xf32, #tpu.memory_space<hbm>>) dst(%arg12 : memref<4x1024xf32, #tpu.memory_space<vmem>>)
      %mul3A_1210 = arith.constant 16 : i32
      %mul3A_1211 = arith.muli %add3A_1105, %mul3A_1210 : i32
      %dma_wait3A_1212 = tpu.memref_slice %arg6[%mul3A_1211] : memref<512xi32, #tpu.memory_space<vmem>> -> memref<16xi32, #tpu.memory_space<vmem>>
      %dma_wait3A_1213 = arith.constant 0 : i32
      %dma_wait3A_1214 = arith.constant 0 : i32
      %dma_wait3A_1215 = tpu.memref_slice %arg3[%dma_wait3A_1213, %dma_wait3A_1214] : memref<100000x1024xf32, #tpu.memory_space<hbm>> -> memref<100000x1024xf32, #tpu.memory_space<hbm>>
      tpu.wait_indirect_dma semaphore(%arg16 : memref<!tpu.dma_semaphore, #tpu.memory_space<semaphore_mem>>) src(%dma_wait3A_1215 : memref<100000x1024xf32, #tpu.memory_space<hbm>>) dst(%arg10 : memref<16x1024xf32, #tpu.memory_space<vmem>>)
      %scan3A_1216 = arith.constant 0 : i32
      %scan3A_1217 = arith.constant 0 : i32
      %scan3A_1218 = arith.constant 64 : i32
      %scan3A_1219 = arith.addi %scan3A_1217, %scan3A_1218 : i32
      %scan3A_1220 = arith.constant 1 : i32
      scf.for %scan3A_1282 = %scan3A_1217 to %scan3A_1219 step %scan3A_1220  : i32 {
        %mul3A_1283 = arith.constant 16 : i32
        %mul3A_1284 = arith.muli %scan3A_1282, %mul3A_1283 : i32
        %get3A = arith.constant 0 : i32
        %get3A_1285 = arith.index_cast %get3A : i32 to index
        %get3A_1286 = arith.index_cast %mul3A_1284 : i32 to index
        %get3A_1287 = tpu.vector_load %arg12[%get3A_1285, %get3A_1286] {strides = array<i32>} : memref<4x1024xf32, #tpu.memory_space<vmem>>, vector<1x16xf32>,
        %get3A_1288 = vector.shape_cast %get3A_1287 : vector<1x16xf32> to vector<16xf32>
        %get3A_1289 = arith.constant 0 : i32
        %get3A_1290 = arith.index_cast %get3A_1289 : i32 to index
        %get3A_1291 = arith.index_cast %mul3A_1284 : i32 to index
        %get3A_1292 = tpu.vector_load %arg10[%get3A_1290, %get3A_1291] {strides = array<i32>} : memref<16x1024xf32, #tpu.memory_space<vmem>>, vector<1x16xf32>,
        %get3A_1293 = vector.shape_cast %get3A_1292 : vector<1x16xf32> to vector<16xf32>
        %mul3A_1294 = arith.constant 8.000000e+00 : f32
        %mul3A_1295 = vector.broadcast %mul3A_1294 : f32 to vector<16xf32>
        %mul3A_1296 = arith.mulf %get3A_1293, %mul3A_1295 : vector<16xf32>
        %add3A_1297 = arith.addf %mul3A_1296, %get3A_1288 : vector<16xf32>
        %swap3A = arith.constant 0 : i32
        %swap3A_1298 = arith.index_cast %swap3A : i32 to index
        %swap3A_1299 = arith.index_cast %mul3A_1284 : i32 to index
        %swap3A_1300 = tpu.vector_load %arg10[%swap3A_1298, %swap3A_1299] {strides = array<i32>} : memref<16x1024xf32, #tpu.memory_space<vmem>>, vector<1x16xf32>,
        %swap3A_1301 = vector.shape_cast %swap3A_1300 : vector<1x16xf32> to vector<16xf32>
        %swap3A_1302 = vector.shape_cast %add3A_1297 : vector<16xf32> to vector<1x16xf32>
        tpu.vector_store %arg10[%swap3A_1298, %swap3A_1299], %swap3A_1302 {strides = array<i32>} : memref<16x1024xf32, #tpu.memory_space<vmem>>, vector<1x16xf32>,
        %get3A_1303 = arith.constant 4 : i32
        %get3A_1304 = arith.index_cast %get3A_1303 : i32 to index
        %get3A_1305 = arith.index_cast %mul3A_1284 : i32 to index
        %get3A_1306 = tpu.vector_load %arg10[%get3A_1304, %get3A_1305] {strides = array<i32>} : memref<16x1024xf32, #tpu.memory_space<vmem>>, vector<1x16xf32>,
        %get3A_1307 = vector.shape_cast %get3A_1306 : vector<1x16xf32> to vector<16xf32>
        %mul3A_1308 = arith.constant 8.000000e+00 : f32
        %mul3A_1309 = vector.broadcast %mul3A_1308 : f32 to vector<16xf32>
        %mul3A_1310 = arith.mulf %get3A_1307, %mul3A_1309 : vector<16xf32>
        %add3A_1311 = arith.addf %mul3A_1310, %get3A_1288 : vector<16xf32>
        %swap3A_1312 = arith.constant 4 : i32
        %swap3A_1313 = arith.index_cast %swap3A_1312 : i32 to index
        %swap3A_1314 = arith.index_cast %mul3A_1284 : i32 to index
        %swap3A_1315 = tpu.vector_load %arg10[%swap3A_1313, %swap3A_1314] {strides = array<i32>} : memref<16x1024xf32, #tpu.memory_space<vmem>>, vector<1x16xf32>,
        %swap3A_1316 = vector.shape_cast %swap3A_1315 : vector<1x16xf32> to vector<16xf32>
        %swap3A_1317 = vector.shape_cast %add3A_1311 : vector<16xf32> to vector<1x16xf32>
        tpu.vector_store %arg10[%swap3A_1313, %swap3A_1314], %swap3A_1317 {strides = array<i32>} : memref<16x1024xf32, #tpu.memory_space<vmem>>, vector<1x16xf32>,
        %get3A_1318 = arith.constant 8 : i32
        %get3A_1319 = arith.index_cast %get3A_1318 : i32 to index
        %get3A_1320 = arith.index_cast %mul3A_1284 : i32 to index
        %get3A_1321 = tpu.vector_load %arg10[%get3A_1319, %get3A_1320] {strides = array<i32>} : memref<16x1024xf32, #tpu.memory_space<vmem>>, vector<1x16xf32>,
        %get3A_1322 = vector.shape_cast %get3A_1321 : vector<1x16xf32> to vector<16xf32>
        %mul3A_1323 = arith.constant 8.000000e+00 : f32
        %mul3A_1324 = vector.broadcast %mul3A_1323 : f32 to vector<16xf32>
        %mul3A_1325 = arith.mulf %get3A_1322, %mul3A_1324 : vector<16xf32>
        %add3A_1326 = arith.addf %mul3A_1325, %get3A_1288 : vector<16xf32>
        %swap3A_1327 = arith.constant 8 : i32
        %swap3A_1328 = arith.index_cast %swap3A_1327 : i32 to index
        %swap3A_1329 = arith.index_cast %mul3A_1284 : i32 to index
        %swap3A_1330 = tpu.vector_load %arg10[%swap3A_1328, %swap3A_1329] {strides = array<i32>} : memref<16x1024xf32, #tpu.memory_space<vmem>>, vector<1x16xf32>,
        %swap3A_1331 = vector.shape_cast %swap3A_1330 : vector<1x16xf32> to vector<16xf32>
        %swap3A_1332 = vector.shape_cast %add3A_1326 : vector<16xf32> to vector<1x16xf32>
        tpu.vector_store %arg10[%swap3A_1328, %swap3A_1329], %swap3A_1332 {strides = array<i32>} : memref<16x1024xf32, #tpu.memory_space<vmem>>, vector<1x16xf32>,
        %get3A_1333 = arith.constant 12 : i32
        %get3A_1334 = arith.index_cast %get3A_1333 : i32 to index
        %get3A_1335 = arith.index_cast %mul3A_1284 : i32 to index
        %get3A_1336 = tpu.vector_load %arg10[%get3A_1334, %get3A_1335] {strides = array<i32>} : memref<16x1024xf32, #tpu.memory_space<vmem>>, vector<1x16xf32>,
        %get3A_1337 = vector.shape_cast %get3A_1336 : vector<1x16xf32> to vector<16xf32>
        %mul3A_1338 = arith.constant 8.000000e+00 : f32
        %mul3A_1339 = vector.broadcast %mul3A_1338 : f32 to vector<16xf32>
        %mul3A_1340 = arith.mulf %get3A_1337, %mul3A_1339 : vector<16xf32>
        %add3A_1341 = arith.addf %mul3A_1340, %get3A_1288 : vector<16xf32>
        %swap3A_1342 = arith.constant 12 : i32
        %swap3A_1343 = arith.index_cast %swap3A_1342 : i32 to index
        %swap3A_1344 = arith.index_cast %mul3A_1284 : i32 to index
        %swap3A_1345 = tpu.vector_load %arg10[%swap3A_1343, %swap3A_1344] {strides = array<i32>} : memref<16x1024xf32, #tpu.memory_space<vmem>>, vector<1x16xf32>,
        %swap3A_1346 = vector.shape_cast %swap3A_1345 : vector<1x16xf32> to vector<16xf32>
        %swap3A_1347 = vector.shape_cast %add3A_1341 : vector<16xf32> to vector<1x16xf32>
        tpu.vector_store %arg10[%swap3A_1343, %swap3A_1344], %swap3A_1347 {strides = array<i32>} : memref<16x1024xf32, #tpu.memory_space<vmem>>, vector<1x16xf32>,
        %get3A_1348 = arith.constant 1 : i32
        %get3A_1349 = arith.index_cast %get3A_1348 : i32 to index
        %get3A_1350 = arith.index_cast %mul3A_1284 : i32 to index
        %get3A_1351 = tpu.vector_load %arg12[%get3A_1349, %get3A_1350] {strides = array<i32>} : memref<4x1024xf32, #tpu.memory_space<vmem>>, vector<1x16xf32>,
        %get3A_1352 = vector.shape_cast %get3A_1351 : vector<1x16xf32> to vector<16xf32>
        %get3A_1353 = arith.constant 1 : i32
        %get3A_1354 = arith.index_cast %get3A_1353 : i32 to index
        %get3A_1355 = arith.index_cast %mul3A_1284 : i32 to index
        %get3A_1356 = tpu.vector_load %arg10[%get3A_1354, %get3A_1355] {strides = array<i32>} : memref<16x1024xf32, #tpu.memory_space<vmem>>, vector<1x16xf32>,
        %get3A_1357 = vector.shape_cast %get3A_1356 : vector<1x16xf32> to vector<16xf32>
        %mul3A_1358 = arith.constant 8.000000e+00 : f32
        %mul3A_1359 = vector.broadcast %mul3A_1358 : f32 to vector<16xf32>
        %mul3A_1360 = arith.mulf %get3A_1357, %mul3A_1359 : vector<16xf32>
        %add3A_1361 = arith.addf %mul3A_1360, %get3A_1352 : vector<16xf32>
        %swap3A_1362 = arith.constant 1 : i32
        %swap3A_1363 = arith.index_cast %swap3A_1362 : i32 to index
        %swap3A_1364 = arith.index_cast %mul3A_1284 : i32 to index
        %swap3A_1365 = tpu.vector_load %arg10[%swap3A_1363, %swap3A_1364] {strides = array<i32>} : memref<16x1024xf32, #tpu.memory_space<vmem>>, vector<1x16xf32>,
        %swap3A_1366 = vector.shape_cast %swap3A_1365 : vector<1x16xf32> to vector<16xf32>
        %swap3A_1367 = vector.shape_cast %add3A_1361 : vector<16xf32> to vector<1x16xf32>
        tpu.vector_store %arg10[%swap3A_1363, %swap3A_1364], %swap3A_1367 {strides = array<i32>} : memref<16x1024xf32, #tpu.memory_space<vmem>>, vector<1x16xf32>,
        %get3A_1368 = arith.constant 5 : i32
        %get3A_1369 = arith.index_cast %get3A_1368 : i32 to index
        %get3A_1370 = arith.index_cast %mul3A_1284 : i32 to index
        %get3A_1371 = tpu.vector_load %arg10[%get3A_1369, %get3A_1370] {strides = array<i32>} : memref<16x1024xf32, #tpu.memory_space<vmem>>, vector<1x16xf32>,
        %get3A_1372 = vector.shape_cast %get3A_1371 : vector<1x16xf32> to vector<16xf32>
        %mul3A_1373 = arith.constant 8.000000e+00 : f32
        %mul3A_1374 = vector.broadcast %mul3A_1373 : f32 to vector<16xf32>
        %mul3A_1375 = arith.mulf %get3A_1372, %mul3A_1374 : vector<16xf32>
        %add3A_1376 = arith.addf %mul3A_1375, %get3A_1352 : vector<16xf32>
        %swap3A_1377 = arith.constant 5 : i32
        %swap3A_1378 = arith.index_cast %swap3A_1377 : i32 to index
        %swap3A_1379 = arith.index_cast %mul3A_1284 : i32 to index
        %swap3A_1380 = tpu.vector_load %arg10[%swap3A_1378, %swap3A_1379] {strides = array<i32>} : memref<16x1024xf32, #tpu.memory_space<vmem>>, vector<1x16xf32>,
        %swap3A_1381 = vector.shape_cast %swap3A_1380 : vector<1x16xf32> to vector<16xf32>
        %swap3A_1382 = vector.shape_cast %add3A_1376 : vector<16xf32> to vector<1x16xf32>
        tpu.vector_store %arg10[%swap3A_1378, %swap3A_1379], %swap3A_1382 {strides = array<i32>} : memref<16x1024xf32, #tpu.memory_space<vmem>>, vector<1x16xf32>,
        %get3A_1383 = arith.constant 9 : i32
        %get3A_1384 = arith.index_cast %get3A_1383 : i32 to index
        %get3A_1385 = arith.index_cast %mul3A_1284 : i32 to index
        %get3A_1386 = tpu.vector_load %arg10[%get3A_1384, %get3A_1385] {strides = array<i32>} : memref<16x1024xf32, #tpu.memory_space<vmem>>, vector<1x16xf32>,
        %get3A_1387 = vector.shape_cast %get3A_1386 : vector<1x16xf32> to vector<16xf32>
        %mul3A_1388 = arith.constant 8.000000e+00 : f32
        %mul3A_1389 = vector.broadcast %mul3A_1388 : f32 to vector<16xf32>
        %mul3A_1390 = arith.mulf %get3A_1387, %mul3A_1389 : vector<16xf32>
        %add3A_1391 = arith.addf %mul3A_1390, %get3A_1352 : vector<16xf32>
        %swap3A_1392 = arith.constant 9 : i32
        %swap3A_1393 = arith.index_cast %swap3A_1392 : i32 to index
        %swap3A_1394 = arith.index_cast %mul3A_1284 : i32 to index
        %swap3A_1395 = tpu.vector_load %arg10[%swap3A_1393, %swap3A_1394] {strides = array<i32>} : memref<16x1024xf32, #tpu.memory_space<vmem>>, vector<1x16xf32>,
        %swap3A_1396 = vector.shape_cast %swap3A_1395 : vector<1x16xf32> to vector<16xf32>
        %swap3A_1397 = vector.shape_cast %add3A_1391 : vector<16xf32> to vector<1x16xf32>
        tpu.vector_store %arg10[%swap3A_1393, %swap3A_1394], %swap3A_1397 {strides = array<i32>} : memref<16x1024xf32, #tpu.memory_space<vmem>>, vector<1x16xf32>,
        %get3A_1398 = arith.constant 13 : i32
        %get3A_1399 = arith.index_cast %get3A_1398 : i32 to index
        %get3A_1400 = arith.index_cast %mul3A_1284 : i32 to index
        %get3A_1401 = tpu.vector_load %arg10[%get3A_1399, %get3A_1400] {strides = array<i32>} : memref<16x1024xf32, #tpu.memory_space<vmem>>, vector<1x16xf32>,
        %get3A_1402 = vector.shape_cast %get3A_1401 : vector<1x16xf32> to vector<16xf32>
        %mul3A_1403 = arith.constant 8.000000e+00 : f32
        %mul3A_1404 = vector.broadcast %mul3A_1403 : f32 to vector<16xf32>
        %mul3A_1405 = arith.mulf %get3A_1402, %mul3A_1404 : vector<16xf32>
        %add3A_1406 = arith.addf %mul3A_1405, %get3A_1352 : vector<16xf32>
        %swap3A_1407 = arith.constant 13 : i32
        %swap3A_1408 = arith.index_cast %swap3A_1407 : i32 to index
        %swap3A_1409 = arith.index_cast %mul3A_1284 : i32 to index
        %swap3A_1410 = tpu.vector_load %arg10[%swap3A_1408, %swap3A_1409] {strides = array<i32>} : memref<16x1024xf32, #tpu.memory_space<vmem>>, vector<1x16xf32>,
        %swap3A_1411 = vector.shape_cast %swap3A_1410 : vector<1x16xf32> to vector<16xf32>
        %swap3A_1412 = vector.shape_cast %add3A_1406 : vector<16xf32> to vector<1x16xf32>
        tpu.vector_store %arg10[%swap3A_1408, %swap3A_1409], %swap3A_1412 {strides = array<i32>} : memref<16x1024xf32, #tpu.memory_space<vmem>>, vector<1x16xf32>,
        %get3A_1413 = arith.constant 2 : i32
        %get3A_1414 = arith.index_cast %get3A_1413 : i32 to index
        %get3A_1415 = arith.index_cast %mul3A_1284 : i32 to index
        %get3A_1416 = tpu.vector_load %arg12[%get3A_1414, %get3A_1415] {strides = array<i32>} : memref<4x1024xf32, #tpu.memory_space<vmem>>, vector<1x16xf32>,
        %get3A_1417 = vector.shape_cast %get3A_1416 : vector<1x16xf32> to vector<16xf32>
        %get3A_1418 = arith.constant 2 : i32
        %get3A_1419 = arith.index_cast %get3A_1418 : i32 to index
        %get3A_1420 = arith.index_cast %mul3A_1284 : i32 to index
        %get3A_1421 = tpu.vector_load %arg10[%get3A_1419, %get3A_1420] {strides = array<i32>} : memref<16x1024xf32, #tpu.memory_space<vmem>>, vector<1x16xf32>,
        %get3A_1422 = vector.shape_cast %get3A_1421 : vector<1x16xf32> to vector<16xf32>
        %mul3A_1423 = arith.constant 8.000000e+00 : f32
        %mul3A_1424 = vector.broadcast %mul3A_1423 : f32 to vector<16xf32>
        %mul3A_1425 = arith.mulf %get3A_1422, %mul3A_1424 : vector<16xf32>
        %add3A_1426 = arith.addf %mul3A_1425, %get3A_1417 : vector<16xf32>
        %swap3A_1427 = arith.constant 2 : i32
        %swap3A_1428 = arith.index_cast %swap3A_1427 : i32 to index
        %swap3A_1429 = arith.index_cast %mul3A_1284 : i32 to index
        %swap3A_1430 = tpu.vector_load %arg10[%swap3A_1428, %swap3A_1429] {strides = array<i32>} : memref<16x1024xf32, #tpu.memory_space<vmem>>, vector<1x16xf32>,
        %swap3A_1431 = vector.shape_cast %swap3A_1430 : vector<1x16xf32> to vector<16xf32>
        %swap3A_1432 = vector.shape_cast %add3A_1426 : vector<16xf32> to vector<1x16xf32>
        tpu.vector_store %arg10[%swap3A_1428, %swap3A_1429], %swap3A_1432 {strides = array<i32>} : memref<16x1024xf32, #tpu.memory_space<vmem>>, vector<1x16xf32>,
        %get3A_1433 = arith.constant 6 : i32
        %get3A_1434 = arith.index_cast %get3A_1433 : i32 to index
        %get3A_1435 = arith.index_cast %mul3A_1284 : i32 to index
        %get3A_1436 = tpu.vector_load %arg10[%get3A_1434, %get3A_1435] {strides = array<i32>} : memref<16x1024xf32, #tpu.memory_space<vmem>>, vector<1x16xf32>,
        %get3A_1437 = vector.shape_cast %get3A_1436 : vector<1x16xf32> to vector<16xf32>
        %mul3A_1438 = arith.constant 8.000000e+00 : f32
        %mul3A_1439 = vector.broadcast %mul3A_1438 : f32 to vector<16xf32>
        %mul3A_1440 = arith.mulf %get3A_1437, %mul3A_1439 : vector<16xf32>
        %add3A_1441 = arith.addf %mul3A_1440, %get3A_1417 : vector<16xf32>
        %swap3A_1442 = arith.constant 6 : i32
        %swap3A_1443 = arith.index_cast %swap3A_1442 : i32 to index
        %swap3A_1444 = arith.index_cast %mul3A_1284 : i32 to index
        %swap3A_1445 = tpu.vector_load %arg10[%swap3A_1443, %swap3A_1444] {strides = array<i32>} : memref<16x1024xf32, #tpu.memory_space<vmem>>, vector<1x16xf32>,
        %swap3A_1446 = vector.shape_cast %swap3A_1445 : vector<1x16xf32> to vector<16xf32>
        %swap3A_1447 = vector.shape_cast %add3A_1441 : vector<16xf32> to vector<1x16xf32>
        tpu.vector_store %arg10[%swap3A_1443, %swap3A_1444], %swap3A_1447 {strides = array<i32>} : memref<16x1024xf32, #tpu.memory_space<vmem>>, vector<1x16xf32>,
        %get3A_1448 = arith.constant 10 : i32
        %get3A_1449 = arith.index_cast %get3A_1448 : i32 to index
        %get3A_1450 = arith.index_cast %mul3A_1284 : i32 to index
        %get3A_1451 = tpu.vector_load %arg10[%get3A_1449, %get3A_1450] {strides = array<i32>} : memref<16x1024xf32, #tpu.memory_space<vmem>>, vector<1x16xf32>,
        %get3A_1452 = vector.shape_cast %get3A_1451 : vector<1x16xf32> to vector<16xf32>
        %mul3A_1453 = arith.constant 8.000000e+00 : f32
        %mul3A_1454 = vector.broadcast %mul3A_1453 : f32 to vector<16xf32>
        %mul3A_1455 = arith.mulf %get3A_1452, %mul3A_1454 : vector<16xf32>
        %add3A_1456 = arith.addf %mul3A_1455, %get3A_1417 : vector<16xf32>
        %swap3A_1457 = arith.constant 10 : i32
        %swap3A_1458 = arith.index_cast %swap3A_1457 : i32 to index
        %swap3A_1459 = arith.index_cast %mul3A_1284 : i32 to index
        %swap3A_1460 = tpu.vector_load %arg10[%swap3A_1458, %swap3A_1459] {strides = array<i32>} : memref<16x1024xf32, #tpu.memory_space<vmem>>, vector<1x16xf32>,
        %swap3A_1461 = vector.shape_cast %swap3A_1460 : vector<1x16xf32> to vector<16xf32>
        %swap3A_1462 = vector.shape_cast %add3A_1456 : vector<16xf32> to vector<1x16xf32>
        tpu.vector_store %arg10[%swap3A_1458, %swap3A_1459], %swap3A_1462 {strides = array<i32>} : memref<16x1024xf32, #tpu.memory_space<vmem>>, vector<1x16xf32>,
        %get3A_1463 = arith.constant 14 : i32
        %get3A_1464 = arith.index_cast %get3A_1463 : i32 to index
        %get3A_1465 = arith.index_cast %mul3A_1284 : i32 to index
        %get3A_1466 = tpu.vector_load %arg10[%get3A_1464, %get3A_1465] {strides = array<i32>} : memref<16x1024xf32, #tpu.memory_space<vmem>>, vector<1x16xf32>,
        %get3A_1467 = vector.shape_cast %get3A_1466 : vector<1x16xf32> to vector<16xf32>
        %mul3A_1468 = arith.constant 8.000000e+00 : f32
        %mul3A_1469 = vector.broadcast %mul3A_1468 : f32 to vector<16xf32>
        %mul3A_1470 = arith.mulf %get3A_1467, %mul3A_1469 : vector<16xf32>
        %add3A_1471 = arith.addf %mul3A_1470, %get3A_1417 : vector<16xf32>
        %swap3A_1472 = arith.constant 14 : i32
        %swap3A_1473 = arith.index_cast %swap3A_1472 : i32 to index
        %swap3A_1474 = arith.index_cast %mul3A_1284 : i32 to index
        %swap3A_1475 = tpu.vector_load %arg10[%swap3A_1473, %swap3A_1474] {strides = array<i32>} : memref<16x1024xf32, #tpu.memory_space<vmem>>, vector<1x16xf32>,
        %swap3A_1476 = vector.shape_cast %swap3A_1475 : vector<1x16xf32> to vector<16xf32>
        %swap3A_1477 = vector.shape_cast %add3A_1471 : vector<16xf32> to vector<1x16xf32>
        tpu.vector_store %arg10[%swap3A_1473, %swap3A_1474], %swap3A_1477 {strides = array<i32>} : memref<16x1024xf32, #tpu.memory_space<vmem>>, vector<1x16xf32>,
        %get3A_1478 = arith.constant 3 : i32
        %get3A_1479 = arith.index_cast %get3A_1478 : i32 to index
        %get3A_1480 = arith.index_cast %mul3A_1284 : i32 to index
        %get3A_1481 = tpu.vector_load %arg12[%get3A_1479, %get3A_1480] {strides = array<i32>} : memref<4x1024xf32, #tpu.memory_space<vmem>>, vector<1x16xf32>,
        %get3A_1482 = vector.shape_cast %get3A_1481 : vector<1x16xf32> to vector<16xf32>
        %get3A_1483 = arith.constant 3 : i32
        %get3A_1484 = arith.index_cast %get3A_1483 : i32 to index
        %get3A_1485 = arith.index_cast %mul3A_1284 : i32 to index
        %get3A_1486 = tpu.vector_load %arg10[%get3A_1484, %get3A_1485] {strides = array<i32>} : memref<16x1024xf32, #tpu.memory_space<vmem>>, vector<1x16xf32>,
        %get3A_1487 = vector.shape_cast %get3A_1486 : vector<1x16xf32> to vector<16xf32>
        %mul3A_1488 = arith.constant 8.000000e+00 : f32
        %mul3A_1489 = vector.broadcast %mul3A_1488 : f32 to vector<16xf32>
        %mul3A_1490 = arith.mulf %get3A_1487, %mul3A_1489 : vector<16xf32>
        %add3A_1491 = arith.addf %mul3A_1490, %get3A_1482 : vector<16xf32>
        %swap3A_1492 = arith.constant 3 : i32
        %swap3A_1493 = arith.index_cast %swap3A_1492 : i32 to index
        %swap3A_1494 = arith.index_cast %mul3A_1284 : i32 to index
        %swap3A_1495 = tpu.vector_load %arg10[%swap3A_1493, %swap3A_1494] {strides = array<i32>} : memref<16x1024xf32, #tpu.memory_space<vmem>>, vector<1x16xf32>,
        %swap3A_1496 = vector.shape_cast %swap3A_1495 : vector<1x16xf32> to vector<16xf32>
        %swap3A_1497 = vector.shape_cast %add3A_1491 : vector<16xf32> to vector<1x16xf32>
        tpu.vector_store %arg10[%swap3A_1493, %swap3A_1494], %swap3A_1497 {strides = array<i32>} : memref<16x1024xf32, #tpu.memory_space<vmem>>, vector<1x16xf32>,
        %get3A_1498 = arith.constant 7 : i32
        %get3A_1499 = arith.index_cast %get3A_1498 : i32 to index
        %get3A_1500 = arith.index_cast %mul3A_1284 : i32 to index
        %get3A_1501 = tpu.vector_load %arg10[%get3A_1499, %get3A_1500] {strides = array<i32>} : memref<16x1024xf32, #tpu.memory_space<vmem>>, vector<1x16xf32>,
        %get3A_1502 = vector.shape_cast %get3A_1501 : vector<1x16xf32> to vector<16xf32>
        %mul3A_1503 = arith.constant 8.000000e+00 : f32
        %mul3A_1504 = vector.broadcast %mul3A_1503 : f32 to vector<16xf32>
        %mul3A_1505 = arith.mulf %get3A_1502, %mul3A_1504 : vector<16xf32>
        %add3A_1506 = arith.addf %mul3A_1505, %get3A_1482 : vector<16xf32>
        %swap3A_1507 = arith.constant 7 : i32
        %swap3A_1508 = arith.index_cast %swap3A_1507 : i32 to index
        %swap3A_1509 = arith.index_cast %mul3A_1284 : i32 to index
        %swap3A_1510 = tpu.vector_load %arg10[%swap3A_1508, %swap3A_1509] {strides = array<i32>} : memref<16x1024xf32, #tpu.memory_space<vmem>>, vector<1x16xf32>,
        %swap3A_1511 = vector.shape_cast %swap3A_1510 : vector<1x16xf32> to vector<16xf32>
        %swap3A_1512 = vector.shape_cast %add3A_1506 : vector<16xf32> to vector<1x16xf32>
        tpu.vector_store %arg10[%swap3A_1508, %swap3A_1509], %swap3A_1512 {strides = array<i32>} : memref<16x1024xf32, #tpu.memory_space<vmem>>, vector<1x16xf32>,
        %get3A_1513 = arith.constant 11 : i32
        %get3A_1514 = arith.index_cast %get3A_1513 : i32 to index
        %get3A_1515 = arith.index_cast %mul3A_1284 : i32 to index
        %get3A_1516 = tpu.vector_load %arg10[%get3A_1514, %get3A_1515] {strides = array<i32>} : memref<16x1024xf32, #tpu.memory_space<vmem>>, vector<1x16xf32>,
        %get3A_1517 = vector.shape_cast %get3A_1516 : vector<1x16xf32> to vector<16xf32>
        %mul3A_1518 = arith.constant 8.000000e+00 : f32
        %mul3A_1519 = vector.broadcast %mul3A_1518 : f32 to vector<16xf32>
        %mul3A_1520 = arith.mulf %get3A_1517, %mul3A_1519 : vector<16xf32>
        %add3A_1521 = arith.addf %mul3A_1520, %get3A_1482 : vector<16xf32>
        %swap3A_1522 = arith.constant 11 : i32
        %swap3A_1523 = arith.index_cast %swap3A_1522 : i32 to index
        %swap3A_1524 = arith.index_cast %mul3A_1284 : i32 to index
        %swap3A_1525 = tpu.vector_load %arg10[%swap3A_1523, %swap3A_1524] {strides = array<i32>} : memref<16x1024xf32, #tpu.memory_space<vmem>>, vector<1x16xf32>,
        %swap3A_1526 = vector.shape_cast %swap3A_1525 : vector<1x16xf32> to vector<16xf32>
        %swap3A_1527 = vector.shape_cast %add3A_1521 : vector<16xf32> to vector<1x16xf32>
        tpu.vector_store %arg10[%swap3A_1523, %swap3A_1524], %swap3A_1527 {strides = array<i32>} : memref<16x1024xf32, #tpu.memory_space<vmem>>, vector<1x16xf32>,
        %get3A_1528 = arith.constant 15 : i32
        %get3A_1529 = arith.index_cast %get3A_1528 : i32 to index
        %get3A_1530 = arith.index_cast %mul3A_1284 : i32 to index
        %get3A_1531 = tpu.vector_load %arg10[%get3A_1529, %get3A_1530] {strides = array<i32>} : memref<16x1024xf32, #tpu.memory_space<vmem>>, vector<1x16xf32>,
        %get3A_1532 = vector.shape_cast %get3A_1531 : vector<1x16xf32> to vector<16xf32>
        %mul3A_1533 = arith.constant 8.000000e+00 : f32
        %mul3A_1534 = vector.broadcast %mul3A_1533 : f32 to vector<16xf32>
        %mul3A_1535 = arith.mulf %get3A_1532, %mul3A_1534 : vector<16xf32>
        %add3A_1536 = arith.addf %mul3A_1535, %get3A_1482 : vector<16xf32>
        %swap3A_1537 = arith.constant 15 : i32
        %swap3A_1538 = arith.index_cast %swap3A_1537 : i32 to index
        %swap3A_1539 = arith.index_cast %mul3A_1284 : i32 to index
        %swap3A_1540 = tpu.vector_load %arg10[%swap3A_1538, %swap3A_1539] {strides = array<i32>} : memref<16x1024xf32, #tpu.memory_space<vmem>>, vector<1x16xf32>,
        %swap3A_1541 = vector.shape_cast %swap3A_1540 : vector<1x16xf32> to vector<16xf32>
        %swap3A_1542 = vector.shape_cast %add3A_1536 : vector<16xf32> to vector<1x16xf32>
        tpu.vector_store %arg10[%swap3A_1538, %swap3A_1539], %swap3A_1542 {strides = array<i32>} : memref<16x1024xf32, #tpu.memory_space<vmem>>, vector<1x16xf32>,
      }
      %scan3A_1221 = arith.constant 64 : i32
      %add3A_1222 = arith.constant 0 : i32
      %add3A_1223 = arith.addi %add3A_1222, %mul3A_2 : i32
      %mul3A_1224 = arith.constant 4 : i32
      %mul3A_1225 = arith.muli %add3A_1105, %mul3A_1224 : i32
      %add3A_1226 = arith.addi %add3A_1223, %mul3A_1225 : i32
      %dma_start3A_1227 = arith.constant 0 : i32
      %dma_start3A_1228 = arith.constant 0 : i32
      %dma_start3A_1229 = tpu.memref_slice %arg10[%dma_start3A_1227, %dma_start3A_1228] : memref<16x1024xf32, #tpu.memory_space<vmem>> -> memref<4x1024xf32, #tpu.memory_space<vmem>>
      %dma_start3A_1230 = arith.constant 0 : i32
      %dma_start3A_1231 = tpu.memref_slice %arg5[%add3A_1226, %dma_start3A_1230] : memref<16384x1024xf32, #tpu.memory_space<hbm>> -> memref<4x1024xf32, #tpu.memory_space<hbm>>
      %dma_start3A_1232 = arith.constant 0 : i32
      %dma_start3A_1233 = tpu.memref_slice %arg5[%add3A_1226, %dma_start3A_1232] : memref<16384x1024xf32, #tpu.memory_space<hbm>> -> memref<4x1024xf32, #tpu.memory_space<hbm>>
      %dma_start3A_1234 = arith.constant 0 : i32
      %dma_start3A_1235 = arith.constant 0 : i32
      %dma_start3A_1236 = tpu.memref_slice %arg10[%dma_start3A_1234, %dma_start3A_1235] : memref<16x1024xf32, #tpu.memory_space<vmem>> -> memref<4x1024xf32, #tpu.memory_space<vmem>>
      tpu.enqueue_dma source(%dma_start3A_1236 : memref<4x1024xf32, #tpu.memory_space<vmem>>) target(%dma_start3A_1233 : memref<4x1024xf32, #tpu.memory_space<hbm>>) target_semaphore(%arg20 : memref<!tpu.dma_semaphore, #tpu.memory_space<semaphore_mem>>)
      %add3A_1237 = arith.constant 4096 : i32
      %add3A_1238 = arith.addi %add3A_1237, %mul3A_2 : i32
      %mul3A_1239 = arith.constant 4 : i32
      %mul3A_1240 = arith.muli %add3A_1105, %mul3A_1239 : i32
      %add3A_1241 = arith.addi %add3A_1238, %mul3A_1240 : i32
      %dma_start3A_1242 = arith.constant 4 : i32
      %dma_start3A_1243 = arith.constant 0 : i32
      %dma_start3A_1244 = tpu.memref_slice %arg10[%dma_start3A_1242, %dma_start3A_1243] : memref<16x1024xf32, #tpu.memory_space<vmem>> -> memref<4x1024xf32, #tpu.memory_space<vmem>>
      %dma_start3A_1245 = arith.constant 0 : i32
      %dma_start3A_1246 = tpu.memref_slice %arg5[%add3A_1241, %dma_start3A_1245] : memref<16384x1024xf32, #tpu.memory_space<hbm>> -> memref<4x1024xf32, #tpu.memory_space<hbm>>
      %dma_start3A_1247 = arith.constant 0 : i32
      %dma_start3A_1248 = tpu.memref_slice %arg5[%add3A_1241, %dma_start3A_1247] : memref<16384x1024xf32, #tpu.memory_space<hbm>> -> memref<4x1024xf32, #tpu.memory_space<hbm>>
      %dma_start3A_1249 = arith.constant 4 : i32
      %dma_start3A_1250 = arith.constant 0 : i32
      %dma_start3A_1251 = tpu.memref_slice %arg10[%dma_start3A_1249, %dma_start3A_1250] : memref<16x1024xf32, #tpu.memory_space<vmem>> -> memref<4x1024xf32, #tpu.memory_space<vmem>>
      tpu.enqueue_dma source(%dma_start3A_1251 : memref<4x1024xf32, #tpu.memory_space<vmem>>) target(%dma_start3A_1248 : memref<4x1024xf32, #tpu.memory_space<hbm>>) target_semaphore(%arg20 : memref<!tpu.dma_semaphore, #tpu.memory_space<semaphore_mem>>)
      %add3A_1252 = arith.constant 8192 : i32
      %add3A_1253 = arith.addi %add3A_1252, %mul3A_2 : i32
      %mul3A_1254 = arith.constant 4 : i32
      %mul3A_1255 = arith.muli %add3A_1105, %mul3A_1254 : i32
      %add3A_1256 = arith.addi %add3A_1253, %mul3A_1255 : i32
      %dma_start3A_1257 = arith.constant 8 : i32
      %dma_start3A_1258 = arith.constant 0 : i32
      %dma_start3A_1259 = tpu.memref_slice %arg10[%dma_start3A_1257, %dma_start3A_1258] : memref<16x1024xf32, #tpu.memory_space<vmem>> -> memref<4x1024xf32, #tpu.memory_space<vmem>>
      %dma_start3A_1260 = arith.constant 0 : i32
      %dma_start3A_1261 = tpu.memref_slice %arg5[%add3A_1256, %dma_start3A_1260] : memref<16384x1024xf32, #tpu.memory_space<hbm>> -> memref<4x1024xf32, #tpu.memory_space<hbm>>
      %dma_start3A_1262 = arith.constant 0 : i32
      %dma_start3A_1263 = tpu.memref_slice %arg5[%add3A_1256, %dma_start3A_1262] : memref<16384x1024xf32, #tpu.memory_space<hbm>> -> memref<4x1024xf32, #tpu.memory_space<hbm>>
      %dma_start3A_1264 = arith.constant 8 : i32
      %dma_start3A_1265 = arith.constant 0 : i32
      %dma_start3A_1266 = tpu.memref_slice %arg10[%dma_start3A_1264, %dma_start3A_1265] : memref<16x1024xf32, #tpu.memory_space<vmem>> -> memref<4x1024xf32, #tpu.memory_space<vmem>>
      tpu.enqueue_dma source(%dma_start3A_1266 : memref<4x1024xf32, #tpu.memory_space<vmem>>) target(%dma_start3A_1263 : memref<4x1024xf32, #tpu.memory_space<hbm>>) target_semaphore(%arg20 : memref<!tpu.dma_semaphore, #tpu.memory_space<semaphore_mem>>)
      %add3A_1267 = arith.constant 12288 : i32
      %add3A_1268 = arith.addi %add3A_1267, %mul3A_2 : i32
      %mul3A_1269 = arith.constant 4 : i32
      %mul3A_1270 = arith.muli %add3A_1105, %mul3A_1269 : i32
      %add3A_1271 = arith.addi %add3A_1268, %mul3A_1270 : i32
      %dma_start3A_1272 = arith.constant 12 : i32
      %dma_start3A_1273 = arith.constant 0 : i32
      %dma_start3A_1274 = tpu.memref_slice %arg10[%dma_start3A_1272, %dma_start3A_1273] : memref<16x1024xf32, #tpu.memory_space<vmem>> -> memref<4x1024xf32, #tpu.memory_space<vmem>>
      %dma_start3A_1275 = arith.constant 0 : i32
      %dma_start3A_1276 = tpu.memref_slice %arg5[%add3A_1271, %dma_start3A_1275] : memref<16384x1024xf32, #tpu.memory_space<hbm>> -> memref<4x1024xf32, #tpu.memory_space<hbm>>
      %dma_start3A_1277 = arith.constant 0 : i32
      %dma_start3A_1278 = tpu.memref_slice %arg5[%add3A_1271, %dma_start3A_1277] : memref<16384x1024xf32, #tpu.memory_space<hbm>> -> memref<4x1024xf32, #tpu.memory_space<hbm>>
      %dma_start3A_1279 = arith.constant 12 : i32
      %dma_start3A_1280 = arith.constant 0 : i32
      %dma_start3A_1281 = tpu.memref_slice %arg10[%dma_start3A_1279, %dma_start3A_1280] : memref<16x1024xf32, #tpu.memory_space<vmem>> -> memref<4x1024xf32, #tpu.memory_space<vmem>>
      tpu.enqueue_dma source(%dma_start3A_1281 : memref<4x1024xf32, #tpu.memory_space<vmem>>) target(%dma_start3A_1278 : memref<4x1024xf32, #tpu.memory_space<hbm>>) target_semaphore(%arg20 : memref<!tpu.dma_semaphore, #tpu.memory_space<semaphore_mem>>)
    }
    %scan3A_455 = arith.constant 7 : i32
    %dma_wait3A_456 = arith.constant 0 : i32
    %dma_wait3A_457 = tpu.memref_slice %arg6[%dma_wait3A_456] : memref<512xi32, #tpu.memory_space<vmem>> -> memref<16xi32, #tpu.memory_space<vmem>>
    %dma_wait3A_458 = arith.constant 0 : i32
    %dma_wait3A_459 = arith.constant 0 : i32
    %dma_wait3A_460 = tpu.memref_slice %arg3[%dma_wait3A_458, %dma_wait3A_459] : memref<100000x1024xf32, #tpu.memory_space<hbm>> -> memref<100000x1024xf32, #tpu.memory_space<hbm>>
    tpu.wait_indirect_dma semaphore(%arg13 : memref<!tpu.dma_semaphore, #tpu.memory_space<semaphore_mem>>) src(%dma_wait3A_460 : memref<100000x1024xf32, #tpu.memory_space<hbm>>) dst(%arg7 : memref<16x1024xf32, #tpu.memory_space<vmem>>)
    %dma_wait3A_461 = arith.constant 16 : i32
    %dma_wait3A_462 = tpu.memref_slice %arg6[%dma_wait3A_461] : memref<512xi32, #tpu.memory_space<vmem>> -> memref<16xi32, #tpu.memory_space<vmem>>
    %dma_wait3A_463 = arith.constant 0 : i32
    %dma_wait3A_464 = arith.constant 0 : i32
    %dma_wait3A_465 = tpu.memref_slice %arg3[%dma_wait3A_463, %dma_wait3A_464] : memref<100000x1024xf32, #tpu.memory_space<hbm>> -> memref<100000x1024xf32, #tpu.memory_space<hbm>>
    tpu.wait_indirect_dma semaphore(%arg14 : memref<!tpu.dma_semaphore, #tpu.memory_space<semaphore_mem>>) src(%dma_wait3A_465 : memref<100000x1024xf32, #tpu.memory_space<hbm>>) dst(%arg8 : memref<16x1024xf32, #tpu.memory_space<vmem>>)
    %add3A_466 = arith.constant 0 : i32
    %add3A_467 = arith.addi %mul3A_2, %add3A_466 : i32
    %dma_wait3A_468 = arith.constant 0 : i32
    %dma_wait3A_469 = tpu.memref_slice %arg4[%add3A_467, %dma_wait3A_468] : memref<4096x1024xf32, #tpu.memory_space<hbm>> -> memref<4x1024xf32, #tpu.memory_space<hbm>>
    %dma_wait3A_470 = arith.constant 0 : i32
    %dma_wait3A_471 = tpu.memref_slice %arg4[%add3A_467, %dma_wait3A_470] : memref<4096x1024xf32, #tpu.memory_space<hbm>> -> memref<4x1024xf32, #tpu.memory_space<hbm>>
    tpu.wait_dma2 semaphore(%arg21 : memref<!tpu.dma_semaphore, #tpu.memory_space<semaphore_mem>>) src(%dma_wait3A_471 : memref<4x1024xf32, #tpu.memory_space<hbm>>) dst(%arg11 : memref<4x1024xf32, #tpu.memory_space<vmem>>)
    %dma_wait3A_472 = arith.constant 0 : i32
    %dma_wait3A_473 = arith.constant 0 : i32
    %dma_wait3A_474 = tpu.memref_slice %arg9[%dma_wait3A_472, %dma_wait3A_473] : memref<16x1024xf32, #tpu.memory_space<vmem>> -> memref<4x1024xf32, #tpu.memory_space<vmem>>
    %dma_wait3A_475 = arith.constant 0 : i32
    %dma_wait3A_476 = arith.constant 0 : i32
    %dma_wait3A_477 = tpu.memref_slice %arg5[%dma_wait3A_475, %dma_wait3A_476] : memref<16384x1024xf32, #tpu.memory_space<hbm>> -> memref<4x1024xf32, #tpu.memory_space<hbm>>
    %dma_wait3A_478 = arith.constant 0 : i32
    %dma_wait3A_479 = arith.constant 0 : i32
    %dma_wait3A_480 = tpu.memref_slice %arg5[%dma_wait3A_478, %dma_wait3A_479] : memref<16384x1024xf32, #tpu.memory_space<hbm>> -> memref<4x1024xf32, #tpu.memory_space<hbm>>
    %dma_wait3A_481 = arith.constant 0 : i32
    %dma_wait3A_482 = arith.constant 0 : i32
    %dma_wait3A_483 = tpu.memref_slice %arg9[%dma_wait3A_481, %dma_wait3A_482] : memref<16x1024xf32, #tpu.memory_space<vmem>> -> memref<4x1024xf32, #tpu.memory_space<vmem>>
    tpu.wait_dma2 semaphore(%arg19 : memref<!tpu.dma_semaphore, #tpu.memory_space<semaphore_mem>>) src(%dma_wait3A_483 : memref<4x1024xf32, #tpu.memory_space<vmem>>) dst(%dma_wait3A_480 : memref<4x1024xf32, #tpu.memory_space<hbm>>)
    %dma_wait3A_484 = arith.constant 0 : i32
    %dma_wait3A_485 = arith.constant 0 : i32
    %dma_wait3A_486 = tpu.memref_slice %arg9[%dma_wait3A_484, %dma_wait3A_485] : memref<16x1024xf32, #tpu.memory_space<vmem>> -> memref<4x1024xf32, #tpu.memory_space<vmem>>
    %dma_wait3A_487 = arith.constant 0 : i32
    %dma_wait3A_488 = arith.constant 0 : i32
    %dma_wait3A_489 = tpu.memref_slice %arg5[%dma_wait3A_487, %dma_wait3A_488] : memref<16384x1024xf32, #tpu.memory_space<hbm>> -> memref<4x1024xf32, #tpu.memory_space<hbm>>
    %dma_wait3A_490 = arith.constant 0 : i32
    %dma_wait3A_491 = arith.constant 0 : i32
    %dma_wait3A_492 = tpu.memref_slice %arg5[%dma_wait3A_490, %dma_wait3A_491] : memref<16384x1024xf32, #tpu.memory_space<hbm>> -> memref<4x1024xf32, #tpu.memory_space<hbm>>
    %dma_wait3A_493 = arith.constant 0 : i32
    %dma_wait3A_494 = arith.constant 0 : i32
    %dma_wait3A_495 = tpu.memref_slice %arg9[%dma_wait3A_493, %dma_wait3A_494] : memref<16x1024xf32, #tpu.memory_space<vmem>> -> memref<4x1024xf32, #tpu.memory_space<vmem>>
    tpu.wait_dma2 semaphore(%arg19 : memref<!tpu.dma_semaphore, #tpu.memory_space<semaphore_mem>>) src(%dma_wait3A_495 : memref<4x1024xf32, #tpu.memory_space<vmem>>) dst(%dma_wait3A_492 : memref<4x1024xf32, #tpu.memory_space<hbm>>)
    %dma_wait3A_496 = arith.constant 0 : i32
    %dma_wait3A_497 = arith.constant 0 : i32
    %dma_wait3A_498 = tpu.memref_slice %arg9[%dma_wait3A_496, %dma_wait3A_497] : memref<16x1024xf32, #tpu.memory_space<vmem>> -> memref<4x1024xf32, #tpu.memory_space<vmem>>
    %dma_wait3A_499 = arith.constant 0 : i32
    %dma_wait3A_500 = arith.constant 0 : i32
    %dma_wait3A_501 = tpu.memref_slice %arg5[%dma_wait3A_499, %dma_wait3A_500] : memref<16384x1024xf32, #tpu.memory_space<hbm>> -> memref<4x1024xf32, #tpu.memory_space<hbm>>
    %dma_wait3A_502 = arith.constant 0 : i32
    %dma_wait3A_503 = arith.constant 0 : i32
    %dma_wait3A_504 = tpu.memref_slice %arg5[%dma_wait3A_502, %dma_wait3A_503] : memref<16384x1024xf32, #tpu.memory_space<hbm>> -> memref<4x1024xf32, #tpu.memory_space<hbm>>
    %dma_wait3A_505 = arith.constant 0 : i32
    %dma_wait3A_506 = arith.constant 0 : i32
    %dma_wait3A_507 = tpu.memref_slice %arg9[%dma_wait3A_505, %dma_wait3A_506] : memref<16x1024xf32, #tpu.memory_space<vmem>> -> memref<4x1024xf32, #tpu.memory_space<vmem>>
    tpu.wait_dma2 semaphore(%arg19 : memref<!tpu.dma_semaphore, #tpu.memory_space<semaphore_mem>>) src(%dma_wait3A_507 : memref<4x1024xf32, #tpu.memory_space<vmem>>) dst(%dma_wait3A_504 : memref<4x1024xf32, #tpu.memory_space<hbm>>)
    %dma_wait3A_508 = arith.constant 0 : i32
    %dma_wait3A_509 = arith.constant 0 : i32
    %dma_wait3A_510 = tpu.memref_slice %arg9[%dma_wait3A_508, %dma_wait3A_509] : memref<16x1024xf32, #tpu.memory_space<vmem>> -> memref<4x1024xf32, #tpu.memory_space<vmem>>
    %dma_wait3A_511 = arith.constant 0 : i32
    %dma_wait3A_512 = arith.constant 0 : i32
    %dma_wait3A_513 = tpu.memref_slice %arg5[%dma_wait3A_511, %dma_wait3A_512] : memref<16384x1024xf32, #tpu.memory_space<hbm>> -> memref<4x1024xf32, #tpu.memory_space<hbm>>
    %dma_wait3A_514 = arith.constant 0 : i32
    %dma_wait3A_515 = arith.constant 0 : i32
    %dma_wait3A_516 = tpu.memref_slice %arg5[%dma_wait3A_514, %dma_wait3A_515] : memref<16384x1024xf32, #tpu.memory_space<hbm>> -> memref<4x1024xf32, #tpu.memory_space<hbm>>
    %dma_wait3A_517 = arith.constant 0 : i32
    %dma_wait3A_518 = arith.constant 0 : i32
    %dma_wait3A_519 = tpu.memref_slice %arg9[%dma_wait3A_517, %dma_wait3A_518] : memref<16x1024xf32, #tpu.memory_space<vmem>> -> memref<4x1024xf32, #tpu.memory_space<vmem>>
    tpu.wait_dma2 semaphore(%arg19 : memref<!tpu.dma_semaphore, #tpu.memory_space<semaphore_mem>>) src(%dma_wait3A_519 : memref<4x1024xf32, #tpu.memory_space<vmem>>) dst(%dma_wait3A_516 : memref<4x1024xf32, #tpu.memory_space<hbm>>)
    %dma_wait3A_520 = arith.constant 0 : i32
    %dma_wait3A_521 = arith.constant 0 : i32
    %dma_wait3A_522 = tpu.memref_slice %arg10[%dma_wait3A_520, %dma_wait3A_521] : memref<16x1024xf32, #tpu.memory_space<vmem>> -> memref<4x1024xf32, #tpu.memory_space<vmem>>
    %dma_wait3A_523 = arith.constant 0 : i32
    %dma_wait3A_524 = arith.constant 0 : i32
    %dma_wait3A_525 = tpu.memref_slice %arg5[%dma_wait3A_523, %dma_wait3A_524] : memref<16384x1024xf32, #tpu.memory_space<hbm>> -> memref<4x1024xf32, #tpu.memory_space<hbm>>
    %dma_wait3A_526 = arith.constant 0 : i32
    %dma_wait3A_527 = arith.constant 0 : i32
    %dma_wait3A_528 = tpu.memref_slice %arg5[%dma_wait3A_526, %dma_wait3A_527] : memref<16384x1024xf32, #tpu.memory_space<hbm>> -> memref<4x1024xf32, #tpu.memory_space<hbm>>
    %dma_wait3A_529 = arith.constant 0 : i32
    %dma_wait3A_530 = arith.constant 0 : i32
    %dma_wait3A_531 = tpu.memref_slice %arg10[%dma_wait3A_529, %dma_wait3A_530] : memref<16x1024xf32, #tpu.memory_space<vmem>> -> memref<4x1024xf32, #tpu.memory_space<vmem>>
    tpu.wait_dma2 semaphore(%arg20 : memref<!tpu.dma_semaphore, #tpu.memory_space<semaphore_mem>>) src(%dma_wait3A_531 : memref<4x1024xf32, #tpu.memory_space<vmem>>) dst(%dma_wait3A_528 : memref<4x1024xf32, #tpu.memory_space<hbm>>)
    %dma_wait3A_532 = arith.constant 0 : i32
    %dma_wait3A_533 = arith.constant 0 : i32
    %dma_wait3A_534 = tpu.memref_slice %arg10[%dma_wait3A_532, %dma_wait3A_533] : memref<16x1024xf32, #tpu.memory_space<vmem>> -> memref<4x1024xf32, #tpu.memory_space<vmem>>
    %dma_wait3A_535 = arith.constant 0 : i32
    %dma_wait3A_536 = arith.constant 0 : i32
    %dma_wait3A_537 = tpu.memref_slice %arg5[%dma_wait3A_535, %dma_wait3A_536] : memref<16384x1024xf32, #tpu.memory_space<hbm>> -> memref<4x1024xf32, #tpu.memory_space<hbm>>
    %dma_wait3A_538 = arith.constant 0 : i32
    %dma_wait3A_539 = arith.constant 0 : i32
    %dma_wait3A_540 = tpu.memref_slice %arg5[%dma_wait3A_538, %dma_wait3A_539] : memref<16384x1024xf32, #tpu.memory_space<hbm>> -> memref<4x1024xf32, #tpu.memory_space<hbm>>
    %dma_wait3A_541 = arith.constant 0 : i32
    %dma_wait3A_542 = arith.constant 0 : i32
    %dma_wait3A_543 = tpu.memref_slice %arg10[%dma_wait3A_541, %dma_wait3A_542] : memref<16x1024xf32, #tpu.memory_space<vmem>> -> memref<4x1024xf32, #tpu.memory_space<vmem>>
    tpu.wait_dma2 semaphore(%arg20 : memref<!tpu.dma_semaphore, #tpu.memory_space<semaphore_mem>>) src(%dma_wait3A_543 : memref<4x1024xf32, #tpu.memory_space<vmem>>) dst(%dma_wait3A_540 : memref<4x1024xf32, #tpu.memory_space<hbm>>)
    %dma_wait3A_544 = arith.constant 0 : i32
    %dma_wait3A_545 = arith.constant 0 : i32
    %dma_wait3A_546 = tpu.memref_slice %arg10[%dma_wait3A_544, %dma_wait3A_545] : memref<16x1024xf32, #tpu.memory_space<vmem>> -> memref<4x1024xf32, #tpu.memory_space<vmem>>
    %dma_wait3A_547 = arith.constant 0 : i32
    %dma_wait3A_548 = arith.constant 0 : i32
    %dma_wait3A_549 = tpu.memref_slice %arg5[%dma_wait3A_547, %dma_wait3A_548] : memref<16384x1024xf32, #tpu.memory_space<hbm>> -> memref<4x1024xf32, #tpu.memory_space<hbm>>
    %dma_wait3A_550 = arith.constant 0 : i32
    %dma_wait3A_551 = arith.constant 0 : i32
    %dma_wait3A_552 = tpu.memref_slice %arg5[%dma_wait3A_550, %dma_wait3A_551] : memref<16384x1024xf32, #tpu.memory_space<hbm>> -> memref<4x1024xf32, #tpu.memory_space<hbm>>
    %dma_wait3A_553 = arith.constant 0 : i32
    %dma_wait3A_554 = arith.constant 0 : i32
    %dma_wait3A_555 = tpu.memref_slice %arg10[%dma_wait3A_553, %dma_wait3A_554] : memref<16x1024xf32, #tpu.memory_space<vmem>> -> memref<4x1024xf32, #tpu.memory_space<vmem>>
    tpu.wait_dma2 semaphore(%arg20 : memref<!tpu.dma_semaphore, #tpu.memory_space<semaphore_mem>>) src(%dma_wait3A_555 : memref<4x1024xf32, #tpu.memory_space<vmem>>) dst(%dma_wait3A_552 : memref<4x1024xf32, #tpu.memory_space<hbm>>)
    %dma_wait3A_556 = arith.constant 0 : i32
    %dma_wait3A_557 = arith.constant 0 : i32
    %dma_wait3A_558 = tpu.memref_slice %arg10[%dma_wait3A_556, %dma_wait3A_557] : memref<16x1024xf32, #tpu.memory_space<vmem>> -> memref<4x1024xf32, #tpu.memory_space<vmem>>
    %dma_wait3A_559 = arith.constant 0 : i32
    %dma_wait3A_560 = arith.constant 0 : i32
    %dma_wait3A_561 = tpu.memref_slice %arg5[%dma_wait3A_559, %dma_wait3A_560] : memref<16384x1024xf32, #tpu.memory_space<hbm>> -> memref<4x1024xf32, #tpu.memory_space<hbm>>
    %dma_wait3A_562 = arith.constant 0 : i32
    %dma_wait3A_563 = arith.constant 0 : i32
    %dma_wait3A_564 = tpu.memref_slice %arg5[%dma_wait3A_562, %dma_wait3A_563] : memref<16384x1024xf32, #tpu.memory_space<hbm>> -> memref<4x1024xf32, #tpu.memory_space<hbm>>
    %dma_wait3A_565 = arith.constant 0 : i32
    %dma_wait3A_566 = arith.constant 0 : i32
    %dma_wait3A_567 = tpu.memref_slice %arg10[%dma_wait3A_565, %dma_wait3A_566] : memref<16x1024xf32, #tpu.memory_space<vmem>> -> memref<4x1024xf32, #tpu.memory_space<vmem>>
    tpu.wait_dma2 semaphore(%arg20 : memref<!tpu.dma_semaphore, #tpu.memory_space<semaphore_mem>>) src(%dma_wait3A_567 : memref<4x1024xf32, #tpu.memory_space<vmem>>) dst(%dma_wait3A_564 : memref<4x1024xf32, #tpu.memory_space<hbm>>)
    return
  }
}

</mosaic_0001>

<sc_bundles>
// kernel: kernel.3.cloned.1.call-start
scs
__scs_entry_jumppad:
0x0: {  	(pc) =	sbr.rel $0x88, $3  }
0x1: {  	(tag) =	ssettag $0x0;
	lr =	simm.s32 $0x1  }
0x2: {  	[smem:$0x3F9F] =	sst lr;
	_ =	strace $0xD0000000  }
0x3: {  	_ = 	snop  }
0x4: {  	_ = 	snop  }
0x5: {  	_ = 	snop  }
0x6: {  	_ = 	snop  }
0x7: {  	_ = 	snop  }
__scs_overlays_trampoline_lowered:
0x8: {  	[smem:$0x3FAE] =	sst s0  }
0x9: {  	[smem:$0x3FAF] =	sst s1  }
0xa: {  	[smem:$0x3FB0] =	sst s2  }
0xb: {  	[smem:$0x3FB1] =	sst s3  }
0xc: {  	[smem:$0x3FB2] =	sst s4  }
0xd: {  	[smem:$0x3FB3] =	sst s5  }
0xe: {  	[smem:$0x3FB4] =	sst s6  }
0xf: {  	[smem:$0x3FB5] =	sst s7  }
0x10: {  	[smem:$0x3FB6] =	sst s8  }
0x11: {  	[smem:$0x3FB7] =	sst s9;
	s0 =	simm.s32 @!p0 $0x0  }
0x12: {  	s1 =	sld [smem:$0x3F9D];
	s0 =	simm.s32 @p0 $0x1  }
0x13: {  	[smem:$0x3FB8] =	sst s0;
	s0 =	simm.s32 @!p1 $0x0  }
0x14: {  	s2 =	sld [smem:$0x3F9C];
	s0 =	simm.s32 @p1 $0x1  }
0x15: {  	[smem:$0x3FB9] =	sst s0;
	s0 =	simm.s32 @!p2 $0x0  }
0x16: {  	s3 =	sld [smem:$0x3FDB];
	s0 =	simm.s32 @p2 $0x1  }
0x17: {  	s4 =	simm.s32 $0x1BF5;
	[smem:$0x3FBB] =	sst s0  }
0x18: {  	s0 =	sld [smem:$0x3F9E];
	_ =	swait.ge [sflag:s4], $0x0  }
0x19: {  	s7 =	sld [smem:$0x3F9F]  }
0x1a: {  	s8 =	sadd.s32 $0xFFFFE003, lr  }
0x1b: {  	s9 =	sadd.s32 $0xFFFFFEF7, lr;
	s5 =	simm.s32 $0xFFFFFFFF;
	p2 =	slt.u32 s8, $0xFFFFF086  }
0x1c: {  	p1 =	slt.u32 s9, $0xF7A;
	s5 =	simm.s32 @!p2 $0x0  }
0x1d: {  	s5 =	simm.s32 @p1 $0x1;
	p0 =	seq.s32 s7, s2  }
0x1e: {  	s7 =	smul.u32 @!p0 $0xF7A, s2;
	p2 =	seq.s32 @!p0 s5, $0x0  }
0x1f: {  	s9 =	smul.u32 $0xF7A, s1;
	s8 =	simm.s32 @!p0 $0x1BF5;
	p2 =	por !p2, p0  }
0x20: {  	[sflag:s8] =	ssyncset.s32 @!p0 $0xFFFFF086;
	s6 =	sadd.s32 @!p0 s3, s7;
	s7 =	simm.s32 @!p0 $0x108  }
0x21: {  	s3 =	sadd.s32 s3, s9;
	s6 =	sadd.s32 @!p0 $0x88, s6;
	s7 =	simm.s32 @p2 $0x1082  }
0x22: {  	[simem:s7], [sflag:s8] =	dma.local @!p0 [hbm:s6], $0xF7A  }
0x23: {  	s9 =	sor.u32 $0xD0000000, s2;
	s6 =	simm.s32 $0x108;
	_ =	swait.ge @!p0 [sflag:s8], $0x0  }
0x24: {  	s3 =	sadd.s32 $0x88, s3;
	s6 =	simm.s32 @!p1 $0x1082;
	[sflag:s4] =	ssyncset.s32 $0xFFFFF086  }
0x25: {  	[simem:s6], [sflag:s4] =	dma.local [hbm:s3], $0xF7A  }
0x26: {  	[smem:$0x3F9F] =	sst s1;
	(tag) =	ssettag s2;
	_ =	strace s9  }
0x27: {  	s1 =	sld [smem:$0x3FAF]  }
0x28: {  	s2 =	sld [smem:$0x3FB0]  }
0x29: {  	s4 =	sld [smem:$0x3FB2]  }
0x2a: {  	p0 =	seq.s32 s5, $0x0;
	s5 =	sld [smem:$0x3FB3]  }
0x2b: {  	s6 =	sld [smem:$0x3FB4]  }
0x2c: {  	s7 =	sld [smem:$0x3FB5]  }
0x2d: {  	s3 =	simm.s32 $0x108;
	s8 =	sld [smem:$0x3FB6]  }
0x2e: {  	s3 =	simm.s32 @!p0 $0x1082;
	s9 =	sld [smem:$0x3FB7]  }
0x2f: {  	lr =	sadd.s32 s0, s3;
	s0 =	sld [smem:$0x3FAE]  }
0x30: {  	s3 =	sld [smem:$0x3FB1]  }
0x31: {  	[smem:$0x3FBA] =	sst s10  }
0x32: {  	s10 =	sld [smem:$0x3FB8];
	_ =	sdelay $0x3  }
0x33: {  	p0 =	seq.s32 s10, $0x1;
	s10 =	sld [smem:$0x3FBA];
	_ =	sdelay $0x3  }
0x34: {  	[smem:$0x3FBA] =	sst s10  }
0x35: {  	s10 =	sld [smem:$0x3FB9];
	_ =	sdelay $0x3  }
0x36: {  	p1 =	seq.s32 s10, $0x1;
	s10 =	sld [smem:$0x3FBA];
	_ =	sdelay $0x3  }
0x37: {  	[smem:$0x3FBA] =	sst s10  }
0x38: {  	s10 =	sld [smem:$0x3FBB]  }
0x39: {  	_ = 	snop;
	(pc) =	sbr.ind lr, $3  }
0x3a: {  	_ = 	snop  }
0x3b: {  	_ = 	snop  }
0x3c: {  	p2 =	seq.s32 s10, $0x1;
	s10 =	sld [smem:$0x3FBA]  }
0x3d: {  	_ =	shalt  }
0x3e: {  	_ =	shalt  }
0x3f: {  	_ =	shalt  }
0x40: {  	_ =	shalt  }
0x41: {  	_ =	shalt  }
0x42: {  	_ =	shalt  }
0x43: {  	_ =	shalt  }
0x44: {  	_ =	shalt  }
0x45: {  	_ =	shalt  }
0x46: {  	_ =	shalt  }
0x47: {  	_ =	shalt  }
0x48: {  	_ =	shalt  }
0x49: {  	_ =	shalt  }
0x4a: {  	_ =	shalt  }
0x4b: {  	_ =	shalt  }
0x4c: {  	_ =	shalt  }
0x4d: {  	_ =	shalt  }
0x4e: {  	_ =	shalt  }
0x4f: {  	_ =	shalt  }
0x50: {  	_ =	shalt  }
0x51: {  	_ =	shalt  }
0x52: {  	_ =	shalt  }
0x53: {  	_ =	shalt  }
0x54: {  	_ =	shalt  }
0x55: {  	_ =	shalt  }
0x56: {  	_ =	shalt  }
0x57: {  	_ =	shalt  }
0x58: {  	_ =	shalt  }
0x59: {  	_ =	shalt  }
0x5a: {  	_ =	shalt  }
0x5b: {  	_ =	shalt  }
0x5c: {  	_ =	shalt  }
0x5d: {  	_ =	shalt  }
0x5e: {  	_ =	shalt  }
0x5f: {  	_ =	shalt  }
0x60: {  	_ =	shalt  }
0x61: {  	_ =	shalt  }
0x62: {  	_ =	shalt  }
0x63: {  	_ =	shalt  }
0x64: {  	_ =	shalt  }
0x65: {  	_ =	shalt  }
0x66: {  	_ =	shalt  }
0x67: {  	_ =	shalt  }
0x68: {  	_ =	shalt  }
0x69: {  	_ =	shalt  }
0x6a: {  	_ =	shalt  }
0x6b: {  	_ =	shalt  }
0x6c: {  	_ =	shalt  }
0x6d: {  	_ =	shalt  }
0x6e: {  	_ =	shalt  }
0x6f: {  	_ =	shalt  }
0x70: {  	_ =	shalt  }
0x71: {  	_ =	shalt  }
0x72: {  	_ =	shalt  }
0x73: {  	_ =	shalt  }
0x74: {  	_ =	shalt  }
0x75: {  	_ =	shalt  }
0x76: {  	_ =	shalt  }
0x77: {  	_ =	shalt  }
0x78: {  	_ =	shalt  }
0x79: {  	_ =	shalt  }
0x7a: {  	_ =	shalt  }
0x7b: {  	_ =	shalt  }
0x7c: {  	_ =	shalt  }
0x7d: {  	_ =	shalt  }
0x7e: {  	_ =	shalt  }
0x7f: {  	_ =	shalt  }
0x80: {  	_ =	shalt  }
0x81: {  	_ =	shalt  }
0x82: {  	_ =	shalt  }
0x83: {  	_ =	shalt  }
0x84: {  	_ =	shalt  }
0x85: {  	_ =	shalt  }
0x86: {  	_ =	shalt  }
0x87: {  	_ =	shalt  }
.Lfunc_end0:
.L_simem_size_0:
called_computation_lowered:
.L_overlay_start_0:
0x88: {  	s2 =	sld [smem:$0x3FD9]  }
0x89: {  	s3 =	sld [smem:$0x3FFE];
	_ =	sdelay $0x1  }
0x8a: {  	s1 =	srdreg.scid  }
0x8b: {  	s0 =	sand.u32 $0x1, s1  }
0x8c: {  	s17 =	sshll.u32 s0, $0xA;
	s2 =	sadd.s32 s3, s2  }
0x8d: {  	s2 =	sadd.s32 s2, s17  }
0x8e: {  	[smem:$0x3FC6] =	sst s2  }
0x8f: {  	_ = 	snop  }
0x90: {  	s2 =	sld [smem:$0x3FC8]  }
0x91: {  	s18 =	sld [smem:$0x3FD0];
	(tm) =	ssettm $0x1  }
0x92: {  	s4 =	sld [smem:$0x3FFB];
	_ =	sdelay $0x3  }
0x93: {  	_ =	strace s4  }
0x94: {  	s4 =	sld [smem:$0x3FFC];
	_ =	sdelay $0x3  }
0x95: {  	_ =	strace s4  }
0x96: {  	s4 =	sld [smem:$0x3FFD];
	_ =	sdelay $0x3  }
0x97: {  	_ =	strace s4  }
0x98: {  	_ =	strace $0x8FFFFFFF  }
0x99: {  	s19 =	sld [smem:$0x3FDB];
	_ =	sdelay $0x1  }
0x9a: {  	s5 =	simm.s32 $_scs_section_size  }
0x9b: {  	s6 =	simm.s32 $_size__tile_overlayer_lowered;
	s7 =	simm.s32 $_tile_overlayer_lowered  }
0x9c: {  	s22 =	simm.s32 $0x1BFF;
	s21 =	sshll.u32 s7, $0x1;
	s4 =	sadd.s32 s5, s19  }
0x9d: {  	s8 =	simm.s32 $0x0;
	s20 =	sshll.u32 s6, $0x1;
	s6 =	sadd.s32 s21, s4  }
0x9e: {  	[timem:s8], [sflag:s22] =	dma.local [hbm:s6], s20  }
0x9f: {  	_ =	swait.ge [sflag:s22], s20  }
0xa0: {  	s5 =	ssub.s32 $0x0, s20;
	[sflag:s22] =	ssyncset.done $0x0  }
0xa1: {  	[sflag:s22] =	ssyncadd.s32 s5;
	_ =	sdelay $0x1  }
0xa2: {  	s23 =	simm.s32 $0x1B8B  }
0xa3: {  	_ =	swait.ge [sflag:s23], $0x1  }
0xa4: {  	[sflag:s23] =	ssyncset.done $0x0  }
0xa5: {  	s25 =	simm.s32 $0x1B8E;
	s24 =	sld [smem:$0x3FFE];
	[sflag:s23] =	ssyncadd.s32 $0xFFFFFFFF  }
0xa6: {  	s26 =	simm.s32 $execute0_lowered;
	[smem:$0x3FD2] =	sst s25  }
0xa7: {  	s6 =	sshll.u32 s26, $0x1;
	_ =	strace $0x80000046;
	[dreg:$0x1] =	wrdreg $0xFFFFFFFF  }
0xa8: {  	s28 =	simm.s32 $_size_execute0_lowered;
	s4 =	sadd.s32 s4, s6;
	[dreg:$0x0] =	wrdreg $0x0  }
0xa9: {  	s6 =	sshll.u32 s28, $0x1;
	[dreg:$0x2] =	wrdreg s4  }
0xaa: {  	[dreg:$0x3] =	wrdreg s6  }
0xab: {  	[dreg:$0x4] =	wrdreg $0xC0  }
0xac: {  	_ =	task [dreg:s8], $0x5FFFF  }
0xad: {  	[dreg:$0x1] =	wrdreg $0xFFFFFFFF  }
0xae: {  	[dreg:$0x0] =	wrdreg $0x60  }
0xaf: {  	[dreg:$0x2] =	wrdreg s24  }
0xb0: {  	[dreg:$0x3] =	wrdreg s2  }
0xb1: {  	[dreg:$0x4] =	wrdreg s18  }
0xb2: {  	[dreg:$0x5] =	wrdreg $0x9  }
0xb3: {  	_ =	task.clear_ibuf [dreg:s8], $0x6FFFF;
	_ =	strace $0x90000046  }
0xb4: {  	s29 =	simm.s32 $0x9;
	_ =	strace $0x80000048  }
0xb5: {  	_ =	swait.ge [sflag:s29], $0x1  }
0xb6: {  	[sflag:s29] =	ssyncadd.s32 $0xFFFFFFFF  }
0xb7: {  	_ =	strace $0x90000048  }
0xb8: {  	_ =	sfence  }
0xb9: {  	s30 =	sld [smem:$0x0];
	_ =	sdelay $0x2  }
0xba: {  	s31 =	sshll.u32 s1, $0xD;
	s1 =	sshrl.u32 s1, $0x2  }
0xbb: {  	s3 =	sand.u32 $0x4000, s31;
	s1 =	sadd.s32 s1, s30  }
0xbc: {  	s0 =	sor.u32 s3, s0;
	s1 =	sshll.u32 s1, $0x11  }
0xbd: {  	s0 =	sor.u32 s1, s0  }
0xbe: {  	s0 =	sadd.s32 $0x8F2B, s0  }
0xbf: {  	[sflag:s0] =	ssyncadd.remote.s32 $0x1  }
0xc0: {  	_ =	sfence.sel $0xFFFF  }
0xc1: {  	[dreg:$0x0] =	wrdreg $0xFFFFFFFF;
	(pc) =	sbr.abs _section_cstart, $3  }
0xc2: {  	[dreg:$0x1] =	wrdreg $0xFFFFFFFF  }
0xc3: {  	_ =	task.clear_ibuf [dreg:s8], $0x2FFFF;
	_ =	strace $0x9FFFFFFF  }
0xc4: {  	(tm) =	ssettm $0x7FFFFFFF  }
0xc5: {  	_ =	shalt  }
tec
execute0_lowered:
.L_overlay_start_1:
0x0: {  	(tag) =	ssettag $0x1  }
0x1: {  	s0 =	rddreg [dreg:$0x0]  }
0x2: {  	s1 =	srdreg.scid;
	s5 =	stileid.u32  }
0x3: {  	s2 =	rddreg [dreg:$0x1];
	s1 =	sand.u32 $0x1, s1;
	s5 =	sshll.u32 s5, $0x1  }
0x4: {  	s3 =	rddreg [dreg:$0x2];
	s4 =	simm.s32 $0x0;
	s6 =	sor.u32 s1, s5  }
0x5: {  	[smem:$0x7FF] =	sst s4;
	s10 =	sadd.s32 $0xC00, s0;
	s29 =	sshll.u32 s6, $0x7  }
0x6: {  	_ =	strace $0x80000047;
	s1 =	ssub.s32 $0x2, s1;
	s11 =	sor.u32 $0x2000, s29  }
0x7: {  	s5 =	sshll.u32 s6, $0x6;
	s14 =	sor.u32 $0x3000, s29;
	[dreg:$0x9] =	wrdreg s11  }
0x8: {  	s7 =	sadd.s32 s5, s0;
	s5 =	sshll.u32 s6, $0xE;
	[dreg:$0x1f] =	wrdreg s14  }
0x9: {  	s18 =	sshrl.u32 s1, $0x1;
	s0 =	sadd.s32 $0xC40, s0;
	[dreg:$0x4] =	wrdreg s5  }
0xa: {  	s1 =	ssub.s32 s1, s18;
	s19 =	sadd.s32 $0x400, s7;
	[dreg:$0x12] =	wrdreg s0  }
0xb: {  	s1 =	smax.u32 s1, $0x1;
	[dreg:$0x5] =	wrdreg s19  }
0xc: {  	s12 =	sadd.s32 s10, s5;
	[dreg:$0x13] =	wrdreg s1  }
0xd: {  	s30 =	sor.u32 $0x1000, s29;
	s13 =	sadd.s32 s3, s5;
	[dreg:$0x6] =	wrdreg s12  }
0xe: {  	s20 =	sor.u32 $0x40, s5;
	s0 =	sadd.s32 s5, s0;
	[dreg:$0x8] =	wrdreg s13  }
0xf: {  	s22 =	sshll.u32 s30, $0x7;
	s21 =	sadd.s32 s10, s20;
	[dreg:$0x1e] =	wrdreg s0  }
0x10: {  	s11 =	sshll.u32 s11, $0x7;
	s7 =	sadd.s32 s3, s22;
	[dreg:$0x7] =	wrdreg s21  }
0x11: {  	s25 =	sor.u32 $0x400, s5;
	s23 =	sadd.s32 s3, s11;
	[dreg:$0xa] =	wrdreg s7  }
0x12: {  	s31 =	simm.s32 $0xA;
	s28 =	sadd.s32 s10, s25;
	[dreg:$0xb] =	wrdreg s23  }
0x13: {  	s26 =	sor.u32 $0x440, s5;
	s6 =	sadd.s32 s3, s20;
	[dreg:$0xd] =	wrdreg s28  }
0x14: {  	s8 =	sadd.s32 $0x200, s2;
	s15 =	sadd.s32 s10, s26;
	[dreg:$0xe] =	wrdreg s6  }
0x15: {  	s9 =	sadd.s32 $0x300, s2;
	s16 =	sadd.s32 s3, s25;
	[dreg:$0xf] =	wrdreg s15  }
0x16: {  	s24 =	sshll.u32 s14, $0x7;
	s17 =	sadd.s32 s3, s26;
	[dreg:$0x10] =	wrdreg s16  }
0x17: {  	s14 =	simm.s32 $0xA200;
	s18 =	sadd.s32 $0x100040, s13;
	[dreg:$0x11] =	wrdreg s17  }
0x18: {  	s5 =	simm.s32 $0x0;
	s19 =	sadd.s32 $0x180040, s13;
	[dreg:$0x14] =	wrdreg s18  }
0x19: {  	s20 =	sadd.s32 $0x80040, s13;
	s22 =	sadd.s32 $0x100400, s13;
	[dreg:$0x15] =	wrdreg s19  }
0x1a: {  	s25 =	sadd.s32 $0x80440, s13;
	s11 =	sadd.s32 $0x100, s2;
	[dreg:$0x16] =	wrdreg s20  }
0x1b: {  	s26 =	sadd.s32 $0x100440, s13;
	s1 =	sadd.s32 $0x40, s3;
	[dreg:$0x18] =	wrdreg s22  }
0x1c: {  	s7 =	sadd.s32 s3, s24;
	s21 =	sadd.s32 $0x80400, s13;
	[dreg:$0x1b] =	wrdreg s25  }
0x1d: {  	s23 =	sadd.s32 $0x180400, s13;
	s24 =	sadd.s32 $0x800, s12;
	[dreg:$0x1c] =	wrdreg s26  }
0x1e: {  	s28 =	sadd.s32 $0x180440, s13;
	s16 =	simm.s32 $0x200;
	[dreg:$0xc] =	wrdreg s7  }
0x1f: {  	s13 =	simm.s32 $0x8200;
	s25 =	simm.s32 $0x9;
	[dreg:$0x17] =	wrdreg s21  }
0x20: {  	v2 =	vlaneseq.u32;
	s26 =	simm.s32 $0x1;
	s18 =	simm.s32 $0x5;
	[dreg:$0x19] =	wrdreg s23  }
0x21: {  	vm0 =	vmmov $0xffff;
	v1 =	vshrl.u32 v2, $0x3;
	s20 =	simm.s32 $0x6;
	s22 =	simm.s32 $0x7;
	[dreg:$0x1a] =	wrdreg s24  }
0x22: {  	v0 =	vand.u32 $0x7, v2;
	v2 =	vor.u32 $0x8, v2;
	v1 =	vmul.u32 $0x8, v1;
	[dreg:$0x1d] =	wrdreg s28;
	s24 =	simm.s32 $0x8A00;
	s21 =	simm.s32 $0x8  }
.LBB2_1:
0x23: {  	[smem:$0x7FD] =	sst s5  }
0x24: {  	s0 =	rddreg [dreg:$0x5];
	s7 =	simm.s32 $0xB  }
0x25: {  	[tilespmem:s4], [sflag:$0xB] =	stream.linear.gather [hbm4b:s0+s4], $0x200, $0x38;
	[tilespmem:$0x12200] =	vst v63  }
0x26: {  	_ =	swait.ge [sflag:s7], $0x200  }
0x27: {  	[sflag:s7] =	ssyncset.done $0x0  }
0x28: {  	[sflag:s7] =	ssyncadd.s32 $0xFFFFFE00  }
0x29: {  	v3 =	vld [tilespmem:$0x0];
	_ =	sdelay $0x4  }
0x2a: {  	v4 =	vshll.u32 v3, $0x3  }
0x2b: {  	v3 =	vand.u32 $0x7, v3;
	v4 =	vand.u32 $0xFFFFFFC0, v4  }
0x2c: {  	v3 =	vor.u32 v3, v4  }
0x2d: {  	v4 =	vperm.xlane v3, v0;
	_ =	sdelay $0x1  }
0x2e: {  	v4 =	vadd.s32 v1, v4;
	_ =	sdelay $0x4  }
0x2f: {  	[tilespmem:s16], [sflag:$0x1] =	stream.indirect_vreg.gather [hbm4b:s2+s4], $0x80, v4, vm0, $0xb8;
	[tilespmem:$0x12200] =	vst v63  }
0x30: {  	s10 =	simm.s32 $0xA00;
	v3 =	vperm.xlane v3, v2  }
0x31: {  	[tilespmem:s10], [sflag:$0x1] =	stream.indirect_vreg.gather [hbm4b:s11+s4], $0x80, v4, vm0, $0xb8;
	[tilespmem:$0x12200] =	vst v63  }
0x32: {  	s12 =	simm.s32 $0x1200;
	v3 =	vadd.s32 v1, v3  }
0x33: {  	[tilespmem:s12], [sflag:$0x1] =	stream.indirect_vreg.gather [hbm4b:s8+s4], $0x80, v4, vm0, $0xb8;
	[tilespmem:$0x12200] =	vst v63  }
0x34: {  	s15 =	simm.s32 $0x1A00  }
0x35: {  	[tilespmem:s15], [sflag:$0x1] =	stream.indirect_vreg.gather [hbm4b:s9+s4], $0x80, v4, vm0, $0xb8;
	[tilespmem:$0x12200] =	vst v63  }
0x36: {  	s17 =	simm.s32 $0x2200  }
0x37: {  	[tilespmem:s17], [sflag:$0x1] =	stream.indirect_vreg.gather [hbm4b:s2+s4], $0x80, v3, vm0, $0xb8;
	[tilespmem:$0x12200] =	vst v63  }
0x38: {  	s19 =	simm.s32 $0x2A00  }
0x39: {  	[tilespmem:s19], [sflag:$0x1] =	stream.indirect_vreg.gather [hbm4b:s11+s4], $0x80, v3, vm0, $0xb8;
	[tilespmem:$0x12200] =	vst v63  }
0x3a: {  	s23 =	simm.s32 $0x3200  }
0x3b: {  	[tilespmem:s23], [sflag:$0x1] =	stream.indirect_vreg.gather [hbm4b:s8+s4], $0x80, v3, vm0, $0xb8;
	[tilespmem:$0x12200] =	vst v63  }
0x3c: {  	s28 =	simm.s32 $0x3A00  }
0x3d: {  	[tilespmem:s28], [sflag:$0x1] =	stream.indirect_vreg.gather [hbm4b:s9+s4], $0x80, v3, vm0, $0xb8;
	[tilespmem:$0x12200] =	vst v63  }
0x3e: {  	v3 =	vld [tilespmem:$0x10];
	_ =	sdelay $0x4  }
0x3f: {  	v4 =	vshll.u32 v3, $0x3  }
0x40: {  	v3 =	vand.u32 $0x7, v3;
	v4 =	vand.u32 $0xFFFFFFC0, v4  }
0x41: {  	v3 =	vor.u32 v3, v4  }
0x42: {  	v4 =	vperm.xlane v3, v0;
	_ =	sdelay $0x1  }
0x43: {  	v4 =	vadd.s32 v1, v4;
	_ =	sdelay $0x3  }
0x44: {  	s5 =	simm.s32 $0x4200  }
0x45: {  	[tilespmem:s5], [sflag:$0x2] =	stream.indirect_vreg.gather [hbm4b:s2+s4], $0x80, v4, vm0, $0xb8;
	[tilespmem:$0x12200] =	vst v63  }
0x46: {  	s6 =	simm.s32 $0x4A00;
	v3 =	vperm.xlane v3, v2  }
0x47: {  	[tilespmem:s6], [sflag:$0x2] =	stream.indirect_vreg.gather [hbm4b:s11+s4], $0x80, v4, vm0, $0xb8;
	[tilespmem:$0x12200] =	vst v63  }
0x48: {  	s7 =	simm.s32 $0x5200;
	v3 =	vadd.s32 v1, v3  }
0x49: {  	[tilespmem:s7], [sflag:$0x2] =	stream.indirect_vreg.gather [hbm4b:s8+s4], $0x80, v4, vm0, $0xb8;
	[tilespmem:$0x12200] =	vst v63  }
0x4a: {  	s10 =	simm.s32 $0x5A00  }
0x4b: {  	[tilespmem:s10], [sflag:$0x2] =	stream.indirect_vreg.gather [hbm4b:s9+s4], $0x80, v4, vm0, $0xb8;
	[tilespmem:$0x12200] =	vst v63  }
0x4c: {  	s12 =	simm.s32 $0x6200  }
0x4d: {  	[tilespmem:s12], [sflag:$0x2] =	stream.indirect_vreg.gather [hbm4b:s2+s4], $0x80, v3, vm0, $0xb8;
	[tilespmem:$0x12200] =	vst v63  }
0x4e: {  	s15 =	simm.s32 $0x6A00  }
0x4f: {  	[tilespmem:s15], [sflag:$0x2] =	stream.indirect_vreg.gather [hbm4b:s11+s4], $0x80, v3, vm0, $0xb8;
	[tilespmem:$0x12200] =	vst v63  }
0x50: {  	s17 =	simm.s32 $0x7200  }
0x51: {  	[tilespmem:s17], [sflag:$0x2] =	stream.indirect_vreg.gather [hbm4b:s8+s4], $0x80, v3, vm0, $0xb8;
	[tilespmem:$0x12200] =	vst v63  }
0x52: {  	s19 =	simm.s32 $0x7A00  }
0x53: {  	[tilespmem:s19], [sflag:$0x2] =	stream.indirect_vreg.gather [hbm4b:s9+s4], $0x80, v3, vm0, $0xb8;
	[tilespmem:$0x12200] =	vst v63  }
0x54: {  	s23 =	rddreg [dreg:$0x6];
	s28 =	simm.s32 $0x400;
	s6 =	simm.s32 $0x10200  }
0x55: {  	[tilespmem:s6], [sflag:$0x9] =	stream.strided.gather [hbm4b:s23+s16], $0x1000, s28, s16, $0x38;
	[tilespmem:$0x12200] =	vst v63  }
0x56: {  	s7 =	simm.s32 $0x11200;
	s6 =	rddreg [dreg:$0x7]  }
0x57: {  	[tilespmem:s7], [sflag:$0xA] =	stream.strided.gather [hbm4b:s6+s16], $0x1000, s28, s16, $0x38;
	[tilespmem:$0x12200] =	vst v63  }
0x58: {  	v3 =	vld [tilespmem:$0x20];
	_ =	sdelay $0x4  }
0x59: {  	v4 =	vshll.u32 v3, $0x3  }
0x5a: {  	v3 =	vand.u32 $0x7, v3;
	v4 =	vand.u32 $0xFFFFFFC0, v4  }
0x5b: {  	v3 =	vor.u32 v3, v4  }
0x5c: {  	v4 =	vperm.xlane v3, v0;
	_ =	sdelay $0x1  }
0x5d: {  	v4 =	vadd.s32 v1, v4;
	_ =	sdelay $0x4  }
0x5e: {  	[tilespmem:s13], [sflag:$0x3] =	stream.indirect_vreg.gather [hbm4b:s2+s4], $0x80, v4, vm0, $0xb8;
	[tilespmem:$0x12200] =	vst v63  }
0x5f: {  	v3 =	vperm.xlane v3, v2  }
0x60: {  	[tilespmem:s24], [sflag:$0x3] =	stream.indirect_vreg.gather [hbm4b:s11+s4], $0x80, v4, vm0, $0xb8;
	[tilespmem:$0x12200] =	vst v63  }
0x61: {  	s10 =	simm.s32 $0x9200;
	v3 =	vadd.s32 v1, v3  }
0x62: {  	[tilespmem:s10], [sflag:$0x3] =	stream.indirect_vreg.gather [hbm4b:s8+s4], $0x80, v4, vm0, $0xb8;
	[tilespmem:$0x12200] =	vst v63  }
0x63: {  	s12 =	simm.s32 $0x9A00  }
0x64: {  	[tilespmem:s12], [sflag:$0x3] =	stream.indirect_vreg.gather [hbm4b:s9+s4], $0x80, v4, vm0, $0xb8;
	[tilespmem:$0x12200] =	vst v63  }
0x65: {  	_ = 	snop  }
0x66: {  	[tilespmem:s14], [sflag:$0x3] =	stream.indirect_vreg.gather [hbm4b:s2+s4], $0x80, v3, vm0, $0xb8;
	[tilespmem:$0x12200] =	vst v63  }
0x67: {  	s15 =	simm.s32 $0xAA00  }
0x68: {  	[tilespmem:s15], [sflag:$0x3] =	stream.indirect_vreg.gather [hbm4b:s11+s4], $0x80, v3, vm0, $0xb8;
	[tilespmem:$0x12200] =	vst v63  }
0x69: {  	s17 =	simm.s32 $0xB200  }
0x6a: {  	[tilespmem:s17], [sflag:$0x3] =	stream.indirect_vreg.gather [hbm4b:s8+s4], $0x80, v3, vm0, $0xb8;
	[tilespmem:$0x12200] =	vst v63  }
0x6b: {  	s19 =	simm.s32 $0xBA00  }
0x6c: {  	[tilespmem:s19], [sflag:$0x3] =	stream.indirect_vreg.gather [hbm4b:s9+s4], $0x80, v3, vm0, $0xb8;
	[tilespmem:$0x12200] =	vst v63  }
0x6d: {  	_ =	swait.ge [sflag:s25], $0x1000  }
0x6e: {  	[sflag:s25] =	ssyncset.done $0x0  }
0x6f: {  	[sflag:s25] =	ssyncadd.s32 $0xFFFFF000  }
0x70: {  	s23 =	simm.s32 $0x0;
	_ =	swait.ge [sflag:s26], $0x4000  }
0x71: {  	s0 =	sand.u32 $0x3FFFFC00, s23;
	s10 =	sand.u32 $0x70, s4;
	[sflag:s26] =	ssyncset.done $0x0  }
0x72: {  	s28 =	simm.s32 $0x0;
	s7 =	sor.u32 s10, s0;
	[sflag:s26] =	ssyncadd.s32 $0xFFFFC000  }
0x73: {  	s0 =	sand.u32 $0x3FFFFE00, s28;
	v3 =	vld [tilespmem:s7+$0x2400]  }
0x74: {  	s0 =	sor.u32 s10, s0;
	v4 =	vld [tilespmem:s7+$0x2200]  }
0x75: {  	v5 =	vld [tilespmem:s0+$0x10200]  }
0x76: {  	v6 =	vld [tilespmem:s7+$0x400]  }
0x77: {  	v7 =	vld [tilespmem:s7+$0x200];
	_ =	sdelay $0x1  }
0x78: {  	v3 =	vmul.f32 $8.000000000e+00, v3  }
0x79: {  	v4 =	vmul.f32 $8.000000000e+00, v4  }
0x7a: {  	v6 =	vmul.f32 $8.000000000e+00, v6;
	v3 =	vadd.f32 v3, v5  }
0x7b: {  	v7 =	vmul.f32 $8.000000000e+00, v7;
	v4 =	vadd.f32 v4, v5  }
0x7c: {  	[tilespmem:s7+$0x2400] =	vst v3;
	v3 =	vadd.f32 v6, v5  }
0x7d: {  	v5 =	vadd.f32 v7, v5;
	[tilespmem:s7+$0x2200] =	vst v4  }
0x7e: {  	[tilespmem:s7+$0x400] =	vst v3;
	v3 =	vld [tilespmem:s7+$0x280]  }
0x7f: {  	s17 =	sadd.s32 $0x10200, s0;
	v4 =	vld [tilespmem:s7+$0x480];
	[tilespmem:s7+$0x200] =	vst v5  }
0x80: {  	v5 =	vld [tilespmem:s17+$0x80]  }
0x81: {  	v6 =	vld [tilespmem:s7+$0x2480]  }
0x82: {  	v7 =	vld [tilespmem:s7+$0x2280]  }
0x83: {  	v3 =	vmul.f32 $8.000000000e+00, v3  }
0x84: {  	v4 =	vmul.f32 $8.000000000e+00, v4  }
0x85: {  	v3 =	vadd.f32 v3, v5  }
0x86: {  	v6 =	vmul.f32 $8.000000000e+00, v6;
	v4 =	vadd.f32 v4, v5  }
0x87: {  	[tilespmem:s7+$0x280] =	vst v3;
	v3 =	vmul.f32 $8.000000000e+00, v7  }
0x88: {  	v6 =	vadd.f32 v6, v5;
	[tilespmem:s7+$0x480] =	vst v4;
	v4 =	vld [tilespmem:s7+$0x500]  }
0x89: {  	v7 =	vld [tilespmem:s7+$0x2500];
	v3 =	vadd.f32 v3, v5  }
0x8a: {  	[tilespmem:s7+$0x2480] =	vst v6;
	v5 =	vld [tilespmem:s7+$0x300]  }
0x8b: {  	[tilespmem:s7+$0x2280] =	vst v3;
	v3 =	vld [tilespmem:s7+$0x2300]  }
0x8c: {  	v8 =	vld [tilespmem:s17+$0x100];
	_ =	sdelay $0x2  }
0x8d: {  	v5 =	vmul.f32 $8.000000000e+00, v5  }
0x8e: {  	v4 =	vmul.f32 $8.000000000e+00, v4  }
0x8f: {  	v7 =	vmul.f32 $8.000000000e+00, v7;
	v3 =	vmul.f32 $8.000000000e+00, v3;
	v9 =	vadd.f32 v5, v8  }
0x90: {  	v6 =	vadd.f32 v4, v8  }
0x91: {  	s12 =	simm.s32 $0x1;
	s0 =	simm.s32 $0x0;
	v5 =	vadd.f32 v7, v8;
	v4 =	vadd.f32 v3, v8;
	v3 =	vld [tilespmem:s7+$0x380];
	[tilespmem:s7+$0x300] =	vst v9  }
.LBB2_2:
0x92: {  	p0 =	sne.s32 s12, $0x3F  }
0x93: {  	[tilespmem:s7+$0x500] =	vst v6;
	v6 =	vld [tilespmem:s7+$0x2580];
	s0 =	sadd.s32 $0x10, s0;
	s10 =	smov.u32 s12;
	s12 =	sadd.s32 $0x1, s12  }
0x94: {  	[tilespmem:s7+$0x2500] =	vst v5;
	v5 =	vld [tilespmem:s7+$0x2380]  }
0x95: {  	[tilespmem:s7+$0x2300] =	vst v4;
	v4 =	vld [tilespmem:s7+$0x580]  }
0x96: {  	v7 =	vld [tilespmem:s17+$0x180];
	_ =	sdelay $0x1  }
0x97: {  	v3 =	vmul.f32 $8.000000000e+00, v3  }
0x98: {  	v6 =	vmul.f32 $8.000000000e+00, v6;
	v5 =	vmul.f32 $8.000000000e+00, v5  }
0x99: {  	v4 =	vmul.f32 $8.000000000e+00, v4  }
0x9a: {  	s17 =	sshll.u32 s10, $0x7;
	v3 =	vadd.f32 v3, v7;
	v6 =	vadd.f32 v6, v7  }
0x9b: {  	s19 =	sand.u32 $0x70, s0;
	s17 =	sand.u32 $0x3FFFFC00, s17;
	v5 =	vadd.f32 v5, v7;
	v4 =	vadd.f32 v4, v7  }
0x9c: {  	s17 =	sor.u32 s19, s17;
	[tilespmem:s7+$0x380] =	vst v3  }
0x9d: {  	s10 =	sshll.u32 s10, $0x6;
	v3 =	vld [tilespmem:s17+$0x2200];
	[tilespmem:s7+$0x2580] =	vst v6  }
0x9e: {  	s10 =	sand.u32 $0x3FFFFE00, s10;
	v6 =	vld [tilespmem:s17+$0x2400];
	[tilespmem:s7+$0x580] =	vst v4  }
0x9f: {  	s10 =	sor.u32 s19, s10;
	v4 =	vld [tilespmem:s17+$0x400];
	[tilespmem:s7+$0x2380] =	vst v5;
	s7 =	smov.u32 s17  }
0xa0: {  	v5 =	vld [tilespmem:s10+$0x10200]  }
0xa1: {  	v7 =	vld [tilespmem:s7+$0x200];
	_ =	sdelay $0x1  }
0xa2: {  	v6 =	vmul.f32 $8.000000000e+00, v6  }
0xa3: {  	v3 =	vmul.f32 $8.000000000e+00, v3  }
0xa4: {  	v4 =	vmul.f32 $8.000000000e+00, v4;
	v6 =	vadd.f32 v6, v5  }
0xa5: {  	v3 =	vadd.f32 v3, v5;
	v7 =	vmul.f32 $8.000000000e+00, v7  }
0xa6: {  	v4 =	vadd.f32 v4, v5;
	[tilespmem:s7+$0x2400] =	vst v6;
	v6 =	vld [tilespmem:s7+$0x2480]  }
0xa7: {  	v5 =	vadd.f32 v7, v5;
	[tilespmem:s7+$0x2200] =	vst v3;
	v3 =	vld [tilespmem:s7+$0x480]  }
0xa8: {  	[tilespmem:s7+$0x400] =	vst v4;
	v4 =	vld [tilespmem:s7+$0x280]  }
0xa9: {  	s17 =	sadd.s32 $0x10200, s10;
	[tilespmem:s7+$0x200] =	vst v5;
	v5 =	vld [tilespmem:s7+$0x2280]  }
0xaa: {  	v7 =	vld [tilespmem:s17+$0x80];
	_ =	sdelay $0x2  }
0xab: {  	v3 =	vmul.f32 $8.000000000e+00, v3;
	v4 =	vmul.f32 $8.000000000e+00, v4  }
0xac: {  	v6 =	vmul.f32 $8.000000000e+00, v6;
	v5 =	vmul.f32 $8.000000000e+00, v5  }
0xad: {  	v4 =	vadd.f32 v4, v7;
	v3 =	vadd.f32 v3, v7  }
0xae: {  	v6 =	vadd.f32 v6, v7;
	v5 =	vadd.f32 v5, v7  }
0xaf: {  	[tilespmem:s7+$0x280] =	vst v4;
	v4 =	vld [tilespmem:s7+$0x2500]  }
0xb0: {  	[tilespmem:s7+$0x480] =	vst v3;
	v3 =	vld [tilespmem:s7+$0x500]  }
0xb1: {  	[tilespmem:s7+$0x2480] =	vst v6;
	v6 =	vld [tilespmem:s7+$0x300]  }
0xb2: {  	[tilespmem:s7+$0x2280] =	vst v5;
	v5 =	vld [tilespmem:s7+$0x2300]  }
0xb3: {  	v7 =	vld [tilespmem:s17+$0x100];
	_ =	sdelay $0x2  }
.Ltmp0:
0xb4: {  	v3 =	vmul.f32 $8.000000000e+00, v3;
	v6 =	vmul.f32 $8.000000000e+00, v6;
	(pc) =	sbr.rel @p0 .LBB2_2-.Ltmp0, $4  }
0xb5: {  	v8 =	vmul.f32 $8.000000000e+00, v4;
	v5 =	vmul.f32 $8.000000000e+00, v5  }
0xb6: {  	v9 =	vadd.f32 v6, v7;
	v6 =	vadd.f32 v3, v7  }
0xb7: {  	v4 =	vadd.f32 v5, v7;
	v5 =	vadd.f32 v8, v7  }
0xb8: {  	[tilespmem:s7+$0x300] =	vst v9;
	v3 =	vld [tilespmem:s7+$0x380]  }
0xb9: {  	[tilespmem:s7+$0x500] =	vst v6  }
0xba: {  	v6 =	vld [tilespmem:s7+$0x2580];
	[tilespmem:s7+$0x2500] =	vst v5  }
0xbb: {  	[tilespmem:s7+$0x2300] =	vst v4;
	v4 =	vld [tilespmem:s7+$0x580]  }
0xbc: {  	v7 =	vld [tilespmem:s17+$0x180]  }
0xbd: {  	v5 =	vld [tilespmem:s7+$0x2380];
	_ =	sdelay $0x1  }
0xbe: {  	v3 =	vmul.f32 $8.000000000e+00, v3  }
0xbf: {  	v6 =	vmul.f32 $8.000000000e+00, v6  }
0xc0: {  	v4 =	vmul.f32 $8.000000000e+00, v4;
	v3 =	vadd.f32 v3, v7  }
0xc1: {  	v5 =	vmul.f32 $8.000000000e+00, v5;
	v6 =	vadd.f32 v6, v7  }
0xc2: {  	v4 =	vadd.f32 v4, v7;
	[tilespmem:s7+$0x380] =	vst v3  }
0xc3: {  	v3 =	vadd.f32 v5, v7;
	[tilespmem:s7+$0x2580] =	vst v6  }
0xc4: {  	[tilespmem:s7+$0x580] =	vst v4  }
0xc5: {  	s5 =	rddreg [dreg:$0x8];
	[tilespmem:s7+$0x2380] =	vst v3;
	s7 =	simm.s32 $0x0  }
0xc6: {  	[hbm4b:s5+s7] =	stream.linear.scatter [tilespmem:s16], [sflag:$0x5], $0x200, $0x38;
	[tilespmem:$0x12200] =	vst v63  }
0xc7: {  	s6 =	simm.s32 $0x600;
	s0 =	sadd.s32 $0x80, s5  }
0xc8: {  	[hbm4b:s0+s7] =	stream.linear.scatter [tilespmem:s6], [sflag:$0x5], $0x200, $0x38;
	[tilespmem:$0x12200] =	vst v63  }
0xc9: {  	s28 =	simm.s32 $0xA00;
	s23 =	sadd.s32 $0x100, s5  }
0xca: {  	[hbm4b:s23+s7] =	stream.linear.scatter [tilespmem:s28], [sflag:$0x5], $0x200, $0x38;
	[tilespmem:$0x12200] =	vst v63  }
0xcb: {  	s10 =	simm.s32 $0xE00;
	s6 =	sadd.s32 $0x180, s5  }
0xcc: {  	[hbm4b:s6+s7] =	stream.linear.scatter [tilespmem:s10], [sflag:$0x5], $0x200, $0x38;
	[tilespmem:$0x12200] =	vst v63  }
0xcd: {  	s15 =	simm.s32 $0x1200;
	s12 =	sadd.s32 $0x200, s5  }
0xce: {  	[hbm4b:s12+s7] =	stream.linear.scatter [tilespmem:s15], [sflag:$0x5], $0x200, $0x38;
	[tilespmem:$0x12200] =	vst v63  }
0xcf: {  	s19 =	simm.s32 $0x1600;
	s17 =	sadd.s32 $0x280, s5  }
0xd0: {  	[hbm4b:s17+s7] =	stream.linear.scatter [tilespmem:s19], [sflag:$0x5], $0x200, $0x38;
	[tilespmem:$0x12200] =	vst v63  }
0xd1: {  	s23 =	sadd.s32 $0x300, s5;
	s28 =	simm.s32 $0x1A00  }
0xd2: {  	[hbm4b:s23+s7] =	stream.linear.scatter [tilespmem:s28], [sflag:$0x5], $0x200, $0x38;
	[tilespmem:$0x12200] =	vst v63  }
0xd3: {  	s6 =	sadd.s32 $0x380, s5;
	s10 =	simm.s32 $0x1E00  }
0xd4: {  	[hbm4b:s6+s7] =	stream.linear.scatter [tilespmem:s10], [sflag:$0x5], $0x200, $0x38;
	[tilespmem:$0x12200] =	vst v63  }
0xd5: {  	s5 =	rddreg [dreg:$0xa];
	s10 =	simm.s32 $0x400  }
0xd6: {  	[hbm4b:s5+s7] =	stream.linear.scatter [tilespmem:s10], [sflag:$0x5], $0x200, $0x38;
	[tilespmem:$0x12200] =	vst v63  }
0xd7: {  	s12 =	sadd.s32 $0x80, s5;
	s15 =	simm.s32 $0x800  }
0xd8: {  	[hbm4b:s12+s7] =	stream.linear.scatter [tilespmem:s15], [sflag:$0x5], $0x200, $0x38;
	[tilespmem:$0x12200] =	vst v63  }
0xd9: {  	s17 =	sadd.s32 $0x100, s5;
	s19 =	simm.s32 $0xC00  }
0xda: {  	[hbm4b:s17+s7] =	stream.linear.scatter [tilespmem:s19], [sflag:$0x5], $0x200, $0x38;
	[tilespmem:$0x12200] =	vst v63  }
0xdb: {  	s23 =	sadd.s32 $0x180, s5;
	s28 =	simm.s32 $0x1000  }
0xdc: {  	[hbm4b:s23+s7] =	stream.linear.scatter [tilespmem:s28], [sflag:$0x5], $0x200, $0x38;
	[tilespmem:$0x12200] =	vst v63  }
0xdd: {  	s12 =	sadd.s32 $0x200, s5;
	s15 =	simm.s32 $0x1400  }
0xde: {  	[hbm4b:s12+s7] =	stream.linear.scatter [tilespmem:s15], [sflag:$0x5], $0x200, $0x38;
	[tilespmem:$0x12200] =	vst v63  }
0xdf: {  	s17 =	sadd.s32 $0x280, s5;
	s19 =	simm.s32 $0x1800  }
0xe0: {  	[hbm4b:s17+s7] =	stream.linear.scatter [tilespmem:s19], [sflag:$0x5], $0x200, $0x38;
	[tilespmem:$0x12200] =	vst v63  }
0xe1: {  	s23 =	sadd.s32 $0x300, s5;
	s28 =	simm.s32 $0x1C00  }
0xe2: {  	[hbm4b:s23+s7] =	stream.linear.scatter [tilespmem:s28], [sflag:$0x5], $0x200, $0x38;
	[tilespmem:$0x12200] =	vst v63  }
0xe3: {  	s6 =	sadd.s32 $0x380, s5;
	s12 =	simm.s32 $0x2000  }
0xe4: {  	[hbm4b:s6+s7] =	stream.linear.scatter [tilespmem:s12], [sflag:$0x5], $0x200, $0x38;
	[tilespmem:$0x12200] =	vst v63  }
0xe5: {  	s5 =	rddreg [dreg:$0xb];
	s15 =	simm.s32 $0x2200  }
0xe6: {  	[hbm4b:s5+s7] =	stream.linear.scatter [tilespmem:s15], [sflag:$0x5], $0x200, $0x38;
	[tilespmem:$0x12200] =	vst v63  }
0xe7: {  	s17 =	sadd.s32 $0x80, s5;
	s19 =	simm.s32 $0x2600  }
0xe8: {  	[hbm4b:s17+s7] =	stream.linear.scatter [tilespmem:s19], [sflag:$0x5], $0x200, $0x38;
	[tilespmem:$0x12200] =	vst v63  }
0xe9: {  	s23 =	sadd.s32 $0x100, s5;
	s28 =	simm.s32 $0x2A00  }
0xea: {  	[hbm4b:s23+s7] =	stream.linear.scatter [tilespmem:s28], [sflag:$0x5], $0x200, $0x38;
	[tilespmem:$0x12200] =	vst v63  }
0xeb: {  	s12 =	sadd.s32 $0x180, s5;
	s15 =	simm.s32 $0x2E00  }
0xec: {  	[hbm4b:s12+s7] =	stream.linear.scatter [tilespmem:s15], [sflag:$0x5], $0x200, $0x38;
	[tilespmem:$0x12200] =	vst v63  }
0xed: {  	s17 =	sadd.s32 $0x200, s5;
	s19 =	simm.s32 $0x3200  }
0xee: {  	[hbm4b:s17+s7] =	stream.linear.scatter [tilespmem:s19], [sflag:$0x5], $0x200, $0x38;
	[tilespmem:$0x12200] =	vst v63  }
0xef: {  	s23 =	sadd.s32 $0x280, s5;
	s28 =	simm.s32 $0x3600  }
0xf0: {  	[hbm4b:s23+s7] =	stream.linear.scatter [tilespmem:s28], [sflag:$0x5], $0x200, $0x38;
	[tilespmem:$0x12200] =	vst v63  }
0xf1: {  	s6 =	sadd.s32 $0x300, s5;
	s12 =	simm.s32 $0x3A00  }
0xf2: {  	[hbm4b:s6+s7] =	stream.linear.scatter [tilespmem:s12], [sflag:$0x5], $0x200, $0x38;
	[tilespmem:$0x12200] =	vst v63  }
0xf3: {  	s15 =	sadd.s32 $0x380, s5;
	s17 =	simm.s32 $0x3E00  }
0xf4: {  	[hbm4b:s15+s7] =	stream.linear.scatter [tilespmem:s17], [sflag:$0x5], $0x200, $0x38;
	[tilespmem:$0x12200] =	vst v63  }
0xf5: {  	s5 =	rddreg [dreg:$0xc];
	s19 =	simm.s32 $0x2400  }
0xf6: {  	[hbm4b:s5+s7] =	stream.linear.scatter [tilespmem:s19], [sflag:$0x5], $0x200, $0x38;
	[tilespmem:$0x12200] =	vst v63  }
0xf7: {  	s23 =	sadd.s32 $0x80, s5;
	s28 =	simm.s32 $0x2800  }
0xf8: {  	[hbm4b:s23+s7] =	stream.linear.scatter [tilespmem:s28], [sflag:$0x5], $0x200, $0x38;
	[tilespmem:$0x12200] =	vst v63  }
0xf9: {  	s12 =	sadd.s32 $0x100, s5;
	s15 =	simm.s32 $0x2C00  }
0xfa: {  	[hbm4b:s12+s7] =	stream.linear.scatter [tilespmem:s15], [sflag:$0x5], $0x200, $0x38;
	[tilespmem:$0x12200] =	vst v63  }
0xfb: {  	s17 =	sadd.s32 $0x180, s5;
	s19 =	simm.s32 $0x3000  }
0xfc: {  	[hbm4b:s17+s7] =	stream.linear.scatter [tilespmem:s19], [sflag:$0x5], $0x200, $0x38;
	[tilespmem:$0x12200] =	vst v63  }
0xfd: {  	s23 =	sadd.s32 $0x200, s5;
	s28 =	simm.s32 $0x3400  }
0xfe: {  	[hbm4b:s23+s7] =	stream.linear.scatter [tilespmem:s28], [sflag:$0x5], $0x200, $0x38;
	[tilespmem:$0x12200] =	vst v63  }
0xff: {  	s12 =	sadd.s32 $0x280, s5;
	s15 =	simm.s32 $0x3800  }
0x100: {  	[hbm4b:s12+s7] =	stream.linear.scatter [tilespmem:s15], [sflag:$0x5], $0x200, $0x38;
	[tilespmem:$0x12200] =	vst v63  }
0x101: {  	s17 =	sadd.s32 $0x300, s5;
	s19 =	simm.s32 $0x3C00  }
0x102: {  	[hbm4b:s17+s7] =	stream.linear.scatter [tilespmem:s19], [sflag:$0x5], $0x200, $0x38;
	[tilespmem:$0x12200] =	vst v63  }
0x103: {  	s23 =	sadd.s32 $0x380, s5;
	s28 =	simm.s32 $0x4000  }
0x104: {  	[hbm4b:s23+s7] =	stream.linear.scatter [tilespmem:s28], [sflag:$0x5], $0x200, $0x38;
	[tilespmem:$0x12200] =	vst v63  }
0x105: {  	s6 =	rddreg [dreg:$0xd];
	s12 =	simm.s32 $0x10200  }
0x106: {  	[tilespmem:s12], [sflag:$0x9] =	stream.strided.gather [hbm4b:s6+s16], $0x1000, s10, s16, $0x38;
	[tilespmem:$0x12200] =	vst v63  }
0x107: {  	v3 =	vld [tilespmem:$0x30];
	_ =	sdelay $0x4  }
0x108: {  	v4 =	vshll.u32 v3, $0x3  }
0x109: {  	v3 =	vand.u32 $0x7, v3;
	v4 =	vand.u32 $0xFFFFFFC0, v4  }
0x10a: {  	v3 =	vor.u32 v3, v4  }
0x10b: {  	v4 =	vperm.xlane v3, v0;
	_ =	sdelay $0x1  }
0x10c: {  	v4 =	vadd.s32 v1, v4;
	_ =	sdelay $0x3  }
0x10d: {  	s17 =	simm.s32 $0xC200  }
0x10e: {  	[tilespmem:s17], [sflag:$0x4] =	stream.indirect_vreg.gather [hbm4b:s2+s7], $0x80, v4, vm0, $0xb8;
	[tilespmem:$0x12200] =	vst v63  }
0x10f: {  	s19 =	simm.s32 $0xCA00;
	v3 =	vperm.xlane v3, v2  }
0x110: {  	[tilespmem:s19], [sflag:$0x4] =	stream.indirect_vreg.gather [hbm4b:s11+s7], $0x80, v4, vm0, $0xb8;
	[tilespmem:$0x12200] =	vst v63  }
0x111: {  	s23 =	simm.s32 $0xD200;
	v3 =	vadd.s32 v1, v3  }
0x112: {  	[tilespmem:s23], [sflag:$0x4] =	stream.indirect_vreg.gather [hbm4b:s8+s7], $0x80, v4, vm0, $0xb8;
	[tilespmem:$0x12200] =	vst v63  }
0x113: {  	s28 =	simm.s32 $0xDA00  }
0x114: {  	[tilespmem:s28], [sflag:$0x4] =	stream.indirect_vreg.gather [hbm4b:s9+s7], $0x80, v4, vm0, $0xb8;
	[tilespmem:$0x12200] =	vst v63  }
0x115: {  	s5 =	simm.s32 $0xE200  }
0x116: {  	[tilespmem:s5], [sflag:$0x4] =	stream.indirect_vreg.gather [hbm4b:s2+s7], $0x80, v3, vm0, $0xb8;
	[tilespmem:$0x12200] =	vst v63  }
0x117: {  	s6 =	simm.s32 $0xEA00  }
0x118: {  	[tilespmem:s6], [sflag:$0x4] =	stream.indirect_vreg.gather [hbm4b:s11+s7], $0x80, v3, vm0, $0xb8;
	[tilespmem:$0x12200] =	vst v63  }
0x119: {  	s10 =	simm.s32 $0xF200  }
0x11a: {  	[tilespmem:s10], [sflag:$0x4] =	stream.indirect_vreg.gather [hbm4b:s8+s7], $0x80, v3, vm0, $0xb8;
	[tilespmem:$0x12200] =	vst v63  }
0x11b: {  	s12 =	simm.s32 $0xFA00  }
0x11c: {  	[tilespmem:s12], [sflag:$0x4] =	stream.indirect_vreg.gather [hbm4b:s9+s7], $0x80, v3, vm0, $0xb8;
	[tilespmem:$0x12200] =	vst v63  }
0x11d: {  	_ =	swait.ge [sflag:s31], $0x1000  }
0x11e: {  	[sflag:s31] =	ssyncset.done $0x0  }
0x11f: {  	s17 =	simm.s32 $0x2;
	[sflag:s31] =	ssyncadd.s32 $0xFFFFF000  }
0x120: {  	s19 =	simm.s32 $0x0;
	_ =	swait.ge [sflag:s17], $0x4000  }
0x121: {  	s0 =	sand.u32 $0x3FFFFC00, s19;
	s23 =	sand.u32 $0x70, s7;
	[sflag:s17] =	ssyncset.done $0x0  }
0x122: {  	s28 =	simm.s32 $0x0;
	s12 =	sor.u32 s23, s0;
	[sflag:s17] =	ssyncadd.s32 $0xFFFFC000  }
0x123: {  	s0 =	sand.u32 $0x3FFFFE00, s28;
	v3 =	vld [tilespmem:s12+$0x6400]  }
0x124: {  	s0 =	sor.u32 s23, s0;
	v4 =	vld [tilespmem:s12+$0x6200]  }
0x125: {  	v5 =	vld [tilespmem:s0+$0x11200]  }
0x126: {  	v6 =	vld [tilespmem:s12+$0x4400]  }
0x127: {  	v7 =	vld [tilespmem:s12+$0x4200];
	_ =	sdelay $0x1  }
0x128: {  	v3 =	vmul.f32 $8.000000000e+00, v3  }
0x129: {  	v4 =	vmul.f32 $8.000000000e+00, v4  }
0x12a: {  	v6 =	vmul.f32 $8.000000000e+00, v6;
	v3 =	vadd.f32 v3, v5  }
0x12b: {  	v7 =	vmul.f32 $8.000000000e+00, v7;
	v4 =	vadd.f32 v4, v5  }
0x12c: {  	[tilespmem:s12+$0x6400] =	vst v3;
	v3 =	vadd.f32 v6, v5  }
0x12d: {  	v5 =	vadd.f32 v7, v5;
	[tilespmem:s12+$0x6200] =	vst v4  }
0x12e: {  	[tilespmem:s12+$0x4400] =	vst v3;
	v3 =	vld [tilespmem:s12+$0x4280]  }
0x12f: {  	s0 =	sadd.s32 $0x11200, s0;
	v4 =	vld [tilespmem:s12+$0x4480];
	[tilespmem:s12+$0x4200] =	vst v5  }
0x130: {  	v5 =	vld [tilespmem:s0+$0x80]  }
0x131: {  	v6 =	vld [tilespmem:s12+$0x6480]  }
0x132: {  	v7 =	vld [tilespmem:s12+$0x6280]  }
0x133: {  	v3 =	vmul.f32 $8.000000000e+00, v3  }
0x134: {  	v4 =	vmul.f32 $8.000000000e+00, v4  }
0x135: {  	v3 =	vadd.f32 v3, v5  }
0x136: {  	v6 =	vmul.f32 $8.000000000e+00, v6;
	v4 =	vadd.f32 v4, v5  }
0x137: {  	[tilespmem:s12+$0x4280] =	vst v3;
	v3 =	vmul.f32 $8.000000000e+00, v7  }
0x138: {  	v6 =	vadd.f32 v6, v5;
	[tilespmem:s12+$0x4480] =	vst v4;
	v4 =	vld [tilespmem:s12+$0x4500]  }
0x139: {  	v7 =	vld [tilespmem:s12+$0x6500];
	v3 =	vadd.f32 v3, v5  }
0x13a: {  	[tilespmem:s12+$0x6480] =	vst v6;
	v5 =	vld [tilespmem:s12+$0x4300]  }
0x13b: {  	[tilespmem:s12+$0x6280] =	vst v3;
	v3 =	vld [tilespmem:s12+$0x6300]  }
0x13c: {  	v8 =	vld [tilespmem:s0+$0x100];
	_ =	sdelay $0x2  }
0x13d: {  	v5 =	vmul.f32 $8.000000000e+00, v5  }
0x13e: {  	v4 =	vmul.f32 $8.000000000e+00, v4  }
0x13f: {  	v7 =	vmul.f32 $8.000000000e+00, v7;
	v3 =	vmul.f32 $8.000000000e+00, v3;
	v9 =	vadd.f32 v5, v8  }
0x140: {  	v6 =	vadd.f32 v4, v8  }
0x141: {  	s15 =	simm.s32 $0x400;
	s17 =	simm.s32 $0x1;
	v5 =	vadd.f32 v7, v8;
	v4 =	vadd.f32 v3, v8;
	v3 =	vld [tilespmem:s12+$0x4380];
	[tilespmem:s12+$0x4300] =	vst v9  }
.LBB2_4:
0x142: {  	p0 =	sne.s32 s17, $0x3F  }
0x143: {  	[tilespmem:s12+$0x4500] =	vst v6;
	v6 =	vld [tilespmem:s12+$0x6580];
	s7 =	sadd.s32 $0x10, s7;
	s10 =	smov.u32 s17;
	s17 =	sadd.s32 $0x1, s17  }
0x144: {  	[tilespmem:s12+$0x6500] =	vst v5;
	v5 =	vld [tilespmem:s12+$0x6380]  }
0x145: {  	[tilespmem:s12+$0x6300] =	vst v4;
	v4 =	vld [tilespmem:s12+$0x4580]  }
0x146: {  	v7 =	vld [tilespmem:s0+$0x180];
	_ =	sdelay $0x1  }
0x147: {  	v3 =	vmul.f32 $8.000000000e+00, v3  }
0x148: {  	v6 =	vmul.f32 $8.000000000e+00, v6;
	v5 =	vmul.f32 $8.000000000e+00, v5  }
0x149: {  	v4 =	vmul.f32 $8.000000000e+00, v4  }
0x14a: {  	s0 =	sshll.u32 s10, $0x7;
	v3 =	vadd.f32 v3, v7;
	v6 =	vadd.f32 v6, v7  }
0x14b: {  	s19 =	sand.u32 $0x70, s7;
	s0 =	sand.u32 $0x3FFFFC00, s0;
	v5 =	vadd.f32 v5, v7;
	v4 =	vadd.f32 v4, v7  }
0x14c: {  	s0 =	sor.u32 s19, s0;
	[tilespmem:s12+$0x4380] =	vst v3  }
0x14d: {  	s10 =	sshll.u32 s10, $0x6;
	v3 =	vld [tilespmem:s0+$0x6200];
	[tilespmem:s12+$0x6580] =	vst v6  }
0x14e: {  	s10 =	sand.u32 $0x3FFFFE00, s10;
	v6 =	vld [tilespmem:s0+$0x6400];
	[tilespmem:s12+$0x4580] =	vst v4  }
0x14f: {  	s10 =	sor.u32 s19, s10;
	v4 =	vld [tilespmem:s0+$0x4400];
	[tilespmem:s12+$0x6380] =	vst v5;
	s12 =	smov.u32 s0  }
0x150: {  	v5 =	vld [tilespmem:s10+$0x11200]  }
0x151: {  	v7 =	vld [tilespmem:s12+$0x4200];
	_ =	sdelay $0x1  }
0x152: {  	v6 =	vmul.f32 $8.000000000e+00, v6  }
0x153: {  	v3 =	vmul.f32 $8.000000000e+00, v3  }
0x154: {  	v4 =	vmul.f32 $8.000000000e+00, v4;
	v6 =	vadd.f32 v6, v5  }
0x155: {  	v3 =	vadd.f32 v3, v5;
	v7 =	vmul.f32 $8.000000000e+00, v7  }
0x156: {  	v4 =	vadd.f32 v4, v5;
	[tilespmem:s12+$0x6400] =	vst v6;
	v6 =	vld [tilespmem:s12+$0x6480]  }
0x157: {  	v5 =	vadd.f32 v7, v5;
	[tilespmem:s12+$0x6200] =	vst v3;
	v3 =	vld [tilespmem:s12+$0x4480]  }
0x158: {  	[tilespmem:s12+$0x4400] =	vst v4;
	v4 =	vld [tilespmem:s12+$0x4280]  }
0x159: {  	s0 =	sadd.s32 $0x11200, s10;
	[tilespmem:s12+$0x4200] =	vst v5;
	v5 =	vld [tilespmem:s12+$0x6280]  }
0x15a: {  	v7 =	vld [tilespmem:s0+$0x80];
	_ =	sdelay $0x2  }
0x15b: {  	v3 =	vmul.f32 $8.000000000e+00, v3;
	v4 =	vmul.f32 $8.000000000e+00, v4  }
0x15c: {  	v6 =	vmul.f32 $8.000000000e+00, v6;
	v5 =	vmul.f32 $8.000000000e+00, v5  }
0x15d: {  	v4 =	vadd.f32 v4, v7;
	v3 =	vadd.f32 v3, v7  }
0x15e: {  	v6 =	vadd.f32 v6, v7;
	v5 =	vadd.f32 v5, v7  }
0x15f: {  	[tilespmem:s12+$0x4280] =	vst v4;
	v4 =	vld [tilespmem:s12+$0x6500]  }
0x160: {  	[tilespmem:s12+$0x4480] =	vst v3;
	v3 =	vld [tilespmem:s12+$0x4500]  }
0x161: {  	[tilespmem:s12+$0x6480] =	vst v6;
	v6 =	vld [tilespmem:s12+$0x4300]  }
0x162: {  	[tilespmem:s12+$0x6280] =	vst v5;
	v5 =	vld [tilespmem:s12+$0x6300]  }
0x163: {  	v7 =	vld [tilespmem:s0+$0x100];
	_ =	sdelay $0x2  }
.Ltmp1:
0x164: {  	v3 =	vmul.f32 $8.000000000e+00, v3;
	v6 =	vmul.f32 $8.000000000e+00, v6;
	(pc) =	sbr.rel @p0 .LBB2_4-.Ltmp1, $4  }
0x165: {  	v8 =	vmul.f32 $8.000000000e+00, v4;
	v5 =	vmul.f32 $8.000000000e+00, v5  }
0x166: {  	v9 =	vadd.f32 v6, v7;
	v6 =	vadd.f32 v3, v7  }
0x167: {  	v4 =	vadd.f32 v5, v7;
	v5 =	vadd.f32 v8, v7  }
0x168: {  	[tilespmem:s12+$0x4300] =	vst v9;
	v3 =	vld [tilespmem:s12+$0x4380]  }
0x169: {  	[tilespmem:s12+$0x4500] =	vst v6  }
0x16a: {  	v6 =	vld [tilespmem:s12+$0x6580];
	[tilespmem:s12+$0x6500] =	vst v5  }
0x16b: {  	[tilespmem:s12+$0x6300] =	vst v4;
	v4 =	vld [tilespmem:s12+$0x4580]  }
0x16c: {  	v7 =	vld [tilespmem:s0+$0x180]  }
0x16d: {  	v5 =	vld [tilespmem:s12+$0x6380];
	_ =	sdelay $0x1  }
0x16e: {  	v3 =	vmul.f32 $8.000000000e+00, v3  }
0x16f: {  	v6 =	vmul.f32 $8.000000000e+00, v6  }
0x170: {  	v4 =	vmul.f32 $8.000000000e+00, v4;
	v3 =	vadd.f32 v3, v7  }
0x171: {  	v5 =	vmul.f32 $8.000000000e+00, v5;
	v6 =	vadd.f32 v6, v7  }
0x172: {  	v4 =	vadd.f32 v4, v7;
	[tilespmem:s12+$0x4380] =	vst v3  }
0x173: {  	v3 =	vadd.f32 v5, v7;
	[tilespmem:s12+$0x6580] =	vst v6  }
0x174: {  	[tilespmem:s12+$0x4580] =	vst v4  }
0x175: {  	s7 =	simm.s32 $0x0;
	s5 =	rddreg [dreg:$0xe];
	s10 =	simm.s32 $0x4200;
	[tilespmem:s12+$0x6380] =	vst v3  }
0x176: {  	[hbm4b:s5+s7] =	stream.linear.scatter [tilespmem:s10], [sflag:$0x6], $0x200, $0x38;
	[tilespmem:$0x12200] =	vst v63  }
0x177: {  	s6 =	simm.s32 $0x4600;
	s12 =	sadd.s32 $0x80, s5  }
0x178: {  	[hbm4b:s12+s7] =	stream.linear.scatter [tilespmem:s6], [sflag:$0x6], $0x200, $0x38;
	[tilespmem:$0x12200] =	vst v63  }
0x179: {  	s19 =	simm.s32 $0x4A00;
	s17 =	sadd.s32 $0x100, s5  }
0x17a: {  	[hbm4b:s17+s7] =	stream.linear.scatter [tilespmem:s19], [sflag:$0x6], $0x200, $0x38;
	[tilespmem:$0x12200] =	vst v63  }
0x17b: {  	s28 =	simm.s32 $0x4E00;
	s23 =	sadd.s32 $0x180, s5  }
0x17c: {  	[hbm4b:s23+s7] =	stream.linear.scatter [tilespmem:s28], [sflag:$0x6], $0x200, $0x38;
	[tilespmem:$0x12200] =	vst v63  }
0x17d: {  	s10 =	sadd.s32 $0x200, s5;
	s12 =	simm.s32 $0x5200  }
0x17e: {  	[hbm4b:s10+s7] =	stream.linear.scatter [tilespmem:s12], [sflag:$0x6], $0x200, $0x38;
	[tilespmem:$0x12200] =	vst v63  }
0x17f: {  	s17 =	sadd.s32 $0x280, s5;
	s19 =	simm.s32 $0x5600  }
0x180: {  	[hbm4b:s17+s7] =	stream.linear.scatter [tilespmem:s19], [sflag:$0x6], $0x200, $0x38;
	[tilespmem:$0x12200] =	vst v63  }
0x181: {  	s23 =	sadd.s32 $0x300, s5;
	s28 =	simm.s32 $0x5A00  }
0x182: {  	[hbm4b:s23+s7] =	stream.linear.scatter [tilespmem:s28], [sflag:$0x6], $0x200, $0x38;
	[tilespmem:$0x12200] =	vst v63  }
0x183: {  	s6 =	sadd.s32 $0x380, s5;
	s10 =	simm.s32 $0x5E00  }
0x184: {  	[hbm4b:s6+s7] =	stream.linear.scatter [tilespmem:s10], [sflag:$0x6], $0x200, $0x38;
	[tilespmem:$0x12200] =	vst v63  }
0x185: {  	s5 =	rddreg [dreg:$0x16];
	s12 =	simm.s32 $0x4400  }
0x186: {  	[hbm4b:s5+s7] =	stream.linear.scatter [tilespmem:s12], [sflag:$0x6], $0x200, $0x38;
	[tilespmem:$0x12200] =	vst v63  }
0x187: {  	s17 =	sadd.s32 $0x80, s5;
	s19 =	simm.s32 $0x4800  }
0x188: {  	[hbm4b:s17+s7] =	stream.linear.scatter [tilespmem:s19], [sflag:$0x6], $0x200, $0x38;
	[tilespmem:$0x12200] =	vst v63  }
0x189: {  	s23 =	sadd.s32 $0x100, s5;
	s28 =	simm.s32 $0x4C00  }
0x18a: {  	[hbm4b:s23+s7] =	stream.linear.scatter [tilespmem:s28], [sflag:$0x6], $0x200, $0x38;
	[tilespmem:$0x12200] =	vst v63  }
0x18b: {  	s10 =	sadd.s32 $0x180, s5;
	s12 =	simm.s32 $0x5000  }
0x18c: {  	[hbm4b:s10+s7] =	stream.linear.scatter [tilespmem:s12], [sflag:$0x6], $0x200, $0x38;
	[tilespmem:$0x12200] =	vst v63  }
0x18d: {  	s17 =	sadd.s32 $0x200, s5;
	s19 =	simm.s32 $0x5400  }
0x18e: {  	[hbm4b:s17+s7] =	stream.linear.scatter [tilespmem:s19], [sflag:$0x6], $0x200, $0x38;
	[tilespmem:$0x12200] =	vst v63  }
0x18f: {  	s23 =	sadd.s32 $0x280, s5;
	s28 =	simm.s32 $0x5800  }
0x190: {  	[hbm4b:s23+s7] =	stream.linear.scatter [tilespmem:s28], [sflag:$0x6], $0x200, $0x38;
	[tilespmem:$0x12200] =	vst v63  }
0x191: {  	s6 =	sadd.s32 $0x300, s5;
	s10 =	simm.s32 $0x5C00  }
0x192: {  	[hbm4b:s6+s7] =	stream.linear.scatter [tilespmem:s10], [sflag:$0x6], $0x200, $0x38;
	[tilespmem:$0x12200] =	vst v63  }
0x193: {  	s12 =	sadd.s32 $0x380, s5;
	s17 =	simm.s32 $0x6000  }
0x194: {  	[hbm4b:s12+s7] =	stream.linear.scatter [tilespmem:s17], [sflag:$0x6], $0x200, $0x38;
	[tilespmem:$0x12200] =	vst v63  }
0x195: {  	s5 =	rddreg [dreg:$0x14];
	s19 =	simm.s32 $0x6200  }
0x196: {  	[hbm4b:s5+s7] =	stream.linear.scatter [tilespmem:s19], [sflag:$0x6], $0x200, $0x38;
	[tilespmem:$0x12200] =	vst v63  }
0x197: {  	s23 =	sadd.s32 $0x80, s5;
	s28 =	simm.s32 $0x6600  }
0x198: {  	[hbm4b:s23+s7] =	stream.linear.scatter [tilespmem:s28], [sflag:$0x6], $0x200, $0x38;
	[tilespmem:$0x12200] =	vst v63  }
0x199: {  	s10 =	sadd.s32 $0x100, s5;
	s12 =	simm.s32 $0x6A00  }
0x19a: {  	[hbm4b:s10+s7] =	stream.linear.scatter [tilespmem:s12], [sflag:$0x6], $0x200, $0x38;
	[tilespmem:$0x12200] =	vst v63  }
0x19b: {  	s17 =	sadd.s32 $0x180, s5;
	s19 =	simm.s32 $0x6E00  }
0x19c: {  	[hbm4b:s17+s7] =	stream.linear.scatter [tilespmem:s19], [sflag:$0x6], $0x200, $0x38;
	[tilespmem:$0x12200] =	vst v63  }
0x19d: {  	s23 =	sadd.s32 $0x200, s5;
	s28 =	simm.s32 $0x7200  }
0x19e: {  	[hbm4b:s23+s7] =	stream.linear.scatter [tilespmem:s28], [sflag:$0x6], $0x200, $0x38;
	[tilespmem:$0x12200] =	vst v63  }
0x19f: {  	s10 =	sadd.s32 $0x280, s5;
	s12 =	simm.s32 $0x7600  }
0x1a0: {  	[hbm4b:s10+s7] =	stream.linear.scatter [tilespmem:s12], [sflag:$0x6], $0x200, $0x38;
	[tilespmem:$0x12200] =	vst v63  }
0x1a1: {  	s17 =	sadd.s32 $0x300, s5;
	s19 =	simm.s32 $0x7A00  }
0x1a2: {  	[hbm4b:s17+s7] =	stream.linear.scatter [tilespmem:s19], [sflag:$0x6], $0x200, $0x38;
	[tilespmem:$0x12200] =	vst v63  }
0x1a3: {  	s23 =	sadd.s32 $0x380, s5;
	s28 =	simm.s32 $0x7E00  }
0x1a4: {  	[hbm4b:s23+s7] =	stream.linear.scatter [tilespmem:s28], [sflag:$0x6], $0x200, $0x38;
	[tilespmem:$0x12200] =	vst v63  }
0x1a5: {  	s6 =	simm.s32 $0x6400;
	s5 =	rddreg [dreg:$0x15]  }
0x1a6: {  	[hbm4b:s5+s7] =	stream.linear.scatter [tilespmem:s6], [sflag:$0x6], $0x200, $0x38;
	[tilespmem:$0x12200] =	vst v63  }
0x1a7: {  	s10 =	sadd.s32 $0x80, s5;
	s12 =	simm.s32 $0x6800  }
0x1a8: {  	[hbm4b:s10+s7] =	stream.linear.scatter [tilespmem:s12], [sflag:$0x6], $0x200, $0x38;
	[tilespmem:$0x12200] =	vst v63  }
0x1a9: {  	s17 =	sadd.s32 $0x100, s5;
	s19 =	simm.s32 $0x6C00  }
0x1aa: {  	[hbm4b:s17+s7] =	stream.linear.scatter [tilespmem:s19], [sflag:$0x6], $0x200, $0x38;
	[tilespmem:$0x12200] =	vst v63  }
0x1ab: {  	s23 =	sadd.s32 $0x180, s5;
	s28 =	simm.s32 $0x7000  }
0x1ac: {  	[hbm4b:s23+s7] =	stream.linear.scatter [tilespmem:s28], [sflag:$0x6], $0x200, $0x38;
	[tilespmem:$0x12200] =	vst v63  }
0x1ad: {  	s10 =	sadd.s32 $0x200, s5;
	s12 =	simm.s32 $0x7400  }
0x1ae: {  	[hbm4b:s10+s7] =	stream.linear.scatter [tilespmem:s12], [sflag:$0x6], $0x200, $0x38;
	[tilespmem:$0x12200] =	vst v63  }
0x1af: {  	s17 =	sadd.s32 $0x280, s5;
	s19 =	simm.s32 $0x7800  }
0x1b0: {  	[hbm4b:s17+s7] =	stream.linear.scatter [tilespmem:s19], [sflag:$0x6], $0x200, $0x38;
	[tilespmem:$0x12200] =	vst v63  }
0x1b1: {  	s23 =	sadd.s32 $0x300, s5;
	s28 =	simm.s32 $0x7C00  }
0x1b2: {  	[hbm4b:s23+s7] =	stream.linear.scatter [tilespmem:s28], [sflag:$0x6], $0x200, $0x38;
	[tilespmem:$0x12200] =	vst v63  }
0x1b3: {  	s10 =	sadd.s32 $0x380, s5;
	s12 =	simm.s32 $0x8000  }
0x1b4: {  	[hbm4b:s10+s7] =	stream.linear.scatter [tilespmem:s12], [sflag:$0x6], $0x200, $0x38;
	[tilespmem:$0x12200] =	vst v63  }
0x1b5: {  	s17 =	rddreg [dreg:$0xf];
	s19 =	simm.s32 $0x11200  }
0x1b6: {  	[tilespmem:s19], [sflag:$0xA] =	stream.strided.gather [hbm4b:s17+s16], $0x1000, s15, s16, $0x38;
	[tilespmem:$0x12200] =	vst v63  }
0x1b7: {  	_ =	swait.ge [sflag:s18], $0x1000  }
0x1b8: {  	[sflag:s18] =	ssyncset.done $0x0  }
0x1b9: {  	[sflag:s18] =	ssyncadd.s32 $0xFFFFF000  }
0x1ba: {  	_ =	swait.ge [sflag:s18], $0x1000  }
0x1bb: {  	[sflag:s18] =	ssyncset.done $0x0  }
0x1bc: {  	[sflag:s18] =	ssyncadd.s32 $0xFFFFF000  }
0x1bd: {  	_ =	swait.ge [sflag:s18], $0x1000  }
0x1be: {  	[sflag:s18] =	ssyncset.done $0x0  }
0x1bf: {  	[sflag:s18] =	ssyncadd.s32 $0xFFFFF000  }
0x1c0: {  	_ =	swait.ge [sflag:s18], $0x1000  }
0x1c1: {  	[sflag:s18] =	ssyncset.done $0x0  }
0x1c2: {  	[sflag:s18] =	ssyncadd.s32 $0xFFFFF000  }
0x1c3: {  	v3 =	vld [tilespmem:$0x40];
	_ =	sdelay $0x4  }
0x1c4: {  	v4 =	vshll.u32 v3, $0x3  }
0x1c5: {  	v3 =	vand.u32 $0x7, v3;
	v4 =	vand.u32 $0xFFFFFFC0, v4  }
0x1c6: {  	v3 =	vor.u32 v3, v4  }
0x1c7: {  	v4 =	vperm.xlane v3, v0;
	_ =	sdelay $0x1  }
0x1c8: {  	v4 =	vadd.s32 v1, v4;
	_ =	sdelay $0x4  }
0x1c9: {  	[tilespmem:s16], [sflag:$0x1] =	stream.indirect_vreg.gather [hbm4b:s2+s7], $0x80, v4, vm0, $0xb8;
	[tilespmem:$0x12200] =	vst v63  }
0x1ca: {  	s23 =	simm.s32 $0xA00;
	v3 =	vperm.xlane v3, v2  }
0x1cb: {  	[tilespmem:s23], [sflag:$0x1] =	stream.indirect_vreg.gather [hbm4b:s11+s7], $0x80, v4, vm0, $0xb8;
	[tilespmem:$0x12200] =	vst v63  }
0x1cc: {  	s28 =	simm.s32 $0x1200;
	v3 =	vadd.s32 v1, v3  }
0x1cd: {  	[tilespmem:s28], [sflag:$0x1] =	stream.indirect_vreg.gather [hbm4b:s8+s7], $0x80, v4, vm0, $0xb8;
	[tilespmem:$0x12200] =	vst v63  }
0x1ce: {  	s5 =	simm.s32 $0x1A00  }
0x1cf: {  	[tilespmem:s5], [sflag:$0x1] =	stream.indirect_vreg.gather [hbm4b:s9+s7], $0x80, v4, vm0, $0xb8;
	[tilespmem:$0x12200] =	vst v63  }
0x1d0: {  	s6 =	simm.s32 $0x2200  }
0x1d1: {  	[tilespmem:s6], [sflag:$0x1] =	stream.indirect_vreg.gather [hbm4b:s2+s7], $0x80, v3, vm0, $0xb8;
	[tilespmem:$0x12200] =	vst v63  }
0x1d2: {  	s10 =	simm.s32 $0x2A00  }
0x1d3: {  	[tilespmem:s10], [sflag:$0x1] =	stream.indirect_vreg.gather [hbm4b:s11+s7], $0x80, v3, vm0, $0xb8;
	[tilespmem:$0x12200] =	vst v63  }
0x1d4: {  	s12 =	simm.s32 $0x3200  }
0x1d5: {  	[tilespmem:s12], [sflag:$0x1] =	stream.indirect_vreg.gather [hbm4b:s8+s7], $0x80, v3, vm0, $0xb8;
	[tilespmem:$0x12200] =	vst v63  }
0x1d6: {  	s17 =	simm.s32 $0x3A00  }
0x1d7: {  	[tilespmem:s17], [sflag:$0x1] =	stream.indirect_vreg.gather [hbm4b:s9+s7], $0x80, v3, vm0, $0xb8;
	[tilespmem:$0x12200] =	vst v63  }
0x1d8: {  	_ =	swait.ge [sflag:s25], $0x1000  }
0x1d9: {  	[sflag:s25] =	ssyncset.done $0x0  }
0x1da: {  	s19 =	simm.s32 $0x3;
	[sflag:s25] =	ssyncadd.s32 $0xFFFFF000  }
0x1db: {  	s23 =	simm.s32 $0x0;
	_ =	swait.ge [sflag:s19], $0x4000  }
0x1dc: {  	s0 =	sand.u32 $0x3FFFFC00, s23;
	s10 =	sand.u32 $0x70, s7;
	[sflag:s19] =	ssyncset.done $0x0  }
0x1dd: {  	s28 =	simm.s32 $0x0;
	s12 =	sor.u32 s10, s0;
	[sflag:s19] =	ssyncadd.s32 $0xFFFFC000  }
0x1de: {  	s0 =	sand.u32 $0x3FFFFE00, s28;
	v3 =	vld [tilespmem:s12+$0xA400]  }
0x1df: {  	s0 =	sor.u32 s10, s0;
	v4 =	vld [tilespmem:s12+$0xA200]  }
0x1e0: {  	v5 =	vld [tilespmem:s0+$0x10200]  }
0x1e1: {  	v6 =	vld [tilespmem:s12+$0x8400]  }
0x1e2: {  	v7 =	vld [tilespmem:s12+$0x8200];
	_ =	sdelay $0x1  }
0x1e3: {  	v3 =	vmul.f32 $8.000000000e+00, v3  }
0x1e4: {  	v4 =	vmul.f32 $8.000000000e+00, v4  }
0x1e5: {  	v6 =	vmul.f32 $8.000000000e+00, v6;
	v3 =	vadd.f32 v3, v5  }
0x1e6: {  	v7 =	vmul.f32 $8.000000000e+00, v7;
	v4 =	vadd.f32 v4, v5  }
0x1e7: {  	[tilespmem:s12+$0xA400] =	vst v3;
	v3 =	vadd.f32 v6, v5  }
0x1e8: {  	v5 =	vadd.f32 v7, v5;
	[tilespmem:s12+$0xA200] =	vst v4  }
0x1e9: {  	[tilespmem:s12+$0x8400] =	vst v3;
	v3 =	vld [tilespmem:s12+$0x8280]  }
0x1ea: {  	s0 =	sadd.s32 $0x10200, s0;
	v4 =	vld [tilespmem:s12+$0x8480];
	[tilespmem:s12+$0x8200] =	vst v5  }
0x1eb: {  	v5 =	vld [tilespmem:s0+$0x80]  }
0x1ec: {  	v6 =	vld [tilespmem:s12+$0xA480]  }
0x1ed: {  	v7 =	vld [tilespmem:s12+$0xA280]  }
0x1ee: {  	v3 =	vmul.f32 $8.000000000e+00, v3  }
0x1ef: {  	v4 =	vmul.f32 $8.000000000e+00, v4  }
0x1f0: {  	v3 =	vadd.f32 v3, v5  }
0x1f1: {  	v6 =	vmul.f32 $8.000000000e+00, v6;
	v4 =	vadd.f32 v4, v5  }
0x1f2: {  	[tilespmem:s12+$0x8280] =	vst v3;
	v3 =	vmul.f32 $8.000000000e+00, v7  }
0x1f3: {  	v6 =	vadd.f32 v6, v5;
	[tilespmem:s12+$0x8480] =	vst v4;
	v4 =	vld [tilespmem:s12+$0x8500]  }
0x1f4: {  	v7 =	vld [tilespmem:s12+$0xA500];
	v3 =	vadd.f32 v3, v5  }
0x1f5: {  	[tilespmem:s12+$0xA480] =	vst v6;
	v5 =	vld [tilespmem:s12+$0x8300]  }
0x1f6: {  	[tilespmem:s12+$0xA280] =	vst v3;
	v3 =	vld [tilespmem:s12+$0xA300]  }
0x1f7: {  	v8 =	vld [tilespmem:s0+$0x100];
	_ =	sdelay $0x2  }
0x1f8: {  	v5 =	vmul.f32 $8.000000000e+00, v5  }
0x1f9: {  	v4 =	vmul.f32 $8.000000000e+00, v4  }
0x1fa: {  	v7 =	vmul.f32 $8.000000000e+00, v7;
	v3 =	vmul.f32 $8.000000000e+00, v3;
	v9 =	vadd.f32 v5, v8  }
0x1fb: {  	v6 =	vadd.f32 v4, v8  }
0x1fc: {  	s17 =	simm.s32 $0x1;
	v5 =	vadd.f32 v7, v8;
	v4 =	vadd.f32 v3, v8;
	v3 =	vld [tilespmem:s12+$0x8380];
	[tilespmem:s12+$0x8300] =	vst v9  }
.LBB2_6:
0x1fd: {  	p0 =	sne.s32 s17, $0x3F  }
0x1fe: {  	[tilespmem:s12+$0x8500] =	vst v6;
	v6 =	vld [tilespmem:s12+$0xA580];
	s7 =	sadd.s32 $0x10, s7;
	s10 =	smov.u32 s17;
	s17 =	sadd.s32 $0x1, s17  }
0x1ff: {  	[tilespmem:s12+$0xA500] =	vst v5;
	v5 =	vld [tilespmem:s12+$0xA380]  }
0x200: {  	[tilespmem:s12+$0xA300] =	vst v4;
	v4 =	vld [tilespmem:s12+$0x8580]  }
0x201: {  	v7 =	vld [tilespmem:s0+$0x180];
	_ =	sdelay $0x1  }
0x202: {  	v3 =	vmul.f32 $8.000000000e+00, v3  }
0x203: {  	v6 =	vmul.f32 $8.000000000e+00, v6;
	v5 =	vmul.f32 $8.000000000e+00, v5  }
0x204: {  	v4 =	vmul.f32 $8.000000000e+00, v4  }
0x205: {  	s0 =	sshll.u32 s10, $0x7;
	v3 =	vadd.f32 v3, v7;
	v6 =	vadd.f32 v6, v7  }
0x206: {  	s19 =	sand.u32 $0x70, s7;
	s0 =	sand.u32 $0x3FFFFC00, s0;
	v5 =	vadd.f32 v5, v7;
	v4 =	vadd.f32 v4, v7  }
0x207: {  	s0 =	sor.u32 s19, s0;
	[tilespmem:s12+$0x8380] =	vst v3  }
0x208: {  	s10 =	sshll.u32 s10, $0x6;
	v3 =	vld [tilespmem:s0+$0xA200];
	[tilespmem:s12+$0xA580] =	vst v6  }
0x209: {  	s10 =	sand.u32 $0x3FFFFE00, s10;
	v6 =	vld [tilespmem:s0+$0xA400];
	[tilespmem:s12+$0x8580] =	vst v4  }
0x20a: {  	s10 =	sor.u32 s19, s10;
	v4 =	vld [tilespmem:s0+$0x8400];
	[tilespmem:s12+$0xA380] =	vst v5;
	s12 =	smov.u32 s0  }
0x20b: {  	v5 =	vld [tilespmem:s10+$0x10200]  }
0x20c: {  	v7 =	vld [tilespmem:s12+$0x8200];
	_ =	sdelay $0x1  }
0x20d: {  	v6 =	vmul.f32 $8.000000000e+00, v6  }
0x20e: {  	v3 =	vmul.f32 $8.000000000e+00, v3  }
0x20f: {  	v4 =	vmul.f32 $8.000000000e+00, v4;
	v6 =	vadd.f32 v6, v5  }
0x210: {  	v3 =	vadd.f32 v3, v5;
	v7 =	vmul.f32 $8.000000000e+00, v7  }
0x211: {  	v4 =	vadd.f32 v4, v5;
	[tilespmem:s12+$0xA400] =	vst v6;
	v6 =	vld [tilespmem:s12+$0xA480]  }
0x212: {  	v5 =	vadd.f32 v7, v5;
	[tilespmem:s12+$0xA200] =	vst v3;
	v3 =	vld [tilespmem:s12+$0x8480]  }
0x213: {  	[tilespmem:s12+$0x8400] =	vst v4;
	v4 =	vld [tilespmem:s12+$0x8280]  }
0x214: {  	s0 =	sadd.s32 $0x10200, s10;
	[tilespmem:s12+$0x8200] =	vst v5;
	v5 =	vld [tilespmem:s12+$0xA280]  }
0x215: {  	v7 =	vld [tilespmem:s0+$0x80];
	_ =	sdelay $0x2  }
0x216: {  	v3 =	vmul.f32 $8.000000000e+00, v3;
	v4 =	vmul.f32 $8.000000000e+00, v4  }
0x217: {  	v6 =	vmul.f32 $8.000000000e+00, v6;
	v5 =	vmul.f32 $8.000000000e+00, v5  }
0x218: {  	v4 =	vadd.f32 v4, v7;
	v3 =	vadd.f32 v3, v7  }
0x219: {  	v6 =	vadd.f32 v6, v7;
	v5 =	vadd.f32 v5, v7  }
0x21a: {  	[tilespmem:s12+$0x8280] =	vst v4;
	v4 =	vld [tilespmem:s12+$0xA500]  }
0x21b: {  	[tilespmem:s12+$0x8480] =	vst v3;
	v3 =	vld [tilespmem:s12+$0x8500]  }
0x21c: {  	[tilespmem:s12+$0xA480] =	vst v6;
	v6 =	vld [tilespmem:s12+$0x8300]  }
0x21d: {  	[tilespmem:s12+$0xA280] =	vst v5;
	v5 =	vld [tilespmem:s12+$0xA300]  }
0x21e: {  	v7 =	vld [tilespmem:s0+$0x100];
	_ =	sdelay $0x2  }
.Ltmp2:
0x21f: {  	v3 =	vmul.f32 $8.000000000e+00, v3;
	v6 =	vmul.f32 $8.000000000e+00, v6;
	(pc) =	sbr.rel @p0 .LBB2_6-.Ltmp2, $4  }
0x220: {  	v8 =	vmul.f32 $8.000000000e+00, v4;
	v5 =	vmul.f32 $8.000000000e+00, v5  }
0x221: {  	v9 =	vadd.f32 v6, v7;
	v6 =	vadd.f32 v3, v7  }
0x222: {  	v4 =	vadd.f32 v5, v7;
	v5 =	vadd.f32 v8, v7  }
0x223: {  	[tilespmem:s12+$0x8300] =	vst v9;
	v3 =	vld [tilespmem:s12+$0x8380]  }
0x224: {  	[tilespmem:s12+$0x8500] =	vst v6  }
0x225: {  	v6 =	vld [tilespmem:s12+$0xA580];
	[tilespmem:s12+$0xA500] =	vst v5  }
0x226: {  	[tilespmem:s12+$0xA300] =	vst v4;
	v4 =	vld [tilespmem:s12+$0x8580]  }
0x227: {  	v7 =	vld [tilespmem:s0+$0x180]  }
0x228: {  	v5 =	vld [tilespmem:s12+$0xA380];
	_ =	sdelay $0x1  }
0x229: {  	v3 =	vmul.f32 $8.000000000e+00, v3  }
0x22a: {  	v6 =	vmul.f32 $8.000000000e+00, v6  }
0x22b: {  	v4 =	vmul.f32 $8.000000000e+00, v4;
	v3 =	vadd.f32 v3, v7  }
0x22c: {  	v5 =	vmul.f32 $8.000000000e+00, v5;
	v6 =	vadd.f32 v6, v7  }
0x22d: {  	v4 =	vadd.f32 v4, v7;
	[tilespmem:s12+$0x8380] =	vst v3  }
0x22e: {  	v3 =	vadd.f32 v5, v7;
	[tilespmem:s12+$0xA580] =	vst v6  }
0x22f: {  	[tilespmem:s12+$0x8580] =	vst v4  }
0x230: {  	s7 =	simm.s32 $0x0;
	s5 =	rddreg [dreg:$0x10];
	[tilespmem:s12+$0xA380] =	vst v3  }
0x231: {  	[hbm4b:s5+s7] =	stream.linear.scatter [tilespmem:s13], [sflag:$0x7], $0x200, $0x38;
	[tilespmem:$0x12200] =	vst v63  }
0x232: {  	s6 =	simm.s32 $0x8600;
	s17 =	sadd.s32 $0x80, s5  }
0x233: {  	[hbm4b:s17+s7] =	stream.linear.scatter [tilespmem:s6], [sflag:$0x7], $0x200, $0x38;
	[tilespmem:$0x12200] =	vst v63  }
0x234: {  	s19 =	sadd.s32 $0x100, s5  }
0x235: {  	[hbm4b:s19+s7] =	stream.linear.scatter [tilespmem:s24], [sflag:$0x7], $0x200, $0x38;
	[tilespmem:$0x12200] =	vst v63  }
0x236: {  	s28 =	simm.s32 $0x8E00;
	s23 =	sadd.s32 $0x180, s5  }
0x237: {  	[hbm4b:s23+s7] =	stream.linear.scatter [tilespmem:s28], [sflag:$0x7], $0x200, $0x38;
	[tilespmem:$0x12200] =	vst v63  }
0x238: {  	s10 =	sadd.s32 $0x200, s5;
	s12 =	simm.s32 $0x9200  }
0x239: {  	[hbm4b:s10+s7] =	stream.linear.scatter [tilespmem:s12], [sflag:$0x7], $0x200, $0x38;
	[tilespmem:$0x12200] =	vst v63  }
0x23a: {  	s17 =	sadd.s32 $0x280, s5;
	s19 =	simm.s32 $0x9600  }
0x23b: {  	[hbm4b:s17+s7] =	stream.linear.scatter [tilespmem:s19], [sflag:$0x7], $0x200, $0x38;
	[tilespmem:$0x12200] =	vst v63  }
0x23c: {  	s23 =	sadd.s32 $0x300, s5;
	s28 =	simm.s32 $0x9A00  }
0x23d: {  	[hbm4b:s23+s7] =	stream.linear.scatter [tilespmem:s28], [sflag:$0x7], $0x200, $0x38;
	[tilespmem:$0x12200] =	vst v63  }
0x23e: {  	s6 =	sadd.s32 $0x380, s5;
	s10 =	simm.s32 $0x9E00  }
0x23f: {  	[hbm4b:s6+s7] =	stream.linear.scatter [tilespmem:s10], [sflag:$0x7], $0x200, $0x38;
	[tilespmem:$0x12200] =	vst v63  }
0x240: {  	s5 =	rddreg [dreg:$0x17];
	s12 =	simm.s32 $0x8400  }
0x241: {  	[hbm4b:s5+s7] =	stream.linear.scatter [tilespmem:s12], [sflag:$0x7], $0x200, $0x38;
	[tilespmem:$0x12200] =	vst v63  }
0x242: {  	s17 =	sadd.s32 $0x80, s5;
	s19 =	simm.s32 $0x8800  }
0x243: {  	[hbm4b:s17+s7] =	stream.linear.scatter [tilespmem:s19], [sflag:$0x7], $0x200, $0x38;
	[tilespmem:$0x12200] =	vst v63  }
0x244: {  	s23 =	sadd.s32 $0x100, s5;
	s28 =	simm.s32 $0x8C00  }
0x245: {  	[hbm4b:s23+s7] =	stream.linear.scatter [tilespmem:s28], [sflag:$0x7], $0x200, $0x38;
	[tilespmem:$0x12200] =	vst v63  }
0x246: {  	s10 =	sadd.s32 $0x180, s5;
	s12 =	simm.s32 $0x9000  }
0x247: {  	[hbm4b:s10+s7] =	stream.linear.scatter [tilespmem:s12], [sflag:$0x7], $0x200, $0x38;
	[tilespmem:$0x12200] =	vst v63  }
0x248: {  	s17 =	sadd.s32 $0x200, s5;
	s19 =	simm.s32 $0x9400  }
0x249: {  	[hbm4b:s17+s7] =	stream.linear.scatter [tilespmem:s19], [sflag:$0x7], $0x200, $0x38;
	[tilespmem:$0x12200] =	vst v63  }
0x24a: {  	s23 =	sadd.s32 $0x280, s5;
	s28 =	simm.s32 $0x9800  }
0x24b: {  	[hbm4b:s23+s7] =	stream.linear.scatter [tilespmem:s28], [sflag:$0x7], $0x200, $0x38;
	[tilespmem:$0x12200] =	vst v63  }
0x24c: {  	s10 =	sadd.s32 $0x300, s5;
	s12 =	simm.s32 $0x9C00  }
0x24d: {  	[hbm4b:s10+s7] =	stream.linear.scatter [tilespmem:s12], [sflag:$0x7], $0x200, $0x38;
	[tilespmem:$0x12200] =	vst v63  }
0x24e: {  	s17 =	sadd.s32 $0x380, s5;
	s19 =	simm.s32 $0xA000  }
0x24f: {  	[hbm4b:s17+s7] =	stream.linear.scatter [tilespmem:s19], [sflag:$0x7], $0x200, $0x38;
	[tilespmem:$0x12200] =	vst v63  }
0x250: {  	s5 =	rddreg [dreg:$0x18]  }
0x251: {  	[hbm4b:s5+s7] =	stream.linear.scatter [tilespmem:s14], [sflag:$0x7], $0x200, $0x38;
	[tilespmem:$0x12200] =	vst v63  }
0x252: {  	s23 =	sadd.s32 $0x80, s5;
	s28 =	simm.s32 $0xA600  }
0x253: {  	[hbm4b:s23+s7] =	stream.linear.scatter [tilespmem:s28], [sflag:$0x7], $0x200, $0x38;
	[tilespmem:$0x12200] =	vst v63  }
0x254: {  	s10 =	sadd.s32 $0x100, s5;
	s12 =	simm.s32 $0xAA00  }
0x255: {  	[hbm4b:s10+s7] =	stream.linear.scatter [tilespmem:s12], [sflag:$0x7], $0x200, $0x38;
	[tilespmem:$0x12200] =	vst v63  }
0x256: {  	s17 =	sadd.s32 $0x180, s5;
	s19 =	simm.s32 $0xAE00  }
0x257: {  	[hbm4b:s17+s7] =	stream.linear.scatter [tilespmem:s19], [sflag:$0x7], $0x200, $0x38;
	[tilespmem:$0x12200] =	vst v63  }
0x258: {  	s23 =	sadd.s32 $0x200, s5;
	s28 =	simm.s32 $0xB200  }
0x259: {  	[hbm4b:s23+s7] =	stream.linear.scatter [tilespmem:s28], [sflag:$0x7], $0x200, $0x38;
	[tilespmem:$0x12200] =	vst v63  }
0x25a: {  	s10 =	sadd.s32 $0x280, s5;
	s12 =	simm.s32 $0xB600  }
0x25b: {  	[hbm4b:s10+s7] =	stream.linear.scatter [tilespmem:s12], [sflag:$0x7], $0x200, $0x38;
	[tilespmem:$0x12200] =	vst v63  }
0x25c: {  	s17 =	sadd.s32 $0x300, s5;
	s19 =	simm.s32 $0xBA00  }
0x25d: {  	[hbm4b:s17+s7] =	stream.linear.scatter [tilespmem:s19], [sflag:$0x7], $0x200, $0x38;
	[tilespmem:$0x12200] =	vst v63  }
0x25e: {  	s23 =	sadd.s32 $0x380, s5;
	s28 =	simm.s32 $0xBE00  }
0x25f: {  	[hbm4b:s23+s7] =	stream.linear.scatter [tilespmem:s28], [sflag:$0x7], $0x200, $0x38;
	[tilespmem:$0x12200] =	vst v63  }
0x260: {  	s6 =	simm.s32 $0xA400;
	s5 =	rddreg [dreg:$0x19]  }
0x261: {  	[hbm4b:s5+s7] =	stream.linear.scatter [tilespmem:s6], [sflag:$0x7], $0x200, $0x38;
	[tilespmem:$0x12200] =	vst v63  }
0x262: {  	s10 =	sadd.s32 $0x80, s5;
	s12 =	simm.s32 $0xA800  }
0x263: {  	[hbm4b:s10+s7] =	stream.linear.scatter [tilespmem:s12], [sflag:$0x7], $0x200, $0x38;
	[tilespmem:$0x12200] =	vst v63  }
0x264: {  	s17 =	sadd.s32 $0x100, s5;
	s19 =	simm.s32 $0xAC00  }
0x265: {  	[hbm4b:s17+s7] =	stream.linear.scatter [tilespmem:s19], [sflag:$0x7], $0x200, $0x38;
	[tilespmem:$0x12200] =	vst v63  }
0x266: {  	s23 =	sadd.s32 $0x180, s5;
	s28 =	simm.s32 $0xB000  }
0x267: {  	[hbm4b:s23+s7] =	stream.linear.scatter [tilespmem:s28], [sflag:$0x7], $0x200, $0x38;
	[tilespmem:$0x12200] =	vst v63  }
0x268: {  	s10 =	sadd.s32 $0x200, s5;
	s12 =	simm.s32 $0xB400  }
0x269: {  	[hbm4b:s10+s7] =	stream.linear.scatter [tilespmem:s12], [sflag:$0x7], $0x200, $0x38;
	[tilespmem:$0x12200] =	vst v63  }
0x26a: {  	s17 =	sadd.s32 $0x280, s5;
	s19 =	simm.s32 $0xB800  }
0x26b: {  	[hbm4b:s17+s7] =	stream.linear.scatter [tilespmem:s19], [sflag:$0x7], $0x200, $0x38;
	[tilespmem:$0x12200] =	vst v63  }
0x26c: {  	s23 =	sadd.s32 $0x300, s5;
	s28 =	simm.s32 $0xBC00  }
0x26d: {  	[hbm4b:s23+s7] =	stream.linear.scatter [tilespmem:s28], [sflag:$0x7], $0x200, $0x38;
	[tilespmem:$0x12200] =	vst v63  }
0x26e: {  	s6 =	sadd.s32 $0x380, s5;
	s10 =	simm.s32 $0xC000  }
0x26f: {  	[hbm4b:s6+s7] =	stream.linear.scatter [tilespmem:s10], [sflag:$0x7], $0x200, $0x38;
	[tilespmem:$0x12200] =	vst v63  }
0x270: {  	s12 =	rddreg [dreg:$0x1a];
	s17 =	simm.s32 $0x10200  }
0x271: {  	[tilespmem:s17], [sflag:$0x9] =	stream.strided.gather [hbm4b:s12+s16], $0x1000, s15, s16, $0x38;
	[tilespmem:$0x12200] =	vst v63  }
0x272: {  	_ =	swait.ge [sflag:s20], $0x1000  }
0x273: {  	[sflag:s20] =	ssyncset.done $0x0  }
0x274: {  	[sflag:s20] =	ssyncadd.s32 $0xFFFFF000  }
0x275: {  	_ =	swait.ge [sflag:s20], $0x1000  }
0x276: {  	[sflag:s20] =	ssyncset.done $0x0  }
0x277: {  	[sflag:s20] =	ssyncadd.s32 $0xFFFFF000  }
0x278: {  	_ =	swait.ge [sflag:s20], $0x1000  }
0x279: {  	[sflag:s20] =	ssyncset.done $0x0  }
0x27a: {  	[sflag:s20] =	ssyncadd.s32 $0xFFFFF000  }
0x27b: {  	_ =	swait.ge [sflag:s20], $0x1000  }
0x27c: {  	[sflag:s20] =	ssyncset.done $0x0  }
0x27d: {  	[sflag:s20] =	ssyncadd.s32 $0xFFFFF000  }
0x27e: {  	v3 =	vld [tilespmem:$0x50];
	_ =	sdelay $0x4  }
0x27f: {  	v4 =	vshll.u32 v3, $0x3  }
0x280: {  	v3 =	vand.u32 $0x7, v3;
	v4 =	vand.u32 $0xFFFFFFC0, v4  }
0x281: {  	v3 =	vor.u32 v3, v4  }
0x282: {  	v4 =	vperm.xlane v3, v0;
	_ =	sdelay $0x1  }
0x283: {  	v4 =	vadd.s32 v1, v4;
	_ =	sdelay $0x3  }
0x284: {  	s19 =	simm.s32 $0x4200  }
0x285: {  	[tilespmem:s19], [sflag:$0x2] =	stream.indirect_vreg.gather [hbm4b:s2+s7], $0x80, v4, vm0, $0xb8;
	[tilespmem:$0x12200] =	vst v63  }
0x286: {  	s23 =	simm.s32 $0x4A00;
	v3 =	vperm.xlane v3, v2  }
0x287: {  	[tilespmem:s23], [sflag:$0x2] =	stream.indirect_vreg.gather [hbm4b:s11+s7], $0x80, v4, vm0, $0xb8;
	[tilespmem:$0x12200] =	vst v63  }
0x288: {  	s28 =	simm.s32 $0x5200;
	v3 =	vadd.s32 v1, v3  }
0x289: {  	[tilespmem:s28], [sflag:$0x2] =	stream.indirect_vreg.gather [hbm4b:s8+s7], $0x80, v4, vm0, $0xb8;
	[tilespmem:$0x12200] =	vst v63  }
0x28a: {  	s5 =	simm.s32 $0x5A00  }
0x28b: {  	[tilespmem:s5], [sflag:$0x2] =	stream.indirect_vreg.gather [hbm4b:s9+s7], $0x80, v4, vm0, $0xb8;
	[tilespmem:$0x12200] =	vst v63  }
0x28c: {  	s6 =	simm.s32 $0x6200  }
0x28d: {  	[tilespmem:s6], [sflag:$0x2] =	stream.indirect_vreg.gather [hbm4b:s2+s7], $0x80, v3, vm0, $0xb8;
	[tilespmem:$0x12200] =	vst v63  }
0x28e: {  	s10 =	simm.s32 $0x6A00  }
0x28f: {  	[tilespmem:s10], [sflag:$0x2] =	stream.indirect_vreg.gather [hbm4b:s11+s7], $0x80, v3, vm0, $0xb8;
	[tilespmem:$0x12200] =	vst v63  }
0x290: {  	s12 =	simm.s32 $0x7200  }
0x291: {  	[tilespmem:s12], [sflag:$0x2] =	stream.indirect_vreg.gather [hbm4b:s8+s7], $0x80, v3, vm0, $0xb8;
	[tilespmem:$0x12200] =	vst v63  }
0x292: {  	s17 =	simm.s32 $0x7A00  }
0x293: {  	[tilespmem:s17], [sflag:$0x2] =	stream.indirect_vreg.gather [hbm4b:s9+s7], $0x80, v3, vm0, $0xb8;
	[tilespmem:$0x12200] =	vst v63  }
0x294: {  	_ =	swait.ge [sflag:s31], $0x1000  }
0x295: {  	[sflag:s31] =	ssyncset.done $0x0  }
0x296: {  	s19 =	simm.s32 $0x4;
	[sflag:s31] =	ssyncadd.s32 $0xFFFFF000  }
0x297: {  	s23 =	simm.s32 $0x0;
	_ =	swait.ge [sflag:s19], $0x4000  }
0x298: {  	s0 =	sand.u32 $0x3FFFFC00, s23;
	s10 =	sand.u32 $0x70, s7;
	[sflag:s19] =	ssyncset.done $0x0  }
0x299: {  	s28 =	simm.s32 $0x0;
	s12 =	sor.u32 s10, s0;
	[sflag:s19] =	ssyncadd.s32 $0xFFFFC000  }
0x29a: {  	s0 =	sand.u32 $0x3FFFFE00, s28;
	v3 =	vld [tilespmem:s12+$0xE400]  }
0x29b: {  	s0 =	sor.u32 s10, s0;
	v4 =	vld [tilespmem:s12+$0xE200]  }
0x29c: {  	v5 =	vld [tilespmem:s0+$0x11200]  }
0x29d: {  	v6 =	vld [tilespmem:s12+$0xC400]  }
0x29e: {  	v7 =	vld [tilespmem:s12+$0xC200];
	_ =	sdelay $0x1  }
0x29f: {  	v3 =	vmul.f32 $8.000000000e+00, v3  }
0x2a0: {  	v4 =	vmul.f32 $8.000000000e+00, v4  }
0x2a1: {  	v6 =	vmul.f32 $8.000000000e+00, v6;
	v3 =	vadd.f32 v3, v5  }
0x2a2: {  	v7 =	vmul.f32 $8.000000000e+00, v7;
	v4 =	vadd.f32 v4, v5  }
0x2a3: {  	[tilespmem:s12+$0xE400] =	vst v3;
	v3 =	vadd.f32 v6, v5  }
0x2a4: {  	v5 =	vadd.f32 v7, v5;
	[tilespmem:s12+$0xE200] =	vst v4  }
0x2a5: {  	[tilespmem:s12+$0xC400] =	vst v3;
	v3 =	vld [tilespmem:s12+$0xC280]  }
0x2a6: {  	s0 =	sadd.s32 $0x11200, s0;
	v4 =	vld [tilespmem:s12+$0xC480];
	[tilespmem:s12+$0xC200] =	vst v5  }
0x2a7: {  	v5 =	vld [tilespmem:s0+$0x80]  }
0x2a8: {  	v6 =	vld [tilespmem:s12+$0xE480]  }
0x2a9: {  	v7 =	vld [tilespmem:s12+$0xE280]  }
0x2aa: {  	v3 =	vmul.f32 $8.000000000e+00, v3  }
0x2ab: {  	v4 =	vmul.f32 $8.000000000e+00, v4  }
0x2ac: {  	v3 =	vadd.f32 v3, v5  }
0x2ad: {  	v6 =	vmul.f32 $8.000000000e+00, v6;
	v4 =	vadd.f32 v4, v5  }
0x2ae: {  	[tilespmem:s12+$0xC280] =	vst v3;
	v3 =	vmul.f32 $8.000000000e+00, v7  }
0x2af: {  	v6 =	vadd.f32 v6, v5;
	[tilespmem:s12+$0xC480] =	vst v4;
	v4 =	vld [tilespmem:s12+$0xC500]  }
0x2b0: {  	v7 =	vld [tilespmem:s12+$0xE500];
	v3 =	vadd.f32 v3, v5  }
0x2b1: {  	[tilespmem:s12+$0xE480] =	vst v6;
	v5 =	vld [tilespmem:s12+$0xC300]  }
0x2b2: {  	[tilespmem:s12+$0xE280] =	vst v3;
	v3 =	vld [tilespmem:s12+$0xE300]  }
0x2b3: {  	v8 =	vld [tilespmem:s0+$0x100];
	_ =	sdelay $0x2  }
0x2b4: {  	v5 =	vmul.f32 $8.000000000e+00, v5  }
0x2b5: {  	v4 =	vmul.f32 $8.000000000e+00, v4  }
0x2b6: {  	v7 =	vmul.f32 $8.000000000e+00, v7;
	v3 =	vmul.f32 $8.000000000e+00, v3;
	v9 =	vadd.f32 v5, v8  }
0x2b7: {  	v6 =	vadd.f32 v4, v8  }
0x2b8: {  	s17 =	simm.s32 $0x1;
	v5 =	vadd.f32 v7, v8;
	v4 =	vadd.f32 v3, v8;
	v3 =	vld [tilespmem:s12+$0xC380];
	[tilespmem:s12+$0xC300] =	vst v9  }
.LBB2_8:
0x2b9: {  	p0 =	sne.s32 s17, $0x3F  }
0x2ba: {  	[tilespmem:s12+$0xC500] =	vst v6;
	v6 =	vld [tilespmem:s12+$0xE580];
	s7 =	sadd.s32 $0x10, s7;
	s10 =	smov.u32 s17;
	s17 =	sadd.s32 $0x1, s17  }
0x2bb: {  	[tilespmem:s12+$0xE500] =	vst v5;
	v5 =	vld [tilespmem:s12+$0xE380]  }
0x2bc: {  	[tilespmem:s12+$0xE300] =	vst v4;
	v4 =	vld [tilespmem:s12+$0xC580]  }
0x2bd: {  	v7 =	vld [tilespmem:s0+$0x180];
	_ =	sdelay $0x1  }
0x2be: {  	v3 =	vmul.f32 $8.000000000e+00, v3  }
0x2bf: {  	v6 =	vmul.f32 $8.000000000e+00, v6;
	v5 =	vmul.f32 $8.000000000e+00, v5  }
0x2c0: {  	v4 =	vmul.f32 $8.000000000e+00, v4  }
0x2c1: {  	s0 =	sshll.u32 s10, $0x7;
	v3 =	vadd.f32 v3, v7;
	v6 =	vadd.f32 v6, v7  }
0x2c2: {  	s19 =	sand.u32 $0x70, s7;
	s0 =	sand.u32 $0x3FFFFC00, s0;
	v5 =	vadd.f32 v5, v7;
	v4 =	vadd.f32 v4, v7  }
0x2c3: {  	s0 =	sor.u32 s19, s0;
	[tilespmem:s12+$0xC380] =	vst v3  }
0x2c4: {  	s10 =	sshll.u32 s10, $0x6;
	v3 =	vld [tilespmem:s0+$0xE200];
	[tilespmem:s12+$0xE580] =	vst v6  }
0x2c5: {  	s10 =	sand.u32 $0x3FFFFE00, s10;
	v6 =	vld [tilespmem:s0+$0xE400];
	[tilespmem:s12+$0xC580] =	vst v4  }
0x2c6: {  	s10 =	sor.u32 s19, s10;
	v4 =	vld [tilespmem:s0+$0xC400];
	[tilespmem:s12+$0xE380] =	vst v5;
	s12 =	smov.u32 s0  }
0x2c7: {  	v5 =	vld [tilespmem:s10+$0x11200]  }
0x2c8: {  	v7 =	vld [tilespmem:s12+$0xC200];
	_ =	sdelay $0x1  }
0x2c9: {  	v6 =	vmul.f32 $8.000000000e+00, v6  }
0x2ca: {  	v3 =	vmul.f32 $8.000000000e+00, v3  }
0x2cb: {  	v4 =	vmul.f32 $8.000000000e+00, v4;
	v6 =	vadd.f32 v6, v5  }
0x2cc: {  	v3 =	vadd.f32 v3, v5;
	v7 =	vmul.f32 $8.000000000e+00, v7  }
0x2cd: {  	v4 =	vadd.f32 v4, v5;
	[tilespmem:s12+$0xE400] =	vst v6;
	v6 =	vld [tilespmem:s12+$0xE480]  }
0x2ce: {  	v5 =	vadd.f32 v7, v5;
	[tilespmem:s12+$0xE200] =	vst v3;
	v3 =	vld [tilespmem:s12+$0xC480]  }
0x2cf: {  	[tilespmem:s12+$0xC400] =	vst v4;
	v4 =	vld [tilespmem:s12+$0xC280]  }
0x2d0: {  	s0 =	sadd.s32 $0x11200, s10;
	[tilespmem:s12+$0xC200] =	vst v5;
	v5 =	vld [tilespmem:s12+$0xE280]  }
0x2d1: {  	v7 =	vld [tilespmem:s0+$0x80];
	_ =	sdelay $0x2  }
0x2d2: {  	v3 =	vmul.f32 $8.000000000e+00, v3;
	v4 =	vmul.f32 $8.000000000e+00, v4  }
0x2d3: {  	v6 =	vmul.f32 $8.000000000e+00, v6;
	v5 =	vmul.f32 $8.000000000e+00, v5  }
0x2d4: {  	v4 =	vadd.f32 v4, v7;
	v3 =	vadd.f32 v3, v7  }
0x2d5: {  	v6 =	vadd.f32 v6, v7;
	v5 =	vadd.f32 v5, v7  }
0x2d6: {  	[tilespmem:s12+$0xC280] =	vst v4;
	v4 =	vld [tilespmem:s12+$0xE500]  }
0x2d7: {  	[tilespmem:s12+$0xC480] =	vst v3;
	v3 =	vld [tilespmem:s12+$0xC500]  }
0x2d8: {  	[tilespmem:s12+$0xE480] =	vst v6;
	v6 =	vld [tilespmem:s12+$0xC300]  }
0x2d9: {  	[tilespmem:s12+$0xE280] =	vst v5;
	v5 =	vld [tilespmem:s12+$0xE300]  }
0x2da: {  	v7 =	vld [tilespmem:s0+$0x100];
	_ =	sdelay $0x2  }
.Ltmp3:
0x2db: {  	v3 =	vmul.f32 $8.000000000e+00, v3;
	v6 =	vmul.f32 $8.000000000e+00, v6;
	(pc) =	sbr.rel @p0 .LBB2_8-.Ltmp3, $4  }
0x2dc: {  	v8 =	vmul.f32 $8.000000000e+00, v4;
	v5 =	vmul.f32 $8.000000000e+00, v5  }
0x2dd: {  	v9 =	vadd.f32 v6, v7;
	v6 =	vadd.f32 v3, v7  }
0x2de: {  	v4 =	vadd.f32 v5, v7;
	v5 =	vadd.f32 v8, v7  }
0x2df: {  	[tilespmem:s12+$0xC300] =	vst v9;
	v3 =	vld [tilespmem:s12+$0xC380]  }
0x2e0: {  	[tilespmem:s12+$0xC500] =	vst v6  }
0x2e1: {  	v62 =	vld [tilespmem:s12+$0xE580];
	[tilespmem:s12+$0xE500] =	vst v5  }
0x2e2: {  	[tilespmem:s12+$0xE300] =	vst v4;
	v7 =	vld [tilespmem:s12+$0xC580]  }
0x2e3: {  	v4 =	vld [tilespmem:s0+$0x180]  }
0x2e4: {  	v63 =	vld [tilespmem:s12+$0xE380];
	_ =	sdelay $0x1  }
0x2e5: {  	v3 =	vmul.f32 $8.000000000e+00, v3  }
0x2e6: {  	v6 =	vmul.f32 $8.000000000e+00, v62  }
0x2e7: {  	v7 =	vmul.f32 $8.000000000e+00, v7;
	v3 =	vadd.f32 v3, v4  }
0x2e8: {  	v5 =	vmul.f32 $8.000000000e+00, v63;
	v6 =	vadd.f32 v6, v4  }
0x2e9: {  	v7 =	vadd.f32 v7, v4;
	[tilespmem:s12+$0xC380] =	vst v3  }
0x2ea: {  	v3 =	vadd.f32 v5, v4;
	[tilespmem:s12+$0xE580] =	vst v6  }
0x2eb: {  	[tilespmem:s12+$0xC580] =	vst v7  }
0x2ec: {  	s5 =	rddreg [dreg:$0x11];
	s17 =	simm.s32 $0xC200;
	[tilespmem:s12+$0xE380] =	vst v3  }
0x2ed: {  	[hbm4b:s5+s4] =	stream.linear.scatter [tilespmem:s17], [sflag:$0x8], $0x200, $0x38;
	[tilespmem:$0x12200] =	vst v63  }
0x2ee: {  	s6 =	simm.s32 $0xC600;
	s19 =	sadd.s32 $0x80, s5  }
0x2ef: {  	[hbm4b:s19+s4] =	stream.linear.scatter [tilespmem:s6], [sflag:$0x8], $0x200, $0x38;
	[tilespmem:$0x12200] =	vst v63  }
0x2f0: {  	s28 =	simm.s32 $0xCA00;
	s23 =	sadd.s32 $0x100, s5  }
0x2f1: {  	[hbm4b:s23+s4] =	stream.linear.scatter [tilespmem:s28], [sflag:$0x8], $0x200, $0x38;
	[tilespmem:$0x12200] =	vst v63  }
0x2f2: {  	s7 =	simm.s32 $0xCE00;
	s6 =	sadd.s32 $0x180, s5  }
0x2f3: {  	[hbm4b:s6+s4] =	stream.linear.scatter [tilespmem:s7], [sflag:$0x8], $0x200, $0x38;
	[tilespmem:$0x12200] =	vst v63  }
0x2f4: {  	s10 =	sadd.s32 $0x200, s5;
	s12 =	simm.s32 $0xD200  }
0x2f5: {  	[hbm4b:s10+s4] =	stream.linear.scatter [tilespmem:s12], [sflag:$0x8], $0x200, $0x38;
	[tilespmem:$0x12200] =	vst v63  }
0x2f6: {  	s17 =	sadd.s32 $0x280, s5;
	s19 =	simm.s32 $0xD600  }
0x2f7: {  	[hbm4b:s17+s4] =	stream.linear.scatter [tilespmem:s19], [sflag:$0x8], $0x200, $0x38;
	[tilespmem:$0x12200] =	vst v63  }
0x2f8: {  	s23 =	sadd.s32 $0x300, s5;
	s28 =	simm.s32 $0xDA00  }
0x2f9: {  	[hbm4b:s23+s4] =	stream.linear.scatter [tilespmem:s28], [sflag:$0x8], $0x200, $0x38;
	[tilespmem:$0x12200] =	vst v63  }
0x2fa: {  	s7 =	sadd.s32 $0x380, s5;
	s10 =	simm.s32 $0xDE00  }
0x2fb: {  	[hbm4b:s7+s4] =	stream.linear.scatter [tilespmem:s10], [sflag:$0x8], $0x200, $0x38;
	[tilespmem:$0x12200] =	vst v63  }
0x2fc: {  	s5 =	rddreg [dreg:$0x1b];
	s12 =	simm.s32 $0xC400  }
0x2fd: {  	[hbm4b:s5+s4] =	stream.linear.scatter [tilespmem:s12], [sflag:$0x8], $0x200, $0x38;
	[tilespmem:$0x12200] =	vst v63  }
0x2fe: {  	s17 =	sadd.s32 $0x80, s5;
	s19 =	simm.s32 $0xC800  }
0x2ff: {  	[hbm4b:s17+s4] =	stream.linear.scatter [tilespmem:s19], [sflag:$0x8], $0x200, $0x38;
	[tilespmem:$0x12200] =	vst v63  }
0x300: {  	s23 =	sadd.s32 $0x100, s5;
	s28 =	simm.s32 $0xCC00  }
0x301: {  	[hbm4b:s23+s4] =	stream.linear.scatter [tilespmem:s28], [sflag:$0x8], $0x200, $0x38;
	[tilespmem:$0x12200] =	vst v63  }
0x302: {  	s6 =	sadd.s32 $0x180, s5;
	s7 =	simm.s32 $0xD000  }
0x303: {  	[hbm4b:s6+s4] =	stream.linear.scatter [tilespmem:s7], [sflag:$0x8], $0x200, $0x38;
	[tilespmem:$0x12200] =	vst v63  }
0x304: {  	s10 =	sadd.s32 $0x200, s5;
	s12 =	simm.s32 $0xD400  }
0x305: {  	[hbm4b:s10+s4] =	stream.linear.scatter [tilespmem:s12], [sflag:$0x8], $0x200, $0x38;
	[tilespmem:$0x12200] =	vst v63  }
0x306: {  	s17 =	sadd.s32 $0x280, s5;
	s19 =	simm.s32 $0xD800  }
0x307: {  	[hbm4b:s17+s4] =	stream.linear.scatter [tilespmem:s19], [sflag:$0x8], $0x200, $0x38;
	[tilespmem:$0x12200] =	vst v63  }
0x308: {  	s23 =	sadd.s32 $0x300, s5;
	s28 =	simm.s32 $0xDC00  }
0x309: {  	[hbm4b:s23+s4] =	stream.linear.scatter [tilespmem:s28], [sflag:$0x8], $0x200, $0x38;
	[tilespmem:$0x12200] =	vst v63  }
0x30a: {  	s7 =	sadd.s32 $0x380, s5;
	s10 =	simm.s32 $0xE000  }
0x30b: {  	[hbm4b:s7+s4] =	stream.linear.scatter [tilespmem:s10], [sflag:$0x8], $0x200, $0x38;
	[tilespmem:$0x12200] =	vst v63  }
0x30c: {  	s5 =	rddreg [dreg:$0x1c];
	s12 =	simm.s32 $0xE200  }
0x30d: {  	[hbm4b:s5+s4] =	stream.linear.scatter [tilespmem:s12], [sflag:$0x8], $0x200, $0x38;
	[tilespmem:$0x12200] =	vst v63  }
0x30e: {  	s17 =	sadd.s32 $0x80, s5;
	s19 =	simm.s32 $0xE600  }
0x30f: {  	[hbm4b:s17+s4] =	stream.linear.scatter [tilespmem:s19], [sflag:$0x8], $0x200, $0x38;
	[tilespmem:$0x12200] =	vst v63  }
0x310: {  	s23 =	sadd.s32 $0x100, s5;
	s28 =	simm.s32 $0xEA00  }
0x311: {  	[hbm4b:s23+s4] =	stream.linear.scatter [tilespmem:s28], [sflag:$0x8], $0x200, $0x38;
	[tilespmem:$0x12200] =	vst v63  }
0x312: {  	s6 =	sadd.s32 $0x180, s5;
	s7 =	simm.s32 $0xEE00  }
0x313: {  	[hbm4b:s6+s4] =	stream.linear.scatter [tilespmem:s7], [sflag:$0x8], $0x200, $0x38;
	[tilespmem:$0x12200] =	vst v63  }
0x314: {  	s10 =	sadd.s32 $0x200, s5;
	s12 =	simm.s32 $0xF200  }
0x315: {  	[hbm4b:s10+s4] =	stream.linear.scatter [tilespmem:s12], [sflag:$0x8], $0x200, $0x38;
	[tilespmem:$0x12200] =	vst v63  }
0x316: {  	s17 =	sadd.s32 $0x280, s5;
	s19 =	simm.s32 $0xF600  }
0x317: {  	[hbm4b:s17+s4] =	stream.linear.scatter [tilespmem:s19], [sflag:$0x8], $0x200, $0x38;
	[tilespmem:$0x12200] =	vst v63  }
0x318: {  	s23 =	sadd.s32 $0x300, s5;
	s28 =	simm.s32 $0xFA00  }
0x319: {  	[hbm4b:s23+s4] =	stream.linear.scatter [tilespmem:s28], [sflag:$0x8], $0x200, $0x38;
	[tilespmem:$0x12200] =	vst v63  }
0x31a: {  	s5 =	sadd.s32 $0x380, s5;
	s6 =	simm.s32 $0xFE00  }
0x31b: {  	[hbm4b:s5+s4] =	stream.linear.scatter [tilespmem:s6], [sflag:$0x8], $0x200, $0x38;
	[tilespmem:$0x12200] =	vst v63  }
0x31c: {  	s7 =	simm.s32 $0xE400;
	s5 =	rddreg [dreg:$0x1d]  }
0x31d: {  	[hbm4b:s5+s4] =	stream.linear.scatter [tilespmem:s7], [sflag:$0x8], $0x200, $0x38;
	[tilespmem:$0x12200] =	vst v63  }
0x31e: {  	s12 =	simm.s32 $0xE800;
	s10 =	sadd.s32 $0x80, s5  }
0x31f: {  	[hbm4b:s10+s4] =	stream.linear.scatter [tilespmem:s12], [sflag:$0x8], $0x200, $0x38;
	[tilespmem:$0x12200] =	vst v63  }
0x320: {  	s19 =	simm.s32 $0xEC00;
	s17 =	sadd.s32 $0x100, s5  }
0x321: {  	[hbm4b:s17+s4] =	stream.linear.scatter [tilespmem:s19], [sflag:$0x8], $0x200, $0x38;
	[tilespmem:$0x12200] =	vst v63  }
0x322: {  	s28 =	simm.s32 $0xF000;
	s23 =	sadd.s32 $0x180, s5  }
0x323: {  	[hbm4b:s23+s4] =	stream.linear.scatter [tilespmem:s28], [sflag:$0x8], $0x200, $0x38;
	[tilespmem:$0x12200] =	vst v63  }
0x324: {  	s6 =	sadd.s32 $0x200, s5;
	s7 =	simm.s32 $0xF400  }
0x325: {  	[hbm4b:s6+s4] =	stream.linear.scatter [tilespmem:s7], [sflag:$0x8], $0x200, $0x38;
	[tilespmem:$0x12200] =	vst v63  }
0x326: {  	s10 =	sadd.s32 $0x280, s5;
	s12 =	simm.s32 $0xF800  }
0x327: {  	[hbm4b:s10+s4] =	stream.linear.scatter [tilespmem:s12], [sflag:$0x8], $0x200, $0x38;
	[tilespmem:$0x12200] =	vst v63  }
0x328: {  	s17 =	sadd.s32 $0x300, s5;
	s19 =	simm.s32 $0xFC00  }
0x329: {  	[hbm4b:s17+s4] =	stream.linear.scatter [tilespmem:s19], [sflag:$0x8], $0x200, $0x38;
	[tilespmem:$0x12200] =	vst v63  }
0x32a: {  	s23 =	sadd.s32 $0x380, s5;
	s28 =	simm.s32 $0x10000  }
0x32b: {  	[hbm4b:s23+s4] =	stream.linear.scatter [tilespmem:s28], [sflag:$0x8], $0x200, $0x38;
	[tilespmem:$0x12200] =	vst v63  }
0x32c: {  	s23 =	simm.s32 $0x1  }
.LBB2_10:
0x32d: {  	s0 =	sshll.u32 s23, $0xB;
	s5 =	rddreg [dreg:$0x1e]  }
0x32e: {  	s6 =	simm.s32 $0x11200;
	s0 =	sadd.s32 s0, s5  }
0x32f: {  	[tilespmem:s6], [sflag:$0xA] =	stream.strided.gather [hbm4b:s0+s16], $0x1000, s15, s16, $0x38;
	[tilespmem:$0x12200] =	vst v63  }
0x330: {  	_ =	swait.ge [sflag:s22], $0x1000  }
0x331: {  	[sflag:s22] =	ssyncset.done $0x0  }
0x332: {  	[sflag:s22] =	ssyncadd.s32 $0xFFFFF000  }
0x333: {  	_ =	swait.ge [sflag:s22], $0x1000  }
0x334: {  	[sflag:s22] =	ssyncset.done $0x0  }
0x335: {  	[sflag:s22] =	ssyncadd.s32 $0xFFFFF000  }
0x336: {  	_ =	swait.ge [sflag:s22], $0x1000  }
0x337: {  	[sflag:s22] =	ssyncset.done $0x0  }
0x338: {  	s28 =	sshll.u32 s23, $0x2;
	[sflag:s22] =	ssyncadd.s32 $0xFFFFF000  }
0x339: {  	s12 =	sor.u32 $0x2, s28;
	_ =	swait.ge [sflag:s22], $0x1000  }
0x33a: {  	s7 =	sshll.u32 s12, $0x4;
	[sflag:s22] =	ssyncset.done $0x0  }
0x33b: {  	s0 =	sand.u32 $0x3FFFFFE0, s7;
	[sflag:s22] =	ssyncadd.s32 $0xFFFFF000  }
0x33c: {  	v3 =	vld [tilespmem:s0+$0x0];
	_ =	sdelay $0x4  }
0x33d: {  	v4 =	vshll.u32 v3, $0x3  }
0x33e: {  	v3 =	vand.u32 $0x7, v3;
	v4 =	vand.u32 $0xFFFFFFC0, v4  }
0x33f: {  	v3 =	vor.u32 v3, v4  }
0x340: {  	v4 =	vperm.xlane v3, v0;
	_ =	sdelay $0x1  }
0x341: {  	v4 =	vadd.s32 v1, v4;
	_ =	sdelay $0x3  }
0x342: {  	s17 =	simm.s32 $0x0  }
0x343: {  	[tilespmem:s13], [sflag:$0x3] =	stream.indirect_vreg.gather [hbm4b:s2+s17], $0x80, v4, vm0, $0xb8;
	[tilespmem:$0x12200] =	vst v63  }
0x344: {  	v3 =	vperm.xlane v3, v2  }
0x345: {  	[tilespmem:s24], [sflag:$0x3] =	stream.indirect_vreg.gather [hbm4b:s11+s17], $0x80, v4, vm0, $0xb8;
	[tilespmem:$0x12200] =	vst v63  }
0x346: {  	s10 =	simm.s32 $0x9200;
	v3 =	vadd.s32 v1, v3  }
0x347: {  	[tilespmem:s10], [sflag:$0x3] =	stream.indirect_vreg.gather [hbm4b:s8+s17], $0x80, v4, vm0, $0xb8;
	[tilespmem:$0x12200] =	vst v63  }
0x348: {  	s13 =	simm.s32 $0x9A00  }
0x349: {  	[tilespmem:s13], [sflag:$0x3] =	stream.indirect_vreg.gather [hbm4b:s9+s17], $0x80, v4, vm0, $0xb8;
	[tilespmem:$0x12200] =	vst v63  }
0x34a: {  	_ = 	snop  }
0x34b: {  	[tilespmem:s14], [sflag:$0x3] =	stream.indirect_vreg.gather [hbm4b:s2+s17], $0x80, v3, vm0, $0xb8;
	[tilespmem:$0x12200] =	vst v63  }
0x34c: {  	s14 =	simm.s32 $0xAA00  }
0x34d: {  	[tilespmem:s14], [sflag:$0x3] =	stream.indirect_vreg.gather [hbm4b:s11+s17], $0x80, v3, vm0, $0xb8;
	[tilespmem:$0x12200] =	vst v63  }
0x34e: {  	s15 =	simm.s32 $0xB200  }
0x34f: {  	[tilespmem:s15], [sflag:$0x3] =	stream.indirect_vreg.gather [hbm4b:s8+s17], $0x80, v3, vm0, $0xb8;
	[tilespmem:$0x12200] =	vst v63  }
0x350: {  	s19 =	simm.s32 $0xBA00  }
0x351: {  	[tilespmem:s19], [sflag:$0x3] =	stream.indirect_vreg.gather [hbm4b:s9+s17], $0x80, v3, vm0, $0xb8;
	[tilespmem:$0x12200] =	vst v63  }
0x352: {  	_ =	swait.ge [sflag:s25], $0x1000  }
0x353: {  	[sflag:s25] =	ssyncset.done $0x0  }
0x354: {  	[sflag:s25] =	ssyncadd.s32 $0xFFFFF000  }
0x355: {  	s24 =	simm.s32 $0x0;
	_ =	swait.ge [sflag:s26], $0x4000  }
0x356: {  	s0 =	sand.u32 $0x3FFFFC00, s24;
	s10 =	sand.u32 $0x70, s17;
	[sflag:s26] =	ssyncset.done $0x0  }
0x357: {  	s7 =	sor.u32 s10, s0;
	[sflag:s26] =	ssyncadd.s32 $0xFFFFC000  }
0x358: {  	s26 =	simm.s32 $0x0;
	v3 =	vld [tilespmem:s7+$0x2400]  }
0x359: {  	s0 =	sand.u32 $0x3FFFFE00, s26;
	v4 =	vld [tilespmem:s7+$0x2200]  }
0x35a: {  	v6 =	vld [tilespmem:s7+$0x400];
	s0 =	sor.u32 s10, s0  }
0x35b: {  	v5 =	vld [tilespmem:s0+$0x10200]  }
0x35c: {  	v7 =	vld [tilespmem:s7+$0x200];
	_ =	sdelay $0x1  }
0x35d: {  	v3 =	vmul.f32 $8.000000000e+00, v3  }
0x35e: {  	v4 =	vmul.f32 $8.000000000e+00, v4  }
0x35f: {  	v6 =	vmul.f32 $8.000000000e+00, v6;
	v3 =	vadd.f32 v3, v5  }
0x360: {  	v7 =	vmul.f32 $8.000000000e+00, v7;
	v4 =	vadd.f32 v4, v5  }
0x361: {  	[tilespmem:s7+$0x2400] =	vst v3;
	v3 =	vadd.f32 v6, v5  }
0x362: {  	v5 =	vadd.f32 v7, v5;
	[tilespmem:s7+$0x2200] =	vst v4  }
0x363: {  	[tilespmem:s7+$0x400] =	vst v3;
	v3 =	vld [tilespmem:s7+$0x280]  }
0x364: {  	s0 =	sadd.s32 $0x10200, s0;
	v4 =	vld [tilespmem:s7+$0x480];
	[tilespmem:s7+$0x200] =	vst v5  }
0x365: {  	v5 =	vld [tilespmem:s0+$0x80]  }
0x366: {  	v6 =	vld [tilespmem:s7+$0x2480]  }
0x367: {  	v7 =	vld [tilespmem:s7+$0x2280]  }
0x368: {  	v3 =	vmul.f32 $8.000000000e+00, v3  }
0x369: {  	v4 =	vmul.f32 $8.000000000e+00, v4  }
0x36a: {  	v3 =	vadd.f32 v3, v5  }
0x36b: {  	v6 =	vmul.f32 $8.000000000e+00, v6;
	v4 =	vadd.f32 v4, v5  }
0x36c: {  	[tilespmem:s7+$0x280] =	vst v3;
	v3 =	vmul.f32 $8.000000000e+00, v7  }
0x36d: {  	v6 =	vadd.f32 v6, v5;
	[tilespmem:s7+$0x480] =	vst v4;
	v4 =	vld [tilespmem:s7+$0x500]  }
0x36e: {  	v7 =	vld [tilespmem:s7+$0x2500];
	v3 =	vadd.f32 v3, v5  }
0x36f: {  	[tilespmem:s7+$0x2480] =	vst v6;
	v5 =	vld [tilespmem:s7+$0x300]  }
0x370: {  	[tilespmem:s7+$0x2280] =	vst v3;
	v3 =	vld [tilespmem:s7+$0x2300]  }
0x371: {  	v8 =	vld [tilespmem:s0+$0x100];
	_ =	sdelay $0x2  }
0x372: {  	v5 =	vmul.f32 $8.000000000e+00, v5  }
0x373: {  	v4 =	vmul.f32 $8.000000000e+00, v4  }
0x374: {  	v7 =	vmul.f32 $8.000000000e+00, v7;
	v3 =	vmul.f32 $8.000000000e+00, v3;
	v9 =	vadd.f32 v5, v8  }
0x375: {  	v6 =	vadd.f32 v4, v8  }
0x376: {  	s19 =	simm.s32 $0x1;
	v5 =	vadd.f32 v7, v8;
	v4 =	vadd.f32 v3, v8;
	v3 =	vld [tilespmem:s7+$0x380];
	[tilespmem:s7+$0x300] =	vst v9  }
.LBB2_11:
0x377: {  	p0 =	sne.s32 s19, $0x3F  }
0x378: {  	[tilespmem:s7+$0x500] =	vst v6;
	v6 =	vld [tilespmem:s7+$0x2580];
	s17 =	sadd.s32 $0x10, s17;
	s10 =	smov.u32 s19;
	s19 =	sadd.s32 $0x1, s19  }
0x379: {  	[tilespmem:s7+$0x2500] =	vst v5;
	v5 =	vld [tilespmem:s7+$0x2380]  }
0x37a: {  	[tilespmem:s7+$0x2300] =	vst v4;
	v4 =	vld [tilespmem:s7+$0x580]  }
0x37b: {  	v7 =	vld [tilespmem:s0+$0x180];
	_ =	sdelay $0x1  }
0x37c: {  	v3 =	vmul.f32 $8.000000000e+00, v3  }
0x37d: {  	v6 =	vmul.f32 $8.000000000e+00, v6;
	v5 =	vmul.f32 $8.000000000e+00, v5  }
0x37e: {  	v4 =	vmul.f32 $8.000000000e+00, v4  }
0x37f: {  	s0 =	sshll.u32 s10, $0x7;
	v3 =	vadd.f32 v3, v7;
	v6 =	vadd.f32 v6, v7  }
0x380: {  	s24 =	sand.u32 $0x70, s17;
	s0 =	sand.u32 $0x3FFFFC00, s0;
	v5 =	vadd.f32 v5, v7;
	v4 =	vadd.f32 v4, v7  }
0x381: {  	s0 =	sor.u32 s24, s0;
	[tilespmem:s7+$0x380] =	vst v3  }
0x382: {  	s10 =	sshll.u32 s10, $0x6;
	v3 =	vld [tilespmem:s0+$0x2200];
	[tilespmem:s7+$0x2580] =	vst v6  }
0x383: {  	s10 =	sand.u32 $0x3FFFFE00, s10;
	v6 =	vld [tilespmem:s0+$0x2400];
	[tilespmem:s7+$0x580] =	vst v4  }
0x384: {  	s10 =	sor.u32 s24, s10;
	v4 =	vld [tilespmem:s0+$0x400];
	[tilespmem:s7+$0x2380] =	vst v5;
	s7 =	smov.u32 s0  }
0x385: {  	v5 =	vld [tilespmem:s10+$0x10200]  }
0x386: {  	v7 =	vld [tilespmem:s7+$0x200];
	_ =	sdelay $0x1  }
0x387: {  	v6 =	vmul.f32 $8.000000000e+00, v6  }
0x388: {  	v3 =	vmul.f32 $8.000000000e+00, v3  }
0x389: {  	v4 =	vmul.f32 $8.000000000e+00, v4;
	v6 =	vadd.f32 v6, v5  }
0x38a: {  	v3 =	vadd.f32 v3, v5;
	v7 =	vmul.f32 $8.000000000e+00, v7  }
0x38b: {  	v4 =	vadd.f32 v4, v5;
	[tilespmem:s7+$0x2400] =	vst v6;
	v6 =	vld [tilespmem:s7+$0x2480]  }
0x38c: {  	v5 =	vadd.f32 v7, v5;
	[tilespmem:s7+$0x2200] =	vst v3;
	v3 =	vld [tilespmem:s7+$0x480]  }
0x38d: {  	[tilespmem:s7+$0x400] =	vst v4;
	v4 =	vld [tilespmem:s7+$0x280]  }
0x38e: {  	s0 =	sadd.s32 $0x10200, s10;
	[tilespmem:s7+$0x200] =	vst v5;
	v5 =	vld [tilespmem:s7+$0x2280]  }
0x38f: {  	v7 =	vld [tilespmem:s0+$0x80];
	_ =	sdelay $0x2  }
0x390: {  	v3 =	vmul.f32 $8.000000000e+00, v3;
	v4 =	vmul.f32 $8.000000000e+00, v4  }
0x391: {  	v6 =	vmul.f32 $8.000000000e+00, v6;
	v5 =	vmul.f32 $8.000000000e+00, v5  }
0x392: {  	v4 =	vadd.f32 v4, v7;
	v3 =	vadd.f32 v3, v7  }
0x393: {  	v6 =	vadd.f32 v6, v7;
	v5 =	vadd.f32 v5, v7  }
0x394: {  	[tilespmem:s7+$0x280] =	vst v4;
	v4 =	vld [tilespmem:s7+$0x2500]  }
0x395: {  	[tilespmem:s7+$0x480] =	vst v3;
	v3 =	vld [tilespmem:s7+$0x500]  }
0x396: {  	[tilespmem:s7+$0x2480] =	vst v6;
	v6 =	vld [tilespmem:s7+$0x300]  }
0x397: {  	[tilespmem:s7+$0x2280] =	vst v5;
	v5 =	vld [tilespmem:s7+$0x2300]  }
0x398: {  	v7 =	vld [tilespmem:s0+$0x100];
	_ =	sdelay $0x2  }
.Ltmp4:
0x399: {  	v3 =	vmul.f32 $8.000000000e+00, v3;
	v6 =	vmul.f32 $8.000000000e+00, v6;
	(pc) =	sbr.rel @p0 .LBB2_11-.Ltmp4, $4  }
0x39a: {  	v8 =	vmul.f32 $8.000000000e+00, v4;
	v5 =	vmul.f32 $8.000000000e+00, v5  }
0x39b: {  	v9 =	vadd.f32 v6, v7;
	v6 =	vadd.f32 v3, v7  }
0x39c: {  	v4 =	vadd.f32 v5, v7;
	v5 =	vadd.f32 v8, v7  }
0x39d: {  	[tilespmem:s7+$0x300] =	vst v9;
	v3 =	vld [tilespmem:s7+$0x380]  }
0x39e: {  	[tilespmem:s7+$0x500] =	vst v6  }
0x39f: {  	v6 =	vld [tilespmem:s7+$0x2580];
	[tilespmem:s7+$0x2500] =	vst v5  }
0x3a0: {  	[tilespmem:s7+$0x2300] =	vst v4;
	v4 =	vld [tilespmem:s7+$0x580]  }
0x3a1: {  	v7 =	vld [tilespmem:s0+$0x180]  }
0x3a2: {  	v5 =	vld [tilespmem:s7+$0x2380];
	_ =	sdelay $0x1  }
0x3a3: {  	v3 =	vmul.f32 $8.000000000e+00, v3  }
0x3a4: {  	v6 =	vmul.f32 $8.000000000e+00, v6  }
0x3a5: {  	v4 =	vmul.f32 $8.000000000e+00, v4;
	v3 =	vadd.f32 v3, v7  }
0x3a6: {  	s0 =	sshll.u32 s23, $0x4;
	v5 =	vmul.f32 $8.000000000e+00, v5;
	v6 =	vadd.f32 v6, v7  }
0x3a7: {  	s10 =	sadd.s32 s29, s0;
	v4 =	vadd.f32 v4, v7;
	[tilespmem:s7+$0x380] =	vst v3  }
0x3a8: {  	s10 =	sshll.u32 s10, $0x7;
	v3 =	vadd.f32 v5, v7;
	[tilespmem:s7+$0x2580] =	vst v6  }
0x3a9: {  	s24 =	sand.u32 $0x1FFFF800, s10;
	[tilespmem:s7+$0x580] =	vst v4  }
0x3aa: {  	s17 =	simm.s32 $0x0;
	[tilespmem:s7+$0x2380] =	vst v3;
	s7 =	sadd.s32 s3, s24  }
0x3ab: {  	[hbm4b:s7+s17] =	stream.linear.scatter [tilespmem:s16], [sflag:$0x5], $0x200, $0x38;
	[tilespmem:$0x12200] =	vst v63  }
0x3ac: {  	s5 =	simm.s32 $0x600;
	s26 =	sadd.s32 $0x80, s7  }
0x3ad: {  	[hbm4b:s26+s17] =	stream.linear.scatter [tilespmem:s5], [sflag:$0x5], $0x200, $0x38;
	[tilespmem:$0x12200] =	vst v63  }
0x3ae: {  	s6 =	simm.s32 $0xA00;
	s5 =	sadd.s32 $0x100, s7  }
0x3af: {  	[hbm4b:s5+s17] =	stream.linear.scatter [tilespmem:s6], [sflag:$0x5], $0x200, $0x38;
	[tilespmem:$0x12200] =	vst v63  }
0x3b0: {  	s15 =	simm.s32 $0xE00;
	s14 =	sadd.s32 $0x180, s7  }
0x3b1: {  	[hbm4b:s14+s17] =	stream.linear.scatter [tilespmem:s15], [sflag:$0x5], $0x200, $0x38;
	[tilespmem:$0x12200] =	vst v63  }
0x3b2: {  	s19 =	sadd.s32 $0x200, s7;
	s26 =	simm.s32 $0x1200  }
0x3b3: {  	[hbm4b:s19+s17] =	stream.linear.scatter [tilespmem:s26], [sflag:$0x5], $0x200, $0x38;
	[tilespmem:$0x12200] =	vst v63  }
0x3b4: {  	s5 =	sadd.s32 $0x280, s7;
	s6 =	simm.s32 $0x1600  }
0x3b5: {  	[hbm4b:s5+s17] =	stream.linear.scatter [tilespmem:s6], [sflag:$0x5], $0x200, $0x38;
	[tilespmem:$0x12200] =	vst v63  }
0x3b6: {  	s14 =	sadd.s32 $0x300, s7;
	s15 =	simm.s32 $0x1A00  }
0x3b7: {  	[hbm4b:s14+s17] =	stream.linear.scatter [tilespmem:s15], [sflag:$0x5], $0x200, $0x38;
	[tilespmem:$0x12200] =	vst v63  }
0x3b8: {  	s7 =	sadd.s32 $0x380, s7;
	s19 =	simm.s32 $0x1E00;
	s26 =	sadd.s32 s30, s0  }
0x3b9: {  	[hbm4b:s7+s17] =	stream.linear.scatter [tilespmem:s19], [sflag:$0x5], $0x200, $0x38;
	[tilespmem:$0x12200] =	vst v63  }
0x3ba: {  	s7 =	sshll.u32 s26, $0x7  }
0x3bb: {  	s13 =	smov.u32 s29;
	s29 =	sand.u32 $0x1FFFF800, s7  }
0x3bc: {  	s6 =	simm.s32 $0x400;
	s7 =	sadd.s32 s3, s29  }
0x3bd: {  	[hbm4b:s7+s17] =	stream.linear.scatter [tilespmem:s6], [sflag:$0x5], $0x200, $0x38;
	[tilespmem:$0x12200] =	vst v63  }
0x3be: {  	s15 =	simm.s32 $0x800;
	s5 =	sadd.s32 $0x80, s7  }
0x3bf: {  	[hbm4b:s5+s17] =	stream.linear.scatter [tilespmem:s15], [sflag:$0x5], $0x200, $0x38;
	[tilespmem:$0x12200] =	vst v63  }
0x3c0: {  	s26 =	simm.s32 $0xC00;
	s19 =	sadd.s32 $0x100, s7  }
0x3c1: {  	[hbm4b:s19+s17] =	stream.linear.scatter [tilespmem:s26], [sflag:$0x5], $0x200, $0x38;
	[tilespmem:$0x12200] =	vst v63  }
0x3c2: {  	s5 =	sadd.s32 $0x180, s7;
	s15 =	simm.s32 $0x1000  }
0x3c3: {  	[hbm4b:s5+s17] =	stream.linear.scatter [tilespmem:s15], [sflag:$0x5], $0x200, $0x38;
	[tilespmem:$0x12200] =	vst v63  }
0x3c4: {  	s19 =	sadd.s32 $0x200, s7;
	s26 =	simm.s32 $0x1400  }
0x3c5: {  	[hbm4b:s19+s17] =	stream.linear.scatter [tilespmem:s26], [sflag:$0x5], $0x200, $0x38;
	[tilespmem:$0x12200] =	vst v63  }
0x3c6: {  	s5 =	sadd.s32 $0x280, s7;
	s15 =	simm.s32 $0x1800  }
0x3c7: {  	[hbm4b:s5+s17] =	stream.linear.scatter [tilespmem:s15], [sflag:$0x5], $0x200, $0x38;
	[tilespmem:$0x12200] =	vst v63  }
0x3c8: {  	s19 =	sadd.s32 $0x300, s7;
	s26 =	simm.s32 $0x1C00;
	s15 =	rddreg [dreg:$0x9]  }
0x3c9: {  	[hbm4b:s19+s17] =	stream.linear.scatter [tilespmem:s26], [sflag:$0x5], $0x200, $0x38;
	[tilespmem:$0x12200] =	vst v63  }
0x3ca: {  	s10 =	simm.s32 $0x2000;
	s7 =	sadd.s32 $0x380, s7;
	s19 =	sadd.s32 s15, s0  }
0x3cb: {  	[hbm4b:s7+s17] =	stream.linear.scatter [tilespmem:s10], [sflag:$0x5], $0x200, $0x38;
	[tilespmem:$0x12200] =	vst v63  }
0x3cc: {  	s7 =	sshll.u32 s19, $0x7  }
0x3cd: {  	s14 =	smov.u32 s30;
	s30 =	sand.u32 $0x1FFFF800, s7  }
0x3ce: {  	s26 =	simm.s32 $0x2200;
	s7 =	sadd.s32 s3, s30  }
0x3cf: {  	[hbm4b:s7+s17] =	stream.linear.scatter [tilespmem:s26], [sflag:$0x5], $0x200, $0x38;
	[tilespmem:$0x12200] =	vst v63  }
0x3d0: {  	s15 =	simm.s32 $0x2600;
	s5 =	sadd.s32 $0x80, s7  }
0x3d1: {  	[hbm4b:s5+s17] =	stream.linear.scatter [tilespmem:s15], [sflag:$0x5], $0x200, $0x38;
	[tilespmem:$0x12200] =	vst v63  }
0x3d2: {  	s19 =	sadd.s32 $0x100, s7;
	s26 =	simm.s32 $0x2A00  }
0x3d3: {  	[hbm4b:s19+s17] =	stream.linear.scatter [tilespmem:s26], [sflag:$0x5], $0x200, $0x38;
	[tilespmem:$0x12200] =	vst v63  }
0x3d4: {  	s5 =	sadd.s32 $0x180, s7;
	s15 =	simm.s32 $0x2E00  }
0x3d5: {  	[hbm4b:s5+s17] =	stream.linear.scatter [tilespmem:s15], [sflag:$0x5], $0x200, $0x38;
	[tilespmem:$0x12200] =	vst v63  }
0x3d6: {  	s19 =	sadd.s32 $0x200, s7;
	s26 =	simm.s32 $0x3200  }
0x3d7: {  	[hbm4b:s19+s17] =	stream.linear.scatter [tilespmem:s26], [sflag:$0x5], $0x200, $0x38;
	[tilespmem:$0x12200] =	vst v63  }
0x3d8: {  	s5 =	sadd.s32 $0x280, s7;
	s15 =	simm.s32 $0x3600  }
0x3d9: {  	[hbm4b:s5+s17] =	stream.linear.scatter [tilespmem:s15], [sflag:$0x5], $0x200, $0x38;
	[tilespmem:$0x12200] =	vst v63  }
0x3da: {  	s19 =	sadd.s32 $0x300, s7;
	s26 =	simm.s32 $0x3A00  }
0x3db: {  	[hbm4b:s19+s17] =	stream.linear.scatter [tilespmem:s26], [sflag:$0x5], $0x200, $0x38;
	[tilespmem:$0x12200] =	vst v63  }
0x3dc: {  	s19 =	rddreg [dreg:$0x1f]  }
0x3dd: {  	s7 =	sadd.s32 $0x380, s7;
	s15 =	simm.s32 $0x3E00;
	s0 =	sadd.s32 s19, s0  }
0x3de: {  	[hbm4b:s7+s17] =	stream.linear.scatter [tilespmem:s15], [sflag:$0x5], $0x200, $0x38;
	[tilespmem:$0x12200] =	vst v63  }
0x3df: {  	s0 =	sshll.u32 s0, $0x7  }
0x3e0: {  	s7 =	sand.u32 $0x1FFFF800, s0  }
0x3e1: {  	s26 =	simm.s32 $0x2400;
	s0 =	sadd.s32 s3, s7  }
0x3e2: {  	[hbm4b:s0+s17] =	stream.linear.scatter [tilespmem:s26], [sflag:$0x5], $0x200, $0x38;
	[tilespmem:$0x12200] =	vst v63  }
0x3e3: {  	s15 =	simm.s32 $0x2800;
	s5 =	sadd.s32 $0x80, s0  }
0x3e4: {  	[hbm4b:s5+s17] =	stream.linear.scatter [tilespmem:s15], [sflag:$0x5], $0x200, $0x38;
	[tilespmem:$0x12200] =	vst v63  }
0x3e5: {  	s19 =	sadd.s32 $0x100, s0;
	s26 =	simm.s32 $0x2C00  }
0x3e6: {  	[hbm4b:s19+s17] =	stream.linear.scatter [tilespmem:s26], [sflag:$0x5], $0x200, $0x38;
	[tilespmem:$0x12200] =	vst v63  }
0x3e7: {  	s5 =	sadd.s32 $0x180, s0;
	s15 =	simm.s32 $0x3000  }
0x3e8: {  	[hbm4b:s5+s17] =	stream.linear.scatter [tilespmem:s15], [sflag:$0x5], $0x200, $0x38;
	[tilespmem:$0x12200] =	vst v63  }
0x3e9: {  	s19 =	sadd.s32 $0x200, s0;
	s26 =	simm.s32 $0x3400  }
0x3ea: {  	[hbm4b:s19+s17] =	stream.linear.scatter [tilespmem:s26], [sflag:$0x5], $0x200, $0x38;
	[tilespmem:$0x12200] =	vst v63  }
0x3eb: {  	s5 =	sadd.s32 $0x280, s0;
	s15 =	simm.s32 $0x3800  }
0x3ec: {  	[hbm4b:s5+s17] =	stream.linear.scatter [tilespmem:s15], [sflag:$0x5], $0x200, $0x38;
	[tilespmem:$0x12200] =	vst v63  }
0x3ed: {  	s10 =	simm.s32 $0x4000;
	s19 =	sadd.s32 $0x300, s0;
	s26 =	simm.s32 $0x3C00  }
0x3ee: {  	[hbm4b:s19+s17] =	stream.linear.scatter [tilespmem:s26], [sflag:$0x5], $0x200, $0x38;
	[tilespmem:$0x12200] =	vst v63  }
0x3ef: {  	s0 =	sadd.s32 $0x380, s0;
	s15 =	sshll.u32 s12, $0x9;
	s19 =	rddreg [dreg:$0x6]  }
0x3f0: {  	[hbm4b:s0+s17] =	stream.linear.scatter [tilespmem:s10], [sflag:$0x5], $0x200, $0x38;
	[tilespmem:$0x12200] =	vst v63  }
0x3f1: {  	s26 =	simm.s32 $0x10200;
	s0 =	sadd.s32 s15, s19  }
0x3f2: {  	[tilespmem:s26], [sflag:$0x9] =	stream.strided.gather [hbm4b:s0+s16], $0x1000, s6, s16, $0x38;
	[tilespmem:$0x12200] =	vst v63  }
0x3f3: {  	_ =	swait.ge [sflag:s21], $0x1000  }
0x3f4: {  	[sflag:s21] =	ssyncset.done $0x0  }
0x3f5: {  	[sflag:s21] =	ssyncadd.s32 $0xFFFFF000  }
0x3f6: {  	_ =	swait.ge [sflag:s21], $0x1000  }
0x3f7: {  	[sflag:s21] =	ssyncset.done $0x0  }
0x3f8: {  	[sflag:s21] =	ssyncadd.s32 $0xFFFFF000  }
0x3f9: {  	_ =	swait.ge [sflag:s21], $0x1000  }
0x3fa: {  	[sflag:s21] =	ssyncset.done $0x0  }
0x3fb: {  	[sflag:s21] =	ssyncadd.s32 $0xFFFFF000  }
0x3fc: {  	s26 =	sor.u32 $0x3, s28;
	_ =	swait.ge [sflag:s21], $0x1000  }
0x3fd: {  	s5 =	sshll.u32 s26, $0x4;
	[sflag:s21] =	ssyncset.done $0x0  }
0x3fe: {  	s0 =	sand.u32 $0x3FFFFFF0, s5;
	[sflag:s21] =	ssyncadd.s32 $0xFFFFF000  }
0x3ff: {  	v3 =	vld [tilespmem:s0+$0x0];
	_ =	sdelay $0x4  }
0x400: {  	v4 =	vshll.u32 v3, $0x3  }
0x401: {  	v3 =	vand.u32 $0x7, v3;
	v4 =	vand.u32 $0xFFFFFFC0, v4  }
0x402: {  	v3 =	vor.u32 v3, v4  }
0x403: {  	v4 =	vperm.xlane v3, v0;
	_ =	sdelay $0x1  }
0x404: {  	v4 =	vadd.s32 v1, v4;
	_ =	sdelay $0x3  }
0x405: {  	s6 =	simm.s32 $0xC200  }
0x406: {  	[tilespmem:s6], [sflag:$0x4] =	stream.indirect_vreg.gather [hbm4b:s2+s17], $0x80, v4, vm0, $0xb8;
	[tilespmem:$0x12200] =	vst v63  }
0x407: {  	s10 =	simm.s32 $0xCA00;
	v3 =	vperm.xlane v3, v2  }
0x408: {  	[tilespmem:s10], [sflag:$0x4] =	stream.indirect_vreg.gather [hbm4b:s11+s17], $0x80, v4, vm0, $0xb8;
	[tilespmem:$0x12200] =	vst v63  }
0x409: {  	s19 =	simm.s32 $0xD200;
	v3 =	vadd.s32 v1, v3  }
0x40a: {  	[tilespmem:s19], [sflag:$0x4] =	stream.indirect_vreg.gather [hbm4b:s8+s17], $0x80, v4, vm0, $0xb8;
	[tilespmem:$0x12200] =	vst v63  }
0x40b: {  	s5 =	simm.s32 $0xDA00  }
0x40c: {  	[tilespmem:s5], [sflag:$0x4] =	stream.indirect_vreg.gather [hbm4b:s9+s17], $0x80, v4, vm0, $0xb8;
	[tilespmem:$0x12200] =	vst v63  }
0x40d: {  	s6 =	simm.s32 $0xE200  }
0x40e: {  	[tilespmem:s6], [sflag:$0x4] =	stream.indirect_vreg.gather [hbm4b:s2+s17], $0x80, v3, vm0, $0xb8;
	[tilespmem:$0x12200] =	vst v63  }
0x40f: {  	s10 =	simm.s32 $0xEA00  }
0x410: {  	[tilespmem:s10], [sflag:$0x4] =	stream.indirect_vreg.gather [hbm4b:s11+s17], $0x80, v3, vm0, $0xb8;
	[tilespmem:$0x12200] =	vst v63  }
0x411: {  	s19 =	simm.s32 $0xF200  }
0x412: {  	[tilespmem:s19], [sflag:$0x4] =	stream.indirect_vreg.gather [hbm4b:s8+s17], $0x80, v3, vm0, $0xb8;
	[tilespmem:$0x12200] =	vst v63  }
0x413: {  	s5 =	simm.s32 $0xFA00  }
0x414: {  	[tilespmem:s5], [sflag:$0x4] =	stream.indirect_vreg.gather [hbm4b:s9+s17], $0x80, v3, vm0, $0xb8;
	[tilespmem:$0x12200] =	vst v63  }
0x415: {  	_ =	swait.ge [sflag:s31], $0x1000  }
0x416: {  	[sflag:s31] =	ssyncset.done $0x0  }
0x417: {  	s6 =	simm.s32 $0x2;
	[sflag:s31] =	ssyncadd.s32 $0xFFFFF000  }
0x418: {  	s19 =	simm.s32 $0x0;
	_ =	swait.ge [sflag:s6], $0x4000  }
0x419: {  	s10 =	sand.u32 $0x70, s17;
	s0 =	sand.u32 $0x3FFFFC00, s19;
	[sflag:s6] =	ssyncset.done $0x0  }
0x41a: {  	s19 =	sor.u32 s10, s0;
	[sflag:s6] =	ssyncadd.s32 $0xFFFFC000  }
0x41b: {  	s6 =	simm.s32 $0x0;
	v3 =	vld [tilespmem:s19+$0x6400]  }
0x41c: {  	s0 =	sand.u32 $0x3FFFFE00, s6;
	v4 =	vld [tilespmem:s19+$0x6200]  }
0x41d: {  	v6 =	vld [tilespmem:s19+$0x4400];
	s0 =	sor.u32 s10, s0  }
0x41e: {  	v5 =	vld [tilespmem:s0+$0x11200]  }
0x41f: {  	v7 =	vld [tilespmem:s19+$0x4200];
	_ =	sdelay $0x1  }
0x420: {  	v3 =	vmul.f32 $8.000000000e+00, v3  }
0x421: {  	v4 =	vmul.f32 $8.000000000e+00, v4  }
0x422: {  	v6 =	vmul.f32 $8.000000000e+00, v6;
	v3 =	vadd.f32 v3, v5  }
0x423: {  	v7 =	vmul.f32 $8.000000000e+00, v7;
	v4 =	vadd.f32 v4, v5  }
0x424: {  	[tilespmem:s19+$0x6400] =	vst v3;
	v3 =	vadd.f32 v6, v5  }
0x425: {  	v5 =	vadd.f32 v7, v5;
	[tilespmem:s19+$0x6200] =	vst v4  }
0x426: {  	[tilespmem:s19+$0x4400] =	vst v3;
	v3 =	vld [tilespmem:s19+$0x4280]  }
0x427: {  	s10 =	sadd.s32 $0x11200, s0;
	v4 =	vld [tilespmem:s19+$0x4480];
	[tilespmem:s19+$0x4200] =	vst v5  }
0x428: {  	v5 =	vld [tilespmem:s10+$0x80]  }
0x429: {  	v6 =	vld [tilespmem:s19+$0x6480]  }
0x42a: {  	v7 =	vld [tilespmem:s19+$0x6280]  }
0x42b: {  	v3 =	vmul.f32 $8.000000000e+00, v3  }
0x42c: {  	v4 =	vmul.f32 $8.000000000e+00, v4  }
0x42d: {  	v3 =	vadd.f32 v3, v5  }
0x42e: {  	v6 =	vmul.f32 $8.000000000e+00, v6;
	v4 =	vadd.f32 v4, v5  }
0x42f: {  	[tilespmem:s19+$0x4280] =	vst v3;
	v3 =	vmul.f32 $8.000000000e+00, v7  }
0x430: {  	v6 =	vadd.f32 v6, v5;
	[tilespmem:s19+$0x4480] =	vst v4;
	v4 =	vld [tilespmem:s19+$0x4500]  }
0x431: {  	v7 =	vld [tilespmem:s19+$0x6500];
	v3 =	vadd.f32 v3, v5  }
0x432: {  	[tilespmem:s19+$0x6480] =	vst v6;
	v5 =	vld [tilespmem:s19+$0x4300]  }
0x433: {  	[tilespmem:s19+$0x6280] =	vst v3;
	v3 =	vld [tilespmem:s19+$0x6300]  }
0x434: {  	v8 =	vld [tilespmem:s10+$0x100];
	_ =	sdelay $0x2  }
0x435: {  	v5 =	vmul.f32 $8.000000000e+00, v5  }
0x436: {  	v4 =	vmul.f32 $8.000000000e+00, v4  }
0x437: {  	v7 =	vmul.f32 $8.000000000e+00, v7;
	v3 =	vmul.f32 $8.000000000e+00, v3;
	v9 =	vadd.f32 v5, v8  }
0x438: {  	v6 =	vadd.f32 v4, v8  }
0x439: {  	s15 =	simm.s32 $0x400;
	s0 =	simm.s32 $0x1;
	v5 =	vadd.f32 v7, v8;
	v4 =	vadd.f32 v3, v8;
	v3 =	vld [tilespmem:s19+$0x4380];
	[tilespmem:s19+$0x4300] =	vst v9  }
.LBB2_13:
0x43a: {  	p0 =	sne.s32 s0, $0x3F  }
0x43b: {  	[tilespmem:s19+$0x4500] =	vst v6;
	v6 =	vld [tilespmem:s19+$0x6580];
	s17 =	sadd.s32 $0x10, s17;
	s6 =	smov.u32 s0;
	s0 =	sadd.s32 $0x1, s0  }
0x43c: {  	[tilespmem:s19+$0x6500] =	vst v5;
	v5 =	vld [tilespmem:s19+$0x6380]  }
0x43d: {  	[tilespmem:s19+$0x6300] =	vst v4;
	v4 =	vld [tilespmem:s19+$0x4580]  }
0x43e: {  	v7 =	vld [tilespmem:s10+$0x180];
	_ =	sdelay $0x1  }
0x43f: {  	v3 =	vmul.f32 $8.000000000e+00, v3  }
0x440: {  	v6 =	vmul.f32 $8.000000000e+00, v6;
	v5 =	vmul.f32 $8.000000000e+00, v5  }
0x441: {  	v4 =	vmul.f32 $8.000000000e+00, v4  }
0x442: {  	s10 =	sshll.u32 s6, $0x7;
	v3 =	vadd.f32 v3, v7;
	v6 =	vadd.f32 v6, v7  }
0x443: {  	s5 =	sand.u32 $0x70, s17;
	s10 =	sand.u32 $0x3FFFFC00, s10;
	v5 =	vadd.f32 v5, v7;
	v4 =	vadd.f32 v4, v7  }
0x444: {  	s10 =	sor.u32 s5, s10;
	[tilespmem:s19+$0x4380] =	vst v3  }
0x445: {  	s6 =	sshll.u32 s6, $0x6;
	v3 =	vld [tilespmem:s10+$0x6200];
	[tilespmem:s19+$0x6580] =	vst v6  }
0x446: {  	s6 =	sand.u32 $0x3FFFFE00, s6;
	v6 =	vld [tilespmem:s10+$0x6400];
	[tilespmem:s19+$0x4580] =	vst v4  }
0x447: {  	s5 =	sor.u32 s5, s6;
	v4 =	vld [tilespmem:s10+$0x4400];
	[tilespmem:s19+$0x6380] =	vst v5;
	s19 =	smov.u32 s10  }
0x448: {  	v5 =	vld [tilespmem:s5+$0x11200]  }
0x449: {  	v7 =	vld [tilespmem:s19+$0x4200];
	_ =	sdelay $0x1  }
0x44a: {  	v6 =	vmul.f32 $8.000000000e+00, v6  }
0x44b: {  	v3 =	vmul.f32 $8.000000000e+00, v3  }
0x44c: {  	v4 =	vmul.f32 $8.000000000e+00, v4;
	v6 =	vadd.f32 v6, v5  }
0x44d: {  	v3 =	vadd.f32 v3, v5;
	v7 =	vmul.f32 $8.000000000e+00, v7  }
0x44e: {  	v4 =	vadd.f32 v4, v5;
	[tilespmem:s19+$0x6400] =	vst v6;
	v6 =	vld [tilespmem:s19+$0x6480]  }
0x44f: {  	v5 =	vadd.f32 v7, v5;
	[tilespmem:s19+$0x6200] =	vst v3;
	v3 =	vld [tilespmem:s19+$0x4480]  }
0x450: {  	[tilespmem:s19+$0x4400] =	vst v4;
	v4 =	vld [tilespmem:s19+$0x4280]  }
0x451: {  	s10 =	sadd.s32 $0x11200, s5;
	[tilespmem:s19+$0x4200] =	vst v5;
	v5 =	vld [tilespmem:s19+$0x6280]  }
0x452: {  	v7 =	vld [tilespmem:s10+$0x80];
	_ =	sdelay $0x2  }
0x453: {  	v3 =	vmul.f32 $8.000000000e+00, v3;
	v4 =	vmul.f32 $8.000000000e+00, v4  }
0x454: {  	v6 =	vmul.f32 $8.000000000e+00, v6;
	v5 =	vmul.f32 $8.000000000e+00, v5  }
0x455: {  	v4 =	vadd.f32 v4, v7;
	v3 =	vadd.f32 v3, v7  }
0x456: {  	v6 =	vadd.f32 v6, v7;
	v5 =	vadd.f32 v5, v7  }
0x457: {  	[tilespmem:s19+$0x4280] =	vst v4;
	v4 =	vld [tilespmem:s19+$0x6500]  }
0x458: {  	[tilespmem:s19+$0x4480] =	vst v3;
	v3 =	vld [tilespmem:s19+$0x4500]  }
0x459: {  	[tilespmem:s19+$0x6480] =	vst v6;
	v6 =	vld [tilespmem:s19+$0x4300]  }
0x45a: {  	[tilespmem:s19+$0x6280] =	vst v5;
	v5 =	vld [tilespmem:s19+$0x6300]  }
0x45b: {  	v7 =	vld [tilespmem:s10+$0x100];
	_ =	sdelay $0x2  }
.Ltmp5:
0x45c: {  	v3 =	vmul.f32 $8.000000000e+00, v3;
	v6 =	vmul.f32 $8.000000000e+00, v6;
	(pc) =	sbr.rel @p0 .LBB2_13-.Ltmp5, $4  }
0x45d: {  	v8 =	vmul.f32 $8.000000000e+00, v4;
	v5 =	vmul.f32 $8.000000000e+00, v5  }
0x45e: {  	v9 =	vadd.f32 v6, v7;
	v6 =	vadd.f32 v3, v7  }
0x45f: {  	v4 =	vadd.f32 v5, v7;
	v5 =	vadd.f32 v8, v7  }
0x460: {  	[tilespmem:s19+$0x4300] =	vst v9;
	v3 =	vld [tilespmem:s19+$0x4380]  }
0x461: {  	[tilespmem:s19+$0x4500] =	vst v6  }
0x462: {  	v6 =	vld [tilespmem:s19+$0x6580];
	[tilespmem:s19+$0x6500] =	vst v5  }
0x463: {  	[tilespmem:s19+$0x6300] =	vst v4;
	v4 =	vld [tilespmem:s19+$0x4580]  }
0x464: {  	v7 =	vld [tilespmem:s10+$0x180]  }
0x465: {  	v5 =	vld [tilespmem:s19+$0x6380];
	_ =	sdelay $0x1  }
0x466: {  	v3 =	vmul.f32 $8.000000000e+00, v3  }
0x467: {  	v6 =	vmul.f32 $8.000000000e+00, v6  }
0x468: {  	v4 =	vmul.f32 $8.000000000e+00, v4;
	v3 =	vadd.f32 v3, v7  }
0x469: {  	v5 =	vmul.f32 $8.000000000e+00, v5;
	v6 =	vadd.f32 v6, v7  }
0x46a: {  	v4 =	vadd.f32 v4, v7;
	[tilespmem:s19+$0x4380] =	vst v3  }
0x46b: {  	v3 =	vadd.f32 v5, v7;
	[tilespmem:s19+$0x6580] =	vst v6  }
0x46c: {  	[tilespmem:s19+$0x4580] =	vst v4  }
0x46d: {  	s0 =	sadd.s32 s24, s1;
	s17 =	simm.s32 $0x0;
	s5 =	simm.s32 $0x4200;
	[tilespmem:s19+$0x6380] =	vst v3  }
0x46e: {  	[hbm4b:s0+s17] =	stream.linear.scatter [tilespmem:s5], [sflag:$0x6], $0x200, $0x38;
	[tilespmem:$0x12200] =	vst v63  }
0x46f: {  	s6 =	simm.s32 $0x4600;
	s10 =	sadd.s32 $0x80, s0  }
0x470: {  	[hbm4b:s10+s17] =	stream.linear.scatter [tilespmem:s6], [sflag:$0x6], $0x200, $0x38;
	[tilespmem:$0x12200] =	vst v63  }
0x471: {  	s24 =	simm.s32 $0x4A00;
	s19 =	sadd.s32 $0x100, s0  }
0x472: {  	[hbm4b:s19+s17] =	stream.linear.scatter [tilespmem:s24], [sflag:$0x6], $0x200, $0x38;
	[tilespmem:$0x12200] =	vst v63  }
0x473: {  	s6 =	sadd.s32 $0x180, s0;
	s10 =	simm.s32 $0x4E00  }
0x474: {  	[hbm4b:s6+s17] =	stream.linear.scatter [tilespmem:s10], [sflag:$0x6], $0x200, $0x38;
	[tilespmem:$0x12200] =	vst v63  }
0x475: {  	s19 =	sadd.s32 $0x200, s0;
	s24 =	simm.s32 $0x5200  }
0x476: {  	[hbm4b:s19+s17] =	stream.linear.scatter [tilespmem:s24], [sflag:$0x6], $0x200, $0x38;
	[tilespmem:$0x12200] =	vst v63  }
0x477: {  	s6 =	sadd.s32 $0x280, s0;
	s10 =	simm.s32 $0x5600  }
0x478: {  	[hbm4b:s6+s17] =	stream.linear.scatter [tilespmem:s10], [sflag:$0x6], $0x200, $0x38;
	[tilespmem:$0x12200] =	vst v63  }
0x479: {  	s19 =	sadd.s32 $0x300, s0;
	s24 =	simm.s32 $0x5A00  }
0x47a: {  	[hbm4b:s19+s17] =	stream.linear.scatter [tilespmem:s24], [sflag:$0x6], $0x200, $0x38;
	[tilespmem:$0x12200] =	vst v63  }
0x47b: {  	s0 =	sadd.s32 $0x380, s0;
	s10 =	simm.s32 $0x5E00  }
0x47c: {  	[hbm4b:s0+s17] =	stream.linear.scatter [tilespmem:s10], [sflag:$0x6], $0x200, $0x38;
	[tilespmem:$0x12200] =	vst v63  }
0x47d: {  	s19 =	simm.s32 $0x4400;
	s0 =	sadd.s32 s29, s1  }
0x47e: {  	[hbm4b:s0+s17] =	stream.linear.scatter [tilespmem:s19], [sflag:$0x6], $0x200, $0x38;
	[tilespmem:$0x12200] =	vst v63  }
0x47f: {  	s29 =	simm.s32 $0x4800;
	s24 =	sadd.s32 $0x80, s0  }
0x480: {  	[hbm4b:s24+s17] =	stream.linear.scatter [tilespmem:s29], [sflag:$0x6], $0x200, $0x38;
	[tilespmem:$0x12200] =	vst v63  }
0x481: {  	s10 =	sadd.s32 $0x100, s0;
	s19 =	simm.s32 $0x4C00  }
0x482: {  	[hbm4b:s10+s17] =	stream.linear.scatter [tilespmem:s19], [sflag:$0x6], $0x200, $0x38;
	[tilespmem:$0x12200] =	vst v63  }
0x483: {  	s24 =	sadd.s32 $0x180, s0;
	s29 =	simm.s32 $0x5000  }
0x484: {  	[hbm4b:s24+s17] =	stream.linear.scatter [tilespmem:s29], [sflag:$0x6], $0x200, $0x38;
	[tilespmem:$0x12200] =	vst v63  }
0x485: {  	s10 =	sadd.s32 $0x200, s0;
	s19 =	simm.s32 $0x5400  }
0x486: {  	[hbm4b:s10+s17] =	stream.linear.scatter [tilespmem:s19], [sflag:$0x6], $0x200, $0x38;
	[tilespmem:$0x12200] =	vst v63  }
0x487: {  	s24 =	sadd.s32 $0x280, s0;
	s29 =	simm.s32 $0x5800  }
0x488: {  	[hbm4b:s24+s17] =	stream.linear.scatter [tilespmem:s29], [sflag:$0x6], $0x200, $0x38;
	[tilespmem:$0x12200] =	vst v63  }
0x489: {  	s6 =	sadd.s32 $0x300, s0;
	s10 =	simm.s32 $0x5C00  }
0x48a: {  	[hbm4b:s6+s17] =	stream.linear.scatter [tilespmem:s10], [sflag:$0x6], $0x200, $0x38;
	[tilespmem:$0x12200] =	vst v63  }
0x48b: {  	s0 =	sadd.s32 $0x380, s0;
	s19 =	simm.s32 $0x6000  }
0x48c: {  	[hbm4b:s0+s17] =	stream.linear.scatter [tilespmem:s19], [sflag:$0x6], $0x200, $0x38;
	[tilespmem:$0x12200] =	vst v63  }
0x48d: {  	s24 =	simm.s32 $0x6200;
	s0 =	sadd.s32 s30, s1  }
0x48e: {  	[hbm4b:s0+s17] =	stream.linear.scatter [tilespmem:s24], [sflag:$0x6], $0x200, $0x38;
	[tilespmem:$0x12200] =	vst v63  }
0x48f: {  	s30 =	simm.s32 $0x6600;
	s29 =	sadd.s32 $0x80, s0  }
0x490: {  	[hbm4b:s29+s17] =	stream.linear.scatter [tilespmem:s30], [sflag:$0x6], $0x200, $0x38;
	[tilespmem:$0x12200] =	vst v63  }
0x491: {  	s10 =	simm.s32 $0x6A00;
	s6 =	sadd.s32 $0x100, s0  }
0x492: {  	[hbm4b:s6+s17] =	stream.linear.scatter [tilespmem:s10], [sflag:$0x6], $0x200, $0x38;
	[tilespmem:$0x12200] =	vst v63  }
0x493: {  	s19 =	sadd.s32 $0x180, s0;
	s24 =	simm.s32 $0x6E00  }
0x494: {  	[hbm4b:s19+s17] =	stream.linear.scatter [tilespmem:s24], [sflag:$0x6], $0x200, $0x38;
	[tilespmem:$0x12200] =	vst v63  }
0x495: {  	s29 =	sadd.s32 $0x200, s0;
	s30 =	simm.s32 $0x7200  }
0x496: {  	[hbm4b:s29+s17] =	stream.linear.scatter [tilespmem:s30], [sflag:$0x6], $0x200, $0x38;
	[tilespmem:$0x12200] =	vst v63  }
0x497: {  	s10 =	sadd.s32 $0x280, s0;
	s19 =	simm.s32 $0x7600  }
0x498: {  	[hbm4b:s10+s17] =	stream.linear.scatter [tilespmem:s19], [sflag:$0x6], $0x200, $0x38;
	[tilespmem:$0x12200] =	vst v63  }
0x499: {  	s24 =	sadd.s32 $0x300, s0;
	s29 =	simm.s32 $0x7A00  }
0x49a: {  	[hbm4b:s24+s17] =	stream.linear.scatter [tilespmem:s29], [sflag:$0x6], $0x200, $0x38;
	[tilespmem:$0x12200] =	vst v63  }
0x49b: {  	s0 =	sadd.s32 $0x380, s0;
	s30 =	simm.s32 $0x7E00  }
0x49c: {  	[hbm4b:s0+s17] =	stream.linear.scatter [tilespmem:s30], [sflag:$0x6], $0x200, $0x38;
	[tilespmem:$0x12200] =	vst v63  }
0x49d: {  	s6 =	simm.s32 $0x6400;
	s0 =	sadd.s32 s7, s1  }
0x49e: {  	[hbm4b:s0+s17] =	stream.linear.scatter [tilespmem:s6], [sflag:$0x6], $0x200, $0x38;
	[tilespmem:$0x12200] =	vst v63  }
0x49f: {  	s10 =	simm.s32 $0x6800;
	s7 =	sadd.s32 $0x80, s0  }
0x4a0: {  	[hbm4b:s7+s17] =	stream.linear.scatter [tilespmem:s10], [sflag:$0x6], $0x200, $0x38;
	[tilespmem:$0x12200] =	vst v63  }
0x4a1: {  	s24 =	simm.s32 $0x6C00;
	s19 =	sadd.s32 $0x100, s0  }
0x4a2: {  	[hbm4b:s19+s17] =	stream.linear.scatter [tilespmem:s24], [sflag:$0x6], $0x200, $0x38;
	[tilespmem:$0x12200] =	vst v63  }
0x4a3: {  	s30 =	simm.s32 $0x7000;
	s29 =	sadd.s32 $0x180, s0  }
0x4a4: {  	[hbm4b:s29+s17] =	stream.linear.scatter [tilespmem:s30], [sflag:$0x6], $0x200, $0x38;
	[tilespmem:$0x12200] =	vst v63  }
0x4a5: {  	s6 =	sadd.s32 $0x200, s0;
	s7 =	simm.s32 $0x7400  }
0x4a6: {  	[hbm4b:s6+s17] =	stream.linear.scatter [tilespmem:s7], [sflag:$0x6], $0x200, $0x38;
	[tilespmem:$0x12200] =	vst v63  }
0x4a7: {  	s10 =	sadd.s32 $0x280, s0;
	s19 =	simm.s32 $0x7800  }
0x4a8: {  	[hbm4b:s10+s17] =	stream.linear.scatter [tilespmem:s19], [sflag:$0x6], $0x200, $0x38;
	[tilespmem:$0x12200] =	vst v63  }
0x4a9: {  	s24 =	sadd.s32 $0x300, s0;
	s29 =	simm.s32 $0x7C00  }
0x4aa: {  	[hbm4b:s24+s17] =	stream.linear.scatter [tilespmem:s29], [sflag:$0x6], $0x200, $0x38;
	[tilespmem:$0x12200] =	vst v63  }
0x4ab: {  	s0 =	sadd.s32 $0x380, s0;
	s30 =	simm.s32 $0x8000;
	s6 =	sshll.u32 s26, $0x9  }
0x4ac: {  	[hbm4b:s0+s17] =	stream.linear.scatter [tilespmem:s30], [sflag:$0x6], $0x200, $0x38;
	[tilespmem:$0x12200] =	vst v63  }
0x4ad: {  	s7 =	rddreg [dreg:$0x4];
	s0 =	sand.u32 $0x3C00, s6  }
0x4ae: {  	s10 =	rddreg [dreg:$0x12];
	s0 =	sor.u32 s0, s7  }
0x4af: {  	s19 =	simm.s32 $0x11200;
	s0 =	sadd.s32 s0, s10  }
0x4b0: {  	[tilespmem:s19], [sflag:$0xA] =	stream.strided.gather [hbm4b:s0+s16], $0x1000, s15, s16, $0x38;
	[tilespmem:$0x12200] =	vst v63  }
0x4b1: {  	_ =	swait.ge [sflag:s18], $0x1000  }
0x4b2: {  	[sflag:s18] =	ssyncset.done $0x0  }
0x4b3: {  	[sflag:s18] =	ssyncadd.s32 $0xFFFFF000  }
0x4b4: {  	_ =	swait.ge [sflag:s18], $0x1000  }
0x4b5: {  	[sflag:s18] =	ssyncset.done $0x0  }
0x4b6: {  	[sflag:s18] =	ssyncadd.s32 $0xFFFFF000  }
0x4b7: {  	_ =	swait.ge [sflag:s18], $0x1000  }
0x4b8: {  	[sflag:s18] =	ssyncset.done $0x0  }
0x4b9: {  	[sflag:s18] =	ssyncadd.s32 $0xFFFFF000  }
0x4ba: {  	s24 =	sadd.s32 $0x4, s28;
	_ =	swait.ge [sflag:s18], $0x1000  }
0x4bb: {  	s7 =	sand.u32 $0x1C, s24;
	[sflag:s18] =	ssyncset.done $0x0  }
0x4bc: {  	s0 =	sshll.u32 s7, $0x4;
	[sflag:s18] =	ssyncadd.s32 $0xFFFFF000  }
0x4bd: {  	v3 =	vld [tilespmem:s0+$0x0];
	_ =	sdelay $0x4  }
0x4be: {  	v4 =	vshll.u32 v3, $0x3  }
0x4bf: {  	v3 =	vand.u32 $0x7, v3;
	v4 =	vand.u32 $0xFFFFFFC0, v4  }
0x4c0: {  	v3 =	vor.u32 v3, v4  }
0x4c1: {  	v4 =	vperm.xlane v3, v0;
	_ =	sdelay $0x1  }
0x4c2: {  	v4 =	vadd.s32 v1, v4;
	_ =	sdelay $0x4  }
0x4c3: {  	[tilespmem:s16], [sflag:$0x1] =	stream.indirect_vreg.gather [hbm4b:s2+s17], $0x80, v4, vm0, $0xb8;
	[tilespmem:$0x12200] =	vst v63  }
0x4c4: {  	s28 =	simm.s32 $0xA00;
	v3 =	vperm.xlane v3, v2  }
0x4c5: {  	[tilespmem:s28], [sflag:$0x1] =	stream.indirect_vreg.gather [hbm4b:s11+s17], $0x80, v4, vm0, $0xb8;
	[tilespmem:$0x12200] =	vst v63  }
0x4c6: {  	s29 =	simm.s32 $0x1200;
	v3 =	vadd.s32 v1, v3  }
0x4c7: {  	[tilespmem:s29], [sflag:$0x1] =	stream.indirect_vreg.gather [hbm4b:s8+s17], $0x80, v4, vm0, $0xb8;
	[tilespmem:$0x12200] =	vst v63  }
0x4c8: {  	s30 =	simm.s32 $0x1A00  }
0x4c9: {  	[tilespmem:s30], [sflag:$0x1] =	stream.indirect_vreg.gather [hbm4b:s9+s17], $0x80, v4, vm0, $0xb8;
	[tilespmem:$0x12200] =	vst v63  }
0x4ca: {  	s5 =	simm.s32 $0x2200  }
0x4cb: {  	[tilespmem:s5], [sflag:$0x1] =	stream.indirect_vreg.gather [hbm4b:s2+s17], $0x80, v3, vm0, $0xb8;
	[tilespmem:$0x12200] =	vst v63  }
0x4cc: {  	s6 =	simm.s32 $0x2A00  }
0x4cd: {  	[tilespmem:s6], [sflag:$0x1] =	stream.indirect_vreg.gather [hbm4b:s11+s17], $0x80, v3, vm0, $0xb8;
	[tilespmem:$0x12200] =	vst v63  }
0x4ce: {  	s10 =	simm.s32 $0x3200  }
0x4cf: {  	[tilespmem:s10], [sflag:$0x1] =	stream.indirect_vreg.gather [hbm4b:s8+s17], $0x80, v3, vm0, $0xb8;
	[tilespmem:$0x12200] =	vst v63  }
0x4d0: {  	s19 =	simm.s32 $0x3A00  }
0x4d1: {  	[tilespmem:s19], [sflag:$0x1] =	stream.indirect_vreg.gather [hbm4b:s9+s17], $0x80, v3, vm0, $0xb8;
	[tilespmem:$0x12200] =	vst v63  }
0x4d2: {  	_ =	swait.ge [sflag:s25], $0x1000  }
0x4d3: {  	[sflag:s25] =	ssyncset.done $0x0  }
0x4d4: {  	s24 =	simm.s32 $0x3;
	[sflag:s25] =	ssyncadd.s32 $0xFFFFF000  }
0x4d5: {  	s28 =	simm.s32 $0x0;
	_ =	swait.ge [sflag:s24], $0x4000  }
0x4d6: {  	s0 =	sand.u32 $0x3FFFFC00, s28;
	s29 =	sand.u32 $0x70, s17;
	[sflag:s24] =	ssyncset.done $0x0  }
0x4d7: {  	[sflag:s24] =	ssyncadd.s32 $0xFFFFC000;
	s24 =	sor.u32 s29, s0  }
0x4d8: {  	s30 =	simm.s32 $0x0;
	v3 =	vld [tilespmem:s24+$0xA400]  }
0x4d9: {  	s0 =	sand.u32 $0x3FFFFE00, s30;
	v4 =	vld [tilespmem:s24+$0xA200]  }
0x4da: {  	s0 =	sor.u32 s29, s0;
	v6 =	vld [tilespmem:s24+$0x8400]  }
0x4db: {  	v5 =	vld [tilespmem:s0+$0x10200]  }
0x4dc: {  	v7 =	vld [tilespmem:s24+$0x8200];
	_ =	sdelay $0x1  }
0x4dd: {  	v3 =	vmul.f32 $8.000000000e+00, v3  }
0x4de: {  	v4 =	vmul.f32 $8.000000000e+00, v4  }
0x4df: {  	v6 =	vmul.f32 $8.000000000e+00, v6;
	v3 =	vadd.f32 v3, v5  }
0x4e0: {  	v7 =	vmul.f32 $8.000000000e+00, v7;
	v4 =	vadd.f32 v4, v5  }
0x4e1: {  	[tilespmem:s24+$0xA400] =	vst v3;
	v3 =	vadd.f32 v6, v5  }
0x4e2: {  	v5 =	vadd.f32 v7, v5;
	[tilespmem:s24+$0xA200] =	vst v4  }
0x4e3: {  	[tilespmem:s24+$0x8400] =	vst v3;
	v3 =	vld [tilespmem:s24+$0x8280]  }
0x4e4: {  	s10 =	sadd.s32 $0x10200, s0;
	v4 =	vld [tilespmem:s24+$0x8480];
	[tilespmem:s24+$0x8200] =	vst v5  }
0x4e5: {  	v5 =	vld [tilespmem:s10+$0x80]  }
0x4e6: {  	v6 =	vld [tilespmem:s24+$0xA480]  }
0x4e7: {  	v7 =	vld [tilespmem:s24+$0xA280]  }
0x4e8: {  	v3 =	vmul.f32 $8.000000000e+00, v3  }
0x4e9: {  	v4 =	vmul.f32 $8.000000000e+00, v4  }
0x4ea: {  	v3 =	vadd.f32 v3, v5  }
0x4eb: {  	v6 =	vmul.f32 $8.000000000e+00, v6;
	v4 =	vadd.f32 v4, v5  }
0x4ec: {  	[tilespmem:s24+$0x8280] =	vst v3;
	v3 =	vmul.f32 $8.000000000e+00, v7  }
0x4ed: {  	v6 =	vadd.f32 v6, v5;
	[tilespmem:s24+$0x8480] =	vst v4;
	v4 =	vld [tilespmem:s24+$0x8500]  }
0x4ee: {  	v7 =	vld [tilespmem:s24+$0xA500];
	v3 =	vadd.f32 v3, v5  }
0x4ef: {  	[tilespmem:s24+$0xA480] =	vst v6;
	v5 =	vld [tilespmem:s24+$0x8300]  }
0x4f0: {  	[tilespmem:s24+$0xA280] =	vst v3;
	v3 =	vld [tilespmem:s24+$0xA300]  }
0x4f1: {  	v8 =	vld [tilespmem:s10+$0x100];
	_ =	sdelay $0x2  }
0x4f2: {  	v5 =	vmul.f32 $8.000000000e+00, v5  }
0x4f3: {  	v4 =	vmul.f32 $8.000000000e+00, v4  }
0x4f4: {  	v7 =	vmul.f32 $8.000000000e+00, v7;
	v3 =	vmul.f32 $8.000000000e+00, v3;
	v9 =	vadd.f32 v5, v8  }
0x4f5: {  	v6 =	vadd.f32 v4, v8  }
0x4f6: {  	s0 =	simm.s32 $0x1;
	v5 =	vadd.f32 v7, v8;
	v4 =	vadd.f32 v3, v8;
	v3 =	vld [tilespmem:s24+$0x8380];
	[tilespmem:s24+$0x8300] =	vst v9  }
.LBB2_15:
0x4f7: {  	p0 =	sne.s32 s0, $0x3F  }
0x4f8: {  	[tilespmem:s24+$0x8500] =	vst v6;
	v6 =	vld [tilespmem:s24+$0xA580];
	s17 =	sadd.s32 $0x10, s17;
	s5 =	smov.u32 s0;
	s0 =	sadd.s32 $0x1, s0  }
0x4f9: {  	[tilespmem:s24+$0xA500] =	vst v5;
	v5 =	vld [tilespmem:s24+$0xA380]  }
0x4fa: {  	[tilespmem:s24+$0xA300] =	vst v4;
	v4 =	vld [tilespmem:s24+$0x8580]  }
0x4fb: {  	v7 =	vld [tilespmem:s10+$0x180];
	_ =	sdelay $0x1  }
0x4fc: {  	v3 =	vmul.f32 $8.000000000e+00, v3  }
0x4fd: {  	v6 =	vmul.f32 $8.000000000e+00, v6;
	v5 =	vmul.f32 $8.000000000e+00, v5  }
0x4fe: {  	v4 =	vmul.f32 $8.000000000e+00, v4  }
0x4ff: {  	s6 =	sshll.u32 s5, $0x7;
	v3 =	vadd.f32 v3, v7;
	v6 =	vadd.f32 v6, v7  }
0x500: {  	s6 =	sand.u32 $0x3FFFFC00, s6;
	s10 =	sand.u32 $0x70, s17;
	v5 =	vadd.f32 v5, v7;
	v4 =	vadd.f32 v4, v7  }
0x501: {  	s6 =	sor.u32 s10, s6;
	[tilespmem:s24+$0x8380] =	vst v3  }
0x502: {  	s5 =	sshll.u32 s5, $0x6;
	v3 =	vld [tilespmem:s6+$0xA200];
	[tilespmem:s24+$0xA580] =	vst v6  }
0x503: {  	s5 =	sand.u32 $0x3FFFFE00, s5;
	v6 =	vld [tilespmem:s6+$0xA400];
	[tilespmem:s24+$0x8580] =	vst v4  }
0x504: {  	s5 =	sor.u32 s10, s5;
	v4 =	vld [tilespmem:s6+$0x8400];
	[tilespmem:s24+$0xA380] =	vst v5;
	s24 =	smov.u32 s6  }
0x505: {  	v5 =	vld [tilespmem:s5+$0x10200]  }
0x506: {  	v7 =	vld [tilespmem:s24+$0x8200];
	_ =	sdelay $0x1  }
0x507: {  	v6 =	vmul.f32 $8.000000000e+00, v6  }
0x508: {  	v3 =	vmul.f32 $8.000000000e+00, v3  }
0x509: {  	v4 =	vmul.f32 $8.000000000e+00, v4;
	v6 =	vadd.f32 v6, v5  }
0x50a: {  	v3 =	vadd.f32 v3, v5;
	v7 =	vmul.f32 $8.000000000e+00, v7  }
0x50b: {  	v4 =	vadd.f32 v4, v5;
	[tilespmem:s24+$0xA400] =	vst v6;
	v6 =	vld [tilespmem:s24+$0xA480]  }
0x50c: {  	v5 =	vadd.f32 v7, v5;
	[tilespmem:s24+$0xA200] =	vst v3;
	v3 =	vld [tilespmem:s24+$0x8480]  }
0x50d: {  	[tilespmem:s24+$0x8400] =	vst v4;
	v4 =	vld [tilespmem:s24+$0x8280]  }
0x50e: {  	s10 =	sadd.s32 $0x10200, s5;
	[tilespmem:s24+$0x8200] =	vst v5;
	v5 =	vld [tilespmem:s24+$0xA280]  }
0x50f: {  	v7 =	vld [tilespmem:s10+$0x80];
	_ =	sdelay $0x2  }
0x510: {  	v3 =	vmul.f32 $8.000000000e+00, v3;
	v4 =	vmul.f32 $8.000000000e+00, v4  }
0x511: {  	v6 =	vmul.f32 $8.000000000e+00, v6;
	v5 =	vmul.f32 $8.000000000e+00, v5  }
0x512: {  	v4 =	vadd.f32 v4, v7;
	v3 =	vadd.f32 v3, v7  }
0x513: {  	v6 =	vadd.f32 v6, v7;
	v5 =	vadd.f32 v5, v7  }
0x514: {  	[tilespmem:s24+$0x8280] =	vst v4;
	v4 =	vld [tilespmem:s24+$0xA500]  }
0x515: {  	[tilespmem:s24+$0x8480] =	vst v3;
	v3 =	vld [tilespmem:s24+$0x8500]  }
0x516: {  	[tilespmem:s24+$0xA480] =	vst v6;
	v6 =	vld [tilespmem:s24+$0x8300]  }
0x517: {  	[tilespmem:s24+$0xA280] =	vst v5;
	v5 =	vld [tilespmem:s24+$0xA300]  }
0x518: {  	v7 =	vld [tilespmem:s10+$0x100];
	_ =	sdelay $0x2  }
.Ltmp6:
0x519: {  	v3 =	vmul.f32 $8.000000000e+00, v3;
	v6 =	vmul.f32 $8.000000000e+00, v6;
	(pc) =	sbr.rel @p0 .LBB2_15-.Ltmp6, $4  }
0x51a: {  	v8 =	vmul.f32 $8.000000000e+00, v4;
	v5 =	vmul.f32 $8.000000000e+00, v5  }
0x51b: {  	v9 =	vadd.f32 v6, v7;
	v6 =	vadd.f32 v3, v7  }
0x51c: {  	v4 =	vadd.f32 v5, v7;
	v5 =	vadd.f32 v8, v7  }
0x51d: {  	[tilespmem:s24+$0x8300] =	vst v9;
	v3 =	vld [tilespmem:s24+$0x8380]  }
0x51e: {  	[tilespmem:s24+$0x8500] =	vst v6  }
0x51f: {  	v6 =	vld [tilespmem:s24+$0xA580];
	[tilespmem:s24+$0xA500] =	vst v5  }
0x520: {  	[tilespmem:s24+$0xA300] =	vst v4;
	v4 =	vld [tilespmem:s24+$0x8580]  }
0x521: {  	v7 =	vld [tilespmem:s10+$0x180]  }
0x522: {  	v5 =	vld [tilespmem:s24+$0xA380];
	_ =	sdelay $0x1  }
0x523: {  	v3 =	vmul.f32 $8.000000000e+00, v3  }
0x524: {  	v6 =	vmul.f32 $8.000000000e+00, v6  }
0x525: {  	v4 =	vmul.f32 $8.000000000e+00, v4;
	v3 =	vadd.f32 v3, v7  }
0x526: {  	s0 =	sshll.u32 s12, $0x2;
	v5 =	vmul.f32 $8.000000000e+00, v5;
	v6 =	vadd.f32 v6, v7  }
0x527: {  	s5 =	sadd.s32 s13, s0;
	v4 =	vadd.f32 v4, v7;
	[tilespmem:s24+$0x8380] =	vst v3  }
0x528: {  	s5 =	sshll.u32 s5, $0x7;
	v3 =	vadd.f32 v5, v7;
	[tilespmem:s24+$0xA580] =	vst v6  }
0x529: {  	s29 =	smov.u32 s13;
	s5 =	sand.u32 $0x1FFFFC00, s5;
	[tilespmem:s24+$0x8580] =	vst v4  }
0x52a: {  	s12 =	simm.s32 $0x0;
	s13 =	simm.s32 $0x8200;
	s5 =	sadd.s32 s3, s5;
	[tilespmem:s24+$0xA380] =	vst v3  }
0x52b: {  	[hbm4b:s5+s12] =	stream.linear.scatter [tilespmem:s13], [sflag:$0x7], $0x200, $0x38;
	[tilespmem:$0x12200] =	vst v63  }
0x52c: {  	s28 =	simm.s32 $0x8600;
	s6 =	sadd.s32 $0x80, s5  }
0x52d: {  	[hbm4b:s6+s12] =	stream.linear.scatter [tilespmem:s28], [sflag:$0x7], $0x200, $0x38;
	[tilespmem:$0x12200] =	vst v63  }
0x52e: {  	s17 =	sadd.s32 $0x100, s5;
	s24 =	simm.s32 $0x8A00  }
0x52f: {  	[hbm4b:s17+s12] =	stream.linear.scatter [tilespmem:s24], [sflag:$0x7], $0x200, $0x38;
	[tilespmem:$0x12200] =	vst v63  }
0x530: {  	s19 =	sadd.s32 $0x180, s5;
	s28 =	simm.s32 $0x8E00  }
0x531: {  	[hbm4b:s19+s12] =	stream.linear.scatter [tilespmem:s28], [sflag:$0x7], $0x200, $0x38;
	[tilespmem:$0x12200] =	vst v63  }
0x532: {  	s10 =	sadd.s32 $0x200, s5;
	s17 =	simm.s32 $0x9200  }
0x533: {  	[hbm4b:s10+s12] =	stream.linear.scatter [tilespmem:s17], [sflag:$0x7], $0x200, $0x38;
	[tilespmem:$0x12200] =	vst v63  }
0x534: {  	s19 =	sadd.s32 $0x280, s5;
	s28 =	simm.s32 $0x9600  }
0x535: {  	[hbm4b:s19+s12] =	stream.linear.scatter [tilespmem:s28], [sflag:$0x7], $0x200, $0x38;
	[tilespmem:$0x12200] =	vst v63  }
0x536: {  	s17 =	sadd.s32 $0x300, s5;
	s19 =	simm.s32 $0x9A00  }
0x537: {  	[hbm4b:s17+s12] =	stream.linear.scatter [tilespmem:s19], [sflag:$0x7], $0x200, $0x38;
	[tilespmem:$0x12200] =	vst v63  }
0x538: {  	s6 =	sadd.s32 s14, s0;
	s5 =	sadd.s32 $0x380, s5;
	s28 =	simm.s32 $0x9E00  }
0x539: {  	[hbm4b:s5+s12] =	stream.linear.scatter [tilespmem:s28], [sflag:$0x7], $0x200, $0x38;
	[tilespmem:$0x12200] =	vst v63  }
0x53a: {  	s5 =	sshll.u32 s6, $0x7  }
0x53b: {  	s5 =	sand.u32 $0x1FFFFC00, s5  }
0x53c: {  	s10 =	simm.s32 $0x8400;
	s5 =	sadd.s32 s3, s5  }
0x53d: {  	[hbm4b:s5+s12] =	stream.linear.scatter [tilespmem:s10], [sflag:$0x7], $0x200, $0x38;
	[tilespmem:$0x12200] =	vst v63  }
0x53e: {  	s30 =	smov.u32 s14;
	s17 =	simm.s32 $0x8800;
	s14 =	sadd.s32 $0x80, s5  }
0x53f: {  	[hbm4b:s14+s12] =	stream.linear.scatter [tilespmem:s17], [sflag:$0x7], $0x200, $0x38;
	[tilespmem:$0x12200] =	vst v63  }
0x540: {  	s28 =	simm.s32 $0x8C00;
	s19 =	sadd.s32 $0x100, s5  }
0x541: {  	[hbm4b:s19+s12] =	stream.linear.scatter [tilespmem:s28], [sflag:$0x7], $0x200, $0x38;
	[tilespmem:$0x12200] =	vst v63  }
0x542: {  	s14 =	sadd.s32 $0x180, s5;
	s17 =	simm.s32 $0x9000  }
0x543: {  	[hbm4b:s14+s12] =	stream.linear.scatter [tilespmem:s17], [sflag:$0x7], $0x200, $0x38;
	[tilespmem:$0x12200] =	vst v63  }
0x544: {  	s19 =	sadd.s32 $0x200, s5;
	s28 =	simm.s32 $0x9400  }
0x545: {  	[hbm4b:s19+s12] =	stream.linear.scatter [tilespmem:s28], [sflag:$0x7], $0x200, $0x38;
	[tilespmem:$0x12200] =	vst v63  }
0x546: {  	s14 =	sadd.s32 $0x280, s5;
	s17 =	simm.s32 $0x9800  }
0x547: {  	[hbm4b:s14+s12] =	stream.linear.scatter [tilespmem:s17], [sflag:$0x7], $0x200, $0x38;
	[tilespmem:$0x12200] =	vst v63  }
0x548: {  	s19 =	sadd.s32 $0x300, s5;
	s28 =	simm.s32 $0x9C00  }
0x549: {  	[hbm4b:s19+s12] =	stream.linear.scatter [tilespmem:s28], [sflag:$0x7], $0x200, $0x38;
	[tilespmem:$0x12200] =	vst v63  }
0x54a: {  	s5 =	sadd.s32 $0x380, s5;
	s14 =	simm.s32 $0xA000;
	s17 =	rddreg [dreg:$0x9]  }
0x54b: {  	[hbm4b:s5+s12] =	stream.linear.scatter [tilespmem:s14], [sflag:$0x7], $0x200, $0x38;
	[tilespmem:$0x12200] =	vst v63  }
0x54c: {  	s5 =	sadd.s32 s17, s0  }
0x54d: {  	s5 =	sshll.u32 s5, $0x7  }
0x54e: {  	s5 =	sand.u32 $0x1FFFFC00, s5  }
0x54f: {  	s14 =	simm.s32 $0xA200;
	s5 =	sadd.s32 s3, s5  }
0x550: {  	[hbm4b:s5+s12] =	stream.linear.scatter [tilespmem:s14], [sflag:$0x7], $0x200, $0x38;
	[tilespmem:$0x12200] =	vst v63  }
0x551: {  	s28 =	simm.s32 $0xA600;
	s19 =	sadd.s32 $0x80, s5  }
0x552: {  	[hbm4b:s19+s12] =	stream.linear.scatter [tilespmem:s28], [sflag:$0x7], $0x200, $0x38;
	[tilespmem:$0x12200] =	vst v63  }
0x553: {  	s17 =	simm.s32 $0xAA00;
	s10 =	sadd.s32 $0x100, s5  }
0x554: {  	[hbm4b:s10+s12] =	stream.linear.scatter [tilespmem:s17], [sflag:$0x7], $0x200, $0x38;
	[tilespmem:$0x12200] =	vst v63  }
0x555: {  	s19 =	sadd.s32 $0x180, s5;
	s28 =	simm.s32 $0xAE00  }
0x556: {  	[hbm4b:s19+s12] =	stream.linear.scatter [tilespmem:s28], [sflag:$0x7], $0x200, $0x38;
	[tilespmem:$0x12200] =	vst v63  }
0x557: {  	s10 =	sadd.s32 $0x200, s5;
	s17 =	simm.s32 $0xB200  }
0x558: {  	[hbm4b:s10+s12] =	stream.linear.scatter [tilespmem:s17], [sflag:$0x7], $0x200, $0x38;
	[tilespmem:$0x12200] =	vst v63  }
0x559: {  	s19 =	sadd.s32 $0x280, s5;
	s28 =	simm.s32 $0xB600  }
0x55a: {  	[hbm4b:s19+s12] =	stream.linear.scatter [tilespmem:s28], [sflag:$0x7], $0x200, $0x38;
	[tilespmem:$0x12200] =	vst v63  }
0x55b: {  	s28 =	rddreg [dreg:$0x1f]  }
0x55c: {  	s10 =	sadd.s32 $0x300, s5;
	s17 =	simm.s32 $0xBA00;
	s0 =	sadd.s32 s28, s0  }
0x55d: {  	[hbm4b:s10+s12] =	stream.linear.scatter [tilespmem:s17], [sflag:$0x7], $0x200, $0x38;
	[tilespmem:$0x12200] =	vst v63  }
0x55e: {  	s0 =	sshll.u32 s0, $0x7  }
0x55f: {  	s5 =	sadd.s32 $0x380, s5;
	s19 =	simm.s32 $0xBE00;
	s0 =	sand.u32 $0x1FFFFC00, s0  }
0x560: {  	[hbm4b:s5+s12] =	stream.linear.scatter [tilespmem:s19], [sflag:$0x7], $0x200, $0x38;
	[tilespmem:$0x12200] =	vst v63  }
0x561: {  	s6 =	simm.s32 $0xA400;
	s0 =	sadd.s32 s3, s0  }
0x562: {  	[hbm4b:s0+s12] =	stream.linear.scatter [tilespmem:s6], [sflag:$0x7], $0x200, $0x38;
	[tilespmem:$0x12200] =	vst v63  }
0x563: {  	s17 =	simm.s32 $0xA800;
	s10 =	sadd.s32 $0x80, s0  }
0x564: {  	[hbm4b:s10+s12] =	stream.linear.scatter [tilespmem:s17], [sflag:$0x7], $0x200, $0x38;
	[tilespmem:$0x12200] =	vst v63  }
0x565: {  	s28 =	simm.s32 $0xAC00;
	s19 =	sadd.s32 $0x100, s0  }
0x566: {  	[hbm4b:s19+s12] =	stream.linear.scatter [tilespmem:s28], [sflag:$0x7], $0x200, $0x38;
	[tilespmem:$0x12200] =	vst v63  }
0x567: {  	s10 =	sadd.s32 $0x180, s0;
	s17 =	simm.s32 $0xB000  }
0x568: {  	[hbm4b:s10+s12] =	stream.linear.scatter [tilespmem:s17], [sflag:$0x7], $0x200, $0x38;
	[tilespmem:$0x12200] =	vst v63  }
0x569: {  	s19 =	sadd.s32 $0x200, s0;
	s28 =	simm.s32 $0xB400  }
0x56a: {  	[hbm4b:s19+s12] =	stream.linear.scatter [tilespmem:s28], [sflag:$0x7], $0x200, $0x38;
	[tilespmem:$0x12200] =	vst v63  }
0x56b: {  	s10 =	sadd.s32 $0x280, s0;
	s17 =	simm.s32 $0xB800  }
0x56c: {  	[hbm4b:s10+s12] =	stream.linear.scatter [tilespmem:s17], [sflag:$0x7], $0x200, $0x38;
	[tilespmem:$0x12200] =	vst v63  }
0x56d: {  	s19 =	sadd.s32 $0x300, s0;
	s28 =	simm.s32 $0xBC00;
	s0 =	sadd.s32 $0x380, s0  }
0x56e: {  	[hbm4b:s19+s12] =	stream.linear.scatter [tilespmem:s28], [sflag:$0x7], $0x200, $0x38;
	[tilespmem:$0x12200] =	vst v63  }
0x56f: {  	s10 =	simm.s32 $0xC000;
	s17 =	sshll.u32 s7, $0x9;
	s19 =	rddreg [dreg:$0x6]  }
0x570: {  	[hbm4b:s0+s12] =	stream.linear.scatter [tilespmem:s10], [sflag:$0x7], $0x200, $0x38;
	[tilespmem:$0x12200] =	vst v63  }
0x571: {  	s28 =	simm.s32 $0x10200;
	s0 =	sadd.s32 s17, s19  }
0x572: {  	[tilespmem:s28], [sflag:$0x9] =	stream.strided.gather [hbm4b:s0+s16], $0x1000, s15, s16, $0x38;
	[tilespmem:$0x12200] =	vst v63  }
0x573: {  	_ =	swait.ge [sflag:s20], $0x1000  }
0x574: {  	[sflag:s20] =	ssyncset.done $0x0  }
0x575: {  	[sflag:s20] =	ssyncadd.s32 $0xFFFFF000  }
0x576: {  	_ =	swait.ge [sflag:s20], $0x1000  }
0x577: {  	[sflag:s20] =	ssyncset.done $0x0  }
0x578: {  	[sflag:s20] =	ssyncadd.s32 $0xFFFFF000  }
0x579: {  	_ =	swait.ge [sflag:s20], $0x1000  }
0x57a: {  	[sflag:s20] =	ssyncset.done $0x0  }
0x57b: {  	[sflag:s20] =	ssyncadd.s32 $0xFFFFF000  }
0x57c: {  	s6 =	sshll.u32 s23, $0x6;
	_ =	swait.ge [sflag:s20], $0x1000  }
0x57d: {  	s0 =	sadd.s32 $0x50, s6;
	[sflag:s20] =	ssyncset.done $0x0  }
0x57e: {  	s0 =	sand.u32 $0x1D0, s0;
	[sflag:s20] =	ssyncadd.s32 $0xFFFFF000  }
0x57f: {  	v3 =	vld [tilespmem:s0+$0x0];
	_ =	sdelay $0x4  }
0x580: {  	v4 =	vshll.u32 v3, $0x3  }
0x581: {  	v3 =	vand.u32 $0x7, v3;
	v4 =	vand.u32 $0xFFFFFFC0, v4  }
0x582: {  	v3 =	vor.u32 v3, v4  }
0x583: {  	v4 =	vperm.xlane v3, v0;
	_ =	sdelay $0x1  }
0x584: {  	v4 =	vadd.s32 v1, v4;
	_ =	sdelay $0x3  }
0x585: {  	s7 =	simm.s32 $0x4200  }
0x586: {  	[tilespmem:s7], [sflag:$0x2] =	stream.indirect_vreg.gather [hbm4b:s2+s12], $0x80, v4, vm0, $0xb8;
	[tilespmem:$0x12200] =	vst v63  }
0x587: {  	s10 =	simm.s32 $0x4A00;
	v3 =	vperm.xlane v3, v2  }
0x588: {  	[tilespmem:s10], [sflag:$0x2] =	stream.indirect_vreg.gather [hbm4b:s11+s12], $0x80, v4, vm0, $0xb8;
	[tilespmem:$0x12200] =	vst v63  }
0x589: {  	s17 =	simm.s32 $0x5200;
	v3 =	vadd.s32 v1, v3  }
0x58a: {  	[tilespmem:s17], [sflag:$0x2] =	stream.indirect_vreg.gather [hbm4b:s8+s12], $0x80, v4, vm0, $0xb8;
	[tilespmem:$0x12200] =	vst v63  }
0x58b: {  	s19 =	simm.s32 $0x5A00  }
0x58c: {  	[tilespmem:s19], [sflag:$0x2] =	stream.indirect_vreg.gather [hbm4b:s9+s12], $0x80, v4, vm0, $0xb8;
	[tilespmem:$0x12200] =	vst v63  }
0x58d: {  	s28 =	simm.s32 $0x6200  }
0x58e: {  	[tilespmem:s28], [sflag:$0x2] =	stream.indirect_vreg.gather [hbm4b:s2+s12], $0x80, v3, vm0, $0xb8;
	[tilespmem:$0x12200] =	vst v63  }
0x58f: {  	s5 =	simm.s32 $0x6A00  }
0x590: {  	[tilespmem:s5], [sflag:$0x2] =	stream.indirect_vreg.gather [hbm4b:s11+s12], $0x80, v3, vm0, $0xb8;
	[tilespmem:$0x12200] =	vst v63  }
0x591: {  	s6 =	simm.s32 $0x7200  }
0x592: {  	[tilespmem:s6], [sflag:$0x2] =	stream.indirect_vreg.gather [hbm4b:s8+s12], $0x80, v3, vm0, $0xb8;
	[tilespmem:$0x12200] =	vst v63  }
0x593: {  	s7 =	simm.s32 $0x7A00  }
0x594: {  	[tilespmem:s7], [sflag:$0x2] =	stream.indirect_vreg.gather [hbm4b:s9+s12], $0x80, v3, vm0, $0xb8;
	[tilespmem:$0x12200] =	vst v63  }
0x595: {  	_ =	swait.ge [sflag:s31], $0x1000  }
0x596: {  	[sflag:s31] =	ssyncset.done $0x0  }
0x597: {  	s10 =	simm.s32 $0x4;
	[sflag:s31] =	ssyncadd.s32 $0xFFFFF000  }
0x598: {  	s17 =	simm.s32 $0x0;
	_ =	swait.ge [sflag:s10], $0x4000  }
0x599: {  	s0 =	sand.u32 $0x3FFFFC00, s17;
	s19 =	sand.u32 $0x70, s12;
	[sflag:s10] =	ssyncset.done $0x0  }
0x59a: {  	s28 =	simm.s32 $0x0;
	s7 =	sor.u32 s19, s0;
	[sflag:s10] =	ssyncadd.s32 $0xFFFFC000  }
0x59b: {  	s0 =	sand.u32 $0x3FFFFE00, s28;
	v3 =	vld [tilespmem:s7+$0xE400]  }
0x59c: {  	s0 =	sor.u32 s19, s0;
	v4 =	vld [tilespmem:s7+$0xE200]  }
0x59d: {  	v5 =	vld [tilespmem:s0+$0x11200]  }
0x59e: {  	v6 =	vld [tilespmem:s7+$0xC400]  }
0x59f: {  	v7 =	vld [tilespmem:s7+$0xC200];
	_ =	sdelay $0x1  }
0x5a0: {  	v3 =	vmul.f32 $8.000000000e+00, v3  }
0x5a1: {  	v4 =	vmul.f32 $8.000000000e+00, v4  }
0x5a2: {  	v6 =	vmul.f32 $8.000000000e+00, v6;
	v3 =	vadd.f32 v3, v5  }
0x5a3: {  	v7 =	vmul.f32 $8.000000000e+00, v7;
	v4 =	vadd.f32 v4, v5  }
0x5a4: {  	[tilespmem:s7+$0xE400] =	vst v3;
	v3 =	vadd.f32 v6, v5  }
0x5a5: {  	v5 =	vadd.f32 v7, v5;
	[tilespmem:s7+$0xE200] =	vst v4  }
0x5a6: {  	[tilespmem:s7+$0xC400] =	vst v3;
	v3 =	vld [tilespmem:s7+$0xC280]  }
0x5a7: {  	s10 =	sadd.s32 $0x11200, s0;
	v4 =	vld [tilespmem:s7+$0xC480];
	[tilespmem:s7+$0xC200] =	vst v5  }
0x5a8: {  	v5 =	vld [tilespmem:s10+$0x80]  }
0x5a9: {  	v6 =	vld [tilespmem:s7+$0xE480]  }
0x5aa: {  	v7 =	vld [tilespmem:s7+$0xE280]  }
0x5ab: {  	v3 =	vmul.f32 $8.000000000e+00, v3  }
0x5ac: {  	v4 =	vmul.f32 $8.000000000e+00, v4  }
0x5ad: {  	v3 =	vadd.f32 v3, v5  }
0x5ae: {  	v6 =	vmul.f32 $8.000000000e+00, v6;
	v4 =	vadd.f32 v4, v5  }
0x5af: {  	[tilespmem:s7+$0xC280] =	vst v3;
	v3 =	vmul.f32 $8.000000000e+00, v7  }
0x5b0: {  	v6 =	vadd.f32 v6, v5;
	[tilespmem:s7+$0xC480] =	vst v4;
	v4 =	vld [tilespmem:s7+$0xC500]  }
0x5b1: {  	v7 =	vld [tilespmem:s7+$0xE500];
	v3 =	vadd.f32 v3, v5  }
0x5b2: {  	[tilespmem:s7+$0xE480] =	vst v6;
	v5 =	vld [tilespmem:s7+$0xC300]  }
0x5b3: {  	[tilespmem:s7+$0xE280] =	vst v3;
	v3 =	vld [tilespmem:s7+$0xE300]  }
0x5b4: {  	v8 =	vld [tilespmem:s10+$0x100];
	_ =	sdelay $0x2  }
0x5b5: {  	v5 =	vmul.f32 $8.000000000e+00, v5  }
0x5b6: {  	v4 =	vmul.f32 $8.000000000e+00, v4  }
0x5b7: {  	v7 =	vmul.f32 $8.000000000e+00, v7;
	v3 =	vmul.f32 $8.000000000e+00, v3;
	v9 =	vadd.f32 v5, v8  }
0x5b8: {  	v6 =	vadd.f32 v4, v8  }
0x5b9: {  	s0 =	simm.s32 $0x1;
	v5 =	vadd.f32 v7, v8;
	v4 =	vadd.f32 v3, v8;
	v3 =	vld [tilespmem:s7+$0xC380];
	[tilespmem:s7+$0xC300] =	vst v9  }
.LBB2_17:
0x5ba: {  	p0 =	sne.s32 s0, $0x3F  }
0x5bb: {  	[tilespmem:s7+$0xC500] =	vst v6;
	v6 =	vld [tilespmem:s7+$0xE580];
	s12 =	sadd.s32 $0x10, s12;
	s5 =	smov.u32 s0;
	s0 =	sadd.s32 $0x1, s0  }
0x5bc: {  	[tilespmem:s7+$0xE500] =	vst v5;
	v5 =	vld [tilespmem:s7+$0xE380]  }
0x5bd: {  	[tilespmem:s7+$0xE300] =	vst v4;
	v4 =	vld [tilespmem:s7+$0xC580]  }
0x5be: {  	v7 =	vld [tilespmem:s10+$0x180];
	_ =	sdelay $0x1  }
0x5bf: {  	v3 =	vmul.f32 $8.000000000e+00, v3  }
0x5c0: {  	v6 =	vmul.f32 $8.000000000e+00, v6;
	v5 =	vmul.f32 $8.000000000e+00, v5  }
0x5c1: {  	v4 =	vmul.f32 $8.000000000e+00, v4  }
0x5c2: {  	s6 =	sshll.u32 s5, $0x7;
	v3 =	vadd.f32 v3, v7;
	v6 =	vadd.f32 v6, v7  }
0x5c3: {  	s6 =	sand.u32 $0x3FFFFC00, s6;
	s10 =	sand.u32 $0x70, s12;
	v5 =	vadd.f32 v5, v7;
	v4 =	vadd.f32 v4, v7  }
0x5c4: {  	s6 =	sor.u32 s10, s6;
	[tilespmem:s7+$0xC380] =	vst v3  }
0x5c5: {  	s5 =	sshll.u32 s5, $0x6;
	v3 =	vld [tilespmem:s6+$0xE200];
	[tilespmem:s7+$0xE580] =	vst v6  }
0x5c6: {  	s5 =	sand.u32 $0x3FFFFE00, s5;
	v6 =	vld [tilespmem:s6+$0xE400];
	[tilespmem:s7+$0xC580] =	vst v4  }
0x5c7: {  	s5 =	sor.u32 s10, s5;
	v4 =	vld [tilespmem:s6+$0xC400];
	[tilespmem:s7+$0xE380] =	vst v5;
	s7 =	smov.u32 s6  }
0x5c8: {  	v5 =	vld [tilespmem:s5+$0x11200]  }
0x5c9: {  	v7 =	vld [tilespmem:s7+$0xC200];
	_ =	sdelay $0x1  }
0x5ca: {  	v6 =	vmul.f32 $8.000000000e+00, v6  }
0x5cb: {  	v3 =	vmul.f32 $8.000000000e+00, v3  }
0x5cc: {  	v4 =	vmul.f32 $8.000000000e+00, v4;
	v6 =	vadd.f32 v6, v5  }
0x5cd: {  	v3 =	vadd.f32 v3, v5;
	v7 =	vmul.f32 $8.000000000e+00, v7  }
0x5ce: {  	v4 =	vadd.f32 v4, v5;
	[tilespmem:s7+$0xE400] =	vst v6;
	v6 =	vld [tilespmem:s7+$0xE480]  }
0x5cf: {  	v5 =	vadd.f32 v7, v5;
	[tilespmem:s7+$0xE200] =	vst v3;
	v3 =	vld [tilespmem:s7+$0xC480]  }
0x5d0: {  	[tilespmem:s7+$0xC400] =	vst v4;
	v4 =	vld [tilespmem:s7+$0xC280]  }
0x5d1: {  	s10 =	sadd.s32 $0x11200, s5;
	[tilespmem:s7+$0xC200] =	vst v5;
	v5 =	vld [tilespmem:s7+$0xE280]  }
0x5d2: {  	v7 =	vld [tilespmem:s10+$0x80];
	_ =	sdelay $0x2  }
0x5d3: {  	v3 =	vmul.f32 $8.000000000e+00, v3;
	v4 =	vmul.f32 $8.000000000e+00, v4  }
0x5d4: {  	v6 =	vmul.f32 $8.000000000e+00, v6;
	v5 =	vmul.f32 $8.000000000e+00, v5  }
0x5d5: {  	v4 =	vadd.f32 v4, v7;
	v3 =	vadd.f32 v3, v7  }
0x5d6: {  	v6 =	vadd.f32 v6, v7;
	v5 =	vadd.f32 v5, v7  }
0x5d7: {  	[tilespmem:s7+$0xC280] =	vst v4;
	v4 =	vld [tilespmem:s7+$0xE500]  }
0x5d8: {  	[tilespmem:s7+$0xC480] =	vst v3;
	v3 =	vld [tilespmem:s7+$0xC500]  }
0x5d9: {  	[tilespmem:s7+$0xE480] =	vst v6;
	v6 =	vld [tilespmem:s7+$0xC300]  }
0x5da: {  	[tilespmem:s7+$0xE280] =	vst v5;
	v5 =	vld [tilespmem:s7+$0xE300]  }
0x5db: {  	v7 =	vld [tilespmem:s10+$0x100];
	_ =	sdelay $0x2  }
.Ltmp7:
0x5dc: {  	v3 =	vmul.f32 $8.000000000e+00, v3;
	v6 =	vmul.f32 $8.000000000e+00, v6;
	(pc) =	sbr.rel @p0 .LBB2_17-.Ltmp7, $4  }
0x5dd: {  	v8 =	vmul.f32 $8.000000000e+00, v4;
	v5 =	vmul.f32 $8.000000000e+00, v5  }
0x5de: {  	v9 =	vadd.f32 v6, v7;
	v6 =	vadd.f32 v3, v7  }
0x5df: {  	v4 =	vadd.f32 v5, v7;
	v5 =	vadd.f32 v8, v7  }
0x5e0: {  	[tilespmem:s7+$0xC300] =	vst v9;
	v3 =	vld [tilespmem:s7+$0xC380]  }
0x5e1: {  	[tilespmem:s7+$0xC500] =	vst v6  }
0x5e2: {  	v61 =	vld [tilespmem:s7+$0xE580];
	[tilespmem:s7+$0xE500] =	vst v5  }
0x5e3: {  	[tilespmem:s7+$0xE300] =	vst v4;
	v63 =	vld [tilespmem:s7+$0xC580]  }
0x5e4: {  	v7 =	vld [tilespmem:s10+$0x180]  }
0x5e5: {  	v62 =	vld [tilespmem:s7+$0xE380];
	_ =	sdelay $0x1  }
0x5e6: {  	v3 =	vmul.f32 $8.000000000e+00, v3  }
0x5e7: {  	v6 =	vmul.f32 $8.000000000e+00, v61  }
0x5e8: {  	v4 =	vmul.f32 $8.000000000e+00, v63;
	v3 =	vadd.f32 v3, v7  }
0x5e9: {  	s0 =	sshll.u32 s26, $0x2;
	v5 =	vmul.f32 $8.000000000e+00, v62;
	v6 =	vadd.f32 v6, v7  }
0x5ea: {  	s5 =	sadd.s32 s29, s0;
	v4 =	vadd.f32 v4, v7;
	[tilespmem:s7+$0xC380] =	vst v3  }
0x5eb: {  	s5 =	sshll.u32 s5, $0x7;
	v3 =	vadd.f32 v5, v7;
	[tilespmem:s7+$0xE580] =	vst v6  }
0x5ec: {  	s5 =	sand.u32 $0x1FFFFC00, s5;
	[tilespmem:s7+$0xC580] =	vst v4  }
0x5ed: {  	s6 =	simm.s32 $0xC200;
	s5 =	sadd.s32 s5, s1;
	[tilespmem:s7+$0xE380] =	vst v3  }
0x5ee: {  	[hbm4b:s5+s4] =	stream.linear.scatter [tilespmem:s6], [sflag:$0x8], $0x200, $0x38;
	[tilespmem:$0x12200] =	vst v63  }
0x5ef: {  	s12 =	simm.s32 $0xC600;
	s10 =	sadd.s32 $0x80, s5  }
0x5f0: {  	[hbm4b:s10+s4] =	stream.linear.scatter [tilespmem:s12], [sflag:$0x8], $0x200, $0x38;
	[tilespmem:$0x12200] =	vst v63  }
0x5f1: {  	s19 =	simm.s32 $0xCA00;
	s17 =	sadd.s32 $0x100, s5  }
0x5f2: {  	[hbm4b:s17+s4] =	stream.linear.scatter [tilespmem:s19], [sflag:$0x8], $0x200, $0x38;
	[tilespmem:$0x12200] =	vst v63  }
0x5f3: {  	s28 =	simm.s32 $0xCE00;
	s26 =	sadd.s32 $0x180, s5  }
0x5f4: {  	[hbm4b:s26+s4] =	stream.linear.scatter [tilespmem:s28], [sflag:$0x8], $0x200, $0x38;
	[tilespmem:$0x12200] =	vst v63  }
0x5f5: {  	s7 =	sadd.s32 $0x200, s5;
	s10 =	simm.s32 $0xD200  }
0x5f6: {  	[hbm4b:s7+s4] =	stream.linear.scatter [tilespmem:s10], [sflag:$0x8], $0x200, $0x38;
	[tilespmem:$0x12200] =	vst v63  }
0x5f7: {  	s12 =	sadd.s32 $0x280, s5;
	s17 =	simm.s32 $0xD600  }
0x5f8: {  	[hbm4b:s12+s4] =	stream.linear.scatter [tilespmem:s17], [sflag:$0x8], $0x200, $0x38;
	[tilespmem:$0x12200] =	vst v63  }
0x5f9: {  	s19 =	sadd.s32 $0x300, s5;
	s26 =	simm.s32 $0xDA00  }
0x5fa: {  	[hbm4b:s19+s4] =	stream.linear.scatter [tilespmem:s26], [sflag:$0x8], $0x200, $0x38;
	[tilespmem:$0x12200] =	vst v63  }
0x5fb: {  	s6 =	sadd.s32 s30, s0;
	s5 =	sadd.s32 $0x380, s5;
	s28 =	simm.s32 $0xDE00  }
0x5fc: {  	[hbm4b:s5+s4] =	stream.linear.scatter [tilespmem:s28], [sflag:$0x8], $0x200, $0x38;
	[tilespmem:$0x12200] =	vst v63  }
0x5fd: {  	s5 =	sshll.u32 s6, $0x7  }
0x5fe: {  	s5 =	sand.u32 $0x1FFFFC00, s5  }
0x5ff: {  	s7 =	simm.s32 $0xC400;
	s5 =	sadd.s32 s5, s1  }
0x600: {  	[hbm4b:s5+s4] =	stream.linear.scatter [tilespmem:s7], [sflag:$0x8], $0x200, $0x38;
	[tilespmem:$0x12200] =	vst v63  }
0x601: {  	s12 =	simm.s32 $0xC800;
	s10 =	sadd.s32 $0x80, s5  }
0x602: {  	[hbm4b:s10+s4] =	stream.linear.scatter [tilespmem:s12], [sflag:$0x8], $0x200, $0x38;
	[tilespmem:$0x12200] =	vst v63  }
0x603: {  	s19 =	simm.s32 $0xCC00;
	s17 =	sadd.s32 $0x100, s5  }
0x604: {  	[hbm4b:s17+s4] =	stream.linear.scatter [tilespmem:s19], [sflag:$0x8], $0x200, $0x38;
	[tilespmem:$0x12200] =	vst v63  }
0x605: {  	s28 =	simm.s32 $0xD000;
	s26 =	sadd.s32 $0x180, s5  }
0x606: {  	[hbm4b:s26+s4] =	stream.linear.scatter [tilespmem:s28], [sflag:$0x8], $0x200, $0x38;
	[tilespmem:$0x12200] =	vst v63  }
0x607: {  	s7 =	sadd.s32 $0x200, s5;
	s10 =	simm.s32 $0xD400  }
0x608: {  	[hbm4b:s7+s4] =	stream.linear.scatter [tilespmem:s10], [sflag:$0x8], $0x200, $0x38;
	[tilespmem:$0x12200] =	vst v63  }
0x609: {  	s12 =	sadd.s32 $0x280, s5;
	s17 =	simm.s32 $0xD800  }
0x60a: {  	[hbm4b:s12+s4] =	stream.linear.scatter [tilespmem:s17], [sflag:$0x8], $0x200, $0x38;
	[tilespmem:$0x12200] =	vst v63  }
0x60b: {  	s19 =	sadd.s32 $0x300, s5;
	s26 =	simm.s32 $0xDC00  }
0x60c: {  	[hbm4b:s19+s4] =	stream.linear.scatter [tilespmem:s26], [sflag:$0x8], $0x200, $0x38;
	[tilespmem:$0x12200] =	vst v63  }
0x60d: {  	s6 =	rddreg [dreg:$0x9];
	s5 =	sadd.s32 $0x380, s5;
	s28 =	simm.s32 $0xE000  }
0x60e: {  	[hbm4b:s5+s4] =	stream.linear.scatter [tilespmem:s28], [sflag:$0x8], $0x200, $0x38;
	[tilespmem:$0x12200] =	vst v63  }
0x60f: {  	s5 =	sadd.s32 s6, s0  }
0x610: {  	s5 =	sshll.u32 s5, $0x7  }
0x611: {  	s5 =	sand.u32 $0x1FFFFC00, s5  }
0x612: {  	s7 =	simm.s32 $0xE200;
	s5 =	sadd.s32 s5, s1  }
0x613: {  	[hbm4b:s5+s4] =	stream.linear.scatter [tilespmem:s7], [sflag:$0x8], $0x200, $0x38;
	[tilespmem:$0x12200] =	vst v63  }
0x614: {  	s12 =	simm.s32 $0xE600;
	s10 =	sadd.s32 $0x80, s5  }
0x615: {  	[hbm4b:s10+s4] =	stream.linear.scatter [tilespmem:s12], [sflag:$0x8], $0x200, $0x38;
	[tilespmem:$0x12200] =	vst v63  }
0x616: {  	s19 =	simm.s32 $0xEA00;
	s17 =	sadd.s32 $0x100, s5  }
0x617: {  	[hbm4b:s17+s4] =	stream.linear.scatter [tilespmem:s19], [sflag:$0x8], $0x200, $0x38;
	[tilespmem:$0x12200] =	vst v63  }
0x618: {  	s28 =	simm.s32 $0xEE00;
	s26 =	sadd.s32 $0x180, s5  }
0x619: {  	[hbm4b:s26+s4] =	stream.linear.scatter [tilespmem:s28], [sflag:$0x8], $0x200, $0x38;
	[tilespmem:$0x12200] =	vst v63  }
0x61a: {  	s6 =	rddreg [dreg:$0x1f];
	s7 =	sadd.s32 $0x200, s5;
	s10 =	simm.s32 $0xF200  }
0x61b: {  	[hbm4b:s7+s4] =	stream.linear.scatter [tilespmem:s10], [sflag:$0x8], $0x200, $0x38;
	[tilespmem:$0x12200] =	vst v63  }
0x61c: {  	s0 =	sadd.s32 s6, s0;
	s12 =	sadd.s32 $0x280, s5;
	s17 =	simm.s32 $0xF600  }
0x61d: {  	[hbm4b:s12+s4] =	stream.linear.scatter [tilespmem:s17], [sflag:$0x8], $0x200, $0x38;
	[tilespmem:$0x12200] =	vst v63  }
0x61e: {  	s0 =	sshll.u32 s0, $0x7;
	s19 =	sadd.s32 $0x300, s5;
	s26 =	simm.s32 $0xFA00  }
0x61f: {  	[hbm4b:s19+s4] =	stream.linear.scatter [tilespmem:s26], [sflag:$0x8], $0x200, $0x38;
	[tilespmem:$0x12200] =	vst v63  }
0x620: {  	s0 =	sand.u32 $0x1FFFFC00, s0;
	s5 =	sadd.s32 $0x380, s5;
	s28 =	simm.s32 $0xFE00  }
0x621: {  	[hbm4b:s5+s4] =	stream.linear.scatter [tilespmem:s28], [sflag:$0x8], $0x200, $0x38;
	[tilespmem:$0x12200] =	vst v63  }
0x622: {  	s0 =	sadd.s32 s0, s1;
	s7 =	simm.s32 $0xE400  }
0x623: {  	[hbm4b:s0+s4] =	stream.linear.scatter [tilespmem:s7], [sflag:$0x8], $0x200, $0x38;
	[tilespmem:$0x12200] =	vst v63  }
0x624: {  	s10 =	sadd.s32 $0x80, s0;
	s12 =	simm.s32 $0xE800  }
0x625: {  	[hbm4b:s10+s4] =	stream.linear.scatter [tilespmem:s12], [sflag:$0x8], $0x200, $0x38;
	[tilespmem:$0x12200] =	vst v63  }
0x626: {  	s17 =	sadd.s32 $0x100, s0;
	s19 =	simm.s32 $0xEC00  }
0x627: {  	[hbm4b:s17+s4] =	stream.linear.scatter [tilespmem:s19], [sflag:$0x8], $0x200, $0x38;
	[tilespmem:$0x12200] =	vst v63  }
0x628: {  	s26 =	sadd.s32 $0x180, s0;
	s28 =	simm.s32 $0xF000  }
0x629: {  	[hbm4b:s26+s4] =	stream.linear.scatter [tilespmem:s28], [sflag:$0x8], $0x200, $0x38;
	[tilespmem:$0x12200] =	vst v63  }
0x62a: {  	s23 =	sadd.s32 $0x1, s23;
	s7 =	sadd.s32 $0x200, s0;
	s10 =	simm.s32 $0xF400  }
0x62b: {  	[hbm4b:s7+s4] =	stream.linear.scatter [tilespmem:s10], [sflag:$0x8], $0x200, $0x38;
	[tilespmem:$0x12200] =	vst v63  }
0x62c: {  	p0 =	sne.s32 s23, $0x8;
	s12 =	sadd.s32 $0x280, s0;
	s17 =	simm.s32 $0xF800  }
0x62d: {  	[hbm4b:s12+s4] =	stream.linear.scatter [tilespmem:s17], [sflag:$0x8], $0x200, $0x38;
	[tilespmem:$0x12200] =	vst v63  }
.Ltmp8:
0x62e: {  	_ = 	snop;
	(pc) =	sbr.rel @p0 .LBB2_10-.Ltmp8, $4  }
0x62f: {  	s19 =	sadd.s32 $0x300, s0;
	s26 =	simm.s32 $0xFC00  }
0x630: {  	[hbm4b:s19+s4] =	stream.linear.scatter [tilespmem:s26], [sflag:$0x8], $0x200, $0x38;
	[tilespmem:$0x12200] =	vst v63  }
0x631: {  	s0 =	sadd.s32 $0x380, s0;
	s28 =	simm.s32 $0x10000;
	s26 =	simm.s32 $0x1  }
0x632: {  	[hbm4b:s0+s4] =	stream.linear.scatter [tilespmem:s28], [sflag:$0x8], $0x200, $0x38;
	[tilespmem:$0x12200] =	vst v63  }
0x633: {  	_ =	swait.ge [sflag:s26], $0x4000  }
0x634: {  	[sflag:s26] =	ssyncset.done $0x0  }
0x635: {  	s0 =	simm.s32 $0x2;
	[sflag:s26] =	ssyncadd.s32 $0xFFFFC000  }
0x636: {  	_ =	swait.ge [sflag:s0], $0x4000  }
0x637: {  	[sflag:s0] =	ssyncset.done $0x0  }
0x638: {  	[sflag:s0] =	ssyncadd.s32 $0xFFFFC000  }
0x639: {  	_ =	swait.ge [sflag:s25], $0x1000  }
0x63a: {  	[sflag:s25] =	ssyncset.done $0x0  }
0x63b: {  	[sflag:s25] =	ssyncadd.s32 $0xFFFFF000  }
0x63c: {  	_ =	swait.ge [sflag:s22], $0x1000  }
0x63d: {  	[sflag:s22] =	ssyncset.done $0x0  }
0x63e: {  	[sflag:s22] =	ssyncadd.s32 $0xFFFFF000  }
0x63f: {  	_ =	swait.ge [sflag:s22], $0x1000  }
0x640: {  	[sflag:s22] =	ssyncset.done $0x0  }
0x641: {  	[sflag:s22] =	ssyncadd.s32 $0xFFFFF000  }
0x642: {  	_ =	swait.ge [sflag:s22], $0x1000  }
0x643: {  	[sflag:s22] =	ssyncset.done $0x0  }
0x644: {  	[sflag:s22] =	ssyncadd.s32 $0xFFFFF000  }
0x645: {  	_ =	swait.ge [sflag:s22], $0x1000  }
0x646: {  	[sflag:s22] =	ssyncset.done $0x0  }
0x647: {  	[sflag:s22] =	ssyncadd.s32 $0xFFFFF000  }
0x648: {  	_ =	swait.ge [sflag:s21], $0x1000  }
0x649: {  	[sflag:s21] =	ssyncset.done $0x0  }
0x64a: {  	[sflag:s21] =	ssyncadd.s32 $0xFFFFF000  }
0x64b: {  	_ =	swait.ge [sflag:s21], $0x1000  }
0x64c: {  	[sflag:s21] =	ssyncset.done $0x0  }
0x64d: {  	[sflag:s21] =	ssyncadd.s32 $0xFFFFF000  }
0x64e: {  	_ =	swait.ge [sflag:s21], $0x1000  }
0x64f: {  	[sflag:s21] =	ssyncset.done $0x0  }
0x650: {  	[sflag:s21] =	ssyncadd.s32 $0xFFFFF000  }
0x651: {  	_ =	swait.ge [sflag:s21], $0x1000  }
0x652: {  	s5 =	sld [smem:$0x7FD];
	_ =	sdelay $0x2  }
0x653: {  	s28 =	rddreg [dreg:$0x13];
	s5 =	sadd.s32 $0x1, s5  }
0x654: {  	p0 =	sne.s32 s5, s28  }
.Ltmp9:
0x655: {  	_ = 	snop;
	(pc) =	sbr.rel @p0 .LBB2_1-.Ltmp9, $3  }
0x656: {  	_ =	sdelay $0x1  }
0x657: {  	[sflag:s21] =	ssyncset.done $0x0  }
0x658: {  	[sflag:s21] =	ssyncadd.s32 $0xFFFFF000  }
0x659: {  	_ =	sfence.sel $0x180000  }
0x65a: {  	[bflag:$0x0] =	sbarrier.arrive $0xFFFF  }
0x65b: {  	_ =	strace $0x90000047  }
0x65c: {  	s0 =	stileid.u32;
	[bflag:$0x2] =	sbarrier.arrive $0xFFFF  }
0x65d: {  	p0 =	sne.s32 s0, $0x0;
	s0 =	rddreg [dreg:$0x3]  }
0x65e: {  	s0 =	sadd.s32 @!p0 $0x100000, s0  }
0x65f: {  	[sflag:s0] =	ssyncadd.tile.s32 @!p0 $0x1;
	_ =	shalt  }
.Lfunc_end2:
_tile_overlayer_lowered:
.L_overlay_start_2:
0x660: {  	(tag) =	ssettag $0x2  }
0x661: {  	s0 =	rddreg [dreg:$0x0];
	s2 =	stileid.u32  }
0x662: {  	s1 =	rddreg [dreg:$0x1];
	p0 =	sne.s32 s2, $0x0  }
0x663: {  	s3 =	rddreg [dreg:$0x2];
	[bflag:$0x3] =	sbarrier.arrive $0xFFFF;
	s2 =	simm.s32 @!p0 $0x1C0B  }
0x664: {  	[timem:s3], [sflag:s2] =	dma.local @!p0 [hbm:s0], s1  }
0x665: {  	s0 =	simm.s32 @!p0 $0xB  }
0x666: {  	_ =	swait.ge @!p0 [sflag:s0], s1  }
0x667: {  	s1 =	ssub.s32 @!p0 $0x0, s1;
	[sflag:s0] =	ssyncset.done @!p0 $0x0  }
0x668: {  	[sflag:s0] =	ssyncadd.s32 @!p0 s1  }
0x669: {  	[bflag:$0x3] =	sbarrier.arrive $0xFFFF  }
0x66a: {  	_ =	shalt  }

</sc_bundles>
